<compile_context>
chip_gen: v7x
topology: tpu7x:2x2x1
jax: 0.10.2.dev20260603
libtpu: 0.0.44.dev20260713+nightly
codegen_flags: <defaults>
</compile_context>

<pallas_src>
import functools

import jax
import jax.numpy as jnp
from jax import lax
from jax.experimental import pallas as pl
from jax.experimental.pallas import tpu as pltpu
from jax.experimental.pallas import tpu_sc as plsc

_PAGE = 128
_N_PAGES = 256
_PAGES_PER_SEQ = 16
_B, _H, _S, _D = 16, 16, 8, 64
_POS = _N_PAGES * _PAGE
_HH = _H // 2

_mesh = plsc.VectorSubcoreMesh(core_axis_name="c", subcore_axis_name="s")


@functools.partial(
    pl.kernel,
    out_type=(),
    mesh=_mesh,
    compiler_params=pltpu.CompilerParams(needs_layout_passes=False),
    scratch_types=[
        pltpu.VMEM((416,), jnp.int32),
        pltpu.VMEM((_HH, _S, _D), jnp.float32),
        pltpu.VMEM((_HH, _D, _PAGE), jnp.float32),
    ],
)
def _sc_scatter_one(val_hbm, zero_hbm, idx_hbm, ref,
                    idx_v, st_v, slab_v):
    w = lax.axis_index("s") * 2 + lax.axis_index("c")
    b = w // 2
    h0 = (w % 2) * _HH

    pltpu.sync_copy(idx_hbm, idx_v)
    pltpu.sync_copy(val_hbm.at[b, pl.ds(h0, _HH)], st_v)
    pltpu.sync_copy(zero_hbm.at[pl.ds(0, _HH), :, pl.ds(b * _PAGE, _PAGE)],
                    slab_v)

    lane = lax.iota(jnp.int32, 16)
    pv = plsc.load_gather(idx_v, [272 + (lane & 7) * _B + b])
    lp_vec = pv >> 7
    bi_vec = plsc.load_gather(idx_v, [lane * 0 + (256 + b)])
    phys_vec = plsc.load_gather(
        idx_v,
        [(bi_vec & (_B - 1)) * _PAGES_PER_SEQ + (lp_vec & (_PAGES_PER_SEQ - 1))],
    )
    lp0 = lp_vec[0]
    lp1 = lp_vec[_S - 1]
    phys0 = phys_vec[0]
    phys1 = phys_vec[_S - 1]
    two_pages = lp1 != lp0
    zv = st_v[0, 0, pl.ds(0, 16)] * 0.0

    def patch(lp, vals_or_zero):
        @pl.loop(0, _HH)
        def _(h_l):
            for s in range(_S):
                ps = pv[s]

                @pl.when(ps >> 7 == lp)
                def _():
                    col = lane * 0 + (ps & (_PAGE - 1))
                    for di in range(_D // 16):
                        v = (st_v[h_l, s, pl.ds(di * 16, 16)]
                             if vals_or_zero else zv)
                        plsc.store_scatter(
                            slab_v, [lane * 0 + h_l, di * 16 + lane, col], v)

    def write(phys):
        pltpu.sync_copy(
            slab_v, ref.at[pl.ds(h0, _HH), :, pl.ds(phys * _PAGE, _PAGE)])

    patch(lp0, True)
    write(phys0)

    @pl.when(two_pages)
    def _():
        patch(lp0, False)
        patch(lp1, True)
        write(phys1)


def kernel(k_val, v_val, k_cache, v_cache, page_table, batch_idx, input_pos):
    kc3 = jnp.transpose(k_cache.reshape(_H, _POS, _D), (0, 2, 1))
    del v_cache
    packed = jnp.concatenate([
        page_table.reshape(-1),
        batch_idx,
        input_pos.T.reshape(-1),
        jnp.zeros((16,), jnp.int32),
    ])
    k_ref = jax.new_ref(jnp.zeros((_H, _D, _POS), jnp.float32))
    v_ref = jax.new_ref(jnp.zeros((_H, _D, _POS), jnp.float32))
    _sc_scatter_one(k_val, kc3, packed, k_ref)
    _sc_scatter_one(v_val, kc3, packed, v_ref)
    k_out = jnp.transpose(k_ref[...], (0, 2, 1)).reshape(1, _H, _POS, _D)
    v_out = jnp.transpose(v_ref[...], (0, 2, 1)).reshape(1, _H, _POS, _D)
    return k_out, v_out

# --- scband reference (transcript-rebuilt; emitter-appended) ---
"""Pipeline reference for scband-paged-kvcache-65472481460951 (READ-ONLY COPY).

The authoritative reference and input builder live on the scoring server;
editing this copy changes nothing except your own understanding.
"""

import jax, jax.numpy as jnp
import numpy as np

PAGE_SIZE = 128
N_PAGES = 256
PAGES_PER_SEQ = 16
B, H, S, D = 16, 16, 8, 64


def setup_inputs(seed: int = 0) -> dict:
    key = jax.random.key(seed)
    ks = jax.random.split(key, 5)
    k_val = jax.random.normal(ks[0], (B, H, S, D), dtype=jnp.float32)
    v_val = jax.random.normal(ks[1], (B, H, S, D), dtype=jnp.float32)
    k_cache = jnp.zeros((1, H, N_PAGES * PAGE_SIZE, D), dtype=jnp.float32)
    v_cache = jnp.zeros((1, H, N_PAGES * PAGE_SIZE, D), dtype=jnp.float32)
    # each sequence owns PAGES_PER_SEQ distinct physical pages (16*16 = 256 = N_PAGES)
    page_table = jax.random.permutation(ks[2], N_PAGES).reshape(B, PAGES_PER_SEQ).astype(jnp.int32)
    batch_idx = jnp.arange(B, dtype=jnp.int32)
    # contiguous decode positions per sequence -> unique cache addresses
    base = jax.random.randint(ks[3], (B, 1), 0, PAGES_PER_SEQ * PAGE_SIZE - S, dtype=jnp.int32)
    input_pos = base + jnp.arange(S, dtype=jnp.int32)[None, :]
    return {
        'k_val': k_val,
        'v_val': v_val,
        'k_cache': k_cache,
        'v_cache': v_cache,
        'page_table': page_table,
        'batch_idx': batch_idx,
        'input_pos': input_pos,
    }


def reference(k_val, v_val, k_cache, v_cache, page_table, batch_idx, input_pos):
    # PagedKVCache.update -> page_table.assign(batch_idx, input_pos, k_val, v_val, k_cache, v_cache)
    b, h, s, d = k_val.shape
    logical_block_idx = input_pos // PAGE_SIZE          # [B, S]
    logical_block_offset = input_pos % PAGE_SIZE        # [B, S]
    pt_rows = page_table[batch_idx]                     # gather rows of page table, [B, pages_per_seq]
    physical_block_idx = jnp.take_along_axis(pt_rows, logical_block_idx, axis=1)  # [B, S]
    addr = (physical_block_idx * PAGE_SIZE + logical_block_offset).reshape(-1)    # [B*S]
    k_flat = jnp.transpose(k_val, (1, 0, 2, 3)).reshape(1, h, b * s, d)
    v_flat = jnp.transpose(v_val, (1, 0, 2, 3)).reshape(1, h, b * s, d)
    k_out = k_cache.at[:, :, addr, :].set(k_flat)
    v_out = v_cache.at[:, :, addr, :].set(v_flat)
    return k_out, v_out

if __name__ == "__main__":
    import jax
    _d = setup_inputs()
    print(jax.jit(kernel)(*tuple(_d.values())))

</pallas_src>

<mosaic_0001>
#map = affine_map<(d0, d1) -> (0, 0, 0, 0)>
#map1 = affine_map<(d0, d1) -> (0, 0, 0)>
#map2 = affine_map<(d0, d1) -> (0)>
module attributes {stable_mosaic.version = 14 : i64} {
  func.func @new_body(%arg0: i32, %arg1: i32, %arg2: memref<16x16x8x64xf32, #tpu.memory_space<hbm>>, %arg3: memref<16x64x32768xf32, #tpu.memory_space<hbm>>, %arg4: memref<416xi32, #tpu.memory_space<hbm>>, %arg5: memref<16x64x32768xf32, #tpu.memory_space<hbm>>, %arg6: memref<16x64x32768xf32, #tpu.memory_space<hbm>>, %arg7: memref<416xi32, #tpu.memory_space<vmem>>, %arg8: memref<8x8x64xf32, #tpu.memory_space<vmem>>, %arg9: memref<8x64x128xf32, #tpu.memory_space<vmem>>) attributes {dimension_semantics = [#tpu.dimension_semantics<core_parallel>, #tpu.dimension_semantics<subcore_parallel>], iteration_bounds = array<i64: 2, 16>, scalar_prefetch = 0 : i64, scratch_operands = 3 : i64, tpu.core_type = #tpu.core_type<sc_vector_subcore>, window_params = [{transform_indices = #map}, {transform_indices = #map1}, {transform_indices = #map2}, {transform_indices = #map1}, {transform_indices = #map1}]} {
    %mul3A = arith.constant 2 : i32
    %mul3A_0 = arith.muli %arg1, %mul3A : i32
    %add3A = arith.addi %mul3A_0, %arg0 : i32
    %jit3A = arith.constant 2 : i32
    %div3A = arith.divsi %add3A, %jit3A : i32
    %sign3A = arith.constant 0 : i32
    %sign3A_1 = arith.cmpi sgt, %add3A, %sign3A : i32
    %sign3A_2 = arith.extui %sign3A_1 : i1 to i32
    %sign3A_3 = arith.constant 0 : i32
    %sign3A_4 = arith.cmpi slt, %add3A, %sign3A_3 : i32
    %sign3A_5 = arith.extui %sign3A_4 : i1 to i32
    %sign3A_6 = arith.subi %sign3A_2, %sign3A_5 : i32
    %sign3A_7 = arith.constant 0 : i32
    %sign3A_8 = arith.cmpi sgt, %jit3A, %sign3A_7 : i32
    %sign3A_9 = arith.extui %sign3A_8 : i1 to i32
    %sign3A_10 = arith.constant 0 : i32
    %sign3A_11 = arith.cmpi slt, %jit3A, %sign3A_10 : i32
    %sign3A_12 = arith.extui %sign3A_11 : i1 to i32
    %sign3A_13 = arith.subi %sign3A_9, %sign3A_12 : i32
    %ne3A = arith.cmpi ne, %sign3A_6, %sign3A_13 : i32
    %rem3A = arith.remsi %add3A, %jit3A : i32
    %ne3A_14 = arith.constant 0 : i32
    %ne3A_15 = arith.cmpi ne, %rem3A, %ne3A_14 : i32
    %and3A = arith.andi %ne3A, %ne3A_15 : i1
    %sub3A = arith.constant 1 : i32
    %sub3A_16 = arith.subi %div3A, %sub3A : i32
    %select_n3A = arith.select %and3A, %sub3A_16, %div3A : i32
    %jit3A_17 = arith.constant 2 : i32
    %eq3A = arith.constant 0 : i32
    %eq3A_18 = arith.cmpi eq, %jit3A_17, %eq3A : i32
    %jit3A_19 = arith.constant 1 : i32
    %select_n3A_20 = arith.select %eq3A_18, %jit3A_19, %jit3A_17 : i32
    %rem3A_21 = arith.remsi %add3A, %select_n3A_20 : i32
    %ne3A_22 = arith.constant 0 : i32
    %ne3A_23 = arith.cmpi ne, %rem3A_21, %ne3A_22 : i32
    %lt3A = arith.constant 0 : i32
    %lt3A_24 = arith.cmpi slt, %rem3A_21, %lt3A : i32
    %lt3A_25 = arith.constant 0 : i32
    %lt3A_26 = arith.cmpi slt, %select_n3A_20, %lt3A_25 : i32
    %ne3A_27 = arith.xori %lt3A_24, %lt3A_26 : i1
    %and3A_28 = arith.andi %ne3A_27, %ne3A_23 : i1
    %add3A_29 = arith.addi %rem3A_21, %select_n3A_20 : i32
    %select_n3A_30 = arith.select %and3A_28, %add3A_29, %rem3A_21 : i32
    %mul3A_31 = arith.constant 8 : i32
    %mul3A_32 = arith.muli %select_n3A_30, %mul3A_31 : i32
    "tpu.region"() ({
      %run_scoped3A = tpu.sem_alloc : memref<!tpu.dma_semaphore, #tpu.memory_space<semaphore_mem>>
      tpu.enqueue_dma source(%arg4 : memref<416xi32, #tpu.memory_space<hbm>>) target(%arg7 : memref<416xi32, #tpu.memory_space<vmem>>) target_semaphore(%run_scoped3A : memref<!tpu.dma_semaphore, #tpu.memory_space<semaphore_mem>>)
      tpu.wait_dma2 semaphore(%run_scoped3A : memref<!tpu.dma_semaphore, #tpu.memory_space<semaphore_mem>>) src(%arg4 : memref<416xi32, #tpu.memory_space<hbm>>) dst(%arg7 : memref<416xi32, #tpu.memory_space<vmem>>)
      tpu.yield
    }) : () -> ()
    "tpu.region"() ({
      %run_scoped3A = tpu.sem_alloc : memref<!tpu.dma_semaphore, #tpu.memory_space<semaphore_mem>>
      %dma_start3A = arith.constant 0 : i32
      %dma_start3A_89 = arith.constant 0 : i32
      %dma_start3A_90 = tpu.memref_slice %arg2[%select_n3A, %mul3A_32, %dma_start3A, %dma_start3A_89] : memref<16x16x8x64xf32, #tpu.memory_space<hbm>> -> memref<1x8x8x64xf32, #tpu.memory_space<hbm>>
      %dma_start3A_91 = tpu.memref_squeeze %dma_start3A_90 : memref<1x8x8x64xf32, #tpu.memory_space<hbm>> -> memref<8x8x64xf32, #tpu.memory_space<hbm>>
      %dma_start3A_92 = arith.constant 0 : i32
      %dma_start3A_93 = arith.constant 0 : i32
      %dma_start3A_94 = tpu.memref_slice %arg2[%select_n3A, %mul3A_32, %dma_start3A_92, %dma_start3A_93] : memref<16x16x8x64xf32, #tpu.memory_space<hbm>> -> memref<1x8x8x64xf32, #tpu.memory_space<hbm>>
      %dma_start3A_95 = tpu.memref_squeeze %dma_start3A_94 : memref<1x8x8x64xf32, #tpu.memory_space<hbm>> -> memref<8x8x64xf32, #tpu.memory_space<hbm>>
      tpu.enqueue_dma source(%dma_start3A_95 : memref<8x8x64xf32, #tpu.memory_space<hbm>>) target(%arg8 : memref<8x8x64xf32, #tpu.memory_space<vmem>>) target_semaphore(%run_scoped3A : memref<!tpu.dma_semaphore, #tpu.memory_space<semaphore_mem>>)
      %dma_wait3A = arith.constant 0 : i32
      %dma_wait3A_96 = arith.constant 0 : i32
      %dma_wait3A_97 = tpu.memref_slice %arg2[%select_n3A, %mul3A_32, %dma_wait3A, %dma_wait3A_96] : memref<16x16x8x64xf32, #tpu.memory_space<hbm>> -> memref<1x8x8x64xf32, #tpu.memory_space<hbm>>
      %dma_wait3A_98 = tpu.memref_squeeze %dma_wait3A_97 : memref<1x8x8x64xf32, #tpu.memory_space<hbm>> -> memref<8x8x64xf32, #tpu.memory_space<hbm>>
      %dma_wait3A_99 = arith.constant 0 : i32
      %dma_wait3A_100 = arith.constant 0 : i32
      %dma_wait3A_101 = tpu.memref_slice %arg2[%select_n3A, %mul3A_32, %dma_wait3A_99, %dma_wait3A_100] : memref<16x16x8x64xf32, #tpu.memory_space<hbm>> -> memref<1x8x8x64xf32, #tpu.memory_space<hbm>>
      %dma_wait3A_102 = tpu.memref_squeeze %dma_wait3A_101 : memref<1x8x8x64xf32, #tpu.memory_space<hbm>> -> memref<8x8x64xf32, #tpu.memory_space<hbm>>
      tpu.wait_dma2 semaphore(%run_scoped3A : memref<!tpu.dma_semaphore, #tpu.memory_space<semaphore_mem>>) src(%dma_wait3A_102 : memref<8x8x64xf32, #tpu.memory_space<hbm>>) dst(%arg8 : memref<8x8x64xf32, #tpu.memory_space<vmem>>)
      tpu.yield
    }) : () -> ()
    %mul3A_33 = arith.constant 128 : i32
    %mul3A_34 = arith.muli %select_n3A, %mul3A_33 : i32
    "tpu.region"() ({
      %run_scoped3A = tpu.sem_alloc : memref<!tpu.dma_semaphore, #tpu.memory_space<semaphore_mem>>
      %dma_start3A = arith.constant 0 : i32
      %dma_start3A_89 = arith.constant 0 : i32
      %dma_start3A_90 = tpu.memref_slice %arg3[%dma_start3A, %dma_start3A_89, %mul3A_34] : memref<16x64x32768xf32, #tpu.memory_space<hbm>> -> memref<8x64x128xf32, #tpu.memory_space<hbm>>
      %dma_start3A_91 = arith.constant 0 : i32
      %dma_start3A_92 = arith.constant 0 : i32
      %dma_start3A_93 = tpu.memref_slice %arg3[%dma_start3A_91, %dma_start3A_92, %mul3A_34] : memref<16x64x32768xf32, #tpu.memory_space<hbm>> -> memref<8x64x128xf32, #tpu.memory_space<hbm>>
      tpu.enqueue_dma source(%dma_start3A_93 : memref<8x64x128xf32, #tpu.memory_space<hbm>>) target(%arg9 : memref<8x64x128xf32, #tpu.memory_space<vmem>>) target_semaphore(%run_scoped3A : memref<!tpu.dma_semaphore, #tpu.memory_space<semaphore_mem>>)
      %dma_wait3A = arith.constant 0 : i32
      %dma_wait3A_94 = arith.constant 0 : i32
      %dma_wait3A_95 = tpu.memref_slice %arg3[%dma_wait3A, %dma_wait3A_94, %mul3A_34] : memref<16x64x32768xf32, #tpu.memory_space<hbm>> -> memref<8x64x128xf32, #tpu.memory_space<hbm>>
      %dma_wait3A_96 = arith.constant 0 : i32
      %dma_wait3A_97 = arith.constant 0 : i32
      %dma_wait3A_98 = tpu.memref_slice %arg3[%dma_wait3A_96, %dma_wait3A_97, %mul3A_34] : memref<16x64x32768xf32, #tpu.memory_space<hbm>> -> memref<8x64x128xf32, #tpu.memory_space<hbm>>
      tpu.wait_dma2 semaphore(%run_scoped3A : memref<!tpu.dma_semaphore, #tpu.memory_space<semaphore_mem>>) src(%dma_wait3A_98 : memref<8x64x128xf32, #tpu.memory_space<hbm>>) dst(%arg9 : memref<8x64x128xf32, #tpu.memory_space<vmem>>)
      tpu.yield
    }) : () -> ()
    %iota3A = tpu.iota {dimensions = array<i32: 0>} : vector<16xi32>
    %and3A_35 = arith.constant 7 : i32
    %and3A_36 = vector.broadcast %and3A_35 : i32 to vector<16xi32>
    %and3A_37 = arith.andi %iota3A, %and3A_36 : vector<16xi32>
    %mul3A_38 = arith.constant 16 : i32
    %mul3A_39 = vector.broadcast %mul3A_38 : i32 to vector<16xi32>
    %mul3A_40 = arith.muli %and3A_37, %mul3A_39 : vector<16xi32>
    %add3A_41 = arith.constant 272 : i32
    %add3A_42 = vector.broadcast %add3A_41 : i32 to vector<16xi32>
    %add3A_43 = arith.addi %add3A_42, %mul3A_40 : vector<16xi32>
    %add3A_44 = vector.broadcast %select_n3A : i32 to vector<16xi32>
    %add3A_45 = arith.addi %add3A_43, %add3A_44 : vector<16xi32>
    %gather3A = tpu.vector_load_idx %arg7[%add3A_45] : memref<416xi32, #tpu.memory_space<vmem>>[vector<16xi32>], vector<16xi32>,
    %shift_right_arithmetic3A = arith.constant 7 : i32
    %shift_right_arithmetic3A_46 = vector.broadcast %shift_right_arithmetic3A : i32 to vector<16xi32>
    %shift_right_arithmetic3A_47 = arith.shrsi %gather3A, %shift_right_arithmetic3A_46 : vector<16xi32>
    %mul3A_48 = arith.constant 0 : i32
    %mul3A_49 = vector.broadcast %mul3A_48 : i32 to vector<16xi32>
    %mul3A_50 = arith.muli %iota3A, %mul3A_49 : vector<16xi32>
    %add3A_51 = arith.constant 256 : i32
    %add3A_52 = arith.addi %add3A_51, %select_n3A : i32
    %add3A_53 = vector.broadcast %add3A_52 : i32 to vector<16xi32>
    %add3A_54 = arith.addi %mul3A_50, %add3A_53 : vector<16xi32>
    %gather3A_55 = tpu.vector_load_idx %arg7[%add3A_54] : memref<416xi32, #tpu.memory_space<vmem>>[vector<16xi32>], vector<16xi32>,
    %and3A_56 = arith.constant 15 : i32
    %and3A_57 = vector.broadcast %and3A_56 : i32 to vector<16xi32>
    %and3A_58 = arith.andi %gather3A_55, %and3A_57 : vector<16xi32>
    %mul3A_59 = arith.constant 16 : i32
    %mul3A_60 = vector.broadcast %mul3A_59 : i32 to vector<16xi32>
    %mul3A_61 = arith.muli %and3A_58, %mul3A_60 : vector<16xi32>
    %and3A_62 = arith.constant 15 : i32
    %and3A_63 = vector.broadcast %and3A_62 : i32 to vector<16xi32>
    %and3A_64 = arith.andi %shift_right_arithmetic3A_47, %and3A_63 : vector<16xi32>
    %add3A_65 = arith.addi %mul3A_61, %and3A_64 : vector<16xi32>
    %gather3A_66 = tpu.vector_load_idx %arg7[%add3A_65] : memref<416xi32, #tpu.memory_space<vmem>>[vector<16xi32>], vector<16xi32>,
    %slice3A = vector.extract_strided_slice %shift_right_arithmetic3A_47 {offsets = [0], sizes = [1], strides = [1]} : vector<16xi32> to vector<1xi32>
    %squeeze3A = vector.extract %slice3A[0] : i32 from vector<1xi32>
    %slice3A_67 = vector.extract_strided_slice %shift_right_arithmetic3A_47 {offsets = [7], sizes = [1], strides = [1]} : vector<16xi32> to vector<1xi32>
    %squeeze3A_68 = vector.extract %slice3A_67[0] : i32 from vector<1xi32>
    %slice3A_69 = vector.extract_strided_slice %gather3A_66 {offsets = [0], sizes = [1], strides = [1]} : vector<16xi32> to vector<1xi32>
    %squeeze3A_70 = vector.extract %slice3A_69[0] : i32 from vector<1xi32>
    %slice3A_71 = vector.extract_strided_slice %gather3A_66 {offsets = [7], sizes = [1], strides = [1]} : vector<16xi32> to vector<1xi32>
    %squeeze3A_72 = vector.extract %slice3A_71[0] : i32 from vector<1xi32>
    %ne3A_73 = arith.cmpi ne, %squeeze3A_68, %squeeze3A : i32
    %get3A = arith.constant 0 : i32
    %get3A_74 = arith.constant 0 : i32
    %get3A_75 = arith.index_cast %get3A : i32 to index
    %get3A_76 = arith.index_cast %get3A_74 : i32 to index
    %get3A_77 = arith.constant 0 : index
    %get3A_78 = tpu.vector_load %arg8[%get3A_75, %get3A_76, %get3A_77] {strides = array<i32>} : memref<8x8x64xf32, #tpu.memory_space<vmem>>, vector<16xf32>,
    %mul3A_79 = arith.constant 0.000000e+00 : f32
    %mul3A_80 = vector.broadcast %mul3A_79 : f32 to vector<16xf32>
    %mul3A_81 = arith.mulf %get3A_78, %mul3A_80 : vector<16xf32>
    %scan3A = arith.constant 0 : i32
    %scan3A_82 = arith.constant 8 : i32
    %scan3A_83 = arith.addi %scan3A, %scan3A_82 : i32
    %scan3A_84 = arith.constant 1 : i32
    scf.for %scan3A_89 = %scan3A to %scan3A_83 step %scan3A_84  : i32 {
      %mul3A_90 = arith.constant 1 : i32
      %mul3A_91 = arith.muli %scan3A_89, %mul3A_90 : i32
      %add3A_92 = arith.constant 0 : i32
      %add3A_93 = arith.addi %add3A_92, %mul3A_91 : i32
      %slice3A_94 = vector.extract_strided_slice %gather3A {offsets = [0], sizes = [1], strides = [1]} : vector<16xi32> to vector<1xi32>
      %squeeze3A_95 = vector.extract %slice3A_94[0] : i32 from vector<1xi32>
      %shift_right_arithmetic3A_96 = arith.constant 7 : i32
      %shift_right_arithmetic3A_97 = arith.shrsi %squeeze3A_95, %shift_right_arithmetic3A_96 : i32
      %eq3A_98 = arith.cmpi eq, %shift_right_arithmetic3A_97, %squeeze3A : i32
      %convert_element_type3A_99 = arith.extui %eq3A_98 : i1 to i32
      %cond3A_100 = arith.constant 0 : i32
      %cond3A_101 = arith.cmpi ne, %convert_element_type3A_99, %cond3A_100 : i32
      scf.if %cond3A_101 {
        %mul3A_158 = arith.constant 0 : i32
        %mul3A_159 = vector.broadcast %mul3A_158 : i32 to vector<16xi32>
        %mul3A_160 = arith.muli %iota3A, %mul3A_159 : vector<16xi32>
        %and3A_161 = arith.constant 127 : i32
        %and3A_162 = arith.andi %squeeze3A_95, %and3A_161 : i32
        %add3A_163 = vector.broadcast %and3A_162 : i32 to vector<16xi32>
        %add3A_164 = arith.addi %mul3A_160, %add3A_163 : vector<16xi32>
        %get3A_165 = arith.constant 0 : i32
        %get3A_166 = arith.index_cast %add3A_93 : i32 to index
        %get3A_167 = arith.index_cast %get3A_165 : i32 to index
        %get3A_168 = arith.constant 0 : index
        %get3A_169 = tpu.vector_load %arg8[%get3A_166, %get3A_167, %get3A_168] {strides = array<i32>} : memref<8x8x64xf32, #tpu.memory_space<vmem>>, vector<16xf32>,
        %mul3A_170 = arith.constant 0 : i32
        %mul3A_171 = vector.broadcast %mul3A_170 : i32 to vector<16xi32>
        %mul3A_172 = arith.muli %iota3A, %mul3A_171 : vector<16xi32>
        %add3A_173 = vector.broadcast %add3A_93 : i32 to vector<16xi32>
        %add3A_174 = arith.addi %mul3A_172, %add3A_173 : vector<16xi32>
        %add3A_175 = arith.constant 0 : i32
        %add3A_176 = vector.broadcast %add3A_175 : i32 to vector<16xi32>
        %add3A_177 = arith.addi %add3A_176, %iota3A : vector<16xi32>
        tpu.vector_store_idx %arg9[%add3A_174, %add3A_177, %add3A_164], %get3A_169 : memref<8x64x128xf32, #tpu.memory_space<vmem>>[vector<16xi32>, vector<16xi32>, vector<16xi32>], vector<16xf32>,
        %get3A_178 = arith.constant 0 : i32
        %get3A_179 = arith.index_cast %add3A_93 : i32 to index
        %get3A_180 = arith.index_cast %get3A_178 : i32 to index
        %get3A_181 = arith.constant 16 : index
        %get3A_182 = tpu.vector_load %arg8[%get3A_179, %get3A_180, %get3A_181] {strides = array<i32>} : memref<8x8x64xf32, #tpu.memory_space<vmem>>, vector<16xf32>,
        %mul3A_183 = arith.constant 0 : i32
        %mul3A_184 = vector.broadcast %mul3A_183 : i32 to vector<16xi32>
        %mul3A_185 = arith.muli %iota3A, %mul3A_184 : vector<16xi32>
        %add3A_186 = vector.broadcast %add3A_93 : i32 to vector<16xi32>
        %add3A_187 = arith.addi %mul3A_185, %add3A_186 : vector<16xi32>
        %add3A_188 = arith.constant 16 : i32
        %add3A_189 = vector.broadcast %add3A_188 : i32 to vector<16xi32>
        %add3A_190 = arith.addi %add3A_189, %iota3A : vector<16xi32>
        tpu.vector_store_idx %arg9[%add3A_187, %add3A_190, %add3A_164], %get3A_182 : memref<8x64x128xf32, #tpu.memory_space<vmem>>[vector<16xi32>, vector<16xi32>, vector<16xi32>], vector<16xf32>,
        %get3A_191 = arith.constant 0 : i32
        %get3A_192 = arith.index_cast %add3A_93 : i32 to index
        %get3A_193 = arith.index_cast %get3A_191 : i32 to index
        %get3A_194 = arith.constant 32 : index
        %get3A_195 = tpu.vector_load %arg8[%get3A_192, %get3A_193, %get3A_194] {strides = array<i32>} : memref<8x8x64xf32, #tpu.memory_space<vmem>>, vector<16xf32>,
        %mul3A_196 = arith.constant 0 : i32
        %mul3A_197 = vector.broadcast %mul3A_196 : i32 to vector<16xi32>
        %mul3A_198 = arith.muli %iota3A, %mul3A_197 : vector<16xi32>
        %add3A_199 = vector.broadcast %add3A_93 : i32 to vector<16xi32>
        %add3A_200 = arith.addi %mul3A_198, %add3A_199 : vector<16xi32>
        %add3A_201 = arith.constant 32 : i32
        %add3A_202 = vector.broadcast %add3A_201 : i32 to vector<16xi32>
        %add3A_203 = arith.addi %add3A_202, %iota3A : vector<16xi32>
        tpu.vector_store_idx %arg9[%add3A_200, %add3A_203, %add3A_164], %get3A_195 : memref<8x64x128xf32, #tpu.memory_space<vmem>>[vector<16xi32>, vector<16xi32>, vector<16xi32>], vector<16xf32>,
        %get3A_204 = arith.constant 0 : i32
        %get3A_205 = arith.index_cast %add3A_93 : i32 to index
        %get3A_206 = arith.index_cast %get3A_204 : i32 to index
        %get3A_207 = arith.constant 48 : index
        %get3A_208 = tpu.vector_load %arg8[%get3A_205, %get3A_206, %get3A_207] {strides = array<i32>} : memref<8x8x64xf32, #tpu.memory_space<vmem>>, vector<16xf32>,
        %mul3A_209 = arith.constant 0 : i32
        %mul3A_210 = vector.broadcast %mul3A_209 : i32 to vector<16xi32>
        %mul3A_211 = arith.muli %iota3A, %mul3A_210 : vector<16xi32>
        %add3A_212 = vector.broadcast %add3A_93 : i32 to vector<16xi32>
        %add3A_213 = arith.addi %mul3A_211, %add3A_212 : vector<16xi32>
        %add3A_214 = arith.constant 48 : i32
        %add3A_215 = vector.broadcast %add3A_214 : i32 to vector<16xi32>
        %add3A_216 = arith.addi %add3A_215, %iota3A : vector<16xi32>
        tpu.vector_store_idx %arg9[%add3A_213, %add3A_216, %add3A_164], %get3A_208 : memref<8x64x128xf32, #tpu.memory_space<vmem>>[vector<16xi32>, vector<16xi32>, vector<16xi32>], vector<16xf32>,
      } else {
      }
      %slice3A_102 = vector.extract_strided_slice %gather3A {offsets = [1], sizes = [1], strides = [1]} : vector<16xi32> to vector<1xi32>
      %squeeze3A_103 = vector.extract %slice3A_102[0] : i32 from vector<1xi32>
      %shift_right_arithmetic3A_104 = arith.constant 7 : i32
      %shift_right_arithmetic3A_105 = arith.shrsi %squeeze3A_103, %shift_right_arithmetic3A_104 : i32
      %eq3A_106 = arith.cmpi eq, %shift_right_arithmetic3A_105, %squeeze3A : i32
      %convert_element_type3A_107 = arith.extui %eq3A_106 : i1 to i32
      %cond3A_108 = arith.constant 0 : i32
      %cond3A_109 = arith.cmpi ne, %convert_element_type3A_107, %cond3A_108 : i32
      scf.if %cond3A_109 {
        %mul3A_158 = arith.constant 0 : i32
        %mul3A_159 = vector.broadcast %mul3A_158 : i32 to vector<16xi32>
        %mul3A_160 = arith.muli %iota3A, %mul3A_159 : vector<16xi32>
        %and3A_161 = arith.constant 127 : i32
        %and3A_162 = arith.andi %squeeze3A_103, %and3A_161 : i32
        %add3A_163 = vector.broadcast %and3A_162 : i32 to vector<16xi32>
        %add3A_164 = arith.addi %mul3A_160, %add3A_163 : vector<16xi32>
        %get3A_165 = arith.constant 1 : i32
        %get3A_166 = arith.index_cast %add3A_93 : i32 to index
        %get3A_167 = arith.index_cast %get3A_165 : i32 to index
        %get3A_168 = arith.constant 0 : index
        %get3A_169 = tpu.vector_load %arg8[%get3A_166, %get3A_167, %get3A_168] {strides = array<i32>} : memref<8x8x64xf32, #tpu.memory_space<vmem>>, vector<16xf32>,
        %mul3A_170 = arith.constant 0 : i32
        %mul3A_171 = vector.broadcast %mul3A_170 : i32 to vector<16xi32>
        %mul3A_172 = arith.muli %iota3A, %mul3A_171 : vector<16xi32>
        %add3A_173 = vector.broadcast %add3A_93 : i32 to vector<16xi32>
        %add3A_174 = arith.addi %mul3A_172, %add3A_173 : vector<16xi32>
        %add3A_175 = arith.constant 0 : i32
        %add3A_176 = vector.broadcast %add3A_175 : i32 to vector<16xi32>
        %add3A_177 = arith.addi %add3A_176, %iota3A : vector<16xi32>
        tpu.vector_store_idx %arg9[%add3A_174, %add3A_177, %add3A_164], %get3A_169 : memref<8x64x128xf32, #tpu.memory_space<vmem>>[vector<16xi32>, vector<16xi32>, vector<16xi32>], vector<16xf32>,
        %get3A_178 = arith.constant 1 : i32
        %get3A_179 = arith.index_cast %add3A_93 : i32 to index
        %get3A_180 = arith.index_cast %get3A_178 : i32 to index
        %get3A_181 = arith.constant 16 : index
        %get3A_182 = tpu.vector_load %arg8[%get3A_179, %get3A_180, %get3A_181] {strides = array<i32>} : memref<8x8x64xf32, #tpu.memory_space<vmem>>, vector<16xf32>,
        %mul3A_183 = arith.constant 0 : i32
        %mul3A_184 = vector.broadcast %mul3A_183 : i32 to vector<16xi32>
        %mul3A_185 = arith.muli %iota3A, %mul3A_184 : vector<16xi32>
        %add3A_186 = vector.broadcast %add3A_93 : i32 to vector<16xi32>
        %add3A_187 = arith.addi %mul3A_185, %add3A_186 : vector<16xi32>
        %add3A_188 = arith.constant 16 : i32
        %add3A_189 = vector.broadcast %add3A_188 : i32 to vector<16xi32>
        %add3A_190 = arith.addi %add3A_189, %iota3A : vector<16xi32>
        tpu.vector_store_idx %arg9[%add3A_187, %add3A_190, %add3A_164], %get3A_182 : memref<8x64x128xf32, #tpu.memory_space<vmem>>[vector<16xi32>, vector<16xi32>, vector<16xi32>], vector<16xf32>,
        %get3A_191 = arith.constant 1 : i32
        %get3A_192 = arith.index_cast %add3A_93 : i32 to index
        %get3A_193 = arith.index_cast %get3A_191 : i32 to index
        %get3A_194 = arith.constant 32 : index
        %get3A_195 = tpu.vector_load %arg8[%get3A_192, %get3A_193, %get3A_194] {strides = array<i32>} : memref<8x8x64xf32, #tpu.memory_space<vmem>>, vector<16xf32>,
        %mul3A_196 = arith.constant 0 : i32
        %mul3A_197 = vector.broadcast %mul3A_196 : i32 to vector<16xi32>
        %mul3A_198 = arith.muli %iota3A, %mul3A_197 : vector<16xi32>
        %add3A_199 = vector.broadcast %add3A_93 : i32 to vector<16xi32>
        %add3A_200 = arith.addi %mul3A_198, %add3A_199 : vector<16xi32>
        %add3A_201 = arith.constant 32 : i32
        %add3A_202 = vector.broadcast %add3A_201 : i32 to vector<16xi32>
        %add3A_203 = arith.addi %add3A_202, %iota3A : vector<16xi32>
        tpu.vector_store_idx %arg9[%add3A_200, %add3A_203, %add3A_164], %get3A_195 : memref<8x64x128xf32, #tpu.memory_space<vmem>>[vector<16xi32>, vector<16xi32>, vector<16xi32>], vector<16xf32>,
        %get3A_204 = arith.constant 1 : i32
        %get3A_205 = arith.index_cast %add3A_93 : i32 to index
        %get3A_206 = arith.index_cast %get3A_204 : i32 to index
        %get3A_207 = arith.constant 48 : index
        %get3A_208 = tpu.vector_load %arg8[%get3A_205, %get3A_206, %get3A_207] {strides = array<i32>} : memref<8x8x64xf32, #tpu.memory_space<vmem>>, vector<16xf32>,
        %mul3A_209 = arith.constant 0 : i32
        %mul3A_210 = vector.broadcast %mul3A_209 : i32 to vector<16xi32>
        %mul3A_211 = arith.muli %iota3A, %mul3A_210 : vector<16xi32>
        %add3A_212 = vector.broadcast %add3A_93 : i32 to vector<16xi32>
        %add3A_213 = arith.addi %mul3A_211, %add3A_212 : vector<16xi32>
        %add3A_214 = arith.constant 48 : i32
        %add3A_215 = vector.broadcast %add3A_214 : i32 to vector<16xi32>
        %add3A_216 = arith.addi %add3A_215, %iota3A : vector<16xi32>
        tpu.vector_store_idx %arg9[%add3A_213, %add3A_216, %add3A_164], %get3A_208 : memref<8x64x128xf32, #tpu.memory_space<vmem>>[vector<16xi32>, vector<16xi32>, vector<16xi32>], vector<16xf32>,
      } else {
      }
      %slice3A_110 = vector.extract_strided_slice %gather3A {offsets = [2], sizes = [1], strides = [1]} : vector<16xi32> to vector<1xi32>
      %squeeze3A_111 = vector.extract %slice3A_110[0] : i32 from vector<1xi32>
      %shift_right_arithmetic3A_112 = arith.constant 7 : i32
      %shift_right_arithmetic3A_113 = arith.shrsi %squeeze3A_111, %shift_right_arithmetic3A_112 : i32
      %eq3A_114 = arith.cmpi eq, %shift_right_arithmetic3A_113, %squeeze3A : i32
      %convert_element_type3A_115 = arith.extui %eq3A_114 : i1 to i32
      %cond3A_116 = arith.constant 0 : i32
      %cond3A_117 = arith.cmpi ne, %convert_element_type3A_115, %cond3A_116 : i32
      scf.if %cond3A_117 {
        %mul3A_158 = arith.constant 0 : i32
        %mul3A_159 = vector.broadcast %mul3A_158 : i32 to vector<16xi32>
        %mul3A_160 = arith.muli %iota3A, %mul3A_159 : vector<16xi32>
        %and3A_161 = arith.constant 127 : i32
        %and3A_162 = arith.andi %squeeze3A_111, %and3A_161 : i32
        %add3A_163 = vector.broadcast %and3A_162 : i32 to vector<16xi32>
        %add3A_164 = arith.addi %mul3A_160, %add3A_163 : vector<16xi32>
        %get3A_165 = arith.constant 2 : i32
        %get3A_166 = arith.index_cast %add3A_93 : i32 to index
        %get3A_167 = arith.index_cast %get3A_165 : i32 to index
        %get3A_168 = arith.constant 0 : index
        %get3A_169 = tpu.vector_load %arg8[%get3A_166, %get3A_167, %get3A_168] {strides = array<i32>} : memref<8x8x64xf32, #tpu.memory_space<vmem>>, vector<16xf32>,
        %mul3A_170 = arith.constant 0 : i32
        %mul3A_171 = vector.broadcast %mul3A_170 : i32 to vector<16xi32>
        %mul3A_172 = arith.muli %iota3A, %mul3A_171 : vector<16xi32>
        %add3A_173 = vector.broadcast %add3A_93 : i32 to vector<16xi32>
        %add3A_174 = arith.addi %mul3A_172, %add3A_173 : vector<16xi32>
        %add3A_175 = arith.constant 0 : i32
        %add3A_176 = vector.broadcast %add3A_175 : i32 to vector<16xi32>
        %add3A_177 = arith.addi %add3A_176, %iota3A : vector<16xi32>
        tpu.vector_store_idx %arg9[%add3A_174, %add3A_177, %add3A_164], %get3A_169 : memref<8x64x128xf32, #tpu.memory_space<vmem>>[vector<16xi32>, vector<16xi32>, vector<16xi32>], vector<16xf32>,
        %get3A_178 = arith.constant 2 : i32
        %get3A_179 = arith.index_cast %add3A_93 : i32 to index
        %get3A_180 = arith.index_cast %get3A_178 : i32 to index
        %get3A_181 = arith.constant 16 : index
        %get3A_182 = tpu.vector_load %arg8[%get3A_179, %get3A_180, %get3A_181] {strides = array<i32>} : memref<8x8x64xf32, #tpu.memory_space<vmem>>, vector<16xf32>,
        %mul3A_183 = arith.constant 0 : i32
        %mul3A_184 = vector.broadcast %mul3A_183 : i32 to vector<16xi32>
        %mul3A_185 = arith.muli %iota3A, %mul3A_184 : vector<16xi32>
        %add3A_186 = vector.broadcast %add3A_93 : i32 to vector<16xi32>
        %add3A_187 = arith.addi %mul3A_185, %add3A_186 : vector<16xi32>
        %add3A_188 = arith.constant 16 : i32
        %add3A_189 = vector.broadcast %add3A_188 : i32 to vector<16xi32>
        %add3A_190 = arith.addi %add3A_189, %iota3A : vector<16xi32>
        tpu.vector_store_idx %arg9[%add3A_187, %add3A_190, %add3A_164], %get3A_182 : memref<8x64x128xf32, #tpu.memory_space<vmem>>[vector<16xi32>, vector<16xi32>, vector<16xi32>], vector<16xf32>,
        %get3A_191 = arith.constant 2 : i32
        %get3A_192 = arith.index_cast %add3A_93 : i32 to index
        %get3A_193 = arith.index_cast %get3A_191 : i32 to index
        %get3A_194 = arith.constant 32 : index
        %get3A_195 = tpu.vector_load %arg8[%get3A_192, %get3A_193, %get3A_194] {strides = array<i32>} : memref<8x8x64xf32, #tpu.memory_space<vmem>>, vector<16xf32>,
        %mul3A_196 = arith.constant 0 : i32
        %mul3A_197 = vector.broadcast %mul3A_196 : i32 to vector<16xi32>
        %mul3A_198 = arith.muli %iota3A, %mul3A_197 : vector<16xi32>
        %add3A_199 = vector.broadcast %add3A_93 : i32 to vector<16xi32>
        %add3A_200 = arith.addi %mul3A_198, %add3A_199 : vector<16xi32>
        %add3A_201 = arith.constant 32 : i32
        %add3A_202 = vector.broadcast %add3A_201 : i32 to vector<16xi32>
        %add3A_203 = arith.addi %add3A_202, %iota3A : vector<16xi32>
        tpu.vector_store_idx %arg9[%add3A_200, %add3A_203, %add3A_164], %get3A_195 : memref<8x64x128xf32, #tpu.memory_space<vmem>>[vector<16xi32>, vector<16xi32>, vector<16xi32>], vector<16xf32>,
        %get3A_204 = arith.constant 2 : i32
        %get3A_205 = arith.index_cast %add3A_93 : i32 to index
        %get3A_206 = arith.index_cast %get3A_204 : i32 to index
        %get3A_207 = arith.constant 48 : index
        %get3A_208 = tpu.vector_load %arg8[%get3A_205, %get3A_206, %get3A_207] {strides = array<i32>} : memref<8x8x64xf32, #tpu.memory_space<vmem>>, vector<16xf32>,
        %mul3A_209 = arith.constant 0 : i32
        %mul3A_210 = vector.broadcast %mul3A_209 : i32 to vector<16xi32>
        %mul3A_211 = arith.muli %iota3A, %mul3A_210 : vector<16xi32>
        %add3A_212 = vector.broadcast %add3A_93 : i32 to vector<16xi32>
        %add3A_213 = arith.addi %mul3A_211, %add3A_212 : vector<16xi32>
        %add3A_214 = arith.constant 48 : i32
        %add3A_215 = vector.broadcast %add3A_214 : i32 to vector<16xi32>
        %add3A_216 = arith.addi %add3A_215, %iota3A : vector<16xi32>
        tpu.vector_store_idx %arg9[%add3A_213, %add3A_216, %add3A_164], %get3A_208 : memref<8x64x128xf32, #tpu.memory_space<vmem>>[vector<16xi32>, vector<16xi32>, vector<16xi32>], vector<16xf32>,
      } else {
      }
      %slice3A_118 = vector.extract_strided_slice %gather3A {offsets = [3], sizes = [1], strides = [1]} : vector<16xi32> to vector<1xi32>
      %squeeze3A_119 = vector.extract %slice3A_118[0] : i32 from vector<1xi32>
      %shift_right_arithmetic3A_120 = arith.constant 7 : i32
      %shift_right_arithmetic3A_121 = arith.shrsi %squeeze3A_119, %shift_right_arithmetic3A_120 : i32
      %eq3A_122 = arith.cmpi eq, %shift_right_arithmetic3A_121, %squeeze3A : i32
      %convert_element_type3A_123 = arith.extui %eq3A_122 : i1 to i32
      %cond3A_124 = arith.constant 0 : i32
      %cond3A_125 = arith.cmpi ne, %convert_element_type3A_123, %cond3A_124 : i32
      scf.if %cond3A_125 {
        %mul3A_158 = arith.constant 0 : i32
        %mul3A_159 = vector.broadcast %mul3A_158 : i32 to vector<16xi32>
        %mul3A_160 = arith.muli %iota3A, %mul3A_159 : vector<16xi32>
        %and3A_161 = arith.constant 127 : i32
        %and3A_162 = arith.andi %squeeze3A_119, %and3A_161 : i32
        %add3A_163 = vector.broadcast %and3A_162 : i32 to vector<16xi32>
        %add3A_164 = arith.addi %mul3A_160, %add3A_163 : vector<16xi32>
        %get3A_165 = arith.constant 3 : i32
        %get3A_166 = arith.index_cast %add3A_93 : i32 to index
        %get3A_167 = arith.index_cast %get3A_165 : i32 to index
        %get3A_168 = arith.constant 0 : index
        %get3A_169 = tpu.vector_load %arg8[%get3A_166, %get3A_167, %get3A_168] {strides = array<i32>} : memref<8x8x64xf32, #tpu.memory_space<vmem>>, vector<16xf32>,
        %mul3A_170 = arith.constant 0 : i32
        %mul3A_171 = vector.broadcast %mul3A_170 : i32 to vector<16xi32>
        %mul3A_172 = arith.muli %iota3A, %mul3A_171 : vector<16xi32>
        %add3A_173 = vector.broadcast %add3A_93 : i32 to vector<16xi32>
        %add3A_174 = arith.addi %mul3A_172, %add3A_173 : vector<16xi32>
        %add3A_175 = arith.constant 0 : i32
        %add3A_176 = vector.broadcast %add3A_175 : i32 to vector<16xi32>
        %add3A_177 = arith.addi %add3A_176, %iota3A : vector<16xi32>
        tpu.vector_store_idx %arg9[%add3A_174, %add3A_177, %add3A_164], %get3A_169 : memref<8x64x128xf32, #tpu.memory_space<vmem>>[vector<16xi32>, vector<16xi32>, vector<16xi32>], vector<16xf32>,
        %get3A_178 = arith.constant 3 : i32
        %get3A_179 = arith.index_cast %add3A_93 : i32 to index
        %get3A_180 = arith.index_cast %get3A_178 : i32 to index
        %get3A_181 = arith.constant 16 : index
        %get3A_182 = tpu.vector_load %arg8[%get3A_179, %get3A_180, %get3A_181] {strides = array<i32>} : memref<8x8x64xf32, #tpu.memory_space<vmem>>, vector<16xf32>,
        %mul3A_183 = arith.constant 0 : i32
        %mul3A_184 = vector.broadcast %mul3A_183 : i32 to vector<16xi32>
        %mul3A_185 = arith.muli %iota3A, %mul3A_184 : vector<16xi32>
        %add3A_186 = vector.broadcast %add3A_93 : i32 to vector<16xi32>
        %add3A_187 = arith.addi %mul3A_185, %add3A_186 : vector<16xi32>
        %add3A_188 = arith.constant 16 : i32
        %add3A_189 = vector.broadcast %add3A_188 : i32 to vector<16xi32>
        %add3A_190 = arith.addi %add3A_189, %iota3A : vector<16xi32>
        tpu.vector_store_idx %arg9[%add3A_187, %add3A_190, %add3A_164], %get3A_182 : memref<8x64x128xf32, #tpu.memory_space<vmem>>[vector<16xi32>, vector<16xi32>, vector<16xi32>], vector<16xf32>,
        %get3A_191 = arith.constant 3 : i32
        %get3A_192 = arith.index_cast %add3A_93 : i32 to index
        %get3A_193 = arith.index_cast %get3A_191 : i32 to index
        %get3A_194 = arith.constant 32 : index
        %get3A_195 = tpu.vector_load %arg8[%get3A_192, %get3A_193, %get3A_194] {strides = array<i32>} : memref<8x8x64xf32, #tpu.memory_space<vmem>>, vector<16xf32>,
        %mul3A_196 = arith.constant 0 : i32
        %mul3A_197 = vector.broadcast %mul3A_196 : i32 to vector<16xi32>
        %mul3A_198 = arith.muli %iota3A, %mul3A_197 : vector<16xi32>
        %add3A_199 = vector.broadcast %add3A_93 : i32 to vector<16xi32>
        %add3A_200 = arith.addi %mul3A_198, %add3A_199 : vector<16xi32>
        %add3A_201 = arith.constant 32 : i32
        %add3A_202 = vector.broadcast %add3A_201 : i32 to vector<16xi32>
        %add3A_203 = arith.addi %add3A_202, %iota3A : vector<16xi32>
        tpu.vector_store_idx %arg9[%add3A_200, %add3A_203, %add3A_164], %get3A_195 : memref<8x64x128xf32, #tpu.memory_space<vmem>>[vector<16xi32>, vector<16xi32>, vector<16xi32>], vector<16xf32>,
        %get3A_204 = arith.constant 3 : i32
        %get3A_205 = arith.index_cast %add3A_93 : i32 to index
        %get3A_206 = arith.index_cast %get3A_204 : i32 to index
        %get3A_207 = arith.constant 48 : index
        %get3A_208 = tpu.vector_load %arg8[%get3A_205, %get3A_206, %get3A_207] {strides = array<i32>} : memref<8x8x64xf32, #tpu.memory_space<vmem>>, vector<16xf32>,
        %mul3A_209 = arith.constant 0 : i32
        %mul3A_210 = vector.broadcast %mul3A_209 : i32 to vector<16xi32>
        %mul3A_211 = arith.muli %iota3A, %mul3A_210 : vector<16xi32>
        %add3A_212 = vector.broadcast %add3A_93 : i32 to vector<16xi32>
        %add3A_213 = arith.addi %mul3A_211, %add3A_212 : vector<16xi32>
        %add3A_214 = arith.constant 48 : i32
        %add3A_215 = vector.broadcast %add3A_214 : i32 to vector<16xi32>
        %add3A_216 = arith.addi %add3A_215, %iota3A : vector<16xi32>
        tpu.vector_store_idx %arg9[%add3A_213, %add3A_216, %add3A_164], %get3A_208 : memref<8x64x128xf32, #tpu.memory_space<vmem>>[vector<16xi32>, vector<16xi32>, vector<16xi32>], vector<16xf32>,
      } else {
      }
      %slice3A_126 = vector.extract_strided_slice %gather3A {offsets = [4], sizes = [1], strides = [1]} : vector<16xi32> to vector<1xi32>
      %squeeze3A_127 = vector.extract %slice3A_126[0] : i32 from vector<1xi32>
      %shift_right_arithmetic3A_128 = arith.constant 7 : i32
      %shift_right_arithmetic3A_129 = arith.shrsi %squeeze3A_127, %shift_right_arithmetic3A_128 : i32
      %eq3A_130 = arith.cmpi eq, %shift_right_arithmetic3A_129, %squeeze3A : i32
      %convert_element_type3A_131 = arith.extui %eq3A_130 : i1 to i32
      %cond3A_132 = arith.constant 0 : i32
      %cond3A_133 = arith.cmpi ne, %convert_element_type3A_131, %cond3A_132 : i32
      scf.if %cond3A_133 {
        %mul3A_158 = arith.constant 0 : i32
        %mul3A_159 = vector.broadcast %mul3A_158 : i32 to vector<16xi32>
        %mul3A_160 = arith.muli %iota3A, %mul3A_159 : vector<16xi32>
        %and3A_161 = arith.constant 127 : i32
        %and3A_162 = arith.andi %squeeze3A_127, %and3A_161 : i32
        %add3A_163 = vector.broadcast %and3A_162 : i32 to vector<16xi32>
        %add3A_164 = arith.addi %mul3A_160, %add3A_163 : vector<16xi32>
        %get3A_165 = arith.constant 4 : i32
        %get3A_166 = arith.index_cast %add3A_93 : i32 to index
        %get3A_167 = arith.index_cast %get3A_165 : i32 to index
        %get3A_168 = arith.constant 0 : index
        %get3A_169 = tpu.vector_load %arg8[%get3A_166, %get3A_167, %get3A_168] {strides = array<i32>} : memref<8x8x64xf32, #tpu.memory_space<vmem>>, vector<16xf32>,
        %mul3A_170 = arith.constant 0 : i32
        %mul3A_171 = vector.broadcast %mul3A_170 : i32 to vector<16xi32>
        %mul3A_172 = arith.muli %iota3A, %mul3A_171 : vector<16xi32>
        %add3A_173 = vector.broadcast %add3A_93 : i32 to vector<16xi32>
        %add3A_174 = arith.addi %mul3A_172, %add3A_173 : vector<16xi32>
        %add3A_175 = arith.constant 0 : i32
        %add3A_176 = vector.broadcast %add3A_175 : i32 to vector<16xi32>
        %add3A_177 = arith.addi %add3A_176, %iota3A : vector<16xi32>
        tpu.vector_store_idx %arg9[%add3A_174, %add3A_177, %add3A_164], %get3A_169 : memref<8x64x128xf32, #tpu.memory_space<vmem>>[vector<16xi32>, vector<16xi32>, vector<16xi32>], vector<16xf32>,
        %get3A_178 = arith.constant 4 : i32
        %get3A_179 = arith.index_cast %add3A_93 : i32 to index
        %get3A_180 = arith.index_cast %get3A_178 : i32 to index
        %get3A_181 = arith.constant 16 : index
        %get3A_182 = tpu.vector_load %arg8[%get3A_179, %get3A_180, %get3A_181] {strides = array<i32>} : memref<8x8x64xf32, #tpu.memory_space<vmem>>, vector<16xf32>,
        %mul3A_183 = arith.constant 0 : i32
        %mul3A_184 = vector.broadcast %mul3A_183 : i32 to vector<16xi32>
        %mul3A_185 = arith.muli %iota3A, %mul3A_184 : vector<16xi32>
        %add3A_186 = vector.broadcast %add3A_93 : i32 to vector<16xi32>
        %add3A_187 = arith.addi %mul3A_185, %add3A_186 : vector<16xi32>
        %add3A_188 = arith.constant 16 : i32
        %add3A_189 = vector.broadcast %add3A_188 : i32 to vector<16xi32>
        %add3A_190 = arith.addi %add3A_189, %iota3A : vector<16xi32>
        tpu.vector_store_idx %arg9[%add3A_187, %add3A_190, %add3A_164], %get3A_182 : memref<8x64x128xf32, #tpu.memory_space<vmem>>[vector<16xi32>, vector<16xi32>, vector<16xi32>], vector<16xf32>,
        %get3A_191 = arith.constant 4 : i32
        %get3A_192 = arith.index_cast %add3A_93 : i32 to index
        %get3A_193 = arith.index_cast %get3A_191 : i32 to index
        %get3A_194 = arith.constant 32 : index
        %get3A_195 = tpu.vector_load %arg8[%get3A_192, %get3A_193, %get3A_194] {strides = array<i32>} : memref<8x8x64xf32, #tpu.memory_space<vmem>>, vector<16xf32>,
        %mul3A_196 = arith.constant 0 : i32
        %mul3A_197 = vector.broadcast %mul3A_196 : i32 to vector<16xi32>
        %mul3A_198 = arith.muli %iota3A, %mul3A_197 : vector<16xi32>
        %add3A_199 = vector.broadcast %add3A_93 : i32 to vector<16xi32>
        %add3A_200 = arith.addi %mul3A_198, %add3A_199 : vector<16xi32>
        %add3A_201 = arith.constant 32 : i32
        %add3A_202 = vector.broadcast %add3A_201 : i32 to vector<16xi32>
        %add3A_203 = arith.addi %add3A_202, %iota3A : vector<16xi32>
        tpu.vector_store_idx %arg9[%add3A_200, %add3A_203, %add3A_164], %get3A_195 : memref<8x64x128xf32, #tpu.memory_space<vmem>>[vector<16xi32>, vector<16xi32>, vector<16xi32>], vector<16xf32>,
        %get3A_204 = arith.constant 4 : i32
        %get3A_205 = arith.index_cast %add3A_93 : i32 to index
        %get3A_206 = arith.index_cast %get3A_204 : i32 to index
        %get3A_207 = arith.constant 48 : index
        %get3A_208 = tpu.vector_load %arg8[%get3A_205, %get3A_206, %get3A_207] {strides = array<i32>} : memref<8x8x64xf32, #tpu.memory_space<vmem>>, vector<16xf32>,
        %mul3A_209 = arith.constant 0 : i32
        %mul3A_210 = vector.broadcast %mul3A_209 : i32 to vector<16xi32>
        %mul3A_211 = arith.muli %iota3A, %mul3A_210 : vector<16xi32>
        %add3A_212 = vector.broadcast %add3A_93 : i32 to vector<16xi32>
        %add3A_213 = arith.addi %mul3A_211, %add3A_212 : vector<16xi32>
        %add3A_214 = arith.constant 48 : i32
        %add3A_215 = vector.broadcast %add3A_214 : i32 to vector<16xi32>
        %add3A_216 = arith.addi %add3A_215, %iota3A : vector<16xi32>
        tpu.vector_store_idx %arg9[%add3A_213, %add3A_216, %add3A_164], %get3A_208 : memref<8x64x128xf32, #tpu.memory_space<vmem>>[vector<16xi32>, vector<16xi32>, vector<16xi32>], vector<16xf32>,
      } else {
      }
      %slice3A_134 = vector.extract_strided_slice %gather3A {offsets = [5], sizes = [1], strides = [1]} : vector<16xi32> to vector<1xi32>
      %squeeze3A_135 = vector.extract %slice3A_134[0] : i32 from vector<1xi32>
      %shift_right_arithmetic3A_136 = arith.constant 7 : i32
      %shift_right_arithmetic3A_137 = arith.shrsi %squeeze3A_135, %shift_right_arithmetic3A_136 : i32
      %eq3A_138 = arith.cmpi eq, %shift_right_arithmetic3A_137, %squeeze3A : i32
      %convert_element_type3A_139 = arith.extui %eq3A_138 : i1 to i32
      %cond3A_140 = arith.constant 0 : i32
      %cond3A_141 = arith.cmpi ne, %convert_element_type3A_139, %cond3A_140 : i32
      scf.if %cond3A_141 {
        %mul3A_158 = arith.constant 0 : i32
        %mul3A_159 = vector.broadcast %mul3A_158 : i32 to vector<16xi32>
        %mul3A_160 = arith.muli %iota3A, %mul3A_159 : vector<16xi32>
        %and3A_161 = arith.constant 127 : i32
        %and3A_162 = arith.andi %squeeze3A_135, %and3A_161 : i32
        %add3A_163 = vector.broadcast %and3A_162 : i32 to vector<16xi32>
        %add3A_164 = arith.addi %mul3A_160, %add3A_163 : vector<16xi32>
        %get3A_165 = arith.constant 5 : i32
        %get3A_166 = arith.index_cast %add3A_93 : i32 to index
        %get3A_167 = arith.index_cast %get3A_165 : i32 to index
        %get3A_168 = arith.constant 0 : index
        %get3A_169 = tpu.vector_load %arg8[%get3A_166, %get3A_167, %get3A_168] {strides = array<i32>} : memref<8x8x64xf32, #tpu.memory_space<vmem>>, vector<16xf32>,
        %mul3A_170 = arith.constant 0 : i32
        %mul3A_171 = vector.broadcast %mul3A_170 : i32 to vector<16xi32>
        %mul3A_172 = arith.muli %iota3A, %mul3A_171 : vector<16xi32>
        %add3A_173 = vector.broadcast %add3A_93 : i32 to vector<16xi32>
        %add3A_174 = arith.addi %mul3A_172, %add3A_173 : vector<16xi32>
        %add3A_175 = arith.constant 0 : i32
        %add3A_176 = vector.broadcast %add3A_175 : i32 to vector<16xi32>
        %add3A_177 = arith.addi %add3A_176, %iota3A : vector<16xi32>
        tpu.vector_store_idx %arg9[%add3A_174, %add3A_177, %add3A_164], %get3A_169 : memref<8x64x128xf32, #tpu.memory_space<vmem>>[vector<16xi32>, vector<16xi32>, vector<16xi32>], vector<16xf32>,
        %get3A_178 = arith.constant 5 : i32
        %get3A_179 = arith.index_cast %add3A_93 : i32 to index
        %get3A_180 = arith.index_cast %get3A_178 : i32 to index
        %get3A_181 = arith.constant 16 : index
        %get3A_182 = tpu.vector_load %arg8[%get3A_179, %get3A_180, %get3A_181] {strides = array<i32>} : memref<8x8x64xf32, #tpu.memory_space<vmem>>, vector<16xf32>,
        %mul3A_183 = arith.constant 0 : i32
        %mul3A_184 = vector.broadcast %mul3A_183 : i32 to vector<16xi32>
        %mul3A_185 = arith.muli %iota3A, %mul3A_184 : vector<16xi32>
        %add3A_186 = vector.broadcast %add3A_93 : i32 to vector<16xi32>
        %add3A_187 = arith.addi %mul3A_185, %add3A_186 : vector<16xi32>
        %add3A_188 = arith.constant 16 : i32
        %add3A_189 = vector.broadcast %add3A_188 : i32 to vector<16xi32>
        %add3A_190 = arith.addi %add3A_189, %iota3A : vector<16xi32>
        tpu.vector_store_idx %arg9[%add3A_187, %add3A_190, %add3A_164], %get3A_182 : memref<8x64x128xf32, #tpu.memory_space<vmem>>[vector<16xi32>, vector<16xi32>, vector<16xi32>], vector<16xf32>,
        %get3A_191 = arith.constant 5 : i32
        %get3A_192 = arith.index_cast %add3A_93 : i32 to index
        %get3A_193 = arith.index_cast %get3A_191 : i32 to index
        %get3A_194 = arith.constant 32 : index
        %get3A_195 = tpu.vector_load %arg8[%get3A_192, %get3A_193, %get3A_194] {strides = array<i32>} : memref<8x8x64xf32, #tpu.memory_space<vmem>>, vector<16xf32>,
        %mul3A_196 = arith.constant 0 : i32
        %mul3A_197 = vector.broadcast %mul3A_196 : i32 to vector<16xi32>
        %mul3A_198 = arith.muli %iota3A, %mul3A_197 : vector<16xi32>
        %add3A_199 = vector.broadcast %add3A_93 : i32 to vector<16xi32>
        %add3A_200 = arith.addi %mul3A_198, %add3A_199 : vector<16xi32>
        %add3A_201 = arith.constant 32 : i32
        %add3A_202 = vector.broadcast %add3A_201 : i32 to vector<16xi32>
        %add3A_203 = arith.addi %add3A_202, %iota3A : vector<16xi32>
        tpu.vector_store_idx %arg9[%add3A_200, %add3A_203, %add3A_164], %get3A_195 : memref<8x64x128xf32, #tpu.memory_space<vmem>>[vector<16xi32>, vector<16xi32>, vector<16xi32>], vector<16xf32>,
        %get3A_204 = arith.constant 5 : i32
        %get3A_205 = arith.index_cast %add3A_93 : i32 to index
        %get3A_206 = arith.index_cast %get3A_204 : i32 to index
        %get3A_207 = arith.constant 48 : index
        %get3A_208 = tpu.vector_load %arg8[%get3A_205, %get3A_206, %get3A_207] {strides = array<i32>} : memref<8x8x64xf32, #tpu.memory_space<vmem>>, vector<16xf32>,
        %mul3A_209 = arith.constant 0 : i32
        %mul3A_210 = vector.broadcast %mul3A_209 : i32 to vector<16xi32>
        %mul3A_211 = arith.muli %iota3A, %mul3A_210 : vector<16xi32>
        %add3A_212 = vector.broadcast %add3A_93 : i32 to vector<16xi32>
        %add3A_213 = arith.addi %mul3A_211, %add3A_212 : vector<16xi32>
        %add3A_214 = arith.constant 48 : i32
        %add3A_215 = vector.broadcast %add3A_214 : i32 to vector<16xi32>
        %add3A_216 = arith.addi %add3A_215, %iota3A : vector<16xi32>
        tpu.vector_store_idx %arg9[%add3A_213, %add3A_216, %add3A_164], %get3A_208 : memref<8x64x128xf32, #tpu.memory_space<vmem>>[vector<16xi32>, vector<16xi32>, vector<16xi32>], vector<16xf32>,
      } else {
      }
      %slice3A_142 = vector.extract_strided_slice %gather3A {offsets = [6], sizes = [1], strides = [1]} : vector<16xi32> to vector<1xi32>
      %squeeze3A_143 = vector.extract %slice3A_142[0] : i32 from vector<1xi32>
      %shift_right_arithmetic3A_144 = arith.constant 7 : i32
      %shift_right_arithmetic3A_145 = arith.shrsi %squeeze3A_143, %shift_right_arithmetic3A_144 : i32
      %eq3A_146 = arith.cmpi eq, %shift_right_arithmetic3A_145, %squeeze3A : i32
      %convert_element_type3A_147 = arith.extui %eq3A_146 : i1 to i32
      %cond3A_148 = arith.constant 0 : i32
      %cond3A_149 = arith.cmpi ne, %convert_element_type3A_147, %cond3A_148 : i32
      scf.if %cond3A_149 {
        %mul3A_158 = arith.constant 0 : i32
        %mul3A_159 = vector.broadcast %mul3A_158 : i32 to vector<16xi32>
        %mul3A_160 = arith.muli %iota3A, %mul3A_159 : vector<16xi32>
        %and3A_161 = arith.constant 127 : i32
        %and3A_162 = arith.andi %squeeze3A_143, %and3A_161 : i32
        %add3A_163 = vector.broadcast %and3A_162 : i32 to vector<16xi32>
        %add3A_164 = arith.addi %mul3A_160, %add3A_163 : vector<16xi32>
        %get3A_165 = arith.constant 6 : i32
        %get3A_166 = arith.index_cast %add3A_93 : i32 to index
        %get3A_167 = arith.index_cast %get3A_165 : i32 to index
        %get3A_168 = arith.constant 0 : index
        %get3A_169 = tpu.vector_load %arg8[%get3A_166, %get3A_167, %get3A_168] {strides = array<i32>} : memref<8x8x64xf32, #tpu.memory_space<vmem>>, vector<16xf32>,
        %mul3A_170 = arith.constant 0 : i32
        %mul3A_171 = vector.broadcast %mul3A_170 : i32 to vector<16xi32>
        %mul3A_172 = arith.muli %iota3A, %mul3A_171 : vector<16xi32>
        %add3A_173 = vector.broadcast %add3A_93 : i32 to vector<16xi32>
        %add3A_174 = arith.addi %mul3A_172, %add3A_173 : vector<16xi32>
        %add3A_175 = arith.constant 0 : i32
        %add3A_176 = vector.broadcast %add3A_175 : i32 to vector<16xi32>
        %add3A_177 = arith.addi %add3A_176, %iota3A : vector<16xi32>
        tpu.vector_store_idx %arg9[%add3A_174, %add3A_177, %add3A_164], %get3A_169 : memref<8x64x128xf32, #tpu.memory_space<vmem>>[vector<16xi32>, vector<16xi32>, vector<16xi32>], vector<16xf32>,
        %get3A_178 = arith.constant 6 : i32
        %get3A_179 = arith.index_cast %add3A_93 : i32 to index
        %get3A_180 = arith.index_cast %get3A_178 : i32 to index
        %get3A_181 = arith.constant 16 : index
        %get3A_182 = tpu.vector_load %arg8[%get3A_179, %get3A_180, %get3A_181] {strides = array<i32>} : memref<8x8x64xf32, #tpu.memory_space<vmem>>, vector<16xf32>,
        %mul3A_183 = arith.constant 0 : i32
        %mul3A_184 = vector.broadcast %mul3A_183 : i32 to vector<16xi32>
        %mul3A_185 = arith.muli %iota3A, %mul3A_184 : vector<16xi32>
        %add3A_186 = vector.broadcast %add3A_93 : i32 to vector<16xi32>
        %add3A_187 = arith.addi %mul3A_185, %add3A_186 : vector<16xi32>
        %add3A_188 = arith.constant 16 : i32
        %add3A_189 = vector.broadcast %add3A_188 : i32 to vector<16xi32>
        %add3A_190 = arith.addi %add3A_189, %iota3A : vector<16xi32>
        tpu.vector_store_idx %arg9[%add3A_187, %add3A_190, %add3A_164], %get3A_182 : memref<8x64x128xf32, #tpu.memory_space<vmem>>[vector<16xi32>, vector<16xi32>, vector<16xi32>], vector<16xf32>,
        %get3A_191 = arith.constant 6 : i32
        %get3A_192 = arith.index_cast %add3A_93 : i32 to index
        %get3A_193 = arith.index_cast %get3A_191 : i32 to index
        %get3A_194 = arith.constant 32 : index
        %get3A_195 = tpu.vector_load %arg8[%get3A_192, %get3A_193, %get3A_194] {strides = array<i32>} : memref<8x8x64xf32, #tpu.memory_space<vmem>>, vector<16xf32>,
        %mul3A_196 = arith.constant 0 : i32
        %mul3A_197 = vector.broadcast %mul3A_196 : i32 to vector<16xi32>
        %mul3A_198 = arith.muli %iota3A, %mul3A_197 : vector<16xi32>
        %add3A_199 = vector.broadcast %add3A_93 : i32 to vector<16xi32>
        %add3A_200 = arith.addi %mul3A_198, %add3A_199 : vector<16xi32>
        %add3A_201 = arith.constant 32 : i32
        %add3A_202 = vector.broadcast %add3A_201 : i32 to vector<16xi32>
        %add3A_203 = arith.addi %add3A_202, %iota3A : vector<16xi32>
        tpu.vector_store_idx %arg9[%add3A_200, %add3A_203, %add3A_164], %get3A_195 : memref<8x64x128xf32, #tpu.memory_space<vmem>>[vector<16xi32>, vector<16xi32>, vector<16xi32>], vector<16xf32>,
        %get3A_204 = arith.constant 6 : i32
        %get3A_205 = arith.index_cast %add3A_93 : i32 to index
        %get3A_206 = arith.index_cast %get3A_204 : i32 to index
        %get3A_207 = arith.constant 48 : index
        %get3A_208 = tpu.vector_load %arg8[%get3A_205, %get3A_206, %get3A_207] {strides = array<i32>} : memref<8x8x64xf32, #tpu.memory_space<vmem>>, vector<16xf32>,
        %mul3A_209 = arith.constant 0 : i32
        %mul3A_210 = vector.broadcast %mul3A_209 : i32 to vector<16xi32>
        %mul3A_211 = arith.muli %iota3A, %mul3A_210 : vector<16xi32>
        %add3A_212 = vector.broadcast %add3A_93 : i32 to vector<16xi32>
        %add3A_213 = arith.addi %mul3A_211, %add3A_212 : vector<16xi32>
        %add3A_214 = arith.constant 48 : i32
        %add3A_215 = vector.broadcast %add3A_214 : i32 to vector<16xi32>
        %add3A_216 = arith.addi %add3A_215, %iota3A : vector<16xi32>
        tpu.vector_store_idx %arg9[%add3A_213, %add3A_216, %add3A_164], %get3A_208 : memref<8x64x128xf32, #tpu.memory_space<vmem>>[vector<16xi32>, vector<16xi32>, vector<16xi32>], vector<16xf32>,
      } else {
      }
      %slice3A_150 = vector.extract_strided_slice %gather3A {offsets = [7], sizes = [1], strides = [1]} : vector<16xi32> to vector<1xi32>
      %squeeze3A_151 = vector.extract %slice3A_150[0] : i32 from vector<1xi32>
      %shift_right_arithmetic3A_152 = arith.constant 7 : i32
      %shift_right_arithmetic3A_153 = arith.shrsi %squeeze3A_151, %shift_right_arithmetic3A_152 : i32
      %eq3A_154 = arith.cmpi eq, %shift_right_arithmetic3A_153, %squeeze3A : i32
      %convert_element_type3A_155 = arith.extui %eq3A_154 : i1 to i32
      %cond3A_156 = arith.constant 0 : i32
      %cond3A_157 = arith.cmpi ne, %convert_element_type3A_155, %cond3A_156 : i32
      scf.if %cond3A_157 {
        %mul3A_158 = arith.constant 0 : i32
        %mul3A_159 = vector.broadcast %mul3A_158 : i32 to vector<16xi32>
        %mul3A_160 = arith.muli %iota3A, %mul3A_159 : vector<16xi32>
        %and3A_161 = arith.constant 127 : i32
        %and3A_162 = arith.andi %squeeze3A_151, %and3A_161 : i32
        %add3A_163 = vector.broadcast %and3A_162 : i32 to vector<16xi32>
        %add3A_164 = arith.addi %mul3A_160, %add3A_163 : vector<16xi32>
        %get3A_165 = arith.constant 7 : i32
        %get3A_166 = arith.index_cast %add3A_93 : i32 to index
        %get3A_167 = arith.index_cast %get3A_165 : i32 to index
        %get3A_168 = arith.constant 0 : index
        %get3A_169 = tpu.vector_load %arg8[%get3A_166, %get3A_167, %get3A_168] {strides = array<i32>} : memref<8x8x64xf32, #tpu.memory_space<vmem>>, vector<16xf32>,
        %mul3A_170 = arith.constant 0 : i32
        %mul3A_171 = vector.broadcast %mul3A_170 : i32 to vector<16xi32>
        %mul3A_172 = arith.muli %iota3A, %mul3A_171 : vector<16xi32>
        %add3A_173 = vector.broadcast %add3A_93 : i32 to vector<16xi32>
        %add3A_174 = arith.addi %mul3A_172, %add3A_173 : vector<16xi32>
        %add3A_175 = arith.constant 0 : i32
        %add3A_176 = vector.broadcast %add3A_175 : i32 to vector<16xi32>
        %add3A_177 = arith.addi %add3A_176, %iota3A : vector<16xi32>
        tpu.vector_store_idx %arg9[%add3A_174, %add3A_177, %add3A_164], %get3A_169 : memref<8x64x128xf32, #tpu.memory_space<vmem>>[vector<16xi32>, vector<16xi32>, vector<16xi32>], vector<16xf32>,
        %get3A_178 = arith.constant 7 : i32
        %get3A_179 = arith.index_cast %add3A_93 : i32 to index
        %get3A_180 = arith.index_cast %get3A_178 : i32 to index
        %get3A_181 = arith.constant 16 : index
        %get3A_182 = tpu.vector_load %arg8[%get3A_179, %get3A_180, %get3A_181] {strides = array<i32>} : memref<8x8x64xf32, #tpu.memory_space<vmem>>, vector<16xf32>,
        %mul3A_183 = arith.constant 0 : i32
        %mul3A_184 = vector.broadcast %mul3A_183 : i32 to vector<16xi32>
        %mul3A_185 = arith.muli %iota3A, %mul3A_184 : vector<16xi32>
        %add3A_186 = vector.broadcast %add3A_93 : i32 to vector<16xi32>
        %add3A_187 = arith.addi %mul3A_185, %add3A_186 : vector<16xi32>
        %add3A_188 = arith.constant 16 : i32
        %add3A_189 = vector.broadcast %add3A_188 : i32 to vector<16xi32>
        %add3A_190 = arith.addi %add3A_189, %iota3A : vector<16xi32>
        tpu.vector_store_idx %arg9[%add3A_187, %add3A_190, %add3A_164], %get3A_182 : memref<8x64x128xf32, #tpu.memory_space<vmem>>[vector<16xi32>, vector<16xi32>, vector<16xi32>], vector<16xf32>,
        %get3A_191 = arith.constant 7 : i32
        %get3A_192 = arith.index_cast %add3A_93 : i32 to index
        %get3A_193 = arith.index_cast %get3A_191 : i32 to index
        %get3A_194 = arith.constant 32 : index
        %get3A_195 = tpu.vector_load %arg8[%get3A_192, %get3A_193, %get3A_194] {strides = array<i32>} : memref<8x8x64xf32, #tpu.memory_space<vmem>>, vector<16xf32>,
        %mul3A_196 = arith.constant 0 : i32
        %mul3A_197 = vector.broadcast %mul3A_196 : i32 to vector<16xi32>
        %mul3A_198 = arith.muli %iota3A, %mul3A_197 : vector<16xi32>
        %add3A_199 = vector.broadcast %add3A_93 : i32 to vector<16xi32>
        %add3A_200 = arith.addi %mul3A_198, %add3A_199 : vector<16xi32>
        %add3A_201 = arith.constant 32 : i32
        %add3A_202 = vector.broadcast %add3A_201 : i32 to vector<16xi32>
        %add3A_203 = arith.addi %add3A_202, %iota3A : vector<16xi32>
        tpu.vector_store_idx %arg9[%add3A_200, %add3A_203, %add3A_164], %get3A_195 : memref<8x64x128xf32, #tpu.memory_space<vmem>>[vector<16xi32>, vector<16xi32>, vector<16xi32>], vector<16xf32>,
        %get3A_204 = arith.constant 7 : i32
        %get3A_205 = arith.index_cast %add3A_93 : i32 to index
        %get3A_206 = arith.index_cast %get3A_204 : i32 to index
        %get3A_207 = arith.constant 48 : index
        %get3A_208 = tpu.vector_load %arg8[%get3A_205, %get3A_206, %get3A_207] {strides = array<i32>} : memref<8x8x64xf32, #tpu.memory_space<vmem>>, vector<16xf32>,
        %mul3A_209 = arith.constant 0 : i32
        %mul3A_210 = vector.broadcast %mul3A_209 : i32 to vector<16xi32>
        %mul3A_211 = arith.muli %iota3A, %mul3A_210 : vector<16xi32>
        %add3A_212 = vector.broadcast %add3A_93 : i32 to vector<16xi32>
        %add3A_213 = arith.addi %mul3A_211, %add3A_212 : vector<16xi32>
        %add3A_214 = arith.constant 48 : i32
        %add3A_215 = vector.broadcast %add3A_214 : i32 to vector<16xi32>
        %add3A_216 = arith.addi %add3A_215, %iota3A : vector<16xi32>
        tpu.vector_store_idx %arg9[%add3A_213, %add3A_216, %add3A_164], %get3A_208 : memref<8x64x128xf32, #tpu.memory_space<vmem>>[vector<16xi32>, vector<16xi32>, vector<16xi32>], vector<16xf32>,
      } else {
      }
    }
    %scan3A_85 = arith.constant 8 : i32
    %mul3A_86 = arith.constant 128 : i32
    %mul3A_87 = arith.muli %squeeze3A_70, %mul3A_86 : i32
    "tpu.region"() ({
      %run_scoped3A = tpu.sem_alloc : memref<!tpu.dma_semaphore, #tpu.memory_space<semaphore_mem>>
      %dma_start3A = arith.constant 0 : i32
      %dma_start3A_89 = tpu.memref_slice %arg5[%mul3A_32, %dma_start3A, %mul3A_87] : memref<16x64x32768xf32, #tpu.memory_space<hbm>> -> memref<8x64x128xf32, #tpu.memory_space<hbm>>
      %dma_start3A_90 = arith.constant 0 : i32
      %dma_start3A_91 = tpu.memref_slice %arg5[%mul3A_32, %dma_start3A_90, %mul3A_87] : memref<16x64x32768xf32, #tpu.memory_space<hbm>> -> memref<8x64x128xf32, #tpu.memory_space<hbm>>
      tpu.enqueue_dma source(%arg9 : memref<8x64x128xf32, #tpu.memory_space<vmem>>) target(%dma_start3A_91 : memref<8x64x128xf32, #tpu.memory_space<hbm>>) target_semaphore(%run_scoped3A : memref<!tpu.dma_semaphore, #tpu.memory_space<semaphore_mem>>)
      %dma_wait3A = arith.constant 0 : i32
      %dma_wait3A_92 = tpu.memref_slice %arg5[%mul3A_32, %dma_wait3A, %mul3A_87] : memref<16x64x32768xf32, #tpu.memory_space<hbm>> -> memref<8x64x128xf32, #tpu.memory_space<hbm>>
      %dma_wait3A_93 = arith.constant 0 : i32
      %dma_wait3A_94 = tpu.memref_slice %arg5[%mul3A_32, %dma_wait3A_93, %mul3A_87] : memref<16x64x32768xf32, #tpu.memory_space<hbm>> -> memref<8x64x128xf32, #tpu.memory_space<hbm>>
      tpu.wait_dma2 semaphore(%run_scoped3A : memref<!tpu.dma_semaphore, #tpu.memory_space<semaphore_mem>>) src(%arg9 : memref<8x64x128xf32, #tpu.memory_space<vmem>>) dst(%dma_wait3A_94 : memref<8x64x128xf32, #tpu.memory_space<hbm>>)
      tpu.yield
    }) : () -> ()
    %convert_element_type3A = arith.extui %ne3A_73 : i1 to i32
    %cond3A = arith.constant 0 : i32
    %cond3A_88 = arith.cmpi ne, %convert_element_type3A, %cond3A : i32
    scf.if %cond3A_88 {
      %scan3A_89 = arith.constant 0 : i32
      %scan3A_90 = arith.constant 8 : i32
      %scan3A_91 = arith.addi %scan3A_89, %scan3A_90 : i32
      %scan3A_92 = arith.constant 1 : i32
      scf.for %scan3A_101 = %scan3A_89 to %scan3A_91 step %scan3A_92  : i32 {
        %mul3A_102 = arith.constant 1 : i32
        %mul3A_103 = arith.muli %scan3A_101, %mul3A_102 : i32
        %add3A_104 = arith.constant 0 : i32
        %add3A_105 = arith.addi %add3A_104, %mul3A_103 : i32
        %slice3A_106 = vector.extract_strided_slice %gather3A {offsets = [0], sizes = [1], strides = [1]} : vector<16xi32> to vector<1xi32>
        %squeeze3A_107 = vector.extract %slice3A_106[0] : i32 from vector<1xi32>
        %shift_right_arithmetic3A_108 = arith.constant 7 : i32
        %shift_right_arithmetic3A_109 = arith.shrsi %squeeze3A_107, %shift_right_arithmetic3A_108 : i32
        %eq3A_110 = arith.cmpi eq, %shift_right_arithmetic3A_109, %squeeze3A : i32
        %convert_element_type3A_111 = arith.extui %eq3A_110 : i1 to i32
        %cond3A_112 = arith.constant 0 : i32
        %cond3A_113 = arith.cmpi ne, %convert_element_type3A_111, %cond3A_112 : i32
        scf.if %cond3A_113 {
          %mul3A_170 = arith.constant 0 : i32
          %mul3A_171 = vector.broadcast %mul3A_170 : i32 to vector<16xi32>
          %mul3A_172 = arith.muli %iota3A, %mul3A_171 : vector<16xi32>
          %and3A_173 = arith.constant 127 : i32
          %and3A_174 = arith.andi %squeeze3A_107, %and3A_173 : i32
          %add3A_175 = vector.broadcast %and3A_174 : i32 to vector<16xi32>
          %add3A_176 = arith.addi %mul3A_172, %add3A_175 : vector<16xi32>
          %mul3A_177 = arith.constant 0 : i32
          %mul3A_178 = vector.broadcast %mul3A_177 : i32 to vector<16xi32>
          %mul3A_179 = arith.muli %iota3A, %mul3A_178 : vector<16xi32>
          %add3A_180 = vector.broadcast %add3A_105 : i32 to vector<16xi32>
          %add3A_181 = arith.addi %mul3A_179, %add3A_180 : vector<16xi32>
          %add3A_182 = arith.constant 0 : i32
          %add3A_183 = vector.broadcast %add3A_182 : i32 to vector<16xi32>
          %add3A_184 = arith.addi %add3A_183, %iota3A : vector<16xi32>
          tpu.vector_store_idx %arg9[%add3A_181, %add3A_184, %add3A_176], %mul3A_81 : memref<8x64x128xf32, #tpu.memory_space<vmem>>[vector<16xi32>, vector<16xi32>, vector<16xi32>], vector<16xf32>,
          %mul3A_185 = arith.constant 0 : i32
          %mul3A_186 = vector.broadcast %mul3A_185 : i32 to vector<16xi32>
          %mul3A_187 = arith.muli %iota3A, %mul3A_186 : vector<16xi32>
          %add3A_188 = vector.broadcast %add3A_105 : i32 to vector<16xi32>
          %add3A_189 = arith.addi %mul3A_187, %add3A_188 : vector<16xi32>
          %add3A_190 = arith.constant 16 : i32
          %add3A_191 = vector.broadcast %add3A_190 : i32 to vector<16xi32>
          %add3A_192 = arith.addi %add3A_191, %iota3A : vector<16xi32>
          tpu.vector_store_idx %arg9[%add3A_189, %add3A_192, %add3A_176], %mul3A_81 : memref<8x64x128xf32, #tpu.memory_space<vmem>>[vector<16xi32>, vector<16xi32>, vector<16xi32>], vector<16xf32>,
          %mul3A_193 = arith.constant 0 : i32
          %mul3A_194 = vector.broadcast %mul3A_193 : i32 to vector<16xi32>
          %mul3A_195 = arith.muli %iota3A, %mul3A_194 : vector<16xi32>
          %add3A_196 = vector.broadcast %add3A_105 : i32 to vector<16xi32>
          %add3A_197 = arith.addi %mul3A_195, %add3A_196 : vector<16xi32>
          %add3A_198 = arith.constant 32 : i32
          %add3A_199 = vector.broadcast %add3A_198 : i32 to vector<16xi32>
          %add3A_200 = arith.addi %add3A_199, %iota3A : vector<16xi32>
          tpu.vector_store_idx %arg9[%add3A_197, %add3A_200, %add3A_176], %mul3A_81 : memref<8x64x128xf32, #tpu.memory_space<vmem>>[vector<16xi32>, vector<16xi32>, vector<16xi32>], vector<16xf32>,
          %mul3A_201 = arith.constant 0 : i32
          %mul3A_202 = vector.broadcast %mul3A_201 : i32 to vector<16xi32>
          %mul3A_203 = arith.muli %iota3A, %mul3A_202 : vector<16xi32>
          %add3A_204 = vector.broadcast %add3A_105 : i32 to vector<16xi32>
          %add3A_205 = arith.addi %mul3A_203, %add3A_204 : vector<16xi32>
          %add3A_206 = arith.constant 48 : i32
          %add3A_207 = vector.broadcast %add3A_206 : i32 to vector<16xi32>
          %add3A_208 = arith.addi %add3A_207, %iota3A : vector<16xi32>
          tpu.vector_store_idx %arg9[%add3A_205, %add3A_208, %add3A_176], %mul3A_81 : memref<8x64x128xf32, #tpu.memory_space<vmem>>[vector<16xi32>, vector<16xi32>, vector<16xi32>], vector<16xf32>,
        } else {
        }
        %slice3A_114 = vector.extract_strided_slice %gather3A {offsets = [1], sizes = [1], strides = [1]} : vector<16xi32> to vector<1xi32>
        %squeeze3A_115 = vector.extract %slice3A_114[0] : i32 from vector<1xi32>
        %shift_right_arithmetic3A_116 = arith.constant 7 : i32
        %shift_right_arithmetic3A_117 = arith.shrsi %squeeze3A_115, %shift_right_arithmetic3A_116 : i32
        %eq3A_118 = arith.cmpi eq, %shift_right_arithmetic3A_117, %squeeze3A : i32
        %convert_element_type3A_119 = arith.extui %eq3A_118 : i1 to i32
        %cond3A_120 = arith.constant 0 : i32
        %cond3A_121 = arith.cmpi ne, %convert_element_type3A_119, %cond3A_120 : i32
        scf.if %cond3A_121 {
          %mul3A_170 = arith.constant 0 : i32
          %mul3A_171 = vector.broadcast %mul3A_170 : i32 to vector<16xi32>
          %mul3A_172 = arith.muli %iota3A, %mul3A_171 : vector<16xi32>
          %and3A_173 = arith.constant 127 : i32
          %and3A_174 = arith.andi %squeeze3A_115, %and3A_173 : i32
          %add3A_175 = vector.broadcast %and3A_174 : i32 to vector<16xi32>
          %add3A_176 = arith.addi %mul3A_172, %add3A_175 : vector<16xi32>
          %mul3A_177 = arith.constant 0 : i32
          %mul3A_178 = vector.broadcast %mul3A_177 : i32 to vector<16xi32>
          %mul3A_179 = arith.muli %iota3A, %mul3A_178 : vector<16xi32>
          %add3A_180 = vector.broadcast %add3A_105 : i32 to vector<16xi32>
          %add3A_181 = arith.addi %mul3A_179, %add3A_180 : vector<16xi32>
          %add3A_182 = arith.constant 0 : i32
          %add3A_183 = vector.broadcast %add3A_182 : i32 to vector<16xi32>
          %add3A_184 = arith.addi %add3A_183, %iota3A : vector<16xi32>
          tpu.vector_store_idx %arg9[%add3A_181, %add3A_184, %add3A_176], %mul3A_81 : memref<8x64x128xf32, #tpu.memory_space<vmem>>[vector<16xi32>, vector<16xi32>, vector<16xi32>], vector<16xf32>,
          %mul3A_185 = arith.constant 0 : i32
          %mul3A_186 = vector.broadcast %mul3A_185 : i32 to vector<16xi32>
          %mul3A_187 = arith.muli %iota3A, %mul3A_186 : vector<16xi32>
          %add3A_188 = vector.broadcast %add3A_105 : i32 to vector<16xi32>
          %add3A_189 = arith.addi %mul3A_187, %add3A_188 : vector<16xi32>
          %add3A_190 = arith.constant 16 : i32
          %add3A_191 = vector.broadcast %add3A_190 : i32 to vector<16xi32>
          %add3A_192 = arith.addi %add3A_191, %iota3A : vector<16xi32>
          tpu.vector_store_idx %arg9[%add3A_189, %add3A_192, %add3A_176], %mul3A_81 : memref<8x64x128xf32, #tpu.memory_space<vmem>>[vector<16xi32>, vector<16xi32>, vector<16xi32>], vector<16xf32>,
          %mul3A_193 = arith.constant 0 : i32
          %mul3A_194 = vector.broadcast %mul3A_193 : i32 to vector<16xi32>
          %mul3A_195 = arith.muli %iota3A, %mul3A_194 : vector<16xi32>
          %add3A_196 = vector.broadcast %add3A_105 : i32 to vector<16xi32>
          %add3A_197 = arith.addi %mul3A_195, %add3A_196 : vector<16xi32>
          %add3A_198 = arith.constant 32 : i32
          %add3A_199 = vector.broadcast %add3A_198 : i32 to vector<16xi32>
          %add3A_200 = arith.addi %add3A_199, %iota3A : vector<16xi32>
          tpu.vector_store_idx %arg9[%add3A_197, %add3A_200, %add3A_176], %mul3A_81 : memref<8x64x128xf32, #tpu.memory_space<vmem>>[vector<16xi32>, vector<16xi32>, vector<16xi32>], vector<16xf32>,
          %mul3A_201 = arith.constant 0 : i32
          %mul3A_202 = vector.broadcast %mul3A_201 : i32 to vector<16xi32>
          %mul3A_203 = arith.muli %iota3A, %mul3A_202 : vector<16xi32>
          %add3A_204 = vector.broadcast %add3A_105 : i32 to vector<16xi32>
          %add3A_205 = arith.addi %mul3A_203, %add3A_204 : vector<16xi32>
          %add3A_206 = arith.constant 48 : i32
          %add3A_207 = vector.broadcast %add3A_206 : i32 to vector<16xi32>
          %add3A_208 = arith.addi %add3A_207, %iota3A : vector<16xi32>
          tpu.vector_store_idx %arg9[%add3A_205, %add3A_208, %add3A_176], %mul3A_81 : memref<8x64x128xf32, #tpu.memory_space<vmem>>[vector<16xi32>, vector<16xi32>, vector<16xi32>], vector<16xf32>,
        } else {
        }
        %slice3A_122 = vector.extract_strided_slice %gather3A {offsets = [2], sizes = [1], strides = [1]} : vector<16xi32> to vector<1xi32>
        %squeeze3A_123 = vector.extract %slice3A_122[0] : i32 from vector<1xi32>
        %shift_right_arithmetic3A_124 = arith.constant 7 : i32
        %shift_right_arithmetic3A_125 = arith.shrsi %squeeze3A_123, %shift_right_arithmetic3A_124 : i32
        %eq3A_126 = arith.cmpi eq, %shift_right_arithmetic3A_125, %squeeze3A : i32
        %convert_element_type3A_127 = arith.extui %eq3A_126 : i1 to i32
        %cond3A_128 = arith.constant 0 : i32
        %cond3A_129 = arith.cmpi ne, %convert_element_type3A_127, %cond3A_128 : i32
        scf.if %cond3A_129 {
          %mul3A_170 = arith.constant 0 : i32
          %mul3A_171 = vector.broadcast %mul3A_170 : i32 to vector<16xi32>
          %mul3A_172 = arith.muli %iota3A, %mul3A_171 : vector<16xi32>
          %and3A_173 = arith.constant 127 : i32
          %and3A_174 = arith.andi %squeeze3A_123, %and3A_173 : i32
          %add3A_175 = vector.broadcast %and3A_174 : i32 to vector<16xi32>
          %add3A_176 = arith.addi %mul3A_172, %add3A_175 : vector<16xi32>
          %mul3A_177 = arith.constant 0 : i32
          %mul3A_178 = vector.broadcast %mul3A_177 : i32 to vector<16xi32>
          %mul3A_179 = arith.muli %iota3A, %mul3A_178 : vector<16xi32>
          %add3A_180 = vector.broadcast %add3A_105 : i32 to vector<16xi32>
          %add3A_181 = arith.addi %mul3A_179, %add3A_180 : vector<16xi32>
          %add3A_182 = arith.constant 0 : i32
          %add3A_183 = vector.broadcast %add3A_182 : i32 to vector<16xi32>
          %add3A_184 = arith.addi %add3A_183, %iota3A : vector<16xi32>
          tpu.vector_store_idx %arg9[%add3A_181, %add3A_184, %add3A_176], %mul3A_81 : memref<8x64x128xf32, #tpu.memory_space<vmem>>[vector<16xi32>, vector<16xi32>, vector<16xi32>], vector<16xf32>,
          %mul3A_185 = arith.constant 0 : i32
          %mul3A_186 = vector.broadcast %mul3A_185 : i32 to vector<16xi32>
          %mul3A_187 = arith.muli %iota3A, %mul3A_186 : vector<16xi32>
          %add3A_188 = vector.broadcast %add3A_105 : i32 to vector<16xi32>
          %add3A_189 = arith.addi %mul3A_187, %add3A_188 : vector<16xi32>
          %add3A_190 = arith.constant 16 : i32
          %add3A_191 = vector.broadcast %add3A_190 : i32 to vector<16xi32>
          %add3A_192 = arith.addi %add3A_191, %iota3A : vector<16xi32>
          tpu.vector_store_idx %arg9[%add3A_189, %add3A_192, %add3A_176], %mul3A_81 : memref<8x64x128xf32, #tpu.memory_space<vmem>>[vector<16xi32>, vector<16xi32>, vector<16xi32>], vector<16xf32>,
          %mul3A_193 = arith.constant 0 : i32
          %mul3A_194 = vector.broadcast %mul3A_193 : i32 to vector<16xi32>
          %mul3A_195 = arith.muli %iota3A, %mul3A_194 : vector<16xi32>
          %add3A_196 = vector.broadcast %add3A_105 : i32 to vector<16xi32>
          %add3A_197 = arith.addi %mul3A_195, %add3A_196 : vector<16xi32>
          %add3A_198 = arith.constant 32 : i32
          %add3A_199 = vector.broadcast %add3A_198 : i32 to vector<16xi32>
          %add3A_200 = arith.addi %add3A_199, %iota3A : vector<16xi32>
          tpu.vector_store_idx %arg9[%add3A_197, %add3A_200, %add3A_176], %mul3A_81 : memref<8x64x128xf32, #tpu.memory_space<vmem>>[vector<16xi32>, vector<16xi32>, vector<16xi32>], vector<16xf32>,
          %mul3A_201 = arith.constant 0 : i32
          %mul3A_202 = vector.broadcast %mul3A_201 : i32 to vector<16xi32>
          %mul3A_203 = arith.muli %iota3A, %mul3A_202 : vector<16xi32>
          %add3A_204 = vector.broadcast %add3A_105 : i32 to vector<16xi32>
          %add3A_205 = arith.addi %mul3A_203, %add3A_204 : vector<16xi32>
          %add3A_206 = arith.constant 48 : i32
          %add3A_207 = vector.broadcast %add3A_206 : i32 to vector<16xi32>
          %add3A_208 = arith.addi %add3A_207, %iota3A : vector<16xi32>
          tpu.vector_store_idx %arg9[%add3A_205, %add3A_208, %add3A_176], %mul3A_81 : memref<8x64x128xf32, #tpu.memory_space<vmem>>[vector<16xi32>, vector<16xi32>, vector<16xi32>], vector<16xf32>,
        } else {
        }
        %slice3A_130 = vector.extract_strided_slice %gather3A {offsets = [3], sizes = [1], strides = [1]} : vector<16xi32> to vector<1xi32>
        %squeeze3A_131 = vector.extract %slice3A_130[0] : i32 from vector<1xi32>
        %shift_right_arithmetic3A_132 = arith.constant 7 : i32
        %shift_right_arithmetic3A_133 = arith.shrsi %squeeze3A_131, %shift_right_arithmetic3A_132 : i32
        %eq3A_134 = arith.cmpi eq, %shift_right_arithmetic3A_133, %squeeze3A : i32
        %convert_element_type3A_135 = arith.extui %eq3A_134 : i1 to i32
        %cond3A_136 = arith.constant 0 : i32
        %cond3A_137 = arith.cmpi ne, %convert_element_type3A_135, %cond3A_136 : i32
        scf.if %cond3A_137 {
          %mul3A_170 = arith.constant 0 : i32
          %mul3A_171 = vector.broadcast %mul3A_170 : i32 to vector<16xi32>
          %mul3A_172 = arith.muli %iota3A, %mul3A_171 : vector<16xi32>
          %and3A_173 = arith.constant 127 : i32
          %and3A_174 = arith.andi %squeeze3A_131, %and3A_173 : i32
          %add3A_175 = vector.broadcast %and3A_174 : i32 to vector<16xi32>
          %add3A_176 = arith.addi %mul3A_172, %add3A_175 : vector<16xi32>
          %mul3A_177 = arith.constant 0 : i32
          %mul3A_178 = vector.broadcast %mul3A_177 : i32 to vector<16xi32>
          %mul3A_179 = arith.muli %iota3A, %mul3A_178 : vector<16xi32>
          %add3A_180 = vector.broadcast %add3A_105 : i32 to vector<16xi32>
          %add3A_181 = arith.addi %mul3A_179, %add3A_180 : vector<16xi32>
          %add3A_182 = arith.constant 0 : i32
          %add3A_183 = vector.broadcast %add3A_182 : i32 to vector<16xi32>
          %add3A_184 = arith.addi %add3A_183, %iota3A : vector<16xi32>
          tpu.vector_store_idx %arg9[%add3A_181, %add3A_184, %add3A_176], %mul3A_81 : memref<8x64x128xf32, #tpu.memory_space<vmem>>[vector<16xi32>, vector<16xi32>, vector<16xi32>], vector<16xf32>,
          %mul3A_185 = arith.constant 0 : i32
          %mul3A_186 = vector.broadcast %mul3A_185 : i32 to vector<16xi32>
          %mul3A_187 = arith.muli %iota3A, %mul3A_186 : vector<16xi32>
          %add3A_188 = vector.broadcast %add3A_105 : i32 to vector<16xi32>
          %add3A_189 = arith.addi %mul3A_187, %add3A_188 : vector<16xi32>
          %add3A_190 = arith.constant 16 : i32
          %add3A_191 = vector.broadcast %add3A_190 : i32 to vector<16xi32>
          %add3A_192 = arith.addi %add3A_191, %iota3A : vector<16xi32>
          tpu.vector_store_idx %arg9[%add3A_189, %add3A_192, %add3A_176], %mul3A_81 : memref<8x64x128xf32, #tpu.memory_space<vmem>>[vector<16xi32>, vector<16xi32>, vector<16xi32>], vector<16xf32>,
          %mul3A_193 = arith.constant 0 : i32
          %mul3A_194 = vector.broadcast %mul3A_193 : i32 to vector<16xi32>
          %mul3A_195 = arith.muli %iota3A, %mul3A_194 : vector<16xi32>
          %add3A_196 = vector.broadcast %add3A_105 : i32 to vector<16xi32>
          %add3A_197 = arith.addi %mul3A_195, %add3A_196 : vector<16xi32>
          %add3A_198 = arith.constant 32 : i32
          %add3A_199 = vector.broadcast %add3A_198 : i32 to vector<16xi32>
          %add3A_200 = arith.addi %add3A_199, %iota3A : vector<16xi32>
          tpu.vector_store_idx %arg9[%add3A_197, %add3A_200, %add3A_176], %mul3A_81 : memref<8x64x128xf32, #tpu.memory_space<vmem>>[vector<16xi32>, vector<16xi32>, vector<16xi32>], vector<16xf32>,
          %mul3A_201 = arith.constant 0 : i32
          %mul3A_202 = vector.broadcast %mul3A_201 : i32 to vector<16xi32>
          %mul3A_203 = arith.muli %iota3A, %mul3A_202 : vector<16xi32>
          %add3A_204 = vector.broadcast %add3A_105 : i32 to vector<16xi32>
          %add3A_205 = arith.addi %mul3A_203, %add3A_204 : vector<16xi32>
          %add3A_206 = arith.constant 48 : i32
          %add3A_207 = vector.broadcast %add3A_206 : i32 to vector<16xi32>
          %add3A_208 = arith.addi %add3A_207, %iota3A : vector<16xi32>
          tpu.vector_store_idx %arg9[%add3A_205, %add3A_208, %add3A_176], %mul3A_81 : memref<8x64x128xf32, #tpu.memory_space<vmem>>[vector<16xi32>, vector<16xi32>, vector<16xi32>], vector<16xf32>,
        } else {
        }
        %slice3A_138 = vector.extract_strided_slice %gather3A {offsets = [4], sizes = [1], strides = [1]} : vector<16xi32> to vector<1xi32>
        %squeeze3A_139 = vector.extract %slice3A_138[0] : i32 from vector<1xi32>
        %shift_right_arithmetic3A_140 = arith.constant 7 : i32
        %shift_right_arithmetic3A_141 = arith.shrsi %squeeze3A_139, %shift_right_arithmetic3A_140 : i32
        %eq3A_142 = arith.cmpi eq, %shift_right_arithmetic3A_141, %squeeze3A : i32
        %convert_element_type3A_143 = arith.extui %eq3A_142 : i1 to i32
        %cond3A_144 = arith.constant 0 : i32
        %cond3A_145 = arith.cmpi ne, %convert_element_type3A_143, %cond3A_144 : i32
        scf.if %cond3A_145 {
          %mul3A_170 = arith.constant 0 : i32
          %mul3A_171 = vector.broadcast %mul3A_170 : i32 to vector<16xi32>
          %mul3A_172 = arith.muli %iota3A, %mul3A_171 : vector<16xi32>
          %and3A_173 = arith.constant 127 : i32
          %and3A_174 = arith.andi %squeeze3A_139, %and3A_173 : i32
          %add3A_175 = vector.broadcast %and3A_174 : i32 to vector<16xi32>
          %add3A_176 = arith.addi %mul3A_172, %add3A_175 : vector<16xi32>
          %mul3A_177 = arith.constant 0 : i32
          %mul3A_178 = vector.broadcast %mul3A_177 : i32 to vector<16xi32>
          %mul3A_179 = arith.muli %iota3A, %mul3A_178 : vector<16xi32>
          %add3A_180 = vector.broadcast %add3A_105 : i32 to vector<16xi32>
          %add3A_181 = arith.addi %mul3A_179, %add3A_180 : vector<16xi32>
          %add3A_182 = arith.constant 0 : i32
          %add3A_183 = vector.broadcast %add3A_182 : i32 to vector<16xi32>
          %add3A_184 = arith.addi %add3A_183, %iota3A : vector<16xi32>
          tpu.vector_store_idx %arg9[%add3A_181, %add3A_184, %add3A_176], %mul3A_81 : memref<8x64x128xf32, #tpu.memory_space<vmem>>[vector<16xi32>, vector<16xi32>, vector<16xi32>], vector<16xf32>,
          %mul3A_185 = arith.constant 0 : i32
          %mul3A_186 = vector.broadcast %mul3A_185 : i32 to vector<16xi32>
          %mul3A_187 = arith.muli %iota3A, %mul3A_186 : vector<16xi32>
          %add3A_188 = vector.broadcast %add3A_105 : i32 to vector<16xi32>
          %add3A_189 = arith.addi %mul3A_187, %add3A_188 : vector<16xi32>
          %add3A_190 = arith.constant 16 : i32
          %add3A_191 = vector.broadcast %add3A_190 : i32 to vector<16xi32>
          %add3A_192 = arith.addi %add3A_191, %iota3A : vector<16xi32>
          tpu.vector_store_idx %arg9[%add3A_189, %add3A_192, %add3A_176], %mul3A_81 : memref<8x64x128xf32, #tpu.memory_space<vmem>>[vector<16xi32>, vector<16xi32>, vector<16xi32>], vector<16xf32>,
          %mul3A_193 = arith.constant 0 : i32
          %mul3A_194 = vector.broadcast %mul3A_193 : i32 to vector<16xi32>
          %mul3A_195 = arith.muli %iota3A, %mul3A_194 : vector<16xi32>
          %add3A_196 = vector.broadcast %add3A_105 : i32 to vector<16xi32>
          %add3A_197 = arith.addi %mul3A_195, %add3A_196 : vector<16xi32>
          %add3A_198 = arith.constant 32 : i32
          %add3A_199 = vector.broadcast %add3A_198 : i32 to vector<16xi32>
          %add3A_200 = arith.addi %add3A_199, %iota3A : vector<16xi32>
          tpu.vector_store_idx %arg9[%add3A_197, %add3A_200, %add3A_176], %mul3A_81 : memref<8x64x128xf32, #tpu.memory_space<vmem>>[vector<16xi32>, vector<16xi32>, vector<16xi32>], vector<16xf32>,
          %mul3A_201 = arith.constant 0 : i32
          %mul3A_202 = vector.broadcast %mul3A_201 : i32 to vector<16xi32>
          %mul3A_203 = arith.muli %iota3A, %mul3A_202 : vector<16xi32>
          %add3A_204 = vector.broadcast %add3A_105 : i32 to vector<16xi32>
          %add3A_205 = arith.addi %mul3A_203, %add3A_204 : vector<16xi32>
          %add3A_206 = arith.constant 48 : i32
          %add3A_207 = vector.broadcast %add3A_206 : i32 to vector<16xi32>
          %add3A_208 = arith.addi %add3A_207, %iota3A : vector<16xi32>
          tpu.vector_store_idx %arg9[%add3A_205, %add3A_208, %add3A_176], %mul3A_81 : memref<8x64x128xf32, #tpu.memory_space<vmem>>[vector<16xi32>, vector<16xi32>, vector<16xi32>], vector<16xf32>,
        } else {
        }
        %slice3A_146 = vector.extract_strided_slice %gather3A {offsets = [5], sizes = [1], strides = [1]} : vector<16xi32> to vector<1xi32>
        %squeeze3A_147 = vector.extract %slice3A_146[0] : i32 from vector<1xi32>
        %shift_right_arithmetic3A_148 = arith.constant 7 : i32
        %shift_right_arithmetic3A_149 = arith.shrsi %squeeze3A_147, %shift_right_arithmetic3A_148 : i32
        %eq3A_150 = arith.cmpi eq, %shift_right_arithmetic3A_149, %squeeze3A : i32
        %convert_element_type3A_151 = arith.extui %eq3A_150 : i1 to i32
        %cond3A_152 = arith.constant 0 : i32
        %cond3A_153 = arith.cmpi ne, %convert_element_type3A_151, %cond3A_152 : i32
        scf.if %cond3A_153 {
          %mul3A_170 = arith.constant 0 : i32
          %mul3A_171 = vector.broadcast %mul3A_170 : i32 to vector<16xi32>
          %mul3A_172 = arith.muli %iota3A, %mul3A_171 : vector<16xi32>
          %and3A_173 = arith.constant 127 : i32
          %and3A_174 = arith.andi %squeeze3A_147, %and3A_173 : i32
          %add3A_175 = vector.broadcast %and3A_174 : i32 to vector<16xi32>
          %add3A_176 = arith.addi %mul3A_172, %add3A_175 : vector<16xi32>
          %mul3A_177 = arith.constant 0 : i32
          %mul3A_178 = vector.broadcast %mul3A_177 : i32 to vector<16xi32>
          %mul3A_179 = arith.muli %iota3A, %mul3A_178 : vector<16xi32>
          %add3A_180 = vector.broadcast %add3A_105 : i32 to vector<16xi32>
          %add3A_181 = arith.addi %mul3A_179, %add3A_180 : vector<16xi32>
          %add3A_182 = arith.constant 0 : i32
          %add3A_183 = vector.broadcast %add3A_182 : i32 to vector<16xi32>
          %add3A_184 = arith.addi %add3A_183, %iota3A : vector<16xi32>
          tpu.vector_store_idx %arg9[%add3A_181, %add3A_184, %add3A_176], %mul3A_81 : memref<8x64x128xf32, #tpu.memory_space<vmem>>[vector<16xi32>, vector<16xi32>, vector<16xi32>], vector<16xf32>,
          %mul3A_185 = arith.constant 0 : i32
          %mul3A_186 = vector.broadcast %mul3A_185 : i32 to vector<16xi32>
          %mul3A_187 = arith.muli %iota3A, %mul3A_186 : vector<16xi32>
          %add3A_188 = vector.broadcast %add3A_105 : i32 to vector<16xi32>
          %add3A_189 = arith.addi %mul3A_187, %add3A_188 : vector<16xi32>
          %add3A_190 = arith.constant 16 : i32
          %add3A_191 = vector.broadcast %add3A_190 : i32 to vector<16xi32>
          %add3A_192 = arith.addi %add3A_191, %iota3A : vector<16xi32>
          tpu.vector_store_idx %arg9[%add3A_189, %add3A_192, %add3A_176], %mul3A_81 : memref<8x64x128xf32, #tpu.memory_space<vmem>>[vector<16xi32>, vector<16xi32>, vector<16xi32>], vector<16xf32>,
          %mul3A_193 = arith.constant 0 : i32
          %mul3A_194 = vector.broadcast %mul3A_193 : i32 to vector<16xi32>
          %mul3A_195 = arith.muli %iota3A, %mul3A_194 : vector<16xi32>
          %add3A_196 = vector.broadcast %add3A_105 : i32 to vector<16xi32>
          %add3A_197 = arith.addi %mul3A_195, %add3A_196 : vector<16xi32>
          %add3A_198 = arith.constant 32 : i32
          %add3A_199 = vector.broadcast %add3A_198 : i32 to vector<16xi32>
          %add3A_200 = arith.addi %add3A_199, %iota3A : vector<16xi32>
          tpu.vector_store_idx %arg9[%add3A_197, %add3A_200, %add3A_176], %mul3A_81 : memref<8x64x128xf32, #tpu.memory_space<vmem>>[vector<16xi32>, vector<16xi32>, vector<16xi32>], vector<16xf32>,
          %mul3A_201 = arith.constant 0 : i32
          %mul3A_202 = vector.broadcast %mul3A_201 : i32 to vector<16xi32>
          %mul3A_203 = arith.muli %iota3A, %mul3A_202 : vector<16xi32>
          %add3A_204 = vector.broadcast %add3A_105 : i32 to vector<16xi32>
          %add3A_205 = arith.addi %mul3A_203, %add3A_204 : vector<16xi32>
          %add3A_206 = arith.constant 48 : i32
          %add3A_207 = vector.broadcast %add3A_206 : i32 to vector<16xi32>
          %add3A_208 = arith.addi %add3A_207, %iota3A : vector<16xi32>
          tpu.vector_store_idx %arg9[%add3A_205, %add3A_208, %add3A_176], %mul3A_81 : memref<8x64x128xf32, #tpu.memory_space<vmem>>[vector<16xi32>, vector<16xi32>, vector<16xi32>], vector<16xf32>,
        } else {
        }
        %slice3A_154 = vector.extract_strided_slice %gather3A {offsets = [6], sizes = [1], strides = [1]} : vector<16xi32> to vector<1xi32>
        %squeeze3A_155 = vector.extract %slice3A_154[0] : i32 from vector<1xi32>
        %shift_right_arithmetic3A_156 = arith.constant 7 : i32
        %shift_right_arithmetic3A_157 = arith.shrsi %squeeze3A_155, %shift_right_arithmetic3A_156 : i32
        %eq3A_158 = arith.cmpi eq, %shift_right_arithmetic3A_157, %squeeze3A : i32
        %convert_element_type3A_159 = arith.extui %eq3A_158 : i1 to i32
        %cond3A_160 = arith.constant 0 : i32
        %cond3A_161 = arith.cmpi ne, %convert_element_type3A_159, %cond3A_160 : i32
        scf.if %cond3A_161 {
          %mul3A_170 = arith.constant 0 : i32
          %mul3A_171 = vector.broadcast %mul3A_170 : i32 to vector<16xi32>
          %mul3A_172 = arith.muli %iota3A, %mul3A_171 : vector<16xi32>
          %and3A_173 = arith.constant 127 : i32
          %and3A_174 = arith.andi %squeeze3A_155, %and3A_173 : i32
          %add3A_175 = vector.broadcast %and3A_174 : i32 to vector<16xi32>
          %add3A_176 = arith.addi %mul3A_172, %add3A_175 : vector<16xi32>
          %mul3A_177 = arith.constant 0 : i32
          %mul3A_178 = vector.broadcast %mul3A_177 : i32 to vector<16xi32>
          %mul3A_179 = arith.muli %iota3A, %mul3A_178 : vector<16xi32>
          %add3A_180 = vector.broadcast %add3A_105 : i32 to vector<16xi32>
          %add3A_181 = arith.addi %mul3A_179, %add3A_180 : vector<16xi32>
          %add3A_182 = arith.constant 0 : i32
          %add3A_183 = vector.broadcast %add3A_182 : i32 to vector<16xi32>
          %add3A_184 = arith.addi %add3A_183, %iota3A : vector<16xi32>
          tpu.vector_store_idx %arg9[%add3A_181, %add3A_184, %add3A_176], %mul3A_81 : memref<8x64x128xf32, #tpu.memory_space<vmem>>[vector<16xi32>, vector<16xi32>, vector<16xi32>], vector<16xf32>,
          %mul3A_185 = arith.constant 0 : i32
          %mul3A_186 = vector.broadcast %mul3A_185 : i32 to vector<16xi32>
          %mul3A_187 = arith.muli %iota3A, %mul3A_186 : vector<16xi32>
          %add3A_188 = vector.broadcast %add3A_105 : i32 to vector<16xi32>
          %add3A_189 = arith.addi %mul3A_187, %add3A_188 : vector<16xi32>
          %add3A_190 = arith.constant 16 : i32
          %add3A_191 = vector.broadcast %add3A_190 : i32 to vector<16xi32>
          %add3A_192 = arith.addi %add3A_191, %iota3A : vector<16xi32>
          tpu.vector_store_idx %arg9[%add3A_189, %add3A_192, %add3A_176], %mul3A_81 : memref<8x64x128xf32, #tpu.memory_space<vmem>>[vector<16xi32>, vector<16xi32>, vector<16xi32>], vector<16xf32>,
          %mul3A_193 = arith.constant 0 : i32
          %mul3A_194 = vector.broadcast %mul3A_193 : i32 to vector<16xi32>
          %mul3A_195 = arith.muli %iota3A, %mul3A_194 : vector<16xi32>
          %add3A_196 = vector.broadcast %add3A_105 : i32 to vector<16xi32>
          %add3A_197 = arith.addi %mul3A_195, %add3A_196 : vector<16xi32>
          %add3A_198 = arith.constant 32 : i32
          %add3A_199 = vector.broadcast %add3A_198 : i32 to vector<16xi32>
          %add3A_200 = arith.addi %add3A_199, %iota3A : vector<16xi32>
          tpu.vector_store_idx %arg9[%add3A_197, %add3A_200, %add3A_176], %mul3A_81 : memref<8x64x128xf32, #tpu.memory_space<vmem>>[vector<16xi32>, vector<16xi32>, vector<16xi32>], vector<16xf32>,
          %mul3A_201 = arith.constant 0 : i32
          %mul3A_202 = vector.broadcast %mul3A_201 : i32 to vector<16xi32>
          %mul3A_203 = arith.muli %iota3A, %mul3A_202 : vector<16xi32>
          %add3A_204 = vector.broadcast %add3A_105 : i32 to vector<16xi32>
          %add3A_205 = arith.addi %mul3A_203, %add3A_204 : vector<16xi32>
          %add3A_206 = arith.constant 48 : i32
          %add3A_207 = vector.broadcast %add3A_206 : i32 to vector<16xi32>
          %add3A_208 = arith.addi %add3A_207, %iota3A : vector<16xi32>
          tpu.vector_store_idx %arg9[%add3A_205, %add3A_208, %add3A_176], %mul3A_81 : memref<8x64x128xf32, #tpu.memory_space<vmem>>[vector<16xi32>, vector<16xi32>, vector<16xi32>], vector<16xf32>,
        } else {
        }
        %slice3A_162 = vector.extract_strided_slice %gather3A {offsets = [7], sizes = [1], strides = [1]} : vector<16xi32> to vector<1xi32>
        %squeeze3A_163 = vector.extract %slice3A_162[0] : i32 from vector<1xi32>
        %shift_right_arithmetic3A_164 = arith.constant 7 : i32
        %shift_right_arithmetic3A_165 = arith.shrsi %squeeze3A_163, %shift_right_arithmetic3A_164 : i32
        %eq3A_166 = arith.cmpi eq, %shift_right_arithmetic3A_165, %squeeze3A : i32
        %convert_element_type3A_167 = arith.extui %eq3A_166 : i1 to i32
        %cond3A_168 = arith.constant 0 : i32
        %cond3A_169 = arith.cmpi ne, %convert_element_type3A_167, %cond3A_168 : i32
        scf.if %cond3A_169 {
          %mul3A_170 = arith.constant 0 : i32
          %mul3A_171 = vector.broadcast %mul3A_170 : i32 to vector<16xi32>
          %mul3A_172 = arith.muli %iota3A, %mul3A_171 : vector<16xi32>
          %and3A_173 = arith.constant 127 : i32
          %and3A_174 = arith.andi %squeeze3A_163, %and3A_173 : i32
          %add3A_175 = vector.broadcast %and3A_174 : i32 to vector<16xi32>
          %add3A_176 = arith.addi %mul3A_172, %add3A_175 : vector<16xi32>
          %mul3A_177 = arith.constant 0 : i32
          %mul3A_178 = vector.broadcast %mul3A_177 : i32 to vector<16xi32>
          %mul3A_179 = arith.muli %iota3A, %mul3A_178 : vector<16xi32>
          %add3A_180 = vector.broadcast %add3A_105 : i32 to vector<16xi32>
          %add3A_181 = arith.addi %mul3A_179, %add3A_180 : vector<16xi32>
          %add3A_182 = arith.constant 0 : i32
          %add3A_183 = vector.broadcast %add3A_182 : i32 to vector<16xi32>
          %add3A_184 = arith.addi %add3A_183, %iota3A : vector<16xi32>
          tpu.vector_store_idx %arg9[%add3A_181, %add3A_184, %add3A_176], %mul3A_81 : memref<8x64x128xf32, #tpu.memory_space<vmem>>[vector<16xi32>, vector<16xi32>, vector<16xi32>], vector<16xf32>,
          %mul3A_185 = arith.constant 0 : i32
          %mul3A_186 = vector.broadcast %mul3A_185 : i32 to vector<16xi32>
          %mul3A_187 = arith.muli %iota3A, %mul3A_186 : vector<16xi32>
          %add3A_188 = vector.broadcast %add3A_105 : i32 to vector<16xi32>
          %add3A_189 = arith.addi %mul3A_187, %add3A_188 : vector<16xi32>
          %add3A_190 = arith.constant 16 : i32
          %add3A_191 = vector.broadcast %add3A_190 : i32 to vector<16xi32>
          %add3A_192 = arith.addi %add3A_191, %iota3A : vector<16xi32>
          tpu.vector_store_idx %arg9[%add3A_189, %add3A_192, %add3A_176], %mul3A_81 : memref<8x64x128xf32, #tpu.memory_space<vmem>>[vector<16xi32>, vector<16xi32>, vector<16xi32>], vector<16xf32>,
          %mul3A_193 = arith.constant 0 : i32
          %mul3A_194 = vector.broadcast %mul3A_193 : i32 to vector<16xi32>
          %mul3A_195 = arith.muli %iota3A, %mul3A_194 : vector<16xi32>
          %add3A_196 = vector.broadcast %add3A_105 : i32 to vector<16xi32>
          %add3A_197 = arith.addi %mul3A_195, %add3A_196 : vector<16xi32>
          %add3A_198 = arith.constant 32 : i32
          %add3A_199 = vector.broadcast %add3A_198 : i32 to vector<16xi32>
          %add3A_200 = arith.addi %add3A_199, %iota3A : vector<16xi32>
          tpu.vector_store_idx %arg9[%add3A_197, %add3A_200, %add3A_176], %mul3A_81 : memref<8x64x128xf32, #tpu.memory_space<vmem>>[vector<16xi32>, vector<16xi32>, vector<16xi32>], vector<16xf32>,
          %mul3A_201 = arith.constant 0 : i32
          %mul3A_202 = vector.broadcast %mul3A_201 : i32 to vector<16xi32>
          %mul3A_203 = arith.muli %iota3A, %mul3A_202 : vector<16xi32>
          %add3A_204 = vector.broadcast %add3A_105 : i32 to vector<16xi32>
          %add3A_205 = arith.addi %mul3A_203, %add3A_204 : vector<16xi32>
          %add3A_206 = arith.constant 48 : i32
          %add3A_207 = vector.broadcast %add3A_206 : i32 to vector<16xi32>
          %add3A_208 = arith.addi %add3A_207, %iota3A : vector<16xi32>
          tpu.vector_store_idx %arg9[%add3A_205, %add3A_208, %add3A_176], %mul3A_81 : memref<8x64x128xf32, #tpu.memory_space<vmem>>[vector<16xi32>, vector<16xi32>, vector<16xi32>], vector<16xf32>,
        } else {
        }
      }
      %scan3A_93 = arith.constant 8 : i32
      %scan3A_94 = arith.constant 0 : i32
      %scan3A_95 = arith.constant 8 : i32
      %scan3A_96 = arith.addi %scan3A_94, %scan3A_95 : i32
      %scan3A_97 = arith.constant 1 : i32
      scf.for %scan3A_101 = %scan3A_94 to %scan3A_96 step %scan3A_97  : i32 {
        %mul3A_102 = arith.constant 1 : i32
        %mul3A_103 = arith.muli %scan3A_101, %mul3A_102 : i32
        %add3A_104 = arith.constant 0 : i32
        %add3A_105 = arith.addi %add3A_104, %mul3A_103 : i32
        %slice3A_106 = vector.extract_strided_slice %gather3A {offsets = [0], sizes = [1], strides = [1]} : vector<16xi32> to vector<1xi32>
        %squeeze3A_107 = vector.extract %slice3A_106[0] : i32 from vector<1xi32>
        %shift_right_arithmetic3A_108 = arith.constant 7 : i32
        %shift_right_arithmetic3A_109 = arith.shrsi %squeeze3A_107, %shift_right_arithmetic3A_108 : i32
        %eq3A_110 = arith.cmpi eq, %shift_right_arithmetic3A_109, %squeeze3A_68 : i32
        %convert_element_type3A_111 = arith.extui %eq3A_110 : i1 to i32
        %cond3A_112 = arith.constant 0 : i32
        %cond3A_113 = arith.cmpi ne, %convert_element_type3A_111, %cond3A_112 : i32
        scf.if %cond3A_113 {
          %mul3A_170 = arith.constant 0 : i32
          %mul3A_171 = vector.broadcast %mul3A_170 : i32 to vector<16xi32>
          %mul3A_172 = arith.muli %iota3A, %mul3A_171 : vector<16xi32>
          %and3A_173 = arith.constant 127 : i32
          %and3A_174 = arith.andi %squeeze3A_107, %and3A_173 : i32
          %add3A_175 = vector.broadcast %and3A_174 : i32 to vector<16xi32>
          %add3A_176 = arith.addi %mul3A_172, %add3A_175 : vector<16xi32>
          %get3A_177 = arith.constant 0 : i32
          %get3A_178 = arith.index_cast %add3A_105 : i32 to index
          %get3A_179 = arith.index_cast %get3A_177 : i32 to index
          %get3A_180 = arith.constant 0 : index
          %get3A_181 = tpu.vector_load %arg8[%get3A_178, %get3A_179, %get3A_180] {strides = array<i32>} : memref<8x8x64xf32, #tpu.memory_space<vmem>>, vector<16xf32>,
          %mul3A_182 = arith.constant 0 : i32
          %mul3A_183 = vector.broadcast %mul3A_182 : i32 to vector<16xi32>
          %mul3A_184 = arith.muli %iota3A, %mul3A_183 : vector<16xi32>
          %add3A_185 = vector.broadcast %add3A_105 : i32 to vector<16xi32>
          %add3A_186 = arith.addi %mul3A_184, %add3A_185 : vector<16xi32>
          %add3A_187 = arith.constant 0 : i32
          %add3A_188 = vector.broadcast %add3A_187 : i32 to vector<16xi32>
          %add3A_189 = arith.addi %add3A_188, %iota3A : vector<16xi32>
          tpu.vector_store_idx %arg9[%add3A_186, %add3A_189, %add3A_176], %get3A_181 : memref<8x64x128xf32, #tpu.memory_space<vmem>>[vector<16xi32>, vector<16xi32>, vector<16xi32>], vector<16xf32>,
          %get3A_190 = arith.constant 0 : i32
          %get3A_191 = arith.index_cast %add3A_105 : i32 to index
          %get3A_192 = arith.index_cast %get3A_190 : i32 to index
          %get3A_193 = arith.constant 16 : index
          %get3A_194 = tpu.vector_load %arg8[%get3A_191, %get3A_192, %get3A_193] {strides = array<i32>} : memref<8x8x64xf32, #tpu.memory_space<vmem>>, vector<16xf32>,
          %mul3A_195 = arith.constant 0 : i32
          %mul3A_196 = vector.broadcast %mul3A_195 : i32 to vector<16xi32>
          %mul3A_197 = arith.muli %iota3A, %mul3A_196 : vector<16xi32>
          %add3A_198 = vector.broadcast %add3A_105 : i32 to vector<16xi32>
          %add3A_199 = arith.addi %mul3A_197, %add3A_198 : vector<16xi32>
          %add3A_200 = arith.constant 16 : i32
          %add3A_201 = vector.broadcast %add3A_200 : i32 to vector<16xi32>
          %add3A_202 = arith.addi %add3A_201, %iota3A : vector<16xi32>
          tpu.vector_store_idx %arg9[%add3A_199, %add3A_202, %add3A_176], %get3A_194 : memref<8x64x128xf32, #tpu.memory_space<vmem>>[vector<16xi32>, vector<16xi32>, vector<16xi32>], vector<16xf32>,
          %get3A_203 = arith.constant 0 : i32
          %get3A_204 = arith.index_cast %add3A_105 : i32 to index
          %get3A_205 = arith.index_cast %get3A_203 : i32 to index
          %get3A_206 = arith.constant 32 : index
          %get3A_207 = tpu.vector_load %arg8[%get3A_204, %get3A_205, %get3A_206] {strides = array<i32>} : memref<8x8x64xf32, #tpu.memory_space<vmem>>, vector<16xf32>,
          %mul3A_208 = arith.constant 0 : i32
          %mul3A_209 = vector.broadcast %mul3A_208 : i32 to vector<16xi32>
          %mul3A_210 = arith.muli %iota3A, %mul3A_209 : vector<16xi32>
          %add3A_211 = vector.broadcast %add3A_105 : i32 to vector<16xi32>
          %add3A_212 = arith.addi %mul3A_210, %add3A_211 : vector<16xi32>
          %add3A_213 = arith.constant 32 : i32
          %add3A_214 = vector.broadcast %add3A_213 : i32 to vector<16xi32>
          %add3A_215 = arith.addi %add3A_214, %iota3A : vector<16xi32>
          tpu.vector_store_idx %arg9[%add3A_212, %add3A_215, %add3A_176], %get3A_207 : memref<8x64x128xf32, #tpu.memory_space<vmem>>[vector<16xi32>, vector<16xi32>, vector<16xi32>], vector<16xf32>,
          %get3A_216 = arith.constant 0 : i32
          %get3A_217 = arith.index_cast %add3A_105 : i32 to index
          %get3A_218 = arith.index_cast %get3A_216 : i32 to index
          %get3A_219 = arith.constant 48 : index
          %get3A_220 = tpu.vector_load %arg8[%get3A_217, %get3A_218, %get3A_219] {strides = array<i32>} : memref<8x8x64xf32, #tpu.memory_space<vmem>>, vector<16xf32>,
          %mul3A_221 = arith.constant 0 : i32
          %mul3A_222 = vector.broadcast %mul3A_221 : i32 to vector<16xi32>
          %mul3A_223 = arith.muli %iota3A, %mul3A_222 : vector<16xi32>
          %add3A_224 = vector.broadcast %add3A_105 : i32 to vector<16xi32>
          %add3A_225 = arith.addi %mul3A_223, %add3A_224 : vector<16xi32>
          %add3A_226 = arith.constant 48 : i32
          %add3A_227 = vector.broadcast %add3A_226 : i32 to vector<16xi32>
          %add3A_228 = arith.addi %add3A_227, %iota3A : vector<16xi32>
          tpu.vector_store_idx %arg9[%add3A_225, %add3A_228, %add3A_176], %get3A_220 : memref<8x64x128xf32, #tpu.memory_space<vmem>>[vector<16xi32>, vector<16xi32>, vector<16xi32>], vector<16xf32>,
        } else {
        }
        %slice3A_114 = vector.extract_strided_slice %gather3A {offsets = [1], sizes = [1], strides = [1]} : vector<16xi32> to vector<1xi32>
        %squeeze3A_115 = vector.extract %slice3A_114[0] : i32 from vector<1xi32>
        %shift_right_arithmetic3A_116 = arith.constant 7 : i32
        %shift_right_arithmetic3A_117 = arith.shrsi %squeeze3A_115, %shift_right_arithmetic3A_116 : i32
        %eq3A_118 = arith.cmpi eq, %shift_right_arithmetic3A_117, %squeeze3A_68 : i32
        %convert_element_type3A_119 = arith.extui %eq3A_118 : i1 to i32
        %cond3A_120 = arith.constant 0 : i32
        %cond3A_121 = arith.cmpi ne, %convert_element_type3A_119, %cond3A_120 : i32
        scf.if %cond3A_121 {
          %mul3A_170 = arith.constant 0 : i32
          %mul3A_171 = vector.broadcast %mul3A_170 : i32 to vector<16xi32>
          %mul3A_172 = arith.muli %iota3A, %mul3A_171 : vector<16xi32>
          %and3A_173 = arith.constant 127 : i32
          %and3A_174 = arith.andi %squeeze3A_115, %and3A_173 : i32
          %add3A_175 = vector.broadcast %and3A_174 : i32 to vector<16xi32>
          %add3A_176 = arith.addi %mul3A_172, %add3A_175 : vector<16xi32>
          %get3A_177 = arith.constant 1 : i32
          %get3A_178 = arith.index_cast %add3A_105 : i32 to index
          %get3A_179 = arith.index_cast %get3A_177 : i32 to index
          %get3A_180 = arith.constant 0 : index
          %get3A_181 = tpu.vector_load %arg8[%get3A_178, %get3A_179, %get3A_180] {strides = array<i32>} : memref<8x8x64xf32, #tpu.memory_space<vmem>>, vector<16xf32>,
          %mul3A_182 = arith.constant 0 : i32
          %mul3A_183 = vector.broadcast %mul3A_182 : i32 to vector<16xi32>
          %mul3A_184 = arith.muli %iota3A, %mul3A_183 : vector<16xi32>
          %add3A_185 = vector.broadcast %add3A_105 : i32 to vector<16xi32>
          %add3A_186 = arith.addi %mul3A_184, %add3A_185 : vector<16xi32>
          %add3A_187 = arith.constant 0 : i32
          %add3A_188 = vector.broadcast %add3A_187 : i32 to vector<16xi32>
          %add3A_189 = arith.addi %add3A_188, %iota3A : vector<16xi32>
          tpu.vector_store_idx %arg9[%add3A_186, %add3A_189, %add3A_176], %get3A_181 : memref<8x64x128xf32, #tpu.memory_space<vmem>>[vector<16xi32>, vector<16xi32>, vector<16xi32>], vector<16xf32>,
          %get3A_190 = arith.constant 1 : i32
          %get3A_191 = arith.index_cast %add3A_105 : i32 to index
          %get3A_192 = arith.index_cast %get3A_190 : i32 to index
          %get3A_193 = arith.constant 16 : index
          %get3A_194 = tpu.vector_load %arg8[%get3A_191, %get3A_192, %get3A_193] {strides = array<i32>} : memref<8x8x64xf32, #tpu.memory_space<vmem>>, vector<16xf32>,
          %mul3A_195 = arith.constant 0 : i32
          %mul3A_196 = vector.broadcast %mul3A_195 : i32 to vector<16xi32>
          %mul3A_197 = arith.muli %iota3A, %mul3A_196 : vector<16xi32>
          %add3A_198 = vector.broadcast %add3A_105 : i32 to vector<16xi32>
          %add3A_199 = arith.addi %mul3A_197, %add3A_198 : vector<16xi32>
          %add3A_200 = arith.constant 16 : i32
          %add3A_201 = vector.broadcast %add3A_200 : i32 to vector<16xi32>
          %add3A_202 = arith.addi %add3A_201, %iota3A : vector<16xi32>
          tpu.vector_store_idx %arg9[%add3A_199, %add3A_202, %add3A_176], %get3A_194 : memref<8x64x128xf32, #tpu.memory_space<vmem>>[vector<16xi32>, vector<16xi32>, vector<16xi32>], vector<16xf32>,
          %get3A_203 = arith.constant 1 : i32
          %get3A_204 = arith.index_cast %add3A_105 : i32 to index
          %get3A_205 = arith.index_cast %get3A_203 : i32 to index
          %get3A_206 = arith.constant 32 : index
          %get3A_207 = tpu.vector_load %arg8[%get3A_204, %get3A_205, %get3A_206] {strides = array<i32>} : memref<8x8x64xf32, #tpu.memory_space<vmem>>, vector<16xf32>,
          %mul3A_208 = arith.constant 0 : i32
          %mul3A_209 = vector.broadcast %mul3A_208 : i32 to vector<16xi32>
          %mul3A_210 = arith.muli %iota3A, %mul3A_209 : vector<16xi32>
          %add3A_211 = vector.broadcast %add3A_105 : i32 to vector<16xi32>
          %add3A_212 = arith.addi %mul3A_210, %add3A_211 : vector<16xi32>
          %add3A_213 = arith.constant 32 : i32
          %add3A_214 = vector.broadcast %add3A_213 : i32 to vector<16xi32>
          %add3A_215 = arith.addi %add3A_214, %iota3A : vector<16xi32>
          tpu.vector_store_idx %arg9[%add3A_212, %add3A_215, %add3A_176], %get3A_207 : memref<8x64x128xf32, #tpu.memory_space<vmem>>[vector<16xi32>, vector<16xi32>, vector<16xi32>], vector<16xf32>,
          %get3A_216 = arith.constant 1 : i32
          %get3A_217 = arith.index_cast %add3A_105 : i32 to index
          %get3A_218 = arith.index_cast %get3A_216 : i32 to index
          %get3A_219 = arith.constant 48 : index
          %get3A_220 = tpu.vector_load %arg8[%get3A_217, %get3A_218, %get3A_219] {strides = array<i32>} : memref<8x8x64xf32, #tpu.memory_space<vmem>>, vector<16xf32>,
          %mul3A_221 = arith.constant 0 : i32
          %mul3A_222 = vector.broadcast %mul3A_221 : i32 to vector<16xi32>
          %mul3A_223 = arith.muli %iota3A, %mul3A_222 : vector<16xi32>
          %add3A_224 = vector.broadcast %add3A_105 : i32 to vector<16xi32>
          %add3A_225 = arith.addi %mul3A_223, %add3A_224 : vector<16xi32>
          %add3A_226 = arith.constant 48 : i32
          %add3A_227 = vector.broadcast %add3A_226 : i32 to vector<16xi32>
          %add3A_228 = arith.addi %add3A_227, %iota3A : vector<16xi32>
          tpu.vector_store_idx %arg9[%add3A_225, %add3A_228, %add3A_176], %get3A_220 : memref<8x64x128xf32, #tpu.memory_space<vmem>>[vector<16xi32>, vector<16xi32>, vector<16xi32>], vector<16xf32>,
        } else {
        }
        %slice3A_122 = vector.extract_strided_slice %gather3A {offsets = [2], sizes = [1], strides = [1]} : vector<16xi32> to vector<1xi32>
        %squeeze3A_123 = vector.extract %slice3A_122[0] : i32 from vector<1xi32>
        %shift_right_arithmetic3A_124 = arith.constant 7 : i32
        %shift_right_arithmetic3A_125 = arith.shrsi %squeeze3A_123, %shift_right_arithmetic3A_124 : i32
        %eq3A_126 = arith.cmpi eq, %shift_right_arithmetic3A_125, %squeeze3A_68 : i32
        %convert_element_type3A_127 = arith.extui %eq3A_126 : i1 to i32
        %cond3A_128 = arith.constant 0 : i32
        %cond3A_129 = arith.cmpi ne, %convert_element_type3A_127, %cond3A_128 : i32
        scf.if %cond3A_129 {
          %mul3A_170 = arith.constant 0 : i32
          %mul3A_171 = vector.broadcast %mul3A_170 : i32 to vector<16xi32>
          %mul3A_172 = arith.muli %iota3A, %mul3A_171 : vector<16xi32>
          %and3A_173 = arith.constant 127 : i32
          %and3A_174 = arith.andi %squeeze3A_123, %and3A_173 : i32
          %add3A_175 = vector.broadcast %and3A_174 : i32 to vector<16xi32>
          %add3A_176 = arith.addi %mul3A_172, %add3A_175 : vector<16xi32>
          %get3A_177 = arith.constant 2 : i32
          %get3A_178 = arith.index_cast %add3A_105 : i32 to index
          %get3A_179 = arith.index_cast %get3A_177 : i32 to index
          %get3A_180 = arith.constant 0 : index
          %get3A_181 = tpu.vector_load %arg8[%get3A_178, %get3A_179, %get3A_180] {strides = array<i32>} : memref<8x8x64xf32, #tpu.memory_space<vmem>>, vector<16xf32>,
          %mul3A_182 = arith.constant 0 : i32
          %mul3A_183 = vector.broadcast %mul3A_182 : i32 to vector<16xi32>
          %mul3A_184 = arith.muli %iota3A, %mul3A_183 : vector<16xi32>
          %add3A_185 = vector.broadcast %add3A_105 : i32 to vector<16xi32>
          %add3A_186 = arith.addi %mul3A_184, %add3A_185 : vector<16xi32>
          %add3A_187 = arith.constant 0 : i32
          %add3A_188 = vector.broadcast %add3A_187 : i32 to vector<16xi32>
          %add3A_189 = arith.addi %add3A_188, %iota3A : vector<16xi32>
          tpu.vector_store_idx %arg9[%add3A_186, %add3A_189, %add3A_176], %get3A_181 : memref<8x64x128xf32, #tpu.memory_space<vmem>>[vector<16xi32>, vector<16xi32>, vector<16xi32>], vector<16xf32>,
          %get3A_190 = arith.constant 2 : i32
          %get3A_191 = arith.index_cast %add3A_105 : i32 to index
          %get3A_192 = arith.index_cast %get3A_190 : i32 to index
          %get3A_193 = arith.constant 16 : index
          %get3A_194 = tpu.vector_load %arg8[%get3A_191, %get3A_192, %get3A_193] {strides = array<i32>} : memref<8x8x64xf32, #tpu.memory_space<vmem>>, vector<16xf32>,
          %mul3A_195 = arith.constant 0 : i32
          %mul3A_196 = vector.broadcast %mul3A_195 : i32 to vector<16xi32>
          %mul3A_197 = arith.muli %iota3A, %mul3A_196 : vector<16xi32>
          %add3A_198 = vector.broadcast %add3A_105 : i32 to vector<16xi32>
          %add3A_199 = arith.addi %mul3A_197, %add3A_198 : vector<16xi32>
          %add3A_200 = arith.constant 16 : i32
          %add3A_201 = vector.broadcast %add3A_200 : i32 to vector<16xi32>
          %add3A_202 = arith.addi %add3A_201, %iota3A : vector<16xi32>
          tpu.vector_store_idx %arg9[%add3A_199, %add3A_202, %add3A_176], %get3A_194 : memref<8x64x128xf32, #tpu.memory_space<vmem>>[vector<16xi32>, vector<16xi32>, vector<16xi32>], vector<16xf32>,
          %get3A_203 = arith.constant 2 : i32
          %get3A_204 = arith.index_cast %add3A_105 : i32 to index
          %get3A_205 = arith.index_cast %get3A_203 : i32 to index
          %get3A_206 = arith.constant 32 : index
          %get3A_207 = tpu.vector_load %arg8[%get3A_204, %get3A_205, %get3A_206] {strides = array<i32>} : memref<8x8x64xf32, #tpu.memory_space<vmem>>, vector<16xf32>,
          %mul3A_208 = arith.constant 0 : i32
          %mul3A_209 = vector.broadcast %mul3A_208 : i32 to vector<16xi32>
          %mul3A_210 = arith.muli %iota3A, %mul3A_209 : vector<16xi32>
          %add3A_211 = vector.broadcast %add3A_105 : i32 to vector<16xi32>
          %add3A_212 = arith.addi %mul3A_210, %add3A_211 : vector<16xi32>
          %add3A_213 = arith.constant 32 : i32
          %add3A_214 = vector.broadcast %add3A_213 : i32 to vector<16xi32>
          %add3A_215 = arith.addi %add3A_214, %iota3A : vector<16xi32>
          tpu.vector_store_idx %arg9[%add3A_212, %add3A_215, %add3A_176], %get3A_207 : memref<8x64x128xf32, #tpu.memory_space<vmem>>[vector<16xi32>, vector<16xi32>, vector<16xi32>], vector<16xf32>,
          %get3A_216 = arith.constant 2 : i32
          %get3A_217 = arith.index_cast %add3A_105 : i32 to index
          %get3A_218 = arith.index_cast %get3A_216 : i32 to index
          %get3A_219 = arith.constant 48 : index
          %get3A_220 = tpu.vector_load %arg8[%get3A_217, %get3A_218, %get3A_219] {strides = array<i32>} : memref<8x8x64xf32, #tpu.memory_space<vmem>>, vector<16xf32>,
          %mul3A_221 = arith.constant 0 : i32
          %mul3A_222 = vector.broadcast %mul3A_221 : i32 to vector<16xi32>
          %mul3A_223 = arith.muli %iota3A, %mul3A_222 : vector<16xi32>
          %add3A_224 = vector.broadcast %add3A_105 : i32 to vector<16xi32>
          %add3A_225 = arith.addi %mul3A_223, %add3A_224 : vector<16xi32>
          %add3A_226 = arith.constant 48 : i32
          %add3A_227 = vector.broadcast %add3A_226 : i32 to vector<16xi32>
          %add3A_228 = arith.addi %add3A_227, %iota3A : vector<16xi32>
          tpu.vector_store_idx %arg9[%add3A_225, %add3A_228, %add3A_176], %get3A_220 : memref<8x64x128xf32, #tpu.memory_space<vmem>>[vector<16xi32>, vector<16xi32>, vector<16xi32>], vector<16xf32>,
        } else {
        }
        %slice3A_130 = vector.extract_strided_slice %gather3A {offsets = [3], sizes = [1], strides = [1]} : vector<16xi32> to vector<1xi32>
        %squeeze3A_131 = vector.extract %slice3A_130[0] : i32 from vector<1xi32>
        %shift_right_arithmetic3A_132 = arith.constant 7 : i32
        %shift_right_arithmetic3A_133 = arith.shrsi %squeeze3A_131, %shift_right_arithmetic3A_132 : i32
        %eq3A_134 = arith.cmpi eq, %shift_right_arithmetic3A_133, %squeeze3A_68 : i32
        %convert_element_type3A_135 = arith.extui %eq3A_134 : i1 to i32
        %cond3A_136 = arith.constant 0 : i32
        %cond3A_137 = arith.cmpi ne, %convert_element_type3A_135, %cond3A_136 : i32
        scf.if %cond3A_137 {
          %mul3A_170 = arith.constant 0 : i32
          %mul3A_171 = vector.broadcast %mul3A_170 : i32 to vector<16xi32>
          %mul3A_172 = arith.muli %iota3A, %mul3A_171 : vector<16xi32>
          %and3A_173 = arith.constant 127 : i32
          %and3A_174 = arith.andi %squeeze3A_131, %and3A_173 : i32
          %add3A_175 = vector.broadcast %and3A_174 : i32 to vector<16xi32>
          %add3A_176 = arith.addi %mul3A_172, %add3A_175 : vector<16xi32>
          %get3A_177 = arith.constant 3 : i32
          %get3A_178 = arith.index_cast %add3A_105 : i32 to index
          %get3A_179 = arith.index_cast %get3A_177 : i32 to index
          %get3A_180 = arith.constant 0 : index
          %get3A_181 = tpu.vector_load %arg8[%get3A_178, %get3A_179, %get3A_180] {strides = array<i32>} : memref<8x8x64xf32, #tpu.memory_space<vmem>>, vector<16xf32>,
          %mul3A_182 = arith.constant 0 : i32
          %mul3A_183 = vector.broadcast %mul3A_182 : i32 to vector<16xi32>
          %mul3A_184 = arith.muli %iota3A, %mul3A_183 : vector<16xi32>
          %add3A_185 = vector.broadcast %add3A_105 : i32 to vector<16xi32>
          %add3A_186 = arith.addi %mul3A_184, %add3A_185 : vector<16xi32>
          %add3A_187 = arith.constant 0 : i32
          %add3A_188 = vector.broadcast %add3A_187 : i32 to vector<16xi32>
          %add3A_189 = arith.addi %add3A_188, %iota3A : vector<16xi32>
          tpu.vector_store_idx %arg9[%add3A_186, %add3A_189, %add3A_176], %get3A_181 : memref<8x64x128xf32, #tpu.memory_space<vmem>>[vector<16xi32>, vector<16xi32>, vector<16xi32>], vector<16xf32>,
          %get3A_190 = arith.constant 3 : i32
          %get3A_191 = arith.index_cast %add3A_105 : i32 to index
          %get3A_192 = arith.index_cast %get3A_190 : i32 to index
          %get3A_193 = arith.constant 16 : index
          %get3A_194 = tpu.vector_load %arg8[%get3A_191, %get3A_192, %get3A_193] {strides = array<i32>} : memref<8x8x64xf32, #tpu.memory_space<vmem>>, vector<16xf32>,
          %mul3A_195 = arith.constant 0 : i32
          %mul3A_196 = vector.broadcast %mul3A_195 : i32 to vector<16xi32>
          %mul3A_197 = arith.muli %iota3A, %mul3A_196 : vector<16xi32>
          %add3A_198 = vector.broadcast %add3A_105 : i32 to vector<16xi32>
          %add3A_199 = arith.addi %mul3A_197, %add3A_198 : vector<16xi32>
          %add3A_200 = arith.constant 16 : i32
          %add3A_201 = vector.broadcast %add3A_200 : i32 to vector<16xi32>
          %add3A_202 = arith.addi %add3A_201, %iota3A : vector<16xi32>
          tpu.vector_store_idx %arg9[%add3A_199, %add3A_202, %add3A_176], %get3A_194 : memref<8x64x128xf32, #tpu.memory_space<vmem>>[vector<16xi32>, vector<16xi32>, vector<16xi32>], vector<16xf32>,
          %get3A_203 = arith.constant 3 : i32
          %get3A_204 = arith.index_cast %add3A_105 : i32 to index
          %get3A_205 = arith.index_cast %get3A_203 : i32 to index
          %get3A_206 = arith.constant 32 : index
          %get3A_207 = tpu.vector_load %arg8[%get3A_204, %get3A_205, %get3A_206] {strides = array<i32>} : memref<8x8x64xf32, #tpu.memory_space<vmem>>, vector<16xf32>,
          %mul3A_208 = arith.constant 0 : i32
          %mul3A_209 = vector.broadcast %mul3A_208 : i32 to vector<16xi32>
          %mul3A_210 = arith.muli %iota3A, %mul3A_209 : vector<16xi32>
          %add3A_211 = vector.broadcast %add3A_105 : i32 to vector<16xi32>
          %add3A_212 = arith.addi %mul3A_210, %add3A_211 : vector<16xi32>
          %add3A_213 = arith.constant 32 : i32
          %add3A_214 = vector.broadcast %add3A_213 : i32 to vector<16xi32>
          %add3A_215 = arith.addi %add3A_214, %iota3A : vector<16xi32>
          tpu.vector_store_idx %arg9[%add3A_212, %add3A_215, %add3A_176], %get3A_207 : memref<8x64x128xf32, #tpu.memory_space<vmem>>[vector<16xi32>, vector<16xi32>, vector<16xi32>], vector<16xf32>,
          %get3A_216 = arith.constant 3 : i32
          %get3A_217 = arith.index_cast %add3A_105 : i32 to index
          %get3A_218 = arith.index_cast %get3A_216 : i32 to index
          %get3A_219 = arith.constant 48 : index
          %get3A_220 = tpu.vector_load %arg8[%get3A_217, %get3A_218, %get3A_219] {strides = array<i32>} : memref<8x8x64xf32, #tpu.memory_space<vmem>>, vector<16xf32>,
          %mul3A_221 = arith.constant 0 : i32
          %mul3A_222 = vector.broadcast %mul3A_221 : i32 to vector<16xi32>
          %mul3A_223 = arith.muli %iota3A, %mul3A_222 : vector<16xi32>
          %add3A_224 = vector.broadcast %add3A_105 : i32 to vector<16xi32>
          %add3A_225 = arith.addi %mul3A_223, %add3A_224 : vector<16xi32>
          %add3A_226 = arith.constant 48 : i32
          %add3A_227 = vector.broadcast %add3A_226 : i32 to vector<16xi32>
          %add3A_228 = arith.addi %add3A_227, %iota3A : vector<16xi32>
          tpu.vector_store_idx %arg9[%add3A_225, %add3A_228, %add3A_176], %get3A_220 : memref<8x64x128xf32, #tpu.memory_space<vmem>>[vector<16xi32>, vector<16xi32>, vector<16xi32>], vector<16xf32>,
        } else {
        }
        %slice3A_138 = vector.extract_strided_slice %gather3A {offsets = [4], sizes = [1], strides = [1]} : vector<16xi32> to vector<1xi32>
        %squeeze3A_139 = vector.extract %slice3A_138[0] : i32 from vector<1xi32>
        %shift_right_arithmetic3A_140 = arith.constant 7 : i32
        %shift_right_arithmetic3A_141 = arith.shrsi %squeeze3A_139, %shift_right_arithmetic3A_140 : i32
        %eq3A_142 = arith.cmpi eq, %shift_right_arithmetic3A_141, %squeeze3A_68 : i32
        %convert_element_type3A_143 = arith.extui %eq3A_142 : i1 to i32
        %cond3A_144 = arith.constant 0 : i32
        %cond3A_145 = arith.cmpi ne, %convert_element_type3A_143, %cond3A_144 : i32
        scf.if %cond3A_145 {
          %mul3A_170 = arith.constant 0 : i32
          %mul3A_171 = vector.broadcast %mul3A_170 : i32 to vector<16xi32>
          %mul3A_172 = arith.muli %iota3A, %mul3A_171 : vector<16xi32>
          %and3A_173 = arith.constant 127 : i32
          %and3A_174 = arith.andi %squeeze3A_139, %and3A_173 : i32
          %add3A_175 = vector.broadcast %and3A_174 : i32 to vector<16xi32>
          %add3A_176 = arith.addi %mul3A_172, %add3A_175 : vector<16xi32>
          %get3A_177 = arith.constant 4 : i32
          %get3A_178 = arith.index_cast %add3A_105 : i32 to index
          %get3A_179 = arith.index_cast %get3A_177 : i32 to index
          %get3A_180 = arith.constant 0 : index
          %get3A_181 = tpu.vector_load %arg8[%get3A_178, %get3A_179, %get3A_180] {strides = array<i32>} : memref<8x8x64xf32, #tpu.memory_space<vmem>>, vector<16xf32>,
          %mul3A_182 = arith.constant 0 : i32
          %mul3A_183 = vector.broadcast %mul3A_182 : i32 to vector<16xi32>
          %mul3A_184 = arith.muli %iota3A, %mul3A_183 : vector<16xi32>
          %add3A_185 = vector.broadcast %add3A_105 : i32 to vector<16xi32>
          %add3A_186 = arith.addi %mul3A_184, %add3A_185 : vector<16xi32>
          %add3A_187 = arith.constant 0 : i32
          %add3A_188 = vector.broadcast %add3A_187 : i32 to vector<16xi32>
          %add3A_189 = arith.addi %add3A_188, %iota3A : vector<16xi32>
          tpu.vector_store_idx %arg9[%add3A_186, %add3A_189, %add3A_176], %get3A_181 : memref<8x64x128xf32, #tpu.memory_space<vmem>>[vector<16xi32>, vector<16xi32>, vector<16xi32>], vector<16xf32>,
          %get3A_190 = arith.constant 4 : i32
          %get3A_191 = arith.index_cast %add3A_105 : i32 to index
          %get3A_192 = arith.index_cast %get3A_190 : i32 to index
          %get3A_193 = arith.constant 16 : index
          %get3A_194 = tpu.vector_load %arg8[%get3A_191, %get3A_192, %get3A_193] {strides = array<i32>} : memref<8x8x64xf32, #tpu.memory_space<vmem>>, vector<16xf32>,
          %mul3A_195 = arith.constant 0 : i32
          %mul3A_196 = vector.broadcast %mul3A_195 : i32 to vector<16xi32>
          %mul3A_197 = arith.muli %iota3A, %mul3A_196 : vector<16xi32>
          %add3A_198 = vector.broadcast %add3A_105 : i32 to vector<16xi32>
          %add3A_199 = arith.addi %mul3A_197, %add3A_198 : vector<16xi32>
          %add3A_200 = arith.constant 16 : i32
          %add3A_201 = vector.broadcast %add3A_200 : i32 to vector<16xi32>
          %add3A_202 = arith.addi %add3A_201, %iota3A : vector<16xi32>
          tpu.vector_store_idx %arg9[%add3A_199, %add3A_202, %add3A_176], %get3A_194 : memref<8x64x128xf32, #tpu.memory_space<vmem>>[vector<16xi32>, vector<16xi32>, vector<16xi32>], vector<16xf32>,
          %get3A_203 = arith.constant 4 : i32
          %get3A_204 = arith.index_cast %add3A_105 : i32 to index
          %get3A_205 = arith.index_cast %get3A_203 : i32 to index
          %get3A_206 = arith.constant 32 : index
          %get3A_207 = tpu.vector_load %arg8[%get3A_204, %get3A_205, %get3A_206] {strides = array<i32>} : memref<8x8x64xf32, #tpu.memory_space<vmem>>, vector<16xf32>,
          %mul3A_208 = arith.constant 0 : i32
          %mul3A_209 = vector.broadcast %mul3A_208 : i32 to vector<16xi32>
          %mul3A_210 = arith.muli %iota3A, %mul3A_209 : vector<16xi32>
          %add3A_211 = vector.broadcast %add3A_105 : i32 to vector<16xi32>
          %add3A_212 = arith.addi %mul3A_210, %add3A_211 : vector<16xi32>
          %add3A_213 = arith.constant 32 : i32
          %add3A_214 = vector.broadcast %add3A_213 : i32 to vector<16xi32>
          %add3A_215 = arith.addi %add3A_214, %iota3A : vector<16xi32>
          tpu.vector_store_idx %arg9[%add3A_212, %add3A_215, %add3A_176], %get3A_207 : memref<8x64x128xf32, #tpu.memory_space<vmem>>[vector<16xi32>, vector<16xi32>, vector<16xi32>], vector<16xf32>,
          %get3A_216 = arith.constant 4 : i32
          %get3A_217 = arith.index_cast %add3A_105 : i32 to index
          %get3A_218 = arith.index_cast %get3A_216 : i32 to index
          %get3A_219 = arith.constant 48 : index
          %get3A_220 = tpu.vector_load %arg8[%get3A_217, %get3A_218, %get3A_219] {strides = array<i32>} : memref<8x8x64xf32, #tpu.memory_space<vmem>>, vector<16xf32>,
          %mul3A_221 = arith.constant 0 : i32
          %mul3A_222 = vector.broadcast %mul3A_221 : i32 to vector<16xi32>
          %mul3A_223 = arith.muli %iota3A, %mul3A_222 : vector<16xi32>
          %add3A_224 = vector.broadcast %add3A_105 : i32 to vector<16xi32>
          %add3A_225 = arith.addi %mul3A_223, %add3A_224 : vector<16xi32>
          %add3A_226 = arith.constant 48 : i32
          %add3A_227 = vector.broadcast %add3A_226 : i32 to vector<16xi32>
          %add3A_228 = arith.addi %add3A_227, %iota3A : vector<16xi32>
          tpu.vector_store_idx %arg9[%add3A_225, %add3A_228, %add3A_176], %get3A_220 : memref<8x64x128xf32, #tpu.memory_space<vmem>>[vector<16xi32>, vector<16xi32>, vector<16xi32>], vector<16xf32>,
        } else {
        }
        %slice3A_146 = vector.extract_strided_slice %gather3A {offsets = [5], sizes = [1], strides = [1]} : vector<16xi32> to vector<1xi32>
        %squeeze3A_147 = vector.extract %slice3A_146[0] : i32 from vector<1xi32>
        %shift_right_arithmetic3A_148 = arith.constant 7 : i32
        %shift_right_arithmetic3A_149 = arith.shrsi %squeeze3A_147, %shift_right_arithmetic3A_148 : i32
        %eq3A_150 = arith.cmpi eq, %shift_right_arithmetic3A_149, %squeeze3A_68 : i32
        %convert_element_type3A_151 = arith.extui %eq3A_150 : i1 to i32
        %cond3A_152 = arith.constant 0 : i32
        %cond3A_153 = arith.cmpi ne, %convert_element_type3A_151, %cond3A_152 : i32
        scf.if %cond3A_153 {
          %mul3A_170 = arith.constant 0 : i32
          %mul3A_171 = vector.broadcast %mul3A_170 : i32 to vector<16xi32>
          %mul3A_172 = arith.muli %iota3A, %mul3A_171 : vector<16xi32>
          %and3A_173 = arith.constant 127 : i32
          %and3A_174 = arith.andi %squeeze3A_147, %and3A_173 : i32
          %add3A_175 = vector.broadcast %and3A_174 : i32 to vector<16xi32>
          %add3A_176 = arith.addi %mul3A_172, %add3A_175 : vector<16xi32>
          %get3A_177 = arith.constant 5 : i32
          %get3A_178 = arith.index_cast %add3A_105 : i32 to index
          %get3A_179 = arith.index_cast %get3A_177 : i32 to index
          %get3A_180 = arith.constant 0 : index
          %get3A_181 = tpu.vector_load %arg8[%get3A_178, %get3A_179, %get3A_180] {strides = array<i32>} : memref<8x8x64xf32, #tpu.memory_space<vmem>>, vector<16xf32>,
          %mul3A_182 = arith.constant 0 : i32
          %mul3A_183 = vector.broadcast %mul3A_182 : i32 to vector<16xi32>
          %mul3A_184 = arith.muli %iota3A, %mul3A_183 : vector<16xi32>
          %add3A_185 = vector.broadcast %add3A_105 : i32 to vector<16xi32>
          %add3A_186 = arith.addi %mul3A_184, %add3A_185 : vector<16xi32>
          %add3A_187 = arith.constant 0 : i32
          %add3A_188 = vector.broadcast %add3A_187 : i32 to vector<16xi32>
          %add3A_189 = arith.addi %add3A_188, %iota3A : vector<16xi32>
          tpu.vector_store_idx %arg9[%add3A_186, %add3A_189, %add3A_176], %get3A_181 : memref<8x64x128xf32, #tpu.memory_space<vmem>>[vector<16xi32>, vector<16xi32>, vector<16xi32>], vector<16xf32>,
          %get3A_190 = arith.constant 5 : i32
          %get3A_191 = arith.index_cast %add3A_105 : i32 to index
          %get3A_192 = arith.index_cast %get3A_190 : i32 to index
          %get3A_193 = arith.constant 16 : index
          %get3A_194 = tpu.vector_load %arg8[%get3A_191, %get3A_192, %get3A_193] {strides = array<i32>} : memref<8x8x64xf32, #tpu.memory_space<vmem>>, vector<16xf32>,
          %mul3A_195 = arith.constant 0 : i32
          %mul3A_196 = vector.broadcast %mul3A_195 : i32 to vector<16xi32>
          %mul3A_197 = arith.muli %iota3A, %mul3A_196 : vector<16xi32>
          %add3A_198 = vector.broadcast %add3A_105 : i32 to vector<16xi32>
          %add3A_199 = arith.addi %mul3A_197, %add3A_198 : vector<16xi32>
          %add3A_200 = arith.constant 16 : i32
          %add3A_201 = vector.broadcast %add3A_200 : i32 to vector<16xi32>
          %add3A_202 = arith.addi %add3A_201, %iota3A : vector<16xi32>
          tpu.vector_store_idx %arg9[%add3A_199, %add3A_202, %add3A_176], %get3A_194 : memref<8x64x128xf32, #tpu.memory_space<vmem>>[vector<16xi32>, vector<16xi32>, vector<16xi32>], vector<16xf32>,
          %get3A_203 = arith.constant 5 : i32
          %get3A_204 = arith.index_cast %add3A_105 : i32 to index
          %get3A_205 = arith.index_cast %get3A_203 : i32 to index
          %get3A_206 = arith.constant 32 : index
          %get3A_207 = tpu.vector_load %arg8[%get3A_204, %get3A_205, %get3A_206] {strides = array<i32>} : memref<8x8x64xf32, #tpu.memory_space<vmem>>, vector<16xf32>,
          %mul3A_208 = arith.constant 0 : i32
          %mul3A_209 = vector.broadcast %mul3A_208 : i32 to vector<16xi32>
          %mul3A_210 = arith.muli %iota3A, %mul3A_209 : vector<16xi32>
          %add3A_211 = vector.broadcast %add3A_105 : i32 to vector<16xi32>
          %add3A_212 = arith.addi %mul3A_210, %add3A_211 : vector<16xi32>
          %add3A_213 = arith.constant 32 : i32
          %add3A_214 = vector.broadcast %add3A_213 : i32 to vector<16xi32>
          %add3A_215 = arith.addi %add3A_214, %iota3A : vector<16xi32>
          tpu.vector_store_idx %arg9[%add3A_212, %add3A_215, %add3A_176], %get3A_207 : memref<8x64x128xf32, #tpu.memory_space<vmem>>[vector<16xi32>, vector<16xi32>, vector<16xi32>], vector<16xf32>,
          %get3A_216 = arith.constant 5 : i32
          %get3A_217 = arith.index_cast %add3A_105 : i32 to index
          %get3A_218 = arith.index_cast %get3A_216 : i32 to index
          %get3A_219 = arith.constant 48 : index
          %get3A_220 = tpu.vector_load %arg8[%get3A_217, %get3A_218, %get3A_219] {strides = array<i32>} : memref<8x8x64xf32, #tpu.memory_space<vmem>>, vector<16xf32>,
          %mul3A_221 = arith.constant 0 : i32
          %mul3A_222 = vector.broadcast %mul3A_221 : i32 to vector<16xi32>
          %mul3A_223 = arith.muli %iota3A, %mul3A_222 : vector<16xi32>
          %add3A_224 = vector.broadcast %add3A_105 : i32 to vector<16xi32>
          %add3A_225 = arith.addi %mul3A_223, %add3A_224 : vector<16xi32>
          %add3A_226 = arith.constant 48 : i32
          %add3A_227 = vector.broadcast %add3A_226 : i32 to vector<16xi32>
          %add3A_228 = arith.addi %add3A_227, %iota3A : vector<16xi32>
          tpu.vector_store_idx %arg9[%add3A_225, %add3A_228, %add3A_176], %get3A_220 : memref<8x64x128xf32, #tpu.memory_space<vmem>>[vector<16xi32>, vector<16xi32>, vector<16xi32>], vector<16xf32>,
        } else {
        }
        %slice3A_154 = vector.extract_strided_slice %gather3A {offsets = [6], sizes = [1], strides = [1]} : vector<16xi32> to vector<1xi32>
        %squeeze3A_155 = vector.extract %slice3A_154[0] : i32 from vector<1xi32>
        %shift_right_arithmetic3A_156 = arith.constant 7 : i32
        %shift_right_arithmetic3A_157 = arith.shrsi %squeeze3A_155, %shift_right_arithmetic3A_156 : i32
        %eq3A_158 = arith.cmpi eq, %shift_right_arithmetic3A_157, %squeeze3A_68 : i32
        %convert_element_type3A_159 = arith.extui %eq3A_158 : i1 to i32
        %cond3A_160 = arith.constant 0 : i32
        %cond3A_161 = arith.cmpi ne, %convert_element_type3A_159, %cond3A_160 : i32
        scf.if %cond3A_161 {
          %mul3A_170 = arith.constant 0 : i32
          %mul3A_171 = vector.broadcast %mul3A_170 : i32 to vector<16xi32>
          %mul3A_172 = arith.muli %iota3A, %mul3A_171 : vector<16xi32>
          %and3A_173 = arith.constant 127 : i32
          %and3A_174 = arith.andi %squeeze3A_155, %and3A_173 : i32
          %add3A_175 = vector.broadcast %and3A_174 : i32 to vector<16xi32>
          %add3A_176 = arith.addi %mul3A_172, %add3A_175 : vector<16xi32>
          %get3A_177 = arith.constant 6 : i32
          %get3A_178 = arith.index_cast %add3A_105 : i32 to index
          %get3A_179 = arith.index_cast %get3A_177 : i32 to index
          %get3A_180 = arith.constant 0 : index
          %get3A_181 = tpu.vector_load %arg8[%get3A_178, %get3A_179, %get3A_180] {strides = array<i32>} : memref<8x8x64xf32, #tpu.memory_space<vmem>>, vector<16xf32>,
          %mul3A_182 = arith.constant 0 : i32
          %mul3A_183 = vector.broadcast %mul3A_182 : i32 to vector<16xi32>
          %mul3A_184 = arith.muli %iota3A, %mul3A_183 : vector<16xi32>
          %add3A_185 = vector.broadcast %add3A_105 : i32 to vector<16xi32>
          %add3A_186 = arith.addi %mul3A_184, %add3A_185 : vector<16xi32>
          %add3A_187 = arith.constant 0 : i32
          %add3A_188 = vector.broadcast %add3A_187 : i32 to vector<16xi32>
          %add3A_189 = arith.addi %add3A_188, %iota3A : vector<16xi32>
          tpu.vector_store_idx %arg9[%add3A_186, %add3A_189, %add3A_176], %get3A_181 : memref<8x64x128xf32, #tpu.memory_space<vmem>>[vector<16xi32>, vector<16xi32>, vector<16xi32>], vector<16xf32>,
          %get3A_190 = arith.constant 6 : i32
          %get3A_191 = arith.index_cast %add3A_105 : i32 to index
          %get3A_192 = arith.index_cast %get3A_190 : i32 to index
          %get3A_193 = arith.constant 16 : index
          %get3A_194 = tpu.vector_load %arg8[%get3A_191, %get3A_192, %get3A_193] {strides = array<i32>} : memref<8x8x64xf32, #tpu.memory_space<vmem>>, vector<16xf32>,
          %mul3A_195 = arith.constant 0 : i32
          %mul3A_196 = vector.broadcast %mul3A_195 : i32 to vector<16xi32>
          %mul3A_197 = arith.muli %iota3A, %mul3A_196 : vector<16xi32>
          %add3A_198 = vector.broadcast %add3A_105 : i32 to vector<16xi32>
          %add3A_199 = arith.addi %mul3A_197, %add3A_198 : vector<16xi32>
          %add3A_200 = arith.constant 16 : i32
          %add3A_201 = vector.broadcast %add3A_200 : i32 to vector<16xi32>
          %add3A_202 = arith.addi %add3A_201, %iota3A : vector<16xi32>
          tpu.vector_store_idx %arg9[%add3A_199, %add3A_202, %add3A_176], %get3A_194 : memref<8x64x128xf32, #tpu.memory_space<vmem>>[vector<16xi32>, vector<16xi32>, vector<16xi32>], vector<16xf32>,
          %get3A_203 = arith.constant 6 : i32
          %get3A_204 = arith.index_cast %add3A_105 : i32 to index
          %get3A_205 = arith.index_cast %get3A_203 : i32 to index
          %get3A_206 = arith.constant 32 : index
          %get3A_207 = tpu.vector_load %arg8[%get3A_204, %get3A_205, %get3A_206] {strides = array<i32>} : memref<8x8x64xf32, #tpu.memory_space<vmem>>, vector<16xf32>,
          %mul3A_208 = arith.constant 0 : i32
          %mul3A_209 = vector.broadcast %mul3A_208 : i32 to vector<16xi32>
          %mul3A_210 = arith.muli %iota3A, %mul3A_209 : vector<16xi32>
          %add3A_211 = vector.broadcast %add3A_105 : i32 to vector<16xi32>
          %add3A_212 = arith.addi %mul3A_210, %add3A_211 : vector<16xi32>
          %add3A_213 = arith.constant 32 : i32
          %add3A_214 = vector.broadcast %add3A_213 : i32 to vector<16xi32>
          %add3A_215 = arith.addi %add3A_214, %iota3A : vector<16xi32>
          tpu.vector_store_idx %arg9[%add3A_212, %add3A_215, %add3A_176], %get3A_207 : memref<8x64x128xf32, #tpu.memory_space<vmem>>[vector<16xi32>, vector<16xi32>, vector<16xi32>], vector<16xf32>,
          %get3A_216 = arith.constant 6 : i32
          %get3A_217 = arith.index_cast %add3A_105 : i32 to index
          %get3A_218 = arith.index_cast %get3A_216 : i32 to index
          %get3A_219 = arith.constant 48 : index
          %get3A_220 = tpu.vector_load %arg8[%get3A_217, %get3A_218, %get3A_219] {strides = array<i32>} : memref<8x8x64xf32, #tpu.memory_space<vmem>>, vector<16xf32>,
          %mul3A_221 = arith.constant 0 : i32
          %mul3A_222 = vector.broadcast %mul3A_221 : i32 to vector<16xi32>
          %mul3A_223 = arith.muli %iota3A, %mul3A_222 : vector<16xi32>
          %add3A_224 = vector.broadcast %add3A_105 : i32 to vector<16xi32>
          %add3A_225 = arith.addi %mul3A_223, %add3A_224 : vector<16xi32>
          %add3A_226 = arith.constant 48 : i32
          %add3A_227 = vector.broadcast %add3A_226 : i32 to vector<16xi32>
          %add3A_228 = arith.addi %add3A_227, %iota3A : vector<16xi32>
          tpu.vector_store_idx %arg9[%add3A_225, %add3A_228, %add3A_176], %get3A_220 : memref<8x64x128xf32, #tpu.memory_space<vmem>>[vector<16xi32>, vector<16xi32>, vector<16xi32>], vector<16xf32>,
        } else {
        }
        %slice3A_162 = vector.extract_strided_slice %gather3A {offsets = [7], sizes = [1], strides = [1]} : vector<16xi32> to vector<1xi32>
        %squeeze3A_163 = vector.extract %slice3A_162[0] : i32 from vector<1xi32>
        %shift_right_arithmetic3A_164 = arith.constant 7 : i32
        %shift_right_arithmetic3A_165 = arith.shrsi %squeeze3A_163, %shift_right_arithmetic3A_164 : i32
        %eq3A_166 = arith.cmpi eq, %shift_right_arithmetic3A_165, %squeeze3A_68 : i32
        %convert_element_type3A_167 = arith.extui %eq3A_166 : i1 to i32
        %cond3A_168 = arith.constant 0 : i32
        %cond3A_169 = arith.cmpi ne, %convert_element_type3A_167, %cond3A_168 : i32
        scf.if %cond3A_169 {
          %mul3A_170 = arith.constant 0 : i32
          %mul3A_171 = vector.broadcast %mul3A_170 : i32 to vector<16xi32>
          %mul3A_172 = arith.muli %iota3A, %mul3A_171 : vector<16xi32>
          %and3A_173 = arith.constant 127 : i32
          %and3A_174 = arith.andi %squeeze3A_163, %and3A_173 : i32
          %add3A_175 = vector.broadcast %and3A_174 : i32 to vector<16xi32>
          %add3A_176 = arith.addi %mul3A_172, %add3A_175 : vector<16xi32>
          %get3A_177 = arith.constant 7 : i32
          %get3A_178 = arith.index_cast %add3A_105 : i32 to index
          %get3A_179 = arith.index_cast %get3A_177 : i32 to index
          %get3A_180 = arith.constant 0 : index
          %get3A_181 = tpu.vector_load %arg8[%get3A_178, %get3A_179, %get3A_180] {strides = array<i32>} : memref<8x8x64xf32, #tpu.memory_space<vmem>>, vector<16xf32>,
          %mul3A_182 = arith.constant 0 : i32
          %mul3A_183 = vector.broadcast %mul3A_182 : i32 to vector<16xi32>
          %mul3A_184 = arith.muli %iota3A, %mul3A_183 : vector<16xi32>
          %add3A_185 = vector.broadcast %add3A_105 : i32 to vector<16xi32>
          %add3A_186 = arith.addi %mul3A_184, %add3A_185 : vector<16xi32>
          %add3A_187 = arith.constant 0 : i32
          %add3A_188 = vector.broadcast %add3A_187 : i32 to vector<16xi32>
          %add3A_189 = arith.addi %add3A_188, %iota3A : vector<16xi32>
          tpu.vector_store_idx %arg9[%add3A_186, %add3A_189, %add3A_176], %get3A_181 : memref<8x64x128xf32, #tpu.memory_space<vmem>>[vector<16xi32>, vector<16xi32>, vector<16xi32>], vector<16xf32>,
          %get3A_190 = arith.constant 7 : i32
          %get3A_191 = arith.index_cast %add3A_105 : i32 to index
          %get3A_192 = arith.index_cast %get3A_190 : i32 to index
          %get3A_193 = arith.constant 16 : index
          %get3A_194 = tpu.vector_load %arg8[%get3A_191, %get3A_192, %get3A_193] {strides = array<i32>} : memref<8x8x64xf32, #tpu.memory_space<vmem>>, vector<16xf32>,
          %mul3A_195 = arith.constant 0 : i32
          %mul3A_196 = vector.broadcast %mul3A_195 : i32 to vector<16xi32>
          %mul3A_197 = arith.muli %iota3A, %mul3A_196 : vector<16xi32>
          %add3A_198 = vector.broadcast %add3A_105 : i32 to vector<16xi32>
          %add3A_199 = arith.addi %mul3A_197, %add3A_198 : vector<16xi32>
          %add3A_200 = arith.constant 16 : i32
          %add3A_201 = vector.broadcast %add3A_200 : i32 to vector<16xi32>
          %add3A_202 = arith.addi %add3A_201, %iota3A : vector<16xi32>
          tpu.vector_store_idx %arg9[%add3A_199, %add3A_202, %add3A_176], %get3A_194 : memref<8x64x128xf32, #tpu.memory_space<vmem>>[vector<16xi32>, vector<16xi32>, vector<16xi32>], vector<16xf32>,
          %get3A_203 = arith.constant 7 : i32
          %get3A_204 = arith.index_cast %add3A_105 : i32 to index
          %get3A_205 = arith.index_cast %get3A_203 : i32 to index
          %get3A_206 = arith.constant 32 : index
          %get3A_207 = tpu.vector_load %arg8[%get3A_204, %get3A_205, %get3A_206] {strides = array<i32>} : memref<8x8x64xf32, #tpu.memory_space<vmem>>, vector<16xf32>,
          %mul3A_208 = arith.constant 0 : i32
          %mul3A_209 = vector.broadcast %mul3A_208 : i32 to vector<16xi32>
          %mul3A_210 = arith.muli %iota3A, %mul3A_209 : vector<16xi32>
          %add3A_211 = vector.broadcast %add3A_105 : i32 to vector<16xi32>
          %add3A_212 = arith.addi %mul3A_210, %add3A_211 : vector<16xi32>
          %add3A_213 = arith.constant 32 : i32
          %add3A_214 = vector.broadcast %add3A_213 : i32 to vector<16xi32>
          %add3A_215 = arith.addi %add3A_214, %iota3A : vector<16xi32>
          tpu.vector_store_idx %arg9[%add3A_212, %add3A_215, %add3A_176], %get3A_207 : memref<8x64x128xf32, #tpu.memory_space<vmem>>[vector<16xi32>, vector<16xi32>, vector<16xi32>], vector<16xf32>,
          %get3A_216 = arith.constant 7 : i32
          %get3A_217 = arith.index_cast %add3A_105 : i32 to index
          %get3A_218 = arith.index_cast %get3A_216 : i32 to index
          %get3A_219 = arith.constant 48 : index
          %get3A_220 = tpu.vector_load %arg8[%get3A_217, %get3A_218, %get3A_219] {strides = array<i32>} : memref<8x8x64xf32, #tpu.memory_space<vmem>>, vector<16xf32>,
          %mul3A_221 = arith.constant 0 : i32
          %mul3A_222 = vector.broadcast %mul3A_221 : i32 to vector<16xi32>
          %mul3A_223 = arith.muli %iota3A, %mul3A_222 : vector<16xi32>
          %add3A_224 = vector.broadcast %add3A_105 : i32 to vector<16xi32>
          %add3A_225 = arith.addi %mul3A_223, %add3A_224 : vector<16xi32>
          %add3A_226 = arith.constant 48 : i32
          %add3A_227 = vector.broadcast %add3A_226 : i32 to vector<16xi32>
          %add3A_228 = arith.addi %add3A_227, %iota3A : vector<16xi32>
          tpu.vector_store_idx %arg9[%add3A_225, %add3A_228, %add3A_176], %get3A_220 : memref<8x64x128xf32, #tpu.memory_space<vmem>>[vector<16xi32>, vector<16xi32>, vector<16xi32>], vector<16xf32>,
        } else {
        }
      }
      %scan3A_98 = arith.constant 8 : i32
      %mul3A_99 = arith.constant 128 : i32
      %mul3A_100 = arith.muli %squeeze3A_72, %mul3A_99 : i32
      "tpu.region"() ({
        %run_scoped3A = tpu.sem_alloc : memref<!tpu.dma_semaphore, #tpu.memory_space<semaphore_mem>>
        %dma_start3A = arith.constant 0 : i32
        %dma_start3A_101 = tpu.memref_slice %arg5[%mul3A_32, %dma_start3A, %mul3A_100] : memref<16x64x32768xf32, #tpu.memory_space<hbm>> -> memref<8x64x128xf32, #tpu.memory_space<hbm>>
        %dma_start3A_102 = arith.constant 0 : i32
        %dma_start3A_103 = tpu.memref_slice %arg5[%mul3A_32, %dma_start3A_102, %mul3A_100] : memref<16x64x32768xf32, #tpu.memory_space<hbm>> -> memref<8x64x128xf32, #tpu.memory_space<hbm>>
        tpu.enqueue_dma source(%arg9 : memref<8x64x128xf32, #tpu.memory_space<vmem>>) target(%dma_start3A_103 : memref<8x64x128xf32, #tpu.memory_space<hbm>>) target_semaphore(%run_scoped3A : memref<!tpu.dma_semaphore, #tpu.memory_space<semaphore_mem>>)
        %dma_wait3A = arith.constant 0 : i32
        %dma_wait3A_104 = tpu.memref_slice %arg5[%mul3A_32, %dma_wait3A, %mul3A_100] : memref<16x64x32768xf32, #tpu.memory_space<hbm>> -> memref<8x64x128xf32, #tpu.memory_space<hbm>>
        %dma_wait3A_105 = arith.constant 0 : i32
        %dma_wait3A_106 = tpu.memref_slice %arg5[%mul3A_32, %dma_wait3A_105, %mul3A_100] : memref<16x64x32768xf32, #tpu.memory_space<hbm>> -> memref<8x64x128xf32, #tpu.memory_space<hbm>>
        tpu.wait_dma2 semaphore(%run_scoped3A : memref<!tpu.dma_semaphore, #tpu.memory_space<semaphore_mem>>) src(%arg9 : memref<8x64x128xf32, #tpu.memory_space<vmem>>) dst(%dma_wait3A_106 : memref<8x64x128xf32, #tpu.memory_space<hbm>>)
        tpu.yield
      }) : () -> ()
    } else {
    }
    return
  }
}

#map = affine_map<(d0, d1) -> (0, 0, 0, 0)>
#map1 = affine_map<(d0, d1) -> (0, 0, 0)>
#map2 = affine_map<(d0, d1) -> (0)>
module attributes {stable_mosaic.version = 14 : i64} {
  func.func @new_body(%arg0: i32, %arg1: i32, %arg2: memref<16x16x8x64xf32, #tpu.memory_space<hbm>>, %arg3: memref<16x64x32768xf32, #tpu.memory_space<hbm>>, %arg4: memref<416xi32, #tpu.memory_space<hbm>>, %arg5: memref<16x64x32768xf32, #tpu.memory_space<hbm>>, %arg6: memref<16x64x32768xf32, #tpu.memory_space<hbm>>, %arg7: memref<416xi32, #tpu.memory_space<vmem>>, %arg8: memref<8x8x64xf32, #tpu.memory_space<vmem>>, %arg9: memref<8x64x128xf32, #tpu.memory_space<vmem>>) attributes {dimension_semantics = [#tpu.dimension_semantics<core_parallel>, #tpu.dimension_semantics<subcore_parallel>], iteration_bounds = array<i64: 2, 16>, scalar_prefetch = 0 : i64, scratch_operands = 3 : i64, tpu.core_type = #tpu.core_type<sc_vector_subcore>, window_params = [{transform_indices = #map}, {transform_indices = #map1}, {transform_indices = #map2}, {transform_indices = #map1}, {transform_indices = #map1}]} {
    %mul3A = arith.constant 2 : i32
    %mul3A_0 = arith.muli %arg1, %mul3A : i32
    %add3A = arith.addi %mul3A_0, %arg0 : i32
    %jit3A = arith.constant 2 : i32
    %div3A = arith.divsi %add3A, %jit3A : i32
    %sign3A = arith.constant 0 : i32
    %sign3A_1 = arith.cmpi sgt, %add3A, %sign3A : i32
    %sign3A_2 = arith.extui %sign3A_1 : i1 to i32
    %sign3A_3 = arith.constant 0 : i32
    %sign3A_4 = arith.cmpi slt, %add3A, %sign3A_3 : i32
    %sign3A_5 = arith.extui %sign3A_4 : i1 to i32
    %sign3A_6 = arith.subi %sign3A_2, %sign3A_5 : i32
    %sign3A_7 = arith.constant 0 : i32
    %sign3A_8 = arith.cmpi sgt, %jit3A, %sign3A_7 : i32
    %sign3A_9 = arith.extui %sign3A_8 : i1 to i32
    %sign3A_10 = arith.constant 0 : i32
    %sign3A_11 = arith.cmpi slt, %jit3A, %sign3A_10 : i32
    %sign3A_12 = arith.extui %sign3A_11 : i1 to i32
    %sign3A_13 = arith.subi %sign3A_9, %sign3A_12 : i32
    %ne3A = arith.cmpi ne, %sign3A_6, %sign3A_13 : i32
    %rem3A = arith.remsi %add3A, %jit3A : i32
    %ne3A_14 = arith.constant 0 : i32
    %ne3A_15 = arith.cmpi ne, %rem3A, %ne3A_14 : i32
    %and3A = arith.andi %ne3A, %ne3A_15 : i1
    %sub3A = arith.constant 1 : i32
    %sub3A_16 = arith.subi %div3A, %sub3A : i32
    %select_n3A = arith.select %and3A, %sub3A_16, %div3A : i32
    %jit3A_17 = arith.constant 2 : i32
    %eq3A = arith.constant 0 : i32
    %eq3A_18 = arith.cmpi eq, %jit3A_17, %eq3A : i32
    %jit3A_19 = arith.constant 1 : i32
    %select_n3A_20 = arith.select %eq3A_18, %jit3A_19, %jit3A_17 : i32
    %rem3A_21 = arith.remsi %add3A, %select_n3A_20 : i32
    %ne3A_22 = arith.constant 0 : i32
    %ne3A_23 = arith.cmpi ne, %rem3A_21, %ne3A_22 : i32
    %lt3A = arith.constant 0 : i32
    %lt3A_24 = arith.cmpi slt, %rem3A_21, %lt3A : i32
    %lt3A_25 = arith.constant 0 : i32
    %lt3A_26 = arith.cmpi slt, %select_n3A_20, %lt3A_25 : i32
    %ne3A_27 = arith.xori %lt3A_24, %lt3A_26 : i1
    %and3A_28 = arith.andi %ne3A_27, %ne3A_23 : i1
    %add3A_29 = arith.addi %rem3A_21, %select_n3A_20 : i32
    %select_n3A_30 = arith.select %and3A_28, %add3A_29, %rem3A_21 : i32
    %mul3A_31 = arith.constant 8 : i32
    %mul3A_32 = arith.muli %select_n3A_30, %mul3A_31 : i32
    "tpu.region"() ({
      %run_scoped3A = tpu.sem_alloc : memref<!tpu.dma_semaphore, #tpu.memory_space<semaphore_mem>>
      tpu.enqueue_dma source(%arg4 : memref<416xi32, #tpu.memory_space<hbm>>) target(%arg7 : memref<416xi32, #tpu.memory_space<vmem>>) target_semaphore(%run_scoped3A : memref<!tpu.dma_semaphore, #tpu.memory_space<semaphore_mem>>)
      tpu.wait_dma2 semaphore(%run_scoped3A : memref<!tpu.dma_semaphore, #tpu.memory_space<semaphore_mem>>) src(%arg4 : memref<416xi32, #tpu.memory_space<hbm>>) dst(%arg7 : memref<416xi32, #tpu.memory_space<vmem>>)
      tpu.yield
    }) : () -> ()
    "tpu.region"() ({
      %run_scoped3A = tpu.sem_alloc : memref<!tpu.dma_semaphore, #tpu.memory_space<semaphore_mem>>
      %dma_start3A = arith.constant 0 : i32
      %dma_start3A_89 = arith.constant 0 : i32
      %dma_start3A_90 = tpu.memref_slice %arg2[%select_n3A, %mul3A_32, %dma_start3A, %dma_start3A_89] : memref<16x16x8x64xf32, #tpu.memory_space<hbm>> -> memref<1x8x8x64xf32, #tpu.memory_space<hbm>>
      %dma_start3A_91 = tpu.memref_squeeze %dma_start3A_90 : memref<1x8x8x64xf32, #tpu.memory_space<hbm>> -> memref<8x8x64xf32, #tpu.memory_space<hbm>>
      %dma_start3A_92 = arith.constant 0 : i32
      %dma_start3A_93 = arith.constant 0 : i32
      %dma_start3A_94 = tpu.memref_slice %arg2[%select_n3A, %mul3A_32, %dma_start3A_92, %dma_start3A_93] : memref<16x16x8x64xf32, #tpu.memory_space<hbm>> -> memref<1x8x8x64xf32, #tpu.memory_space<hbm>>
      %dma_start3A_95 = tpu.memref_squeeze %dma_start3A_94 : memref<1x8x8x64xf32, #tpu.memory_space<hbm>> -> memref<8x8x64xf32, #tpu.memory_space<hbm>>
      tpu.enqueue_dma source(%dma_start3A_95 : memref<8x8x64xf32, #tpu.memory_space<hbm>>) target(%arg8 : memref<8x8x64xf32, #tpu.memory_space<vmem>>) target_semaphore(%run_scoped3A : memref<!tpu.dma_semaphore, #tpu.memory_space<semaphore_mem>>)
      %dma_wait3A = arith.constant 0 : i32
      %dma_wait3A_96 = arith.constant 0 : i32
      %dma_wait3A_97 = tpu.memref_slice %arg2[%select_n3A, %mul3A_32, %dma_wait3A, %dma_wait3A_96] : memref<16x16x8x64xf32, #tpu.memory_space<hbm>> -> memref<1x8x8x64xf32, #tpu.memory_space<hbm>>
      %dma_wait3A_98 = tpu.memref_squeeze %dma_wait3A_97 : memref<1x8x8x64xf32, #tpu.memory_space<hbm>> -> memref<8x8x64xf32, #tpu.memory_space<hbm>>
      %dma_wait3A_99 = arith.constant 0 : i32
      %dma_wait3A_100 = arith.constant 0 : i32
      %dma_wait3A_101 = tpu.memref_slice %arg2[%select_n3A, %mul3A_32, %dma_wait3A_99, %dma_wait3A_100] : memref<16x16x8x64xf32, #tpu.memory_space<hbm>> -> memref<1x8x8x64xf32, #tpu.memory_space<hbm>>
      %dma_wait3A_102 = tpu.memref_squeeze %dma_wait3A_101 : memref<1x8x8x64xf32, #tpu.memory_space<hbm>> -> memref<8x8x64xf32, #tpu.memory_space<hbm>>
      tpu.wait_dma2 semaphore(%run_scoped3A : memref<!tpu.dma_semaphore, #tpu.memory_space<semaphore_mem>>) src(%dma_wait3A_102 : memref<8x8x64xf32, #tpu.memory_space<hbm>>) dst(%arg8 : memref<8x8x64xf32, #tpu.memory_space<vmem>>)
      tpu.yield
    }) : () -> ()
    %mul3A_33 = arith.constant 128 : i32
    %mul3A_34 = arith.muli %select_n3A, %mul3A_33 : i32
    "tpu.region"() ({
      %run_scoped3A = tpu.sem_alloc : memref<!tpu.dma_semaphore, #tpu.memory_space<semaphore_mem>>
      %dma_start3A = arith.constant 0 : i32
      %dma_start3A_89 = arith.constant 0 : i32
      %dma_start3A_90 = tpu.memref_slice %arg3[%dma_start3A, %dma_start3A_89, %mul3A_34] : memref<16x64x32768xf32, #tpu.memory_space<hbm>> -> memref<8x64x128xf32, #tpu.memory_space<hbm>>
      %dma_start3A_91 = arith.constant 0 : i32
      %dma_start3A_92 = arith.constant 0 : i32
      %dma_start3A_93 = tpu.memref_slice %arg3[%dma_start3A_91, %dma_start3A_92, %mul3A_34] : memref<16x64x32768xf32, #tpu.memory_space<hbm>> -> memref<8x64x128xf32, #tpu.memory_space<hbm>>
      tpu.enqueue_dma source(%dma_start3A_93 : memref<8x64x128xf32, #tpu.memory_space<hbm>>) target(%arg9 : memref<8x64x128xf32, #tpu.memory_space<vmem>>) target_semaphore(%run_scoped3A : memref<!tpu.dma_semaphore, #tpu.memory_space<semaphore_mem>>)
      %dma_wait3A = arith.constant 0 : i32
      %dma_wait3A_94 = arith.constant 0 : i32
      %dma_wait3A_95 = tpu.memref_slice %arg3[%dma_wait3A, %dma_wait3A_94, %mul3A_34] : memref<16x64x32768xf32, #tpu.memory_space<hbm>> -> memref<8x64x128xf32, #tpu.memory_space<hbm>>
      %dma_wait3A_96 = arith.constant 0 : i32
      %dma_wait3A_97 = arith.constant 0 : i32
      %dma_wait3A_98 = tpu.memref_slice %arg3[%dma_wait3A_96, %dma_wait3A_97, %mul3A_34] : memref<16x64x32768xf32, #tpu.memory_space<hbm>> -> memref<8x64x128xf32, #tpu.memory_space<hbm>>
      tpu.wait_dma2 semaphore(%run_scoped3A : memref<!tpu.dma_semaphore, #tpu.memory_space<semaphore_mem>>) src(%dma_wait3A_98 : memref<8x64x128xf32, #tpu.memory_space<hbm>>) dst(%arg9 : memref<8x64x128xf32, #tpu.memory_space<vmem>>)
      tpu.yield
    }) : () -> ()
    %iota3A = tpu.iota {dimensions = array<i32: 0>} : vector<16xi32>
    %and3A_35 = arith.constant 7 : i32
    %and3A_36 = vector.broadcast %and3A_35 : i32 to vector<16xi32>
    %and3A_37 = arith.andi %iota3A, %and3A_36 : vector<16xi32>
    %mul3A_38 = arith.constant 16 : i32
    %mul3A_39 = vector.broadcast %mul3A_38 : i32 to vector<16xi32>
    %mul3A_40 = arith.muli %and3A_37, %mul3A_39 : vector<16xi32>
    %add3A_41 = arith.constant 272 : i32
    %add3A_42 = vector.broadcast %add3A_41 : i32 to vector<16xi32>
    %add3A_43 = arith.addi %add3A_42, %mul3A_40 : vector<16xi32>
    %add3A_44 = vector.broadcast %select_n3A : i32 to vector<16xi32>
    %add3A_45 = arith.addi %add3A_43, %add3A_44 : vector<16xi32>
    %gather3A = tpu.vector_load_idx %arg7[%add3A_45] : memref<416xi32, #tpu.memory_space<vmem>>[vector<16xi32>], vector<16xi32>,
    %shift_right_arithmetic3A = arith.constant 7 : i32
    %shift_right_arithmetic3A_46 = vector.broadcast %shift_right_arithmetic3A : i32 to vector<16xi32>
    %shift_right_arithmetic3A_47 = arith.shrsi %gather3A, %shift_right_arithmetic3A_46 : vector<16xi32>
    %mul3A_48 = arith.constant 0 : i32
    %mul3A_49 = vector.broadcast %mul3A_48 : i32 to vector<16xi32>
    %mul3A_50 = arith.muli %iota3A, %mul3A_49 : vector<16xi32>
    %add3A_51 = arith.constant 256 : i32
    %add3A_52 = arith.addi %add3A_51, %select_n3A : i32
    %add3A_53 = vector.broadcast %add3A_52 : i32 to vector<16xi32>
    %add3A_54 = arith.addi %mul3A_50, %add3A_53 : vector<16xi32>
    %gather3A_55 = tpu.vector_load_idx %arg7[%add3A_54] : memref<416xi32, #tpu.memory_space<vmem>>[vector<16xi32>], vector<16xi32>,
    %and3A_56 = arith.constant 15 : i32
    %and3A_57 = vector.broadcast %and3A_56 : i32 to vector<16xi32>
    %and3A_58 = arith.andi %gather3A_55, %and3A_57 : vector<16xi32>
    %mul3A_59 = arith.constant 16 : i32
    %mul3A_60 = vector.broadcast %mul3A_59 : i32 to vector<16xi32>
    %mul3A_61 = arith.muli %and3A_58, %mul3A_60 : vector<16xi32>
    %and3A_62 = arith.constant 15 : i32
    %and3A_63 = vector.broadcast %and3A_62 : i32 to vector<16xi32>
    %and3A_64 = arith.andi %shift_right_arithmetic3A_47, %and3A_63 : vector<16xi32>
    %add3A_65 = arith.addi %mul3A_61, %and3A_64 : vector<16xi32>
    %gather3A_66 = tpu.vector_load_idx %arg7[%add3A_65] : memref<416xi32, #tpu.memory_space<vmem>>[vector<16xi32>], vector<16xi32>,
    %slice3A = vector.extract_strided_slice %shift_right_arithmetic3A_47 {offsets = [0], sizes = [1], strides = [1]} : vector<16xi32> to vector<1xi32>
    %squeeze3A = vector.extract %slice3A[0] : i32 from vector<1xi32>
    %slice3A_67 = vector.extract_strided_slice %shift_right_arithmetic3A_47 {offsets = [7], sizes = [1], strides = [1]} : vector<16xi32> to vector<1xi32>
    %squeeze3A_68 = vector.extract %slice3A_67[0] : i32 from vector<1xi32>
    %slice3A_69 = vector.extract_strided_slice %gather3A_66 {offsets = [0], sizes = [1], strides = [1]} : vector<16xi32> to vector<1xi32>
    %squeeze3A_70 = vector.extract %slice3A_69[0] : i32 from vector<1xi32>
    %slice3A_71 = vector.extract_strided_slice %gather3A_66 {offsets = [7], sizes = [1], strides = [1]} : vector<16xi32> to vector<1xi32>
    %squeeze3A_72 = vector.extract %slice3A_71[0] : i32 from vector<1xi32>
    %ne3A_73 = arith.cmpi ne, %squeeze3A_68, %squeeze3A : i32
    %get3A = arith.constant 0 : i32
    %get3A_74 = arith.constant 0 : i32
    %get3A_75 = arith.index_cast %get3A : i32 to index
    %get3A_76 = arith.index_cast %get3A_74 : i32 to index
    %get3A_77 = arith.constant 0 : index
    %get3A_78 = tpu.vector_load %arg8[%get3A_75, %get3A_76, %get3A_77] {strides = array<i32>} : memref<8x8x64xf32, #tpu.memory_space<vmem>>, vector<16xf32>,
    %mul3A_79 = arith.constant 0.000000e+00 : f32
    %mul3A_80 = vector.broadcast %mul3A_79 : f32 to vector<16xf32>
    %mul3A_81 = arith.mulf %get3A_78, %mul3A_80 : vector<16xf32>
    %scan3A = arith.constant 0 : i32
    %scan3A_82 = arith.constant 8 : i32
    %scan3A_83 = arith.addi %scan3A, %scan3A_82 : i32
    %scan3A_84 = arith.constant 1 : i32
    scf.for %scan3A_89 = %scan3A to %scan3A_83 step %scan3A_84  : i32 {
      %mul3A_90 = arith.constant 1 : i32
      %mul3A_91 = arith.muli %scan3A_89, %mul3A_90 : i32
      %add3A_92 = arith.constant 0 : i32
      %add3A_93 = arith.addi %add3A_92, %mul3A_91 : i32
      %slice3A_94 = vector.extract_strided_slice %gather3A {offsets = [0], sizes = [1], strides = [1]} : vector<16xi32> to vector<1xi32>
      %squeeze3A_95 = vector.extract %slice3A_94[0] : i32 from vector<1xi32>
      %shift_right_arithmetic3A_96 = arith.constant 7 : i32
      %shift_right_arithmetic3A_97 = arith.shrsi %squeeze3A_95, %shift_right_arithmetic3A_96 : i32
      %eq3A_98 = arith.cmpi eq, %shift_right_arithmetic3A_97, %squeeze3A : i32
      %convert_element_type3A_99 = arith.extui %eq3A_98 : i1 to i32
      %cond3A_100 = arith.constant 0 : i32
      %cond3A_101 = arith.cmpi ne, %convert_element_type3A_99, %cond3A_100 : i32
      scf.if %cond3A_101 {
        %mul3A_158 = arith.constant 0 : i32
        %mul3A_159 = vector.broadcast %mul3A_158 : i32 to vector<16xi32>
        %mul3A_160 = arith.muli %iota3A, %mul3A_159 : vector<16xi32>
        %and3A_161 = arith.constant 127 : i32
        %and3A_162 = arith.andi %squeeze3A_95, %and3A_161 : i32
        %add3A_163 = vector.broadcast %and3A_162 : i32 to vector<16xi32>
        %add3A_164 = arith.addi %mul3A_160, %add3A_163 : vector<16xi32>
        %get3A_165 = arith.constant 0 : i32
        %get3A_166 = arith.index_cast %add3A_93 : i32 to index
        %get3A_167 = arith.index_cast %get3A_165 : i32 to index
        %get3A_168 = arith.constant 0 : index
        %get3A_169 = tpu.vector_load %arg8[%get3A_166, %get3A_167, %get3A_168] {strides = array<i32>} : memref<8x8x64xf32, #tpu.memory_space<vmem>>, vector<16xf32>,
        %mul3A_170 = arith.constant 0 : i32
        %mul3A_171 = vector.broadcast %mul3A_170 : i32 to vector<16xi32>
        %mul3A_172 = arith.muli %iota3A, %mul3A_171 : vector<16xi32>
        %add3A_173 = vector.broadcast %add3A_93 : i32 to vector<16xi32>
        %add3A_174 = arith.addi %mul3A_172, %add3A_173 : vector<16xi32>
        %add3A_175 = arith.constant 0 : i32
        %add3A_176 = vector.broadcast %add3A_175 : i32 to vector<16xi32>
        %add3A_177 = arith.addi %add3A_176, %iota3A : vector<16xi32>
        tpu.vector_store_idx %arg9[%add3A_174, %add3A_177, %add3A_164], %get3A_169 : memref<8x64x128xf32, #tpu.memory_space<vmem>>[vector<16xi32>, vector<16xi32>, vector<16xi32>], vector<16xf32>,
        %get3A_178 = arith.constant 0 : i32
        %get3A_179 = arith.index_cast %add3A_93 : i32 to index
        %get3A_180 = arith.index_cast %get3A_178 : i32 to index
        %get3A_181 = arith.constant 16 : index
        %get3A_182 = tpu.vector_load %arg8[%get3A_179, %get3A_180, %get3A_181] {strides = array<i32>} : memref<8x8x64xf32, #tpu.memory_space<vmem>>, vector<16xf32>,
        %mul3A_183 = arith.constant 0 : i32
        %mul3A_184 = vector.broadcast %mul3A_183 : i32 to vector<16xi32>
        %mul3A_185 = arith.muli %iota3A, %mul3A_184 : vector<16xi32>
        %add3A_186 = vector.broadcast %add3A_93 : i32 to vector<16xi32>
        %add3A_187 = arith.addi %mul3A_185, %add3A_186 : vector<16xi32>
        %add3A_188 = arith.constant 16 : i32
        %add3A_189 = vector.broadcast %add3A_188 : i32 to vector<16xi32>
        %add3A_190 = arith.addi %add3A_189, %iota3A : vector<16xi32>
        tpu.vector_store_idx %arg9[%add3A_187, %add3A_190, %add3A_164], %get3A_182 : memref<8x64x128xf32, #tpu.memory_space<vmem>>[vector<16xi32>, vector<16xi32>, vector<16xi32>], vector<16xf32>,
        %get3A_191 = arith.constant 0 : i32
        %get3A_192 = arith.index_cast %add3A_93 : i32 to index
        %get3A_193 = arith.index_cast %get3A_191 : i32 to index
        %get3A_194 = arith.constant 32 : index
        %get3A_195 = tpu.vector_load %arg8[%get3A_192, %get3A_193, %get3A_194] {strides = array<i32>} : memref<8x8x64xf32, #tpu.memory_space<vmem>>, vector<16xf32>,
        %mul3A_196 = arith.constant 0 : i32
        %mul3A_197 = vector.broadcast %mul3A_196 : i32 to vector<16xi32>
        %mul3A_198 = arith.muli %iota3A, %mul3A_197 : vector<16xi32>
        %add3A_199 = vector.broadcast %add3A_93 : i32 to vector<16xi32>
        %add3A_200 = arith.addi %mul3A_198, %add3A_199 : vector<16xi32>
        %add3A_201 = arith.constant 32 : i32
        %add3A_202 = vector.broadcast %add3A_201 : i32 to vector<16xi32>
        %add3A_203 = arith.addi %add3A_202, %iota3A : vector<16xi32>
        tpu.vector_store_idx %arg9[%add3A_200, %add3A_203, %add3A_164], %get3A_195 : memref<8x64x128xf32, #tpu.memory_space<vmem>>[vector<16xi32>, vector<16xi32>, vector<16xi32>], vector<16xf32>,
        %get3A_204 = arith.constant 0 : i32
        %get3A_205 = arith.index_cast %add3A_93 : i32 to index
        %get3A_206 = arith.index_cast %get3A_204 : i32 to index
        %get3A_207 = arith.constant 48 : index
        %get3A_208 = tpu.vector_load %arg8[%get3A_205, %get3A_206, %get3A_207] {strides = array<i32>} : memref<8x8x64xf32, #tpu.memory_space<vmem>>, vector<16xf32>,
        %mul3A_209 = arith.constant 0 : i32
        %mul3A_210 = vector.broadcast %mul3A_209 : i32 to vector<16xi32>
        %mul3A_211 = arith.muli %iota3A, %mul3A_210 : vector<16xi32>
        %add3A_212 = vector.broadcast %add3A_93 : i32 to vector<16xi32>
        %add3A_213 = arith.addi %mul3A_211, %add3A_212 : vector<16xi32>
        %add3A_214 = arith.constant 48 : i32
        %add3A_215 = vector.broadcast %add3A_214 : i32 to vector<16xi32>
        %add3A_216 = arith.addi %add3A_215, %iota3A : vector<16xi32>
        tpu.vector_store_idx %arg9[%add3A_213, %add3A_216, %add3A_164], %get3A_208 : memref<8x64x128xf32, #tpu.memory_space<vmem>>[vector<16xi32>, vector<16xi32>, vector<16xi32>], vector<16xf32>,
      } else {
      }
      %slice3A_102 = vector.extract_strided_slice %gather3A {offsets = [1], sizes = [1], strides = [1]} : vector<16xi32> to vector<1xi32>
      %squeeze3A_103 = vector.extract %slice3A_102[0] : i32 from vector<1xi32>
      %shift_right_arithmetic3A_104 = arith.constant 7 : i32
      %shift_right_arithmetic3A_105 = arith.shrsi %squeeze3A_103, %shift_right_arithmetic3A_104 : i32
      %eq3A_106 = arith.cmpi eq, %shift_right_arithmetic3A_105, %squeeze3A : i32
      %convert_element_type3A_107 = arith.extui %eq3A_106 : i1 to i32
      %cond3A_108 = arith.constant 0 : i32
      %cond3A_109 = arith.cmpi ne, %convert_element_type3A_107, %cond3A_108 : i32
      scf.if %cond3A_109 {
        %mul3A_158 = arith.constant 0 : i32
        %mul3A_159 = vector.broadcast %mul3A_158 : i32 to vector<16xi32>
        %mul3A_160 = arith.muli %iota3A, %mul3A_159 : vector<16xi32>
        %and3A_161 = arith.constant 127 : i32
        %and3A_162 = arith.andi %squeeze3A_103, %and3A_161 : i32
        %add3A_163 = vector.broadcast %and3A_162 : i32 to vector<16xi32>
        %add3A_164 = arith.addi %mul3A_160, %add3A_163 : vector<16xi32>
        %get3A_165 = arith.constant 1 : i32
        %get3A_166 = arith.index_cast %add3A_93 : i32 to index
        %get3A_167 = arith.index_cast %get3A_165 : i32 to index
        %get3A_168 = arith.constant 0 : index
        %get3A_169 = tpu.vector_load %arg8[%get3A_166, %get3A_167, %get3A_168] {strides = array<i32>} : memref<8x8x64xf32, #tpu.memory_space<vmem>>, vector<16xf32>,
        %mul3A_170 = arith.constant 0 : i32
        %mul3A_171 = vector.broadcast %mul3A_170 : i32 to vector<16xi32>
        %mul3A_172 = arith.muli %iota3A, %mul3A_171 : vector<16xi32>
        %add3A_173 = vector.broadcast %add3A_93 : i32 to vector<16xi32>
        %add3A_174 = arith.addi %mul3A_172, %add3A_173 : vector<16xi32>
        %add3A_175 = arith.constant 0 : i32
        %add3A_176 = vector.broadcast %add3A_175 : i32 to vector<16xi32>
        %add3A_177 = arith.addi %add3A_176, %iota3A : vector<16xi32>
        tpu.vector_store_idx %arg9[%add3A_174, %add3A_177, %add3A_164], %get3A_169 : memref<8x64x128xf32, #tpu.memory_space<vmem>>[vector<16xi32>, vector<16xi32>, vector<16xi32>], vector<16xf32>,
        %get3A_178 = arith.constant 1 : i32
        %get3A_179 = arith.index_cast %add3A_93 : i32 to index
        %get3A_180 = arith.index_cast %get3A_178 : i32 to index
        %get3A_181 = arith.constant 16 : index
        %get3A_182 = tpu.vector_load %arg8[%get3A_179, %get3A_180, %get3A_181] {strides = array<i32>} : memref<8x8x64xf32, #tpu.memory_space<vmem>>, vector<16xf32>,
        %mul3A_183 = arith.constant 0 : i32
        %mul3A_184 = vector.broadcast %mul3A_183 : i32 to vector<16xi32>
        %mul3A_185 = arith.muli %iota3A, %mul3A_184 : vector<16xi32>
        %add3A_186 = vector.broadcast %add3A_93 : i32 to vector<16xi32>
        %add3A_187 = arith.addi %mul3A_185, %add3A_186 : vector<16xi32>
        %add3A_188 = arith.constant 16 : i32
        %add3A_189 = vector.broadcast %add3A_188 : i32 to vector<16xi32>
        %add3A_190 = arith.addi %add3A_189, %iota3A : vector<16xi32>
        tpu.vector_store_idx %arg9[%add3A_187, %add3A_190, %add3A_164], %get3A_182 : memref<8x64x128xf32, #tpu.memory_space<vmem>>[vector<16xi32>, vector<16xi32>, vector<16xi32>], vector<16xf32>,
        %get3A_191 = arith.constant 1 : i32
        %get3A_192 = arith.index_cast %add3A_93 : i32 to index
        %get3A_193 = arith.index_cast %get3A_191 : i32 to index
        %get3A_194 = arith.constant 32 : index
        %get3A_195 = tpu.vector_load %arg8[%get3A_192, %get3A_193, %get3A_194] {strides = array<i32>} : memref<8x8x64xf32, #tpu.memory_space<vmem>>, vector<16xf32>,
        %mul3A_196 = arith.constant 0 : i32
        %mul3A_197 = vector.broadcast %mul3A_196 : i32 to vector<16xi32>
        %mul3A_198 = arith.muli %iota3A, %mul3A_197 : vector<16xi32>
        %add3A_199 = vector.broadcast %add3A_93 : i32 to vector<16xi32>
        %add3A_200 = arith.addi %mul3A_198, %add3A_199 : vector<16xi32>
        %add3A_201 = arith.constant 32 : i32
        %add3A_202 = vector.broadcast %add3A_201 : i32 to vector<16xi32>
        %add3A_203 = arith.addi %add3A_202, %iota3A : vector<16xi32>
        tpu.vector_store_idx %arg9[%add3A_200, %add3A_203, %add3A_164], %get3A_195 : memref<8x64x128xf32, #tpu.memory_space<vmem>>[vector<16xi32>, vector<16xi32>, vector<16xi32>], vector<16xf32>,
        %get3A_204 = arith.constant 1 : i32
        %get3A_205 = arith.index_cast %add3A_93 : i32 to index
        %get3A_206 = arith.index_cast %get3A_204 : i32 to index
        %get3A_207 = arith.constant 48 : index
        %get3A_208 = tpu.vector_load %arg8[%get3A_205, %get3A_206, %get3A_207] {strides = array<i32>} : memref<8x8x64xf32, #tpu.memory_space<vmem>>, vector<16xf32>,
        %mul3A_209 = arith.constant 0 : i32
        %mul3A_210 = vector.broadcast %mul3A_209 : i32 to vector<16xi32>
        %mul3A_211 = arith.muli %iota3A, %mul3A_210 : vector<16xi32>
        %add3A_212 = vector.broadcast %add3A_93 : i32 to vector<16xi32>
        %add3A_213 = arith.addi %mul3A_211, %add3A_212 : vector<16xi32>
        %add3A_214 = arith.constant 48 : i32
        %add3A_215 = vector.broadcast %add3A_214 : i32 to vector<16xi32>
        %add3A_216 = arith.addi %add3A_215, %iota3A : vector<16xi32>
        tpu.vector_store_idx %arg9[%add3A_213, %add3A_216, %add3A_164], %get3A_208 : memref<8x64x128xf32, #tpu.memory_space<vmem>>[vector<16xi32>, vector<16xi32>, vector<16xi32>], vector<16xf32>,
      } else {
      }
      %slice3A_110 = vector.extract_strided_slice %gather3A {offsets = [2], sizes = [1], strides = [1]} : vector<16xi32> to vector<1xi32>
      %squeeze3A_111 = vector.extract %slice3A_110[0] : i32 from vector<1xi32>
      %shift_right_arithmetic3A_112 = arith.constant 7 : i32
      %shift_right_arithmetic3A_113 = arith.shrsi %squeeze3A_111, %shift_right_arithmetic3A_112 : i32
      %eq3A_114 = arith.cmpi eq, %shift_right_arithmetic3A_113, %squeeze3A : i32
      %convert_element_type3A_115 = arith.extui %eq3A_114 : i1 to i32
      %cond3A_116 = arith.constant 0 : i32
      %cond3A_117 = arith.cmpi ne, %convert_element_type3A_115, %cond3A_116 : i32
      scf.if %cond3A_117 {
        %mul3A_158 = arith.constant 0 : i32
        %mul3A_159 = vector.broadcast %mul3A_158 : i32 to vector<16xi32>
        %mul3A_160 = arith.muli %iota3A, %mul3A_159 : vector<16xi32>
        %and3A_161 = arith.constant 127 : i32
        %and3A_162 = arith.andi %squeeze3A_111, %and3A_161 : i32
        %add3A_163 = vector.broadcast %and3A_162 : i32 to vector<16xi32>
        %add3A_164 = arith.addi %mul3A_160, %add3A_163 : vector<16xi32>
        %get3A_165 = arith.constant 2 : i32
        %get3A_166 = arith.index_cast %add3A_93 : i32 to index
        %get3A_167 = arith.index_cast %get3A_165 : i32 to index
        %get3A_168 = arith.constant 0 : index
        %get3A_169 = tpu.vector_load %arg8[%get3A_166, %get3A_167, %get3A_168] {strides = array<i32>} : memref<8x8x64xf32, #tpu.memory_space<vmem>>, vector<16xf32>,
        %mul3A_170 = arith.constant 0 : i32
        %mul3A_171 = vector.broadcast %mul3A_170 : i32 to vector<16xi32>
        %mul3A_172 = arith.muli %iota3A, %mul3A_171 : vector<16xi32>
        %add3A_173 = vector.broadcast %add3A_93 : i32 to vector<16xi32>
        %add3A_174 = arith.addi %mul3A_172, %add3A_173 : vector<16xi32>
        %add3A_175 = arith.constant 0 : i32
        %add3A_176 = vector.broadcast %add3A_175 : i32 to vector<16xi32>
        %add3A_177 = arith.addi %add3A_176, %iota3A : vector<16xi32>
        tpu.vector_store_idx %arg9[%add3A_174, %add3A_177, %add3A_164], %get3A_169 : memref<8x64x128xf32, #tpu.memory_space<vmem>>[vector<16xi32>, vector<16xi32>, vector<16xi32>], vector<16xf32>,
        %get3A_178 = arith.constant 2 : i32
        %get3A_179 = arith.index_cast %add3A_93 : i32 to index
        %get3A_180 = arith.index_cast %get3A_178 : i32 to index
        %get3A_181 = arith.constant 16 : index
        %get3A_182 = tpu.vector_load %arg8[%get3A_179, %get3A_180, %get3A_181] {strides = array<i32>} : memref<8x8x64xf32, #tpu.memory_space<vmem>>, vector<16xf32>,
        %mul3A_183 = arith.constant 0 : i32
        %mul3A_184 = vector.broadcast %mul3A_183 : i32 to vector<16xi32>
        %mul3A_185 = arith.muli %iota3A, %mul3A_184 : vector<16xi32>
        %add3A_186 = vector.broadcast %add3A_93 : i32 to vector<16xi32>
        %add3A_187 = arith.addi %mul3A_185, %add3A_186 : vector<16xi32>
        %add3A_188 = arith.constant 16 : i32
        %add3A_189 = vector.broadcast %add3A_188 : i32 to vector<16xi32>
        %add3A_190 = arith.addi %add3A_189, %iota3A : vector<16xi32>
        tpu.vector_store_idx %arg9[%add3A_187, %add3A_190, %add3A_164], %get3A_182 : memref<8x64x128xf32, #tpu.memory_space<vmem>>[vector<16xi32>, vector<16xi32>, vector<16xi32>], vector<16xf32>,
        %get3A_191 = arith.constant 2 : i32
        %get3A_192 = arith.index_cast %add3A_93 : i32 to index
        %get3A_193 = arith.index_cast %get3A_191 : i32 to index
        %get3A_194 = arith.constant 32 : index
        %get3A_195 = tpu.vector_load %arg8[%get3A_192, %get3A_193, %get3A_194] {strides = array<i32>} : memref<8x8x64xf32, #tpu.memory_space<vmem>>, vector<16xf32>,
        %mul3A_196 = arith.constant 0 : i32
        %mul3A_197 = vector.broadcast %mul3A_196 : i32 to vector<16xi32>
        %mul3A_198 = arith.muli %iota3A, %mul3A_197 : vector<16xi32>
        %add3A_199 = vector.broadcast %add3A_93 : i32 to vector<16xi32>
        %add3A_200 = arith.addi %mul3A_198, %add3A_199 : vector<16xi32>
        %add3A_201 = arith.constant 32 : i32
        %add3A_202 = vector.broadcast %add3A_201 : i32 to vector<16xi32>
        %add3A_203 = arith.addi %add3A_202, %iota3A : vector<16xi32>
        tpu.vector_store_idx %arg9[%add3A_200, %add3A_203, %add3A_164], %get3A_195 : memref<8x64x128xf32, #tpu.memory_space<vmem>>[vector<16xi32>, vector<16xi32>, vector<16xi32>], vector<16xf32>,
        %get3A_204 = arith.constant 2 : i32
        %get3A_205 = arith.index_cast %add3A_93 : i32 to index
        %get3A_206 = arith.index_cast %get3A_204 : i32 to index
        %get3A_207 = arith.constant 48 : index
        %get3A_208 = tpu.vector_load %arg8[%get3A_205, %get3A_206, %get3A_207] {strides = array<i32>} : memref<8x8x64xf32, #tpu.memory_space<vmem>>, vector<16xf32>,
        %mul3A_209 = arith.constant 0 : i32
        %mul3A_210 = vector.broadcast %mul3A_209 : i32 to vector<16xi32>
        %mul3A_211 = arith.muli %iota3A, %mul3A_210 : vector<16xi32>
        %add3A_212 = vector.broadcast %add3A_93 : i32 to vector<16xi32>
        %add3A_213 = arith.addi %mul3A_211, %add3A_212 : vector<16xi32>
        %add3A_214 = arith.constant 48 : i32
        %add3A_215 = vector.broadcast %add3A_214 : i32 to vector<16xi32>
        %add3A_216 = arith.addi %add3A_215, %iota3A : vector<16xi32>
        tpu.vector_store_idx %arg9[%add3A_213, %add3A_216, %add3A_164], %get3A_208 : memref<8x64x128xf32, #tpu.memory_space<vmem>>[vector<16xi32>, vector<16xi32>, vector<16xi32>], vector<16xf32>,
      } else {
      }
      %slice3A_118 = vector.extract_strided_slice %gather3A {offsets = [3], sizes = [1], strides = [1]} : vector<16xi32> to vector<1xi32>
      %squeeze3A_119 = vector.extract %slice3A_118[0] : i32 from vector<1xi32>
      %shift_right_arithmetic3A_120 = arith.constant 7 : i32
      %shift_right_arithmetic3A_121 = arith.shrsi %squeeze3A_119, %shift_right_arithmetic3A_120 : i32
      %eq3A_122 = arith.cmpi eq, %shift_right_arithmetic3A_121, %squeeze3A : i32
      %convert_element_type3A_123 = arith.extui %eq3A_122 : i1 to i32
      %cond3A_124 = arith.constant 0 : i32
      %cond3A_125 = arith.cmpi ne, %convert_element_type3A_123, %cond3A_124 : i32
      scf.if %cond3A_125 {
        %mul3A_158 = arith.constant 0 : i32
        %mul3A_159 = vector.broadcast %mul3A_158 : i32 to vector<16xi32>
        %mul3A_160 = arith.muli %iota3A, %mul3A_159 : vector<16xi32>
        %and3A_161 = arith.constant 127 : i32
        %and3A_162 = arith.andi %squeeze3A_119, %and3A_161 : i32
        %add3A_163 = vector.broadcast %and3A_162 : i32 to vector<16xi32>
        %add3A_164 = arith.addi %mul3A_160, %add3A_163 : vector<16xi32>
        %get3A_165 = arith.constant 3 : i32
        %get3A_166 = arith.index_cast %add3A_93 : i32 to index
        %get3A_167 = arith.index_cast %get3A_165 : i32 to index
        %get3A_168 = arith.constant 0 : index
        %get3A_169 = tpu.vector_load %arg8[%get3A_166, %get3A_167, %get3A_168] {strides = array<i32>} : memref<8x8x64xf32, #tpu.memory_space<vmem>>, vector<16xf32>,
        %mul3A_170 = arith.constant 0 : i32
        %mul3A_171 = vector.broadcast %mul3A_170 : i32 to vector<16xi32>
        %mul3A_172 = arith.muli %iota3A, %mul3A_171 : vector<16xi32>
        %add3A_173 = vector.broadcast %add3A_93 : i32 to vector<16xi32>
        %add3A_174 = arith.addi %mul3A_172, %add3A_173 : vector<16xi32>
        %add3A_175 = arith.constant 0 : i32
        %add3A_176 = vector.broadcast %add3A_175 : i32 to vector<16xi32>
        %add3A_177 = arith.addi %add3A_176, %iota3A : vector<16xi32>
        tpu.vector_store_idx %arg9[%add3A_174, %add3A_177, %add3A_164], %get3A_169 : memref<8x64x128xf32, #tpu.memory_space<vmem>>[vector<16xi32>, vector<16xi32>, vector<16xi32>], vector<16xf32>,
        %get3A_178 = arith.constant 3 : i32
        %get3A_179 = arith.index_cast %add3A_93 : i32 to index
        %get3A_180 = arith.index_cast %get3A_178 : i32 to index
        %get3A_181 = arith.constant 16 : index
        %get3A_182 = tpu.vector_load %arg8[%get3A_179, %get3A_180, %get3A_181] {strides = array<i32>} : memref<8x8x64xf32, #tpu.memory_space<vmem>>, vector<16xf32>,
        %mul3A_183 = arith.constant 0 : i32
        %mul3A_184 = vector.broadcast %mul3A_183 : i32 to vector<16xi32>
        %mul3A_185 = arith.muli %iota3A, %mul3A_184 : vector<16xi32>
        %add3A_186 = vector.broadcast %add3A_93 : i32 to vector<16xi32>
        %add3A_187 = arith.addi %mul3A_185, %add3A_186 : vector<16xi32>
        %add3A_188 = arith.constant 16 : i32
        %add3A_189 = vector.broadcast %add3A_188 : i32 to vector<16xi32>
        %add3A_190 = arith.addi %add3A_189, %iota3A : vector<16xi32>
        tpu.vector_store_idx %arg9[%add3A_187, %add3A_190, %add3A_164], %get3A_182 : memref<8x64x128xf32, #tpu.memory_space<vmem>>[vector<16xi32>, vector<16xi32>, vector<16xi32>], vector<16xf32>,
        %get3A_191 = arith.constant 3 : i32
        %get3A_192 = arith.index_cast %add3A_93 : i32 to index
        %get3A_193 = arith.index_cast %get3A_191 : i32 to index
        %get3A_194 = arith.constant 32 : index
        %get3A_195 = tpu.vector_load %arg8[%get3A_192, %get3A_193, %get3A_194] {strides = array<i32>} : memref<8x8x64xf32, #tpu.memory_space<vmem>>, vector<16xf32>,
        %mul3A_196 = arith.constant 0 : i32
        %mul3A_197 = vector.broadcast %mul3A_196 : i32 to vector<16xi32>
        %mul3A_198 = arith.muli %iota3A, %mul3A_197 : vector<16xi32>
        %add3A_199 = vector.broadcast %add3A_93 : i32 to vector<16xi32>
        %add3A_200 = arith.addi %mul3A_198, %add3A_199 : vector<16xi32>
        %add3A_201 = arith.constant 32 : i32
        %add3A_202 = vector.broadcast %add3A_201 : i32 to vector<16xi32>
        %add3A_203 = arith.addi %add3A_202, %iota3A : vector<16xi32>
        tpu.vector_store_idx %arg9[%add3A_200, %add3A_203, %add3A_164], %get3A_195 : memref<8x64x128xf32, #tpu.memory_space<vmem>>[vector<16xi32>, vector<16xi32>, vector<16xi32>], vector<16xf32>,
        %get3A_204 = arith.constant 3 : i32
        %get3A_205 = arith.index_cast %add3A_93 : i32 to index
        %get3A_206 = arith.index_cast %get3A_204 : i32 to index
        %get3A_207 = arith.constant 48 : index
        %get3A_208 = tpu.vector_load %arg8[%get3A_205, %get3A_206, %get3A_207] {strides = array<i32>} : memref<8x8x64xf32, #tpu.memory_space<vmem>>, vector<16xf32>,
        %mul3A_209 = arith.constant 0 : i32
        %mul3A_210 = vector.broadcast %mul3A_209 : i32 to vector<16xi32>
        %mul3A_211 = arith.muli %iota3A, %mul3A_210 : vector<16xi32>
        %add3A_212 = vector.broadcast %add3A_93 : i32 to vector<16xi32>
        %add3A_213 = arith.addi %mul3A_211, %add3A_212 : vector<16xi32>
        %add3A_214 = arith.constant 48 : i32
        %add3A_215 = vector.broadcast %add3A_214 : i32 to vector<16xi32>
        %add3A_216 = arith.addi %add3A_215, %iota3A : vector<16xi32>
        tpu.vector_store_idx %arg9[%add3A_213, %add3A_216, %add3A_164], %get3A_208 : memref<8x64x128xf32, #tpu.memory_space<vmem>>[vector<16xi32>, vector<16xi32>, vector<16xi32>], vector<16xf32>,
      } else {
      }
      %slice3A_126 = vector.extract_strided_slice %gather3A {offsets = [4], sizes = [1], strides = [1]} : vector<16xi32> to vector<1xi32>
      %squeeze3A_127 = vector.extract %slice3A_126[0] : i32 from vector<1xi32>
      %shift_right_arithmetic3A_128 = arith.constant 7 : i32
      %shift_right_arithmetic3A_129 = arith.shrsi %squeeze3A_127, %shift_right_arithmetic3A_128 : i32
      %eq3A_130 = arith.cmpi eq, %shift_right_arithmetic3A_129, %squeeze3A : i32
      %convert_element_type3A_131 = arith.extui %eq3A_130 : i1 to i32
      %cond3A_132 = arith.constant 0 : i32
      %cond3A_133 = arith.cmpi ne, %convert_element_type3A_131, %cond3A_132 : i32
      scf.if %cond3A_133 {
        %mul3A_158 = arith.constant 0 : i32
        %mul3A_159 = vector.broadcast %mul3A_158 : i32 to vector<16xi32>
        %mul3A_160 = arith.muli %iota3A, %mul3A_159 : vector<16xi32>
        %and3A_161 = arith.constant 127 : i32
        %and3A_162 = arith.andi %squeeze3A_127, %and3A_161 : i32
        %add3A_163 = vector.broadcast %and3A_162 : i32 to vector<16xi32>
        %add3A_164 = arith.addi %mul3A_160, %add3A_163 : vector<16xi32>
        %get3A_165 = arith.constant 4 : i32
        %get3A_166 = arith.index_cast %add3A_93 : i32 to index
        %get3A_167 = arith.index_cast %get3A_165 : i32 to index
        %get3A_168 = arith.constant 0 : index
        %get3A_169 = tpu.vector_load %arg8[%get3A_166, %get3A_167, %get3A_168] {strides = array<i32>} : memref<8x8x64xf32, #tpu.memory_space<vmem>>, vector<16xf32>,
        %mul3A_170 = arith.constant 0 : i32
        %mul3A_171 = vector.broadcast %mul3A_170 : i32 to vector<16xi32>
        %mul3A_172 = arith.muli %iota3A, %mul3A_171 : vector<16xi32>
        %add3A_173 = vector.broadcast %add3A_93 : i32 to vector<16xi32>
        %add3A_174 = arith.addi %mul3A_172, %add3A_173 : vector<16xi32>
        %add3A_175 = arith.constant 0 : i32
        %add3A_176 = vector.broadcast %add3A_175 : i32 to vector<16xi32>
        %add3A_177 = arith.addi %add3A_176, %iota3A : vector<16xi32>
        tpu.vector_store_idx %arg9[%add3A_174, %add3A_177, %add3A_164], %get3A_169 : memref<8x64x128xf32, #tpu.memory_space<vmem>>[vector<16xi32>, vector<16xi32>, vector<16xi32>], vector<16xf32>,
        %get3A_178 = arith.constant 4 : i32
        %get3A_179 = arith.index_cast %add3A_93 : i32 to index
        %get3A_180 = arith.index_cast %get3A_178 : i32 to index
        %get3A_181 = arith.constant 16 : index
        %get3A_182 = tpu.vector_load %arg8[%get3A_179, %get3A_180, %get3A_181] {strides = array<i32>} : memref<8x8x64xf32, #tpu.memory_space<vmem>>, vector<16xf32>,
        %mul3A_183 = arith.constant 0 : i32
        %mul3A_184 = vector.broadcast %mul3A_183 : i32 to vector<16xi32>
        %mul3A_185 = arith.muli %iota3A, %mul3A_184 : vector<16xi32>
        %add3A_186 = vector.broadcast %add3A_93 : i32 to vector<16xi32>
        %add3A_187 = arith.addi %mul3A_185, %add3A_186 : vector<16xi32>
        %add3A_188 = arith.constant 16 : i32
        %add3A_189 = vector.broadcast %add3A_188 : i32 to vector<16xi32>
        %add3A_190 = arith.addi %add3A_189, %iota3A : vector<16xi32>
        tpu.vector_store_idx %arg9[%add3A_187, %add3A_190, %add3A_164], %get3A_182 : memref<8x64x128xf32, #tpu.memory_space<vmem>>[vector<16xi32>, vector<16xi32>, vector<16xi32>], vector<16xf32>,
        %get3A_191 = arith.constant 4 : i32
        %get3A_192 = arith.index_cast %add3A_93 : i32 to index
        %get3A_193 = arith.index_cast %get3A_191 : i32 to index
        %get3A_194 = arith.constant 32 : index
        %get3A_195 = tpu.vector_load %arg8[%get3A_192, %get3A_193, %get3A_194] {strides = array<i32>} : memref<8x8x64xf32, #tpu.memory_space<vmem>>, vector<16xf32>,
        %mul3A_196 = arith.constant 0 : i32
        %mul3A_197 = vector.broadcast %mul3A_196 : i32 to vector<16xi32>
        %mul3A_198 = arith.muli %iota3A, %mul3A_197 : vector<16xi32>
        %add3A_199 = vector.broadcast %add3A_93 : i32 to vector<16xi32>
        %add3A_200 = arith.addi %mul3A_198, %add3A_199 : vector<16xi32>
        %add3A_201 = arith.constant 32 : i32
        %add3A_202 = vector.broadcast %add3A_201 : i32 to vector<16xi32>
        %add3A_203 = arith.addi %add3A_202, %iota3A : vector<16xi32>
        tpu.vector_store_idx %arg9[%add3A_200, %add3A_203, %add3A_164], %get3A_195 : memref<8x64x128xf32, #tpu.memory_space<vmem>>[vector<16xi32>, vector<16xi32>, vector<16xi32>], vector<16xf32>,
        %get3A_204 = arith.constant 4 : i32
        %get3A_205 = arith.index_cast %add3A_93 : i32 to index
        %get3A_206 = arith.index_cast %get3A_204 : i32 to index
        %get3A_207 = arith.constant 48 : index
        %get3A_208 = tpu.vector_load %arg8[%get3A_205, %get3A_206, %get3A_207] {strides = array<i32>} : memref<8x8x64xf32, #tpu.memory_space<vmem>>, vector<16xf32>,
        %mul3A_209 = arith.constant 0 : i32
        %mul3A_210 = vector.broadcast %mul3A_209 : i32 to vector<16xi32>
        %mul3A_211 = arith.muli %iota3A, %mul3A_210 : vector<16xi32>
        %add3A_212 = vector.broadcast %add3A_93 : i32 to vector<16xi32>
        %add3A_213 = arith.addi %mul3A_211, %add3A_212 : vector<16xi32>
        %add3A_214 = arith.constant 48 : i32
        %add3A_215 = vector.broadcast %add3A_214 : i32 to vector<16xi32>
        %add3A_216 = arith.addi %add3A_215, %iota3A : vector<16xi32>
        tpu.vector_store_idx %arg9[%add3A_213, %add3A_216, %add3A_164], %get3A_208 : memref<8x64x128xf32, #tpu.memory_space<vmem>>[vector<16xi32>, vector<16xi32>, vector<16xi32>], vector<16xf32>,
      } else {
      }
      %slice3A_134 = vector.extract_strided_slice %gather3A {offsets = [5], sizes = [1], strides = [1]} : vector<16xi32> to vector<1xi32>
      %squeeze3A_135 = vector.extract %slice3A_134[0] : i32 from vector<1xi32>
      %shift_right_arithmetic3A_136 = arith.constant 7 : i32
      %shift_right_arithmetic3A_137 = arith.shrsi %squeeze3A_135, %shift_right_arithmetic3A_136 : i32
      %eq3A_138 = arith.cmpi eq, %shift_right_arithmetic3A_137, %squeeze3A : i32
      %convert_element_type3A_139 = arith.extui %eq3A_138 : i1 to i32
      %cond3A_140 = arith.constant 0 : i32
      %cond3A_141 = arith.cmpi ne, %convert_element_type3A_139, %cond3A_140 : i32
      scf.if %cond3A_141 {
        %mul3A_158 = arith.constant 0 : i32
        %mul3A_159 = vector.broadcast %mul3A_158 : i32 to vector<16xi32>
        %mul3A_160 = arith.muli %iota3A, %mul3A_159 : vector<16xi32>
        %and3A_161 = arith.constant 127 : i32
        %and3A_162 = arith.andi %squeeze3A_135, %and3A_161 : i32
        %add3A_163 = vector.broadcast %and3A_162 : i32 to vector<16xi32>
        %add3A_164 = arith.addi %mul3A_160, %add3A_163 : vector<16xi32>
        %get3A_165 = arith.constant 5 : i32
        %get3A_166 = arith.index_cast %add3A_93 : i32 to index
        %get3A_167 = arith.index_cast %get3A_165 : i32 to index
        %get3A_168 = arith.constant 0 : index
        %get3A_169 = tpu.vector_load %arg8[%get3A_166, %get3A_167, %get3A_168] {strides = array<i32>} : memref<8x8x64xf32, #tpu.memory_space<vmem>>, vector<16xf32>,
        %mul3A_170 = arith.constant 0 : i32
        %mul3A_171 = vector.broadcast %mul3A_170 : i32 to vector<16xi32>
        %mul3A_172 = arith.muli %iota3A, %mul3A_171 : vector<16xi32>
        %add3A_173 = vector.broadcast %add3A_93 : i32 to vector<16xi32>
        %add3A_174 = arith.addi %mul3A_172, %add3A_173 : vector<16xi32>
        %add3A_175 = arith.constant 0 : i32
        %add3A_176 = vector.broadcast %add3A_175 : i32 to vector<16xi32>
        %add3A_177 = arith.addi %add3A_176, %iota3A : vector<16xi32>
        tpu.vector_store_idx %arg9[%add3A_174, %add3A_177, %add3A_164], %get3A_169 : memref<8x64x128xf32, #tpu.memory_space<vmem>>[vector<16xi32>, vector<16xi32>, vector<16xi32>], vector<16xf32>,
        %get3A_178 = arith.constant 5 : i32
        %get3A_179 = arith.index_cast %add3A_93 : i32 to index
        %get3A_180 = arith.index_cast %get3A_178 : i32 to index
        %get3A_181 = arith.constant 16 : index
        %get3A_182 = tpu.vector_load %arg8[%get3A_179, %get3A_180, %get3A_181] {strides = array<i32>} : memref<8x8x64xf32, #tpu.memory_space<vmem>>, vector<16xf32>,
        %mul3A_183 = arith.constant 0 : i32
        %mul3A_184 = vector.broadcast %mul3A_183 : i32 to vector<16xi32>
        %mul3A_185 = arith.muli %iota3A, %mul3A_184 : vector<16xi32>
        %add3A_186 = vector.broadcast %add3A_93 : i32 to vector<16xi32>
        %add3A_187 = arith.addi %mul3A_185, %add3A_186 : vector<16xi32>
        %add3A_188 = arith.constant 16 : i32
        %add3A_189 = vector.broadcast %add3A_188 : i32 to vector<16xi32>
        %add3A_190 = arith.addi %add3A_189, %iota3A : vector<16xi32>
        tpu.vector_store_idx %arg9[%add3A_187, %add3A_190, %add3A_164], %get3A_182 : memref<8x64x128xf32, #tpu.memory_space<vmem>>[vector<16xi32>, vector<16xi32>, vector<16xi32>], vector<16xf32>,
        %get3A_191 = arith.constant 5 : i32
        %get3A_192 = arith.index_cast %add3A_93 : i32 to index
        %get3A_193 = arith.index_cast %get3A_191 : i32 to index
        %get3A_194 = arith.constant 32 : index
        %get3A_195 = tpu.vector_load %arg8[%get3A_192, %get3A_193, %get3A_194] {strides = array<i32>} : memref<8x8x64xf32, #tpu.memory_space<vmem>>, vector<16xf32>,
        %mul3A_196 = arith.constant 0 : i32
        %mul3A_197 = vector.broadcast %mul3A_196 : i32 to vector<16xi32>
        %mul3A_198 = arith.muli %iota3A, %mul3A_197 : vector<16xi32>
        %add3A_199 = vector.broadcast %add3A_93 : i32 to vector<16xi32>
        %add3A_200 = arith.addi %mul3A_198, %add3A_199 : vector<16xi32>
        %add3A_201 = arith.constant 32 : i32
        %add3A_202 = vector.broadcast %add3A_201 : i32 to vector<16xi32>
        %add3A_203 = arith.addi %add3A_202, %iota3A : vector<16xi32>
        tpu.vector_store_idx %arg9[%add3A_200, %add3A_203, %add3A_164], %get3A_195 : memref<8x64x128xf32, #tpu.memory_space<vmem>>[vector<16xi32>, vector<16xi32>, vector<16xi32>], vector<16xf32>,
        %get3A_204 = arith.constant 5 : i32
        %get3A_205 = arith.index_cast %add3A_93 : i32 to index
        %get3A_206 = arith.index_cast %get3A_204 : i32 to index
        %get3A_207 = arith.constant 48 : index
        %get3A_208 = tpu.vector_load %arg8[%get3A_205, %get3A_206, %get3A_207] {strides = array<i32>} : memref<8x8x64xf32, #tpu.memory_space<vmem>>, vector<16xf32>,
        %mul3A_209 = arith.constant 0 : i32
        %mul3A_210 = vector.broadcast %mul3A_209 : i32 to vector<16xi32>
        %mul3A_211 = arith.muli %iota3A, %mul3A_210 : vector<16xi32>
        %add3A_212 = vector.broadcast %add3A_93 : i32 to vector<16xi32>
        %add3A_213 = arith.addi %mul3A_211, %add3A_212 : vector<16xi32>
        %add3A_214 = arith.constant 48 : i32
        %add3A_215 = vector.broadcast %add3A_214 : i32 to vector<16xi32>
        %add3A_216 = arith.addi %add3A_215, %iota3A : vector<16xi32>
        tpu.vector_store_idx %arg9[%add3A_213, %add3A_216, %add3A_164], %get3A_208 : memref<8x64x128xf32, #tpu.memory_space<vmem>>[vector<16xi32>, vector<16xi32>, vector<16xi32>], vector<16xf32>,
      } else {
      }
      %slice3A_142 = vector.extract_strided_slice %gather3A {offsets = [6], sizes = [1], strides = [1]} : vector<16xi32> to vector<1xi32>
      %squeeze3A_143 = vector.extract %slice3A_142[0] : i32 from vector<1xi32>
      %shift_right_arithmetic3A_144 = arith.constant 7 : i32
      %shift_right_arithmetic3A_145 = arith.shrsi %squeeze3A_143, %shift_right_arithmetic3A_144 : i32
      %eq3A_146 = arith.cmpi eq, %shift_right_arithmetic3A_145, %squeeze3A : i32
      %convert_element_type3A_147 = arith.extui %eq3A_146 : i1 to i32
      %cond3A_148 = arith.constant 0 : i32
      %cond3A_149 = arith.cmpi ne, %convert_element_type3A_147, %cond3A_148 : i32
      scf.if %cond3A_149 {
        %mul3A_158 = arith.constant 0 : i32
        %mul3A_159 = vector.broadcast %mul3A_158 : i32 to vector<16xi32>
        %mul3A_160 = arith.muli %iota3A, %mul3A_159 : vector<16xi32>
        %and3A_161 = arith.constant 127 : i32
        %and3A_162 = arith.andi %squeeze3A_143, %and3A_161 : i32
        %add3A_163 = vector.broadcast %and3A_162 : i32 to vector<16xi32>
        %add3A_164 = arith.addi %mul3A_160, %add3A_163 : vector<16xi32>
        %get3A_165 = arith.constant 6 : i32
        %get3A_166 = arith.index_cast %add3A_93 : i32 to index
        %get3A_167 = arith.index_cast %get3A_165 : i32 to index
        %get3A_168 = arith.constant 0 : index
        %get3A_169 = tpu.vector_load %arg8[%get3A_166, %get3A_167, %get3A_168] {strides = array<i32>} : memref<8x8x64xf32, #tpu.memory_space<vmem>>, vector<16xf32>,
        %mul3A_170 = arith.constant 0 : i32
        %mul3A_171 = vector.broadcast %mul3A_170 : i32 to vector<16xi32>
        %mul3A_172 = arith.muli %iota3A, %mul3A_171 : vector<16xi32>
        %add3A_173 = vector.broadcast %add3A_93 : i32 to vector<16xi32>
        %add3A_174 = arith.addi %mul3A_172, %add3A_173 : vector<16xi32>
        %add3A_175 = arith.constant 0 : i32
        %add3A_176 = vector.broadcast %add3A_175 : i32 to vector<16xi32>
        %add3A_177 = arith.addi %add3A_176, %iota3A : vector<16xi32>
        tpu.vector_store_idx %arg9[%add3A_174, %add3A_177, %add3A_164], %get3A_169 : memref<8x64x128xf32, #tpu.memory_space<vmem>>[vector<16xi32>, vector<16xi32>, vector<16xi32>], vector<16xf32>,
        %get3A_178 = arith.constant 6 : i32
        %get3A_179 = arith.index_cast %add3A_93 : i32 to index
        %get3A_180 = arith.index_cast %get3A_178 : i32 to index
        %get3A_181 = arith.constant 16 : index
        %get3A_182 = tpu.vector_load %arg8[%get3A_179, %get3A_180, %get3A_181] {strides = array<i32>} : memref<8x8x64xf32, #tpu.memory_space<vmem>>, vector<16xf32>,
        %mul3A_183 = arith.constant 0 : i32
        %mul3A_184 = vector.broadcast %mul3A_183 : i32 to vector<16xi32>
        %mul3A_185 = arith.muli %iota3A, %mul3A_184 : vector<16xi32>
        %add3A_186 = vector.broadcast %add3A_93 : i32 to vector<16xi32>
        %add3A_187 = arith.addi %mul3A_185, %add3A_186 : vector<16xi32>
        %add3A_188 = arith.constant 16 : i32
        %add3A_189 = vector.broadcast %add3A_188 : i32 to vector<16xi32>
        %add3A_190 = arith.addi %add3A_189, %iota3A : vector<16xi32>
        tpu.vector_store_idx %arg9[%add3A_187, %add3A_190, %add3A_164], %get3A_182 : memref<8x64x128xf32, #tpu.memory_space<vmem>>[vector<16xi32>, vector<16xi32>, vector<16xi32>], vector<16xf32>,
        %get3A_191 = arith.constant 6 : i32
        %get3A_192 = arith.index_cast %add3A_93 : i32 to index
        %get3A_193 = arith.index_cast %get3A_191 : i32 to index
        %get3A_194 = arith.constant 32 : index
        %get3A_195 = tpu.vector_load %arg8[%get3A_192, %get3A_193, %get3A_194] {strides = array<i32>} : memref<8x8x64xf32, #tpu.memory_space<vmem>>, vector<16xf32>,
        %mul3A_196 = arith.constant 0 : i32
        %mul3A_197 = vector.broadcast %mul3A_196 : i32 to vector<16xi32>
        %mul3A_198 = arith.muli %iota3A, %mul3A_197 : vector<16xi32>
        %add3A_199 = vector.broadcast %add3A_93 : i32 to vector<16xi32>
        %add3A_200 = arith.addi %mul3A_198, %add3A_199 : vector<16xi32>
        %add3A_201 = arith.constant 32 : i32
        %add3A_202 = vector.broadcast %add3A_201 : i32 to vector<16xi32>
        %add3A_203 = arith.addi %add3A_202, %iota3A : vector<16xi32>
        tpu.vector_store_idx %arg9[%add3A_200, %add3A_203, %add3A_164], %get3A_195 : memref<8x64x128xf32, #tpu.memory_space<vmem>>[vector<16xi32>, vector<16xi32>, vector<16xi32>], vector<16xf32>,
        %get3A_204 = arith.constant 6 : i32
        %get3A_205 = arith.index_cast %add3A_93 : i32 to index
        %get3A_206 = arith.index_cast %get3A_204 : i32 to index
        %get3A_207 = arith.constant 48 : index
        %get3A_208 = tpu.vector_load %arg8[%get3A_205, %get3A_206, %get3A_207] {strides = array<i32>} : memref<8x8x64xf32, #tpu.memory_space<vmem>>, vector<16xf32>,
        %mul3A_209 = arith.constant 0 : i32
        %mul3A_210 = vector.broadcast %mul3A_209 : i32 to vector<16xi32>
        %mul3A_211 = arith.muli %iota3A, %mul3A_210 : vector<16xi32>
        %add3A_212 = vector.broadcast %add3A_93 : i32 to vector<16xi32>
        %add3A_213 = arith.addi %mul3A_211, %add3A_212 : vector<16xi32>
        %add3A_214 = arith.constant 48 : i32
        %add3A_215 = vector.broadcast %add3A_214 : i32 to vector<16xi32>
        %add3A_216 = arith.addi %add3A_215, %iota3A : vector<16xi32>
        tpu.vector_store_idx %arg9[%add3A_213, %add3A_216, %add3A_164], %get3A_208 : memref<8x64x128xf32, #tpu.memory_space<vmem>>[vector<16xi32>, vector<16xi32>, vector<16xi32>], vector<16xf32>,
      } else {
      }
      %slice3A_150 = vector.extract_strided_slice %gather3A {offsets = [7], sizes = [1], strides = [1]} : vector<16xi32> to vector<1xi32>
      %squeeze3A_151 = vector.extract %slice3A_150[0] : i32 from vector<1xi32>
      %shift_right_arithmetic3A_152 = arith.constant 7 : i32
      %shift_right_arithmetic3A_153 = arith.shrsi %squeeze3A_151, %shift_right_arithmetic3A_152 : i32
      %eq3A_154 = arith.cmpi eq, %shift_right_arithmetic3A_153, %squeeze3A : i32
      %convert_element_type3A_155 = arith.extui %eq3A_154 : i1 to i32
      %cond3A_156 = arith.constant 0 : i32
      %cond3A_157 = arith.cmpi ne, %convert_element_type3A_155, %cond3A_156 : i32
      scf.if %cond3A_157 {
        %mul3A_158 = arith.constant 0 : i32
        %mul3A_159 = vector.broadcast %mul3A_158 : i32 to vector<16xi32>
        %mul3A_160 = arith.muli %iota3A, %mul3A_159 : vector<16xi32>
        %and3A_161 = arith.constant 127 : i32
        %and3A_162 = arith.andi %squeeze3A_151, %and3A_161 : i32
        %add3A_163 = vector.broadcast %and3A_162 : i32 to vector<16xi32>
        %add3A_164 = arith.addi %mul3A_160, %add3A_163 : vector<16xi32>
        %get3A_165 = arith.constant 7 : i32
        %get3A_166 = arith.index_cast %add3A_93 : i32 to index
        %get3A_167 = arith.index_cast %get3A_165 : i32 to index
        %get3A_168 = arith.constant 0 : index
        %get3A_169 = tpu.vector_load %arg8[%get3A_166, %get3A_167, %get3A_168] {strides = array<i32>} : memref<8x8x64xf32, #tpu.memory_space<vmem>>, vector<16xf32>,
        %mul3A_170 = arith.constant 0 : i32
        %mul3A_171 = vector.broadcast %mul3A_170 : i32 to vector<16xi32>
        %mul3A_172 = arith.muli %iota3A, %mul3A_171 : vector<16xi32>
        %add3A_173 = vector.broadcast %add3A_93 : i32 to vector<16xi32>
        %add3A_174 = arith.addi %mul3A_172, %add3A_173 : vector<16xi32>
        %add3A_175 = arith.constant 0 : i32
        %add3A_176 = vector.broadcast %add3A_175 : i32 to vector<16xi32>
        %add3A_177 = arith.addi %add3A_176, %iota3A : vector<16xi32>
        tpu.vector_store_idx %arg9[%add3A_174, %add3A_177, %add3A_164], %get3A_169 : memref<8x64x128xf32, #tpu.memory_space<vmem>>[vector<16xi32>, vector<16xi32>, vector<16xi32>], vector<16xf32>,
        %get3A_178 = arith.constant 7 : i32
        %get3A_179 = arith.index_cast %add3A_93 : i32 to index
        %get3A_180 = arith.index_cast %get3A_178 : i32 to index
        %get3A_181 = arith.constant 16 : index
        %get3A_182 = tpu.vector_load %arg8[%get3A_179, %get3A_180, %get3A_181] {strides = array<i32>} : memref<8x8x64xf32, #tpu.memory_space<vmem>>, vector<16xf32>,
        %mul3A_183 = arith.constant 0 : i32
        %mul3A_184 = vector.broadcast %mul3A_183 : i32 to vector<16xi32>
        %mul3A_185 = arith.muli %iota3A, %mul3A_184 : vector<16xi32>
        %add3A_186 = vector.broadcast %add3A_93 : i32 to vector<16xi32>
        %add3A_187 = arith.addi %mul3A_185, %add3A_186 : vector<16xi32>
        %add3A_188 = arith.constant 16 : i32
        %add3A_189 = vector.broadcast %add3A_188 : i32 to vector<16xi32>
        %add3A_190 = arith.addi %add3A_189, %iota3A : vector<16xi32>
        tpu.vector_store_idx %arg9[%add3A_187, %add3A_190, %add3A_164], %get3A_182 : memref<8x64x128xf32, #tpu.memory_space<vmem>>[vector<16xi32>, vector<16xi32>, vector<16xi32>], vector<16xf32>,
        %get3A_191 = arith.constant 7 : i32
        %get3A_192 = arith.index_cast %add3A_93 : i32 to index
        %get3A_193 = arith.index_cast %get3A_191 : i32 to index
        %get3A_194 = arith.constant 32 : index
        %get3A_195 = tpu.vector_load %arg8[%get3A_192, %get3A_193, %get3A_194] {strides = array<i32>} : memref<8x8x64xf32, #tpu.memory_space<vmem>>, vector<16xf32>,
        %mul3A_196 = arith.constant 0 : i32
        %mul3A_197 = vector.broadcast %mul3A_196 : i32 to vector<16xi32>
        %mul3A_198 = arith.muli %iota3A, %mul3A_197 : vector<16xi32>
        %add3A_199 = vector.broadcast %add3A_93 : i32 to vector<16xi32>
        %add3A_200 = arith.addi %mul3A_198, %add3A_199 : vector<16xi32>
        %add3A_201 = arith.constant 32 : i32
        %add3A_202 = vector.broadcast %add3A_201 : i32 to vector<16xi32>
        %add3A_203 = arith.addi %add3A_202, %iota3A : vector<16xi32>
        tpu.vector_store_idx %arg9[%add3A_200, %add3A_203, %add3A_164], %get3A_195 : memref<8x64x128xf32, #tpu.memory_space<vmem>>[vector<16xi32>, vector<16xi32>, vector<16xi32>], vector<16xf32>,
        %get3A_204 = arith.constant 7 : i32
        %get3A_205 = arith.index_cast %add3A_93 : i32 to index
        %get3A_206 = arith.index_cast %get3A_204 : i32 to index
        %get3A_207 = arith.constant 48 : index
        %get3A_208 = tpu.vector_load %arg8[%get3A_205, %get3A_206, %get3A_207] {strides = array<i32>} : memref<8x8x64xf32, #tpu.memory_space<vmem>>, vector<16xf32>,
        %mul3A_209 = arith.constant 0 : i32
        %mul3A_210 = vector.broadcast %mul3A_209 : i32 to vector<16xi32>
        %mul3A_211 = arith.muli %iota3A, %mul3A_210 : vector<16xi32>
        %add3A_212 = vector.broadcast %add3A_93 : i32 to vector<16xi32>
        %add3A_213 = arith.addi %mul3A_211, %add3A_212 : vector<16xi32>
        %add3A_214 = arith.constant 48 : i32
        %add3A_215 = vector.broadcast %add3A_214 : i32 to vector<16xi32>
        %add3A_216 = arith.addi %add3A_215, %iota3A : vector<16xi32>
        tpu.vector_store_idx %arg9[%add3A_213, %add3A_216, %add3A_164], %get3A_208 : memref<8x64x128xf32, #tpu.memory_space<vmem>>[vector<16xi32>, vector<16xi32>, vector<16xi32>], vector<16xf32>,
      } else {
      }
    }
    %scan3A_85 = arith.constant 8 : i32
    %mul3A_86 = arith.constant 128 : i32
    %mul3A_87 = arith.muli %squeeze3A_70, %mul3A_86 : i32
    "tpu.region"() ({
      %run_scoped3A = tpu.sem_alloc : memref<!tpu.dma_semaphore, #tpu.memory_space<semaphore_mem>>
      %dma_start3A = arith.constant 0 : i32
      %dma_start3A_89 = tpu.memref_slice %arg5[%mul3A_32, %dma_start3A, %mul3A_87] : memref<16x64x32768xf32, #tpu.memory_space<hbm>> -> memref<8x64x128xf32, #tpu.memory_space<hbm>>
      %dma_start3A_90 = arith.constant 0 : i32
      %dma_start3A_91 = tpu.memref_slice %arg5[%mul3A_32, %dma_start3A_90, %mul3A_87] : memref<16x64x32768xf32, #tpu.memory_space<hbm>> -> memref<8x64x128xf32, #tpu.memory_space<hbm>>
      tpu.enqueue_dma source(%arg9 : memref<8x64x128xf32, #tpu.memory_space<vmem>>) target(%dma_start3A_91 : memref<8x64x128xf32, #tpu.memory_space<hbm>>) target_semaphore(%run_scoped3A : memref<!tpu.dma_semaphore, #tpu.memory_space<semaphore_mem>>)
      %dma_wait3A = arith.constant 0 : i32
      %dma_wait3A_92 = tpu.memref_slice %arg5[%mul3A_32, %dma_wait3A, %mul3A_87] : memref<16x64x32768xf32, #tpu.memory_space<hbm>> -> memref<8x64x128xf32, #tpu.memory_space<hbm>>
      %dma_wait3A_93 = arith.constant 0 : i32
      %dma_wait3A_94 = tpu.memref_slice %arg5[%mul3A_32, %dma_wait3A_93, %mul3A_87] : memref<16x64x32768xf32, #tpu.memory_space<hbm>> -> memref<8x64x128xf32, #tpu.memory_space<hbm>>
      tpu.wait_dma2 semaphore(%run_scoped3A : memref<!tpu.dma_semaphore, #tpu.memory_space<semaphore_mem>>) src(%arg9 : memref<8x64x128xf32, #tpu.memory_space<vmem>>) dst(%dma_wait3A_94 : memref<8x64x128xf32, #tpu.memory_space<hbm>>)
      tpu.yield
    }) : () -> ()
    %convert_element_type3A = arith.extui %ne3A_73 : i1 to i32
    %cond3A = arith.constant 0 : i32
    %cond3A_88 = arith.cmpi ne, %convert_element_type3A, %cond3A : i32
    scf.if %cond3A_88 {
      %scan3A_89 = arith.constant 0 : i32
      %scan3A_90 = arith.constant 8 : i32
      %scan3A_91 = arith.addi %scan3A_89, %scan3A_90 : i32
      %scan3A_92 = arith.constant 1 : i32
      scf.for %scan3A_101 = %scan3A_89 to %scan3A_91 step %scan3A_92  : i32 {
        %mul3A_102 = arith.constant 1 : i32
        %mul3A_103 = arith.muli %scan3A_101, %mul3A_102 : i32
        %add3A_104 = arith.constant 0 : i32
        %add3A_105 = arith.addi %add3A_104, %mul3A_103 : i32
        %slice3A_106 = vector.extract_strided_slice %gather3A {offsets = [0], sizes = [1], strides = [1]} : vector<16xi32> to vector<1xi32>
        %squeeze3A_107 = vector.extract %slice3A_106[0] : i32 from vector<1xi32>
        %shift_right_arithmetic3A_108 = arith.constant 7 : i32
        %shift_right_arithmetic3A_109 = arith.shrsi %squeeze3A_107, %shift_right_arithmetic3A_108 : i32
        %eq3A_110 = arith.cmpi eq, %shift_right_arithmetic3A_109, %squeeze3A : i32
        %convert_element_type3A_111 = arith.extui %eq3A_110 : i1 to i32
        %cond3A_112 = arith.constant 0 : i32
        %cond3A_113 = arith.cmpi ne, %convert_element_type3A_111, %cond3A_112 : i32
        scf.if %cond3A_113 {
          %mul3A_170 = arith.constant 0 : i32
          %mul3A_171 = vector.broadcast %mul3A_170 : i32 to vector<16xi32>
          %mul3A_172 = arith.muli %iota3A, %mul3A_171 : vector<16xi32>
          %and3A_173 = arith.constant 127 : i32
          %and3A_174 = arith.andi %squeeze3A_107, %and3A_173 : i32
          %add3A_175 = vector.broadcast %and3A_174 : i32 to vector<16xi32>
          %add3A_176 = arith.addi %mul3A_172, %add3A_175 : vector<16xi32>
          %mul3A_177 = arith.constant 0 : i32
          %mul3A_178 = vector.broadcast %mul3A_177 : i32 to vector<16xi32>
          %mul3A_179 = arith.muli %iota3A, %mul3A_178 : vector<16xi32>
          %add3A_180 = vector.broadcast %add3A_105 : i32 to vector<16xi32>
          %add3A_181 = arith.addi %mul3A_179, %add3A_180 : vector<16xi32>
          %add3A_182 = arith.constant 0 : i32
          %add3A_183 = vector.broadcast %add3A_182 : i32 to vector<16xi32>
          %add3A_184 = arith.addi %add3A_183, %iota3A : vector<16xi32>
          tpu.vector_store_idx %arg9[%add3A_181, %add3A_184, %add3A_176], %mul3A_81 : memref<8x64x128xf32, #tpu.memory_space<vmem>>[vector<16xi32>, vector<16xi32>, vector<16xi32>], vector<16xf32>,
          %mul3A_185 = arith.constant 0 : i32
          %mul3A_186 = vector.broadcast %mul3A_185 : i32 to vector<16xi32>
          %mul3A_187 = arith.muli %iota3A, %mul3A_186 : vector<16xi32>
          %add3A_188 = vector.broadcast %add3A_105 : i32 to vector<16xi32>
          %add3A_189 = arith.addi %mul3A_187, %add3A_188 : vector<16xi32>
          %add3A_190 = arith.constant 16 : i32
          %add3A_191 = vector.broadcast %add3A_190 : i32 to vector<16xi32>
          %add3A_192 = arith.addi %add3A_191, %iota3A : vector<16xi32>
          tpu.vector_store_idx %arg9[%add3A_189, %add3A_192, %add3A_176], %mul3A_81 : memref<8x64x128xf32, #tpu.memory_space<vmem>>[vector<16xi32>, vector<16xi32>, vector<16xi32>], vector<16xf32>,
          %mul3A_193 = arith.constant 0 : i32
          %mul3A_194 = vector.broadcast %mul3A_193 : i32 to vector<16xi32>
          %mul3A_195 = arith.muli %iota3A, %mul3A_194 : vector<16xi32>
          %add3A_196 = vector.broadcast %add3A_105 : i32 to vector<16xi32>
          %add3A_197 = arith.addi %mul3A_195, %add3A_196 : vector<16xi32>
          %add3A_198 = arith.constant 32 : i32
          %add3A_199 = vector.broadcast %add3A_198 : i32 to vector<16xi32>
          %add3A_200 = arith.addi %add3A_199, %iota3A : vector<16xi32>
          tpu.vector_store_idx %arg9[%add3A_197, %add3A_200, %add3A_176], %mul3A_81 : memref<8x64x128xf32, #tpu.memory_space<vmem>>[vector<16xi32>, vector<16xi32>, vector<16xi32>], vector<16xf32>,
          %mul3A_201 = arith.constant 0 : i32
          %mul3A_202 = vector.broadcast %mul3A_201 : i32 to vector<16xi32>
          %mul3A_203 = arith.muli %iota3A, %mul3A_202 : vector<16xi32>
          %add3A_204 = vector.broadcast %add3A_105 : i32 to vector<16xi32>
          %add3A_205 = arith.addi %mul3A_203, %add3A_204 : vector<16xi32>
          %add3A_206 = arith.constant 48 : i32
          %add3A_207 = vector.broadcast %add3A_206 : i32 to vector<16xi32>
          %add3A_208 = arith.addi %add3A_207, %iota3A : vector<16xi32>
          tpu.vector_store_idx %arg9[%add3A_205, %add3A_208, %add3A_176], %mul3A_81 : memref<8x64x128xf32, #tpu.memory_space<vmem>>[vector<16xi32>, vector<16xi32>, vector<16xi32>], vector<16xf32>,
        } else {
        }
        %slice3A_114 = vector.extract_strided_slice %gather3A {offsets = [1], sizes = [1], strides = [1]} : vector<16xi32> to vector<1xi32>
        %squeeze3A_115 = vector.extract %slice3A_114[0] : i32 from vector<1xi32>
        %shift_right_arithmetic3A_116 = arith.constant 7 : i32
        %shift_right_arithmetic3A_117 = arith.shrsi %squeeze3A_115, %shift_right_arithmetic3A_116 : i32
        %eq3A_118 = arith.cmpi eq, %shift_right_arithmetic3A_117, %squeeze3A : i32
        %convert_element_type3A_119 = arith.extui %eq3A_118 : i1 to i32
        %cond3A_120 = arith.constant 0 : i32
        %cond3A_121 = arith.cmpi ne, %convert_element_type3A_119, %cond3A_120 : i32
        scf.if %cond3A_121 {
          %mul3A_170 = arith.constant 0 : i32
          %mul3A_171 = vector.broadcast %mul3A_170 : i32 to vector<16xi32>
          %mul3A_172 = arith.muli %iota3A, %mul3A_171 : vector<16xi32>
          %and3A_173 = arith.constant 127 : i32
          %and3A_174 = arith.andi %squeeze3A_115, %and3A_173 : i32
          %add3A_175 = vector.broadcast %and3A_174 : i32 to vector<16xi32>
          %add3A_176 = arith.addi %mul3A_172, %add3A_175 : vector<16xi32>
          %mul3A_177 = arith.constant 0 : i32
          %mul3A_178 = vector.broadcast %mul3A_177 : i32 to vector<16xi32>
          %mul3A_179 = arith.muli %iota3A, %mul3A_178 : vector<16xi32>
          %add3A_180 = vector.broadcast %add3A_105 : i32 to vector<16xi32>
          %add3A_181 = arith.addi %mul3A_179, %add3A_180 : vector<16xi32>
          %add3A_182 = arith.constant 0 : i32
          %add3A_183 = vector.broadcast %add3A_182 : i32 to vector<16xi32>
          %add3A_184 = arith.addi %add3A_183, %iota3A : vector<16xi32>
          tpu.vector_store_idx %arg9[%add3A_181, %add3A_184, %add3A_176], %mul3A_81 : memref<8x64x128xf32, #tpu.memory_space<vmem>>[vector<16xi32>, vector<16xi32>, vector<16xi32>], vector<16xf32>,
          %mul3A_185 = arith.constant 0 : i32
          %mul3A_186 = vector.broadcast %mul3A_185 : i32 to vector<16xi32>
          %mul3A_187 = arith.muli %iota3A, %mul3A_186 : vector<16xi32>
          %add3A_188 = vector.broadcast %add3A_105 : i32 to vector<16xi32>
          %add3A_189 = arith.addi %mul3A_187, %add3A_188 : vector<16xi32>
          %add3A_190 = arith.constant 16 : i32
          %add3A_191 = vector.broadcast %add3A_190 : i32 to vector<16xi32>
          %add3A_192 = arith.addi %add3A_191, %iota3A : vector<16xi32>
          tpu.vector_store_idx %arg9[%add3A_189, %add3A_192, %add3A_176], %mul3A_81 : memref<8x64x128xf32, #tpu.memory_space<vmem>>[vector<16xi32>, vector<16xi32>, vector<16xi32>], vector<16xf32>,
          %mul3A_193 = arith.constant 0 : i32
          %mul3A_194 = vector.broadcast %mul3A_193 : i32 to vector<16xi32>
          %mul3A_195 = arith.muli %iota3A, %mul3A_194 : vector<16xi32>
          %add3A_196 = vector.broadcast %add3A_105 : i32 to vector<16xi32>
          %add3A_197 = arith.addi %mul3A_195, %add3A_196 : vector<16xi32>
          %add3A_198 = arith.constant 32 : i32
          %add3A_199 = vector.broadcast %add3A_198 : i32 to vector<16xi32>
          %add3A_200 = arith.addi %add3A_199, %iota3A : vector<16xi32>
          tpu.vector_store_idx %arg9[%add3A_197, %add3A_200, %add3A_176], %mul3A_81 : memref<8x64x128xf32, #tpu.memory_space<vmem>>[vector<16xi32>, vector<16xi32>, vector<16xi32>], vector<16xf32>,
          %mul3A_201 = arith.constant 0 : i32
          %mul3A_202 = vector.broadcast %mul3A_201 : i32 to vector<16xi32>
          %mul3A_203 = arith.muli %iota3A, %mul3A_202 : vector<16xi32>
          %add3A_204 = vector.broadcast %add3A_105 : i32 to vector<16xi32>
          %add3A_205 = arith.addi %mul3A_203, %add3A_204 : vector<16xi32>
          %add3A_206 = arith.constant 48 : i32
          %add3A_207 = vector.broadcast %add3A_206 : i32 to vector<16xi32>
          %add3A_208 = arith.addi %add3A_207, %iota3A : vector<16xi32>
          tpu.vector_store_idx %arg9[%add3A_205, %add3A_208, %add3A_176], %mul3A_81 : memref<8x64x128xf32, #tpu.memory_space<vmem>>[vector<16xi32>, vector<16xi32>, vector<16xi32>], vector<16xf32>,
        } else {
        }
        %slice3A_122 = vector.extract_strided_slice %gather3A {offsets = [2], sizes = [1], strides = [1]} : vector<16xi32> to vector<1xi32>
        %squeeze3A_123 = vector.extract %slice3A_122[0] : i32 from vector<1xi32>
        %shift_right_arithmetic3A_124 = arith.constant 7 : i32
        %shift_right_arithmetic3A_125 = arith.shrsi %squeeze3A_123, %shift_right_arithmetic3A_124 : i32
        %eq3A_126 = arith.cmpi eq, %shift_right_arithmetic3A_125, %squeeze3A : i32
        %convert_element_type3A_127 = arith.extui %eq3A_126 : i1 to i32
        %cond3A_128 = arith.constant 0 : i32
        %cond3A_129 = arith.cmpi ne, %convert_element_type3A_127, %cond3A_128 : i32
        scf.if %cond3A_129 {
          %mul3A_170 = arith.constant 0 : i32
          %mul3A_171 = vector.broadcast %mul3A_170 : i32 to vector<16xi32>
          %mul3A_172 = arith.muli %iota3A, %mul3A_171 : vector<16xi32>
          %and3A_173 = arith.constant 127 : i32
          %and3A_174 = arith.andi %squeeze3A_123, %and3A_173 : i32
          %add3A_175 = vector.broadcast %and3A_174 : i32 to vector<16xi32>
          %add3A_176 = arith.addi %mul3A_172, %add3A_175 : vector<16xi32>
          %mul3A_177 = arith.constant 0 : i32
          %mul3A_178 = vector.broadcast %mul3A_177 : i32 to vector<16xi32>
          %mul3A_179 = arith.muli %iota3A, %mul3A_178 : vector<16xi32>
          %add3A_180 = vector.broadcast %add3A_105 : i32 to vector<16xi32>
          %add3A_181 = arith.addi %mul3A_179, %add3A_180 : vector<16xi32>
          %add3A_182 = arith.constant 0 : i32
          %add3A_183 = vector.broadcast %add3A_182 : i32 to vector<16xi32>
          %add3A_184 = arith.addi %add3A_183, %iota3A : vector<16xi32>
          tpu.vector_store_idx %arg9[%add3A_181, %add3A_184, %add3A_176], %mul3A_81 : memref<8x64x128xf32, #tpu.memory_space<vmem>>[vector<16xi32>, vector<16xi32>, vector<16xi32>], vector<16xf32>,
          %mul3A_185 = arith.constant 0 : i32
          %mul3A_186 = vector.broadcast %mul3A_185 : i32 to vector<16xi32>
          %mul3A_187 = arith.muli %iota3A, %mul3A_186 : vector<16xi32>
          %add3A_188 = vector.broadcast %add3A_105 : i32 to vector<16xi32>
          %add3A_189 = arith.addi %mul3A_187, %add3A_188 : vector<16xi32>
          %add3A_190 = arith.constant 16 : i32
          %add3A_191 = vector.broadcast %add3A_190 : i32 to vector<16xi32>
          %add3A_192 = arith.addi %add3A_191, %iota3A : vector<16xi32>
          tpu.vector_store_idx %arg9[%add3A_189, %add3A_192, %add3A_176], %mul3A_81 : memref<8x64x128xf32, #tpu.memory_space<vmem>>[vector<16xi32>, vector<16xi32>, vector<16xi32>], vector<16xf32>,
          %mul3A_193 = arith.constant 0 : i32
          %mul3A_194 = vector.broadcast %mul3A_193 : i32 to vector<16xi32>
          %mul3A_195 = arith.muli %iota3A, %mul3A_194 : vector<16xi32>
          %add3A_196 = vector.broadcast %add3A_105 : i32 to vector<16xi32>
          %add3A_197 = arith.addi %mul3A_195, %add3A_196 : vector<16xi32>
          %add3A_198 = arith.constant 32 : i32
          %add3A_199 = vector.broadcast %add3A_198 : i32 to vector<16xi32>
          %add3A_200 = arith.addi %add3A_199, %iota3A : vector<16xi32>
          tpu.vector_store_idx %arg9[%add3A_197, %add3A_200, %add3A_176], %mul3A_81 : memref<8x64x128xf32, #tpu.memory_space<vmem>>[vector<16xi32>, vector<16xi32>, vector<16xi32>], vector<16xf32>,
          %mul3A_201 = arith.constant 0 : i32
          %mul3A_202 = vector.broadcast %mul3A_201 : i32 to vector<16xi32>
          %mul3A_203 = arith.muli %iota3A, %mul3A_202 : vector<16xi32>
          %add3A_204 = vector.broadcast %add3A_105 : i32 to vector<16xi32>
          %add3A_205 = arith.addi %mul3A_203, %add3A_204 : vector<16xi32>
          %add3A_206 = arith.constant 48 : i32
          %add3A_207 = vector.broadcast %add3A_206 : i32 to vector<16xi32>
          %add3A_208 = arith.addi %add3A_207, %iota3A : vector<16xi32>
          tpu.vector_store_idx %arg9[%add3A_205, %add3A_208, %add3A_176], %mul3A_81 : memref<8x64x128xf32, #tpu.memory_space<vmem>>[vector<16xi32>, vector<16xi32>, vector<16xi32>], vector<16xf32>,
        } else {
        }
        %slice3A_130 = vector.extract_strided_slice %gather3A {offsets = [3], sizes = [1], strides = [1]} : vector<16xi32> to vector<1xi32>
        %squeeze3A_131 = vector.extract %slice3A_130[0] : i32 from vector<1xi32>
        %shift_right_arithmetic3A_132 = arith.constant 7 : i32
        %shift_right_arithmetic3A_133 = arith.shrsi %squeeze3A_131, %shift_right_arithmetic3A_132 : i32
        %eq3A_134 = arith.cmpi eq, %shift_right_arithmetic3A_133, %squeeze3A : i32
        %convert_element_type3A_135 = arith.extui %eq3A_134 : i1 to i32
        %cond3A_136 = arith.constant 0 : i32
        %cond3A_137 = arith.cmpi ne, %convert_element_type3A_135, %cond3A_136 : i32
        scf.if %cond3A_137 {
          %mul3A_170 = arith.constant 0 : i32
          %mul3A_171 = vector.broadcast %mul3A_170 : i32 to vector<16xi32>
          %mul3A_172 = arith.muli %iota3A, %mul3A_171 : vector<16xi32>
          %and3A_173 = arith.constant 127 : i32
          %and3A_174 = arith.andi %squeeze3A_131, %and3A_173 : i32
          %add3A_175 = vector.broadcast %and3A_174 : i32 to vector<16xi32>
          %add3A_176 = arith.addi %mul3A_172, %add3A_175 : vector<16xi32>
          %mul3A_177 = arith.constant 0 : i32
          %mul3A_178 = vector.broadcast %mul3A_177 : i32 to vector<16xi32>
          %mul3A_179 = arith.muli %iota3A, %mul3A_178 : vector<16xi32>
          %add3A_180 = vector.broadcast %add3A_105 : i32 to vector<16xi32>
          %add3A_181 = arith.addi %mul3A_179, %add3A_180 : vector<16xi32>
          %add3A_182 = arith.constant 0 : i32
          %add3A_183 = vector.broadcast %add3A_182 : i32 to vector<16xi32>
          %add3A_184 = arith.addi %add3A_183, %iota3A : vector<16xi32>
          tpu.vector_store_idx %arg9[%add3A_181, %add3A_184, %add3A_176], %mul3A_81 : memref<8x64x128xf32, #tpu.memory_space<vmem>>[vector<16xi32>, vector<16xi32>, vector<16xi32>], vector<16xf32>,
          %mul3A_185 = arith.constant 0 : i32
          %mul3A_186 = vector.broadcast %mul3A_185 : i32 to vector<16xi32>
          %mul3A_187 = arith.muli %iota3A, %mul3A_186 : vector<16xi32>
          %add3A_188 = vector.broadcast %add3A_105 : i32 to vector<16xi32>
          %add3A_189 = arith.addi %mul3A_187, %add3A_188 : vector<16xi32>
          %add3A_190 = arith.constant 16 : i32
          %add3A_191 = vector.broadcast %add3A_190 : i32 to vector<16xi32>
          %add3A_192 = arith.addi %add3A_191, %iota3A : vector<16xi32>
          tpu.vector_store_idx %arg9[%add3A_189, %add3A_192, %add3A_176], %mul3A_81 : memref<8x64x128xf32, #tpu.memory_space<vmem>>[vector<16xi32>, vector<16xi32>, vector<16xi32>], vector<16xf32>,
          %mul3A_193 = arith.constant 0 : i32
          %mul3A_194 = vector.broadcast %mul3A_193 : i32 to vector<16xi32>
          %mul3A_195 = arith.muli %iota3A, %mul3A_194 : vector<16xi32>
          %add3A_196 = vector.broadcast %add3A_105 : i32 to vector<16xi32>
          %add3A_197 = arith.addi %mul3A_195, %add3A_196 : vector<16xi32>
          %add3A_198 = arith.constant 32 : i32
          %add3A_199 = vector.broadcast %add3A_198 : i32 to vector<16xi32>
          %add3A_200 = arith.addi %add3A_199, %iota3A : vector<16xi32>
          tpu.vector_store_idx %arg9[%add3A_197, %add3A_200, %add3A_176], %mul3A_81 : memref<8x64x128xf32, #tpu.memory_space<vmem>>[vector<16xi32>, vector<16xi32>, vector<16xi32>], vector<16xf32>,
          %mul3A_201 = arith.constant 0 : i32
          %mul3A_202 = vector.broadcast %mul3A_201 : i32 to vector<16xi32>
          %mul3A_203 = arith.muli %iota3A, %mul3A_202 : vector<16xi32>
          %add3A_204 = vector.broadcast %add3A_105 : i32 to vector<16xi32>
          %add3A_205 = arith.addi %mul3A_203, %add3A_204 : vector<16xi32>
          %add3A_206 = arith.constant 48 : i32
          %add3A_207 = vector.broadcast %add3A_206 : i32 to vector<16xi32>
          %add3A_208 = arith.addi %add3A_207, %iota3A : vector<16xi32>
          tpu.vector_store_idx %arg9[%add3A_205, %add3A_208, %add3A_176], %mul3A_81 : memref<8x64x128xf32, #tpu.memory_space<vmem>>[vector<16xi32>, vector<16xi32>, vector<16xi32>], vector<16xf32>,
        } else {
        }
        %slice3A_138 = vector.extract_strided_slice %gather3A {offsets = [4], sizes = [1], strides = [1]} : vector<16xi32> to vector<1xi32>
        %squeeze3A_139 = vector.extract %slice3A_138[0] : i32 from vector<1xi32>
        %shift_right_arithmetic3A_140 = arith.constant 7 : i32
        %shift_right_arithmetic3A_141 = arith.shrsi %squeeze3A_139, %shift_right_arithmetic3A_140 : i32
        %eq3A_142 = arith.cmpi eq, %shift_right_arithmetic3A_141, %squeeze3A : i32
        %convert_element_type3A_143 = arith.extui %eq3A_142 : i1 to i32
        %cond3A_144 = arith.constant 0 : i32
        %cond3A_145 = arith.cmpi ne, %convert_element_type3A_143, %cond3A_144 : i32
        scf.if %cond3A_145 {
          %mul3A_170 = arith.constant 0 : i32
          %mul3A_171 = vector.broadcast %mul3A_170 : i32 to vector<16xi32>
          %mul3A_172 = arith.muli %iota3A, %mul3A_171 : vector<16xi32>
          %and3A_173 = arith.constant 127 : i32
          %and3A_174 = arith.andi %squeeze3A_139, %and3A_173 : i32
          %add3A_175 = vector.broadcast %and3A_174 : i32 to vector<16xi32>
          %add3A_176 = arith.addi %mul3A_172, %add3A_175 : vector<16xi32>
          %mul3A_177 = arith.constant 0 : i32
          %mul3A_178 = vector.broadcast %mul3A_177 : i32 to vector<16xi32>
          %mul3A_179 = arith.muli %iota3A, %mul3A_178 : vector<16xi32>
          %add3A_180 = vector.broadcast %add3A_105 : i32 to vector<16xi32>
          %add3A_181 = arith.addi %mul3A_179, %add3A_180 : vector<16xi32>
          %add3A_182 = arith.constant 0 : i32
          %add3A_183 = vector.broadcast %add3A_182 : i32 to vector<16xi32>
          %add3A_184 = arith.addi %add3A_183, %iota3A : vector<16xi32>
          tpu.vector_store_idx %arg9[%add3A_181, %add3A_184, %add3A_176], %mul3A_81 : memref<8x64x128xf32, #tpu.memory_space<vmem>>[vector<16xi32>, vector<16xi32>, vector<16xi32>], vector<16xf32>,
          %mul3A_185 = arith.constant 0 : i32
          %mul3A_186 = vector.broadcast %mul3A_185 : i32 to vector<16xi32>
          %mul3A_187 = arith.muli %iota3A, %mul3A_186 : vector<16xi32>
          %add3A_188 = vector.broadcast %add3A_105 : i32 to vector<16xi32>
          %add3A_189 = arith.addi %mul3A_187, %add3A_188 : vector<16xi32>
          %add3A_190 = arith.constant 16 : i32
          %add3A_191 = vector.broadcast %add3A_190 : i32 to vector<16xi32>
          %add3A_192 = arith.addi %add3A_191, %iota3A : vector<16xi32>
          tpu.vector_store_idx %arg9[%add3A_189, %add3A_192, %add3A_176], %mul3A_81 : memref<8x64x128xf32, #tpu.memory_space<vmem>>[vector<16xi32>, vector<16xi32>, vector<16xi32>], vector<16xf32>,
          %mul3A_193 = arith.constant 0 : i32
          %mul3A_194 = vector.broadcast %mul3A_193 : i32 to vector<16xi32>
          %mul3A_195 = arith.muli %iota3A, %mul3A_194 : vector<16xi32>
          %add3A_196 = vector.broadcast %add3A_105 : i32 to vector<16xi32>
          %add3A_197 = arith.addi %mul3A_195, %add3A_196 : vector<16xi32>
          %add3A_198 = arith.constant 32 : i32
          %add3A_199 = vector.broadcast %add3A_198 : i32 to vector<16xi32>
          %add3A_200 = arith.addi %add3A_199, %iota3A : vector<16xi32>
          tpu.vector_store_idx %arg9[%add3A_197, %add3A_200, %add3A_176], %mul3A_81 : memref<8x64x128xf32, #tpu.memory_space<vmem>>[vector<16xi32>, vector<16xi32>, vector<16xi32>], vector<16xf32>,
          %mul3A_201 = arith.constant 0 : i32
          %mul3A_202 = vector.broadcast %mul3A_201 : i32 to vector<16xi32>
          %mul3A_203 = arith.muli %iota3A, %mul3A_202 : vector<16xi32>
          %add3A_204 = vector.broadcast %add3A_105 : i32 to vector<16xi32>
          %add3A_205 = arith.addi %mul3A_203, %add3A_204 : vector<16xi32>
          %add3A_206 = arith.constant 48 : i32
          %add3A_207 = vector.broadcast %add3A_206 : i32 to vector<16xi32>
          %add3A_208 = arith.addi %add3A_207, %iota3A : vector<16xi32>
          tpu.vector_store_idx %arg9[%add3A_205, %add3A_208, %add3A_176], %mul3A_81 : memref<8x64x128xf32, #tpu.memory_space<vmem>>[vector<16xi32>, vector<16xi32>, vector<16xi32>], vector<16xf32>,
        } else {
        }
        %slice3A_146 = vector.extract_strided_slice %gather3A {offsets = [5], sizes = [1], strides = [1]} : vector<16xi32> to vector<1xi32>
        %squeeze3A_147 = vector.extract %slice3A_146[0] : i32 from vector<1xi32>
        %shift_right_arithmetic3A_148 = arith.constant 7 : i32
        %shift_right_arithmetic3A_149 = arith.shrsi %squeeze3A_147, %shift_right_arithmetic3A_148 : i32
        %eq3A_150 = arith.cmpi eq, %shift_right_arithmetic3A_149, %squeeze3A : i32
        %convert_element_type3A_151 = arith.extui %eq3A_150 : i1 to i32
        %cond3A_152 = arith.constant 0 : i32
        %cond3A_153 = arith.cmpi ne, %convert_element_type3A_151, %cond3A_152 : i32
        scf.if %cond3A_153 {
          %mul3A_170 = arith.constant 0 : i32
          %mul3A_171 = vector.broadcast %mul3A_170 : i32 to vector<16xi32>
          %mul3A_172 = arith.muli %iota3A, %mul3A_171 : vector<16xi32>
          %and3A_173 = arith.constant 127 : i32
          %and3A_174 = arith.andi %squeeze3A_147, %and3A_173 : i32
          %add3A_175 = vector.broadcast %and3A_174 : i32 to vector<16xi32>
          %add3A_176 = arith.addi %mul3A_172, %add3A_175 : vector<16xi32>
          %mul3A_177 = arith.constant 0 : i32
          %mul3A_178 = vector.broadcast %mul3A_177 : i32 to vector<16xi32>
          %mul3A_179 = arith.muli %iota3A, %mul3A_178 : vector<16xi32>
          %add3A_180 = vector.broadcast %add3A_105 : i32 to vector<16xi32>
          %add3A_181 = arith.addi %mul3A_179, %add3A_180 : vector<16xi32>
          %add3A_182 = arith.constant 0 : i32
          %add3A_183 = vector.broadcast %add3A_182 : i32 to vector<16xi32>
          %add3A_184 = arith.addi %add3A_183, %iota3A : vector<16xi32>
          tpu.vector_store_idx %arg9[%add3A_181, %add3A_184, %add3A_176], %mul3A_81 : memref<8x64x128xf32, #tpu.memory_space<vmem>>[vector<16xi32>, vector<16xi32>, vector<16xi32>], vector<16xf32>,
          %mul3A_185 = arith.constant 0 : i32
          %mul3A_186 = vector.broadcast %mul3A_185 : i32 to vector<16xi32>
          %mul3A_187 = arith.muli %iota3A, %mul3A_186 : vector<16xi32>
          %add3A_188 = vector.broadcast %add3A_105 : i32 to vector<16xi32>
          %add3A_189 = arith.addi %mul3A_187, %add3A_188 : vector<16xi32>
          %add3A_190 = arith.constant 16 : i32
          %add3A_191 = vector.broadcast %add3A_190 : i32 to vector<16xi32>
          %add3A_192 = arith.addi %add3A_191, %iota3A : vector<16xi32>
          tpu.vector_store_idx %arg9[%add3A_189, %add3A_192, %add3A_176], %mul3A_81 : memref<8x64x128xf32, #tpu.memory_space<vmem>>[vector<16xi32>, vector<16xi32>, vector<16xi32>], vector<16xf32>,
          %mul3A_193 = arith.constant 0 : i32
          %mul3A_194 = vector.broadcast %mul3A_193 : i32 to vector<16xi32>
          %mul3A_195 = arith.muli %iota3A, %mul3A_194 : vector<16xi32>
          %add3A_196 = vector.broadcast %add3A_105 : i32 to vector<16xi32>
          %add3A_197 = arith.addi %mul3A_195, %add3A_196 : vector<16xi32>
          %add3A_198 = arith.constant 32 : i32
          %add3A_199 = vector.broadcast %add3A_198 : i32 to vector<16xi32>
          %add3A_200 = arith.addi %add3A_199, %iota3A : vector<16xi32>
          tpu.vector_store_idx %arg9[%add3A_197, %add3A_200, %add3A_176], %mul3A_81 : memref<8x64x128xf32, #tpu.memory_space<vmem>>[vector<16xi32>, vector<16xi32>, vector<16xi32>], vector<16xf32>,
          %mul3A_201 = arith.constant 0 : i32
          %mul3A_202 = vector.broadcast %mul3A_201 : i32 to vector<16xi32>
          %mul3A_203 = arith.muli %iota3A, %mul3A_202 : vector<16xi32>
          %add3A_204 = vector.broadcast %add3A_105 : i32 to vector<16xi32>
          %add3A_205 = arith.addi %mul3A_203, %add3A_204 : vector<16xi32>
          %add3A_206 = arith.constant 48 : i32
          %add3A_207 = vector.broadcast %add3A_206 : i32 to vector<16xi32>
          %add3A_208 = arith.addi %add3A_207, %iota3A : vector<16xi32>
          tpu.vector_store_idx %arg9[%add3A_205, %add3A_208, %add3A_176], %mul3A_81 : memref<8x64x128xf32, #tpu.memory_space<vmem>>[vector<16xi32>, vector<16xi32>, vector<16xi32>], vector<16xf32>,
        } else {
        }
        %slice3A_154 = vector.extract_strided_slice %gather3A {offsets = [6], sizes = [1], strides = [1]} : vector<16xi32> to vector<1xi32>
        %squeeze3A_155 = vector.extract %slice3A_154[0] : i32 from vector<1xi32>
        %shift_right_arithmetic3A_156 = arith.constant 7 : i32
        %shift_right_arithmetic3A_157 = arith.shrsi %squeeze3A_155, %shift_right_arithmetic3A_156 : i32
        %eq3A_158 = arith.cmpi eq, %shift_right_arithmetic3A_157, %squeeze3A : i32
        %convert_element_type3A_159 = arith.extui %eq3A_158 : i1 to i32
        %cond3A_160 = arith.constant 0 : i32
        %cond3A_161 = arith.cmpi ne, %convert_element_type3A_159, %cond3A_160 : i32
        scf.if %cond3A_161 {
          %mul3A_170 = arith.constant 0 : i32
          %mul3A_171 = vector.broadcast %mul3A_170 : i32 to vector<16xi32>
          %mul3A_172 = arith.muli %iota3A, %mul3A_171 : vector<16xi32>
          %and3A_173 = arith.constant 127 : i32
          %and3A_174 = arith.andi %squeeze3A_155, %and3A_173 : i32
          %add3A_175 = vector.broadcast %and3A_174 : i32 to vector<16xi32>
          %add3A_176 = arith.addi %mul3A_172, %add3A_175 : vector<16xi32>
          %mul3A_177 = arith.constant 0 : i32
          %mul3A_178 = vector.broadcast %mul3A_177 : i32 to vector<16xi32>
          %mul3A_179 = arith.muli %iota3A, %mul3A_178 : vector<16xi32>
          %add3A_180 = vector.broadcast %add3A_105 : i32 to vector<16xi32>
          %add3A_181 = arith.addi %mul3A_179, %add3A_180 : vector<16xi32>
          %add3A_182 = arith.constant 0 : i32
          %add3A_183 = vector.broadcast %add3A_182 : i32 to vector<16xi32>
          %add3A_184 = arith.addi %add3A_183, %iota3A : vector<16xi32>
          tpu.vector_store_idx %arg9[%add3A_181, %add3A_184, %add3A_176], %mul3A_81 : memref<8x64x128xf32, #tpu.memory_space<vmem>>[vector<16xi32>, vector<16xi32>, vector<16xi32>], vector<16xf32>,
          %mul3A_185 = arith.constant 0 : i32
          %mul3A_186 = vector.broadcast %mul3A_185 : i32 to vector<16xi32>
          %mul3A_187 = arith.muli %iota3A, %mul3A_186 : vector<16xi32>
          %add3A_188 = vector.broadcast %add3A_105 : i32 to vector<16xi32>
          %add3A_189 = arith.addi %mul3A_187, %add3A_188 : vector<16xi32>
          %add3A_190 = arith.constant 16 : i32
          %add3A_191 = vector.broadcast %add3A_190 : i32 to vector<16xi32>
          %add3A_192 = arith.addi %add3A_191, %iota3A : vector<16xi32>
          tpu.vector_store_idx %arg9[%add3A_189, %add3A_192, %add3A_176], %mul3A_81 : memref<8x64x128xf32, #tpu.memory_space<vmem>>[vector<16xi32>, vector<16xi32>, vector<16xi32>], vector<16xf32>,
          %mul3A_193 = arith.constant 0 : i32
          %mul3A_194 = vector.broadcast %mul3A_193 : i32 to vector<16xi32>
          %mul3A_195 = arith.muli %iota3A, %mul3A_194 : vector<16xi32>
          %add3A_196 = vector.broadcast %add3A_105 : i32 to vector<16xi32>
          %add3A_197 = arith.addi %mul3A_195, %add3A_196 : vector<16xi32>
          %add3A_198 = arith.constant 32 : i32
          %add3A_199 = vector.broadcast %add3A_198 : i32 to vector<16xi32>
          %add3A_200 = arith.addi %add3A_199, %iota3A : vector<16xi32>
          tpu.vector_store_idx %arg9[%add3A_197, %add3A_200, %add3A_176], %mul3A_81 : memref<8x64x128xf32, #tpu.memory_space<vmem>>[vector<16xi32>, vector<16xi32>, vector<16xi32>], vector<16xf32>,
          %mul3A_201 = arith.constant 0 : i32
          %mul3A_202 = vector.broadcast %mul3A_201 : i32 to vector<16xi32>
          %mul3A_203 = arith.muli %iota3A, %mul3A_202 : vector<16xi32>
          %add3A_204 = vector.broadcast %add3A_105 : i32 to vector<16xi32>
          %add3A_205 = arith.addi %mul3A_203, %add3A_204 : vector<16xi32>
          %add3A_206 = arith.constant 48 : i32
          %add3A_207 = vector.broadcast %add3A_206 : i32 to vector<16xi32>
          %add3A_208 = arith.addi %add3A_207, %iota3A : vector<16xi32>
          tpu.vector_store_idx %arg9[%add3A_205, %add3A_208, %add3A_176], %mul3A_81 : memref<8x64x128xf32, #tpu.memory_space<vmem>>[vector<16xi32>, vector<16xi32>, vector<16xi32>], vector<16xf32>,
        } else {
        }
        %slice3A_162 = vector.extract_strided_slice %gather3A {offsets = [7], sizes = [1], strides = [1]} : vector<16xi32> to vector<1xi32>
        %squeeze3A_163 = vector.extract %slice3A_162[0] : i32 from vector<1xi32>
        %shift_right_arithmetic3A_164 = arith.constant 7 : i32
        %shift_right_arithmetic3A_165 = arith.shrsi %squeeze3A_163, %shift_right_arithmetic3A_164 : i32
        %eq3A_166 = arith.cmpi eq, %shift_right_arithmetic3A_165, %squeeze3A : i32
        %convert_element_type3A_167 = arith.extui %eq3A_166 : i1 to i32
        %cond3A_168 = arith.constant 0 : i32
        %cond3A_169 = arith.cmpi ne, %convert_element_type3A_167, %cond3A_168 : i32
        scf.if %cond3A_169 {
          %mul3A_170 = arith.constant 0 : i32
          %mul3A_171 = vector.broadcast %mul3A_170 : i32 to vector<16xi32>
          %mul3A_172 = arith.muli %iota3A, %mul3A_171 : vector<16xi32>
          %and3A_173 = arith.constant 127 : i32
          %and3A_174 = arith.andi %squeeze3A_163, %and3A_173 : i32
          %add3A_175 = vector.broadcast %and3A_174 : i32 to vector<16xi32>
          %add3A_176 = arith.addi %mul3A_172, %add3A_175 : vector<16xi32>
          %mul3A_177 = arith.constant 0 : i32
          %mul3A_178 = vector.broadcast %mul3A_177 : i32 to vector<16xi32>
          %mul3A_179 = arith.muli %iota3A, %mul3A_178 : vector<16xi32>
          %add3A_180 = vector.broadcast %add3A_105 : i32 to vector<16xi32>
          %add3A_181 = arith.addi %mul3A_179, %add3A_180 : vector<16xi32>
          %add3A_182 = arith.constant 0 : i32
          %add3A_183 = vector.broadcast %add3A_182 : i32 to vector<16xi32>
          %add3A_184 = arith.addi %add3A_183, %iota3A : vector<16xi32>
          tpu.vector_store_idx %arg9[%add3A_181, %add3A_184, %add3A_176], %mul3A_81 : memref<8x64x128xf32, #tpu.memory_space<vmem>>[vector<16xi32>, vector<16xi32>, vector<16xi32>], vector<16xf32>,
          %mul3A_185 = arith.constant 0 : i32
          %mul3A_186 = vector.broadcast %mul3A_185 : i32 to vector<16xi32>
          %mul3A_187 = arith.muli %iota3A, %mul3A_186 : vector<16xi32>
          %add3A_188 = vector.broadcast %add3A_105 : i32 to vector<16xi32>
          %add3A_189 = arith.addi %mul3A_187, %add3A_188 : vector<16xi32>
          %add3A_190 = arith.constant 16 : i32
          %add3A_191 = vector.broadcast %add3A_190 : i32 to vector<16xi32>
          %add3A_192 = arith.addi %add3A_191, %iota3A : vector<16xi32>
          tpu.vector_store_idx %arg9[%add3A_189, %add3A_192, %add3A_176], %mul3A_81 : memref<8x64x128xf32, #tpu.memory_space<vmem>>[vector<16xi32>, vector<16xi32>, vector<16xi32>], vector<16xf32>,
          %mul3A_193 = arith.constant 0 : i32
          %mul3A_194 = vector.broadcast %mul3A_193 : i32 to vector<16xi32>
          %mul3A_195 = arith.muli %iota3A, %mul3A_194 : vector<16xi32>
          %add3A_196 = vector.broadcast %add3A_105 : i32 to vector<16xi32>
          %add3A_197 = arith.addi %mul3A_195, %add3A_196 : vector<16xi32>
          %add3A_198 = arith.constant 32 : i32
          %add3A_199 = vector.broadcast %add3A_198 : i32 to vector<16xi32>
          %add3A_200 = arith.addi %add3A_199, %iota3A : vector<16xi32>
          tpu.vector_store_idx %arg9[%add3A_197, %add3A_200, %add3A_176], %mul3A_81 : memref<8x64x128xf32, #tpu.memory_space<vmem>>[vector<16xi32>, vector<16xi32>, vector<16xi32>], vector<16xf32>,
          %mul3A_201 = arith.constant 0 : i32
          %mul3A_202 = vector.broadcast %mul3A_201 : i32 to vector<16xi32>
          %mul3A_203 = arith.muli %iota3A, %mul3A_202 : vector<16xi32>
          %add3A_204 = vector.broadcast %add3A_105 : i32 to vector<16xi32>
          %add3A_205 = arith.addi %mul3A_203, %add3A_204 : vector<16xi32>
          %add3A_206 = arith.constant 48 : i32
          %add3A_207 = vector.broadcast %add3A_206 : i32 to vector<16xi32>
          %add3A_208 = arith.addi %add3A_207, %iota3A : vector<16xi32>
          tpu.vector_store_idx %arg9[%add3A_205, %add3A_208, %add3A_176], %mul3A_81 : memref<8x64x128xf32, #tpu.memory_space<vmem>>[vector<16xi32>, vector<16xi32>, vector<16xi32>], vector<16xf32>,
        } else {
        }
      }
      %scan3A_93 = arith.constant 8 : i32
      %scan3A_94 = arith.constant 0 : i32
      %scan3A_95 = arith.constant 8 : i32
      %scan3A_96 = arith.addi %scan3A_94, %scan3A_95 : i32
      %scan3A_97 = arith.constant 1 : i32
      scf.for %scan3A_101 = %scan3A_94 to %scan3A_96 step %scan3A_97  : i32 {
        %mul3A_102 = arith.constant 1 : i32
        %mul3A_103 = arith.muli %scan3A_101, %mul3A_102 : i32
        %add3A_104 = arith.constant 0 : i32
        %add3A_105 = arith.addi %add3A_104, %mul3A_103 : i32
        %slice3A_106 = vector.extract_strided_slice %gather3A {offsets = [0], sizes = [1], strides = [1]} : vector<16xi32> to vector<1xi32>
        %squeeze3A_107 = vector.extract %slice3A_106[0] : i32 from vector<1xi32>
        %shift_right_arithmetic3A_108 = arith.constant 7 : i32
        %shift_right_arithmetic3A_109 = arith.shrsi %squeeze3A_107, %shift_right_arithmetic3A_108 : i32
        %eq3A_110 = arith.cmpi eq, %shift_right_arithmetic3A_109, %squeeze3A_68 : i32
        %convert_element_type3A_111 = arith.extui %eq3A_110 : i1 to i32
        %cond3A_112 = arith.constant 0 : i32
        %cond3A_113 = arith.cmpi ne, %convert_element_type3A_111, %cond3A_112 : i32
        scf.if %cond3A_113 {
          %mul3A_170 = arith.constant 0 : i32
          %mul3A_171 = vector.broadcast %mul3A_170 : i32 to vector<16xi32>
          %mul3A_172 = arith.muli %iota3A, %mul3A_171 : vector<16xi32>
          %and3A_173 = arith.constant 127 : i32
          %and3A_174 = arith.andi %squeeze3A_107, %and3A_173 : i32
          %add3A_175 = vector.broadcast %and3A_174 : i32 to vector<16xi32>
          %add3A_176 = arith.addi %mul3A_172, %add3A_175 : vector<16xi32>
          %get3A_177 = arith.constant 0 : i32
          %get3A_178 = arith.index_cast %add3A_105 : i32 to index
          %get3A_179 = arith.index_cast %get3A_177 : i32 to index
          %get3A_180 = arith.constant 0 : index
          %get3A_181 = tpu.vector_load %arg8[%get3A_178, %get3A_179, %get3A_180] {strides = array<i32>} : memref<8x8x64xf32, #tpu.memory_space<vmem>>, vector<16xf32>,
          %mul3A_182 = arith.constant 0 : i32
          %mul3A_183 = vector.broadcast %mul3A_182 : i32 to vector<16xi32>
          %mul3A_184 = arith.muli %iota3A, %mul3A_183 : vector<16xi32>
          %add3A_185 = vector.broadcast %add3A_105 : i32 to vector<16xi32>
          %add3A_186 = arith.addi %mul3A_184, %add3A_185 : vector<16xi32>
          %add3A_187 = arith.constant 0 : i32
          %add3A_188 = vector.broadcast %add3A_187 : i32 to vector<16xi32>
          %add3A_189 = arith.addi %add3A_188, %iota3A : vector<16xi32>
          tpu.vector_store_idx %arg9[%add3A_186, %add3A_189, %add3A_176], %get3A_181 : memref<8x64x128xf32, #tpu.memory_space<vmem>>[vector<16xi32>, vector<16xi32>, vector<16xi32>], vector<16xf32>,
          %get3A_190 = arith.constant 0 : i32
          %get3A_191 = arith.index_cast %add3A_105 : i32 to index
          %get3A_192 = arith.index_cast %get3A_190 : i32 to index
          %get3A_193 = arith.constant 16 : index
          %get3A_194 = tpu.vector_load %arg8[%get3A_191, %get3A_192, %get3A_193] {strides = array<i32>} : memref<8x8x64xf32, #tpu.memory_space<vmem>>, vector<16xf32>,
          %mul3A_195 = arith.constant 0 : i32
          %mul3A_196 = vector.broadcast %mul3A_195 : i32 to vector<16xi32>
          %mul3A_197 = arith.muli %iota3A, %mul3A_196 : vector<16xi32>
          %add3A_198 = vector.broadcast %add3A_105 : i32 to vector<16xi32>
          %add3A_199 = arith.addi %mul3A_197, %add3A_198 : vector<16xi32>
          %add3A_200 = arith.constant 16 : i32
          %add3A_201 = vector.broadcast %add3A_200 : i32 to vector<16xi32>
          %add3A_202 = arith.addi %add3A_201, %iota3A : vector<16xi32>
          tpu.vector_store_idx %arg9[%add3A_199, %add3A_202, %add3A_176], %get3A_194 : memref<8x64x128xf32, #tpu.memory_space<vmem>>[vector<16xi32>, vector<16xi32>, vector<16xi32>], vector<16xf32>,
          %get3A_203 = arith.constant 0 : i32
          %get3A_204 = arith.index_cast %add3A_105 : i32 to index
          %get3A_205 = arith.index_cast %get3A_203 : i32 to index
          %get3A_206 = arith.constant 32 : index
          %get3A_207 = tpu.vector_load %arg8[%get3A_204, %get3A_205, %get3A_206] {strides = array<i32>} : memref<8x8x64xf32, #tpu.memory_space<vmem>>, vector<16xf32>,
          %mul3A_208 = arith.constant 0 : i32
          %mul3A_209 = vector.broadcast %mul3A_208 : i32 to vector<16xi32>
          %mul3A_210 = arith.muli %iota3A, %mul3A_209 : vector<16xi32>
          %add3A_211 = vector.broadcast %add3A_105 : i32 to vector<16xi32>
          %add3A_212 = arith.addi %mul3A_210, %add3A_211 : vector<16xi32>
          %add3A_213 = arith.constant 32 : i32
          %add3A_214 = vector.broadcast %add3A_213 : i32 to vector<16xi32>
          %add3A_215 = arith.addi %add3A_214, %iota3A : vector<16xi32>
          tpu.vector_store_idx %arg9[%add3A_212, %add3A_215, %add3A_176], %get3A_207 : memref<8x64x128xf32, #tpu.memory_space<vmem>>[vector<16xi32>, vector<16xi32>, vector<16xi32>], vector<16xf32>,
          %get3A_216 = arith.constant 0 : i32
          %get3A_217 = arith.index_cast %add3A_105 : i32 to index
          %get3A_218 = arith.index_cast %get3A_216 : i32 to index
          %get3A_219 = arith.constant 48 : index
          %get3A_220 = tpu.vector_load %arg8[%get3A_217, %get3A_218, %get3A_219] {strides = array<i32>} : memref<8x8x64xf32, #tpu.memory_space<vmem>>, vector<16xf32>,
          %mul3A_221 = arith.constant 0 : i32
          %mul3A_222 = vector.broadcast %mul3A_221 : i32 to vector<16xi32>
          %mul3A_223 = arith.muli %iota3A, %mul3A_222 : vector<16xi32>
          %add3A_224 = vector.broadcast %add3A_105 : i32 to vector<16xi32>
          %add3A_225 = arith.addi %mul3A_223, %add3A_224 : vector<16xi32>
          %add3A_226 = arith.constant 48 : i32
          %add3A_227 = vector.broadcast %add3A_226 : i32 to vector<16xi32>
          %add3A_228 = arith.addi %add3A_227, %iota3A : vector<16xi32>
          tpu.vector_store_idx %arg9[%add3A_225, %add3A_228, %add3A_176], %get3A_220 : memref<8x64x128xf32, #tpu.memory_space<vmem>>[vector<16xi32>, vector<16xi32>, vector<16xi32>], vector<16xf32>,
        } else {
        }
        %slice3A_114 = vector.extract_strided_slice %gather3A {offsets = [1], sizes = [1], strides = [1]} : vector<16xi32> to vector<1xi32>
        %squeeze3A_115 = vector.extract %slice3A_114[0] : i32 from vector<1xi32>
        %shift_right_arithmetic3A_116 = arith.constant 7 : i32
        %shift_right_arithmetic3A_117 = arith.shrsi %squeeze3A_115, %shift_right_arithmetic3A_116 : i32
        %eq3A_118 = arith.cmpi eq, %shift_right_arithmetic3A_117, %squeeze3A_68 : i32
        %convert_element_type3A_119 = arith.extui %eq3A_118 : i1 to i32
        %cond3A_120 = arith.constant 0 : i32
        %cond3A_121 = arith.cmpi ne, %convert_element_type3A_119, %cond3A_120 : i32
        scf.if %cond3A_121 {
          %mul3A_170 = arith.constant 0 : i32
          %mul3A_171 = vector.broadcast %mul3A_170 : i32 to vector<16xi32>
          %mul3A_172 = arith.muli %iota3A, %mul3A_171 : vector<16xi32>
          %and3A_173 = arith.constant 127 : i32
          %and3A_174 = arith.andi %squeeze3A_115, %and3A_173 : i32
          %add3A_175 = vector.broadcast %and3A_174 : i32 to vector<16xi32>
          %add3A_176 = arith.addi %mul3A_172, %add3A_175 : vector<16xi32>
          %get3A_177 = arith.constant 1 : i32
          %get3A_178 = arith.index_cast %add3A_105 : i32 to index
          %get3A_179 = arith.index_cast %get3A_177 : i32 to index
          %get3A_180 = arith.constant 0 : index
          %get3A_181 = tpu.vector_load %arg8[%get3A_178, %get3A_179, %get3A_180] {strides = array<i32>} : memref<8x8x64xf32, #tpu.memory_space<vmem>>, vector<16xf32>,
          %mul3A_182 = arith.constant 0 : i32
          %mul3A_183 = vector.broadcast %mul3A_182 : i32 to vector<16xi32>
          %mul3A_184 = arith.muli %iota3A, %mul3A_183 : vector<16xi32>
          %add3A_185 = vector.broadcast %add3A_105 : i32 to vector<16xi32>
          %add3A_186 = arith.addi %mul3A_184, %add3A_185 : vector<16xi32>
          %add3A_187 = arith.constant 0 : i32
          %add3A_188 = vector.broadcast %add3A_187 : i32 to vector<16xi32>
          %add3A_189 = arith.addi %add3A_188, %iota3A : vector<16xi32>
          tpu.vector_store_idx %arg9[%add3A_186, %add3A_189, %add3A_176], %get3A_181 : memref<8x64x128xf32, #tpu.memory_space<vmem>>[vector<16xi32>, vector<16xi32>, vector<16xi32>], vector<16xf32>,
          %get3A_190 = arith.constant 1 : i32
          %get3A_191 = arith.index_cast %add3A_105 : i32 to index
          %get3A_192 = arith.index_cast %get3A_190 : i32 to index
          %get3A_193 = arith.constant 16 : index
          %get3A_194 = tpu.vector_load %arg8[%get3A_191, %get3A_192, %get3A_193] {strides = array<i32>} : memref<8x8x64xf32, #tpu.memory_space<vmem>>, vector<16xf32>,
          %mul3A_195 = arith.constant 0 : i32
          %mul3A_196 = vector.broadcast %mul3A_195 : i32 to vector<16xi32>
          %mul3A_197 = arith.muli %iota3A, %mul3A_196 : vector<16xi32>
          %add3A_198 = vector.broadcast %add3A_105 : i32 to vector<16xi32>
          %add3A_199 = arith.addi %mul3A_197, %add3A_198 : vector<16xi32>
          %add3A_200 = arith.constant 16 : i32
          %add3A_201 = vector.broadcast %add3A_200 : i32 to vector<16xi32>
          %add3A_202 = arith.addi %add3A_201, %iota3A : vector<16xi32>
          tpu.vector_store_idx %arg9[%add3A_199, %add3A_202, %add3A_176], %get3A_194 : memref<8x64x128xf32, #tpu.memory_space<vmem>>[vector<16xi32>, vector<16xi32>, vector<16xi32>], vector<16xf32>,
          %get3A_203 = arith.constant 1 : i32
          %get3A_204 = arith.index_cast %add3A_105 : i32 to index
          %get3A_205 = arith.index_cast %get3A_203 : i32 to index
          %get3A_206 = arith.constant 32 : index
          %get3A_207 = tpu.vector_load %arg8[%get3A_204, %get3A_205, %get3A_206] {strides = array<i32>} : memref<8x8x64xf32, #tpu.memory_space<vmem>>, vector<16xf32>,
          %mul3A_208 = arith.constant 0 : i32
          %mul3A_209 = vector.broadcast %mul3A_208 : i32 to vector<16xi32>
          %mul3A_210 = arith.muli %iota3A, %mul3A_209 : vector<16xi32>
          %add3A_211 = vector.broadcast %add3A_105 : i32 to vector<16xi32>
          %add3A_212 = arith.addi %mul3A_210, %add3A_211 : vector<16xi32>
          %add3A_213 = arith.constant 32 : i32
          %add3A_214 = vector.broadcast %add3A_213 : i32 to vector<16xi32>
          %add3A_215 = arith.addi %add3A_214, %iota3A : vector<16xi32>
          tpu.vector_store_idx %arg9[%add3A_212, %add3A_215, %add3A_176], %get3A_207 : memref<8x64x128xf32, #tpu.memory_space<vmem>>[vector<16xi32>, vector<16xi32>, vector<16xi32>], vector<16xf32>,
          %get3A_216 = arith.constant 1 : i32
          %get3A_217 = arith.index_cast %add3A_105 : i32 to index
          %get3A_218 = arith.index_cast %get3A_216 : i32 to index
          %get3A_219 = arith.constant 48 : index
          %get3A_220 = tpu.vector_load %arg8[%get3A_217, %get3A_218, %get3A_219] {strides = array<i32>} : memref<8x8x64xf32, #tpu.memory_space<vmem>>, vector<16xf32>,
          %mul3A_221 = arith.constant 0 : i32
          %mul3A_222 = vector.broadcast %mul3A_221 : i32 to vector<16xi32>
          %mul3A_223 = arith.muli %iota3A, %mul3A_222 : vector<16xi32>
          %add3A_224 = vector.broadcast %add3A_105 : i32 to vector<16xi32>
          %add3A_225 = arith.addi %mul3A_223, %add3A_224 : vector<16xi32>
          %add3A_226 = arith.constant 48 : i32
          %add3A_227 = vector.broadcast %add3A_226 : i32 to vector<16xi32>
          %add3A_228 = arith.addi %add3A_227, %iota3A : vector<16xi32>
          tpu.vector_store_idx %arg9[%add3A_225, %add3A_228, %add3A_176], %get3A_220 : memref<8x64x128xf32, #tpu.memory_space<vmem>>[vector<16xi32>, vector<16xi32>, vector<16xi32>], vector<16xf32>,
        } else {
        }
        %slice3A_122 = vector.extract_strided_slice %gather3A {offsets = [2], sizes = [1], strides = [1]} : vector<16xi32> to vector<1xi32>
        %squeeze3A_123 = vector.extract %slice3A_122[0] : i32 from vector<1xi32>
        %shift_right_arithmetic3A_124 = arith.constant 7 : i32
        %shift_right_arithmetic3A_125 = arith.shrsi %squeeze3A_123, %shift_right_arithmetic3A_124 : i32
        %eq3A_126 = arith.cmpi eq, %shift_right_arithmetic3A_125, %squeeze3A_68 : i32
        %convert_element_type3A_127 = arith.extui %eq3A_126 : i1 to i32
        %cond3A_128 = arith.constant 0 : i32
        %cond3A_129 = arith.cmpi ne, %convert_element_type3A_127, %cond3A_128 : i32
        scf.if %cond3A_129 {
          %mul3A_170 = arith.constant 0 : i32
          %mul3A_171 = vector.broadcast %mul3A_170 : i32 to vector<16xi32>
          %mul3A_172 = arith.muli %iota3A, %mul3A_171 : vector<16xi32>
          %and3A_173 = arith.constant 127 : i32
          %and3A_174 = arith.andi %squeeze3A_123, %and3A_173 : i32
          %add3A_175 = vector.broadcast %and3A_174 : i32 to vector<16xi32>
          %add3A_176 = arith.addi %mul3A_172, %add3A_175 : vector<16xi32>
          %get3A_177 = arith.constant 2 : i32
          %get3A_178 = arith.index_cast %add3A_105 : i32 to index
          %get3A_179 = arith.index_cast %get3A_177 : i32 to index
          %get3A_180 = arith.constant 0 : index
          %get3A_181 = tpu.vector_load %arg8[%get3A_178, %get3A_179, %get3A_180] {strides = array<i32>} : memref<8x8x64xf32, #tpu.memory_space<vmem>>, vector<16xf32>,
          %mul3A_182 = arith.constant 0 : i32
          %mul3A_183 = vector.broadcast %mul3A_182 : i32 to vector<16xi32>
          %mul3A_184 = arith.muli %iota3A, %mul3A_183 : vector<16xi32>
          %add3A_185 = vector.broadcast %add3A_105 : i32 to vector<16xi32>
          %add3A_186 = arith.addi %mul3A_184, %add3A_185 : vector<16xi32>
          %add3A_187 = arith.constant 0 : i32
          %add3A_188 = vector.broadcast %add3A_187 : i32 to vector<16xi32>
          %add3A_189 = arith.addi %add3A_188, %iota3A : vector<16xi32>
          tpu.vector_store_idx %arg9[%add3A_186, %add3A_189, %add3A_176], %get3A_181 : memref<8x64x128xf32, #tpu.memory_space<vmem>>[vector<16xi32>, vector<16xi32>, vector<16xi32>], vector<16xf32>,
          %get3A_190 = arith.constant 2 : i32
          %get3A_191 = arith.index_cast %add3A_105 : i32 to index
          %get3A_192 = arith.index_cast %get3A_190 : i32 to index
          %get3A_193 = arith.constant 16 : index
          %get3A_194 = tpu.vector_load %arg8[%get3A_191, %get3A_192, %get3A_193] {strides = array<i32>} : memref<8x8x64xf32, #tpu.memory_space<vmem>>, vector<16xf32>,
          %mul3A_195 = arith.constant 0 : i32
          %mul3A_196 = vector.broadcast %mul3A_195 : i32 to vector<16xi32>
          %mul3A_197 = arith.muli %iota3A, %mul3A_196 : vector<16xi32>
          %add3A_198 = vector.broadcast %add3A_105 : i32 to vector<16xi32>
          %add3A_199 = arith.addi %mul3A_197, %add3A_198 : vector<16xi32>
          %add3A_200 = arith.constant 16 : i32
          %add3A_201 = vector.broadcast %add3A_200 : i32 to vector<16xi32>
          %add3A_202 = arith.addi %add3A_201, %iota3A : vector<16xi32>
          tpu.vector_store_idx %arg9[%add3A_199, %add3A_202, %add3A_176], %get3A_194 : memref<8x64x128xf32, #tpu.memory_space<vmem>>[vector<16xi32>, vector<16xi32>, vector<16xi32>], vector<16xf32>,
          %get3A_203 = arith.constant 2 : i32
          %get3A_204 = arith.index_cast %add3A_105 : i32 to index
          %get3A_205 = arith.index_cast %get3A_203 : i32 to index
          %get3A_206 = arith.constant 32 : index
          %get3A_207 = tpu.vector_load %arg8[%get3A_204, %get3A_205, %get3A_206] {strides = array<i32>} : memref<8x8x64xf32, #tpu.memory_space<vmem>>, vector<16xf32>,
          %mul3A_208 = arith.constant 0 : i32
          %mul3A_209 = vector.broadcast %mul3A_208 : i32 to vector<16xi32>
          %mul3A_210 = arith.muli %iota3A, %mul3A_209 : vector<16xi32>
          %add3A_211 = vector.broadcast %add3A_105 : i32 to vector<16xi32>
          %add3A_212 = arith.addi %mul3A_210, %add3A_211 : vector<16xi32>
          %add3A_213 = arith.constant 32 : i32
          %add3A_214 = vector.broadcast %add3A_213 : i32 to vector<16xi32>
          %add3A_215 = arith.addi %add3A_214, %iota3A : vector<16xi32>
          tpu.vector_store_idx %arg9[%add3A_212, %add3A_215, %add3A_176], %get3A_207 : memref<8x64x128xf32, #tpu.memory_space<vmem>>[vector<16xi32>, vector<16xi32>, vector<16xi32>], vector<16xf32>,
          %get3A_216 = arith.constant 2 : i32
          %get3A_217 = arith.index_cast %add3A_105 : i32 to index
          %get3A_218 = arith.index_cast %get3A_216 : i32 to index
          %get3A_219 = arith.constant 48 : index
          %get3A_220 = tpu.vector_load %arg8[%get3A_217, %get3A_218, %get3A_219] {strides = array<i32>} : memref<8x8x64xf32, #tpu.memory_space<vmem>>, vector<16xf32>,
          %mul3A_221 = arith.constant 0 : i32
          %mul3A_222 = vector.broadcast %mul3A_221 : i32 to vector<16xi32>
          %mul3A_223 = arith.muli %iota3A, %mul3A_222 : vector<16xi32>
          %add3A_224 = vector.broadcast %add3A_105 : i32 to vector<16xi32>
          %add3A_225 = arith.addi %mul3A_223, %add3A_224 : vector<16xi32>
          %add3A_226 = arith.constant 48 : i32
          %add3A_227 = vector.broadcast %add3A_226 : i32 to vector<16xi32>
          %add3A_228 = arith.addi %add3A_227, %iota3A : vector<16xi32>
          tpu.vector_store_idx %arg9[%add3A_225, %add3A_228, %add3A_176], %get3A_220 : memref<8x64x128xf32, #tpu.memory_space<vmem>>[vector<16xi32>, vector<16xi32>, vector<16xi32>], vector<16xf32>,
        } else {
        }
        %slice3A_130 = vector.extract_strided_slice %gather3A {offsets = [3], sizes = [1], strides = [1]} : vector<16xi32> to vector<1xi32>
        %squeeze3A_131 = vector.extract %slice3A_130[0] : i32 from vector<1xi32>
        %shift_right_arithmetic3A_132 = arith.constant 7 : i32
        %shift_right_arithmetic3A_133 = arith.shrsi %squeeze3A_131, %shift_right_arithmetic3A_132 : i32
        %eq3A_134 = arith.cmpi eq, %shift_right_arithmetic3A_133, %squeeze3A_68 : i32
        %convert_element_type3A_135 = arith.extui %eq3A_134 : i1 to i32
        %cond3A_136 = arith.constant 0 : i32
        %cond3A_137 = arith.cmpi ne, %convert_element_type3A_135, %cond3A_136 : i32
        scf.if %cond3A_137 {
          %mul3A_170 = arith.constant 0 : i32
          %mul3A_171 = vector.broadcast %mul3A_170 : i32 to vector<16xi32>
          %mul3A_172 = arith.muli %iota3A, %mul3A_171 : vector<16xi32>
          %and3A_173 = arith.constant 127 : i32
          %and3A_174 = arith.andi %squeeze3A_131, %and3A_173 : i32
          %add3A_175 = vector.broadcast %and3A_174 : i32 to vector<16xi32>
          %add3A_176 = arith.addi %mul3A_172, %add3A_175 : vector<16xi32>
          %get3A_177 = arith.constant 3 : i32
          %get3A_178 = arith.index_cast %add3A_105 : i32 to index
          %get3A_179 = arith.index_cast %get3A_177 : i32 to index
          %get3A_180 = arith.constant 0 : index
          %get3A_181 = tpu.vector_load %arg8[%get3A_178, %get3A_179, %get3A_180] {strides = array<i32>} : memref<8x8x64xf32, #tpu.memory_space<vmem>>, vector<16xf32>,
          %mul3A_182 = arith.constant 0 : i32
          %mul3A_183 = vector.broadcast %mul3A_182 : i32 to vector<16xi32>
          %mul3A_184 = arith.muli %iota3A, %mul3A_183 : vector<16xi32>
          %add3A_185 = vector.broadcast %add3A_105 : i32 to vector<16xi32>
          %add3A_186 = arith.addi %mul3A_184, %add3A_185 : vector<16xi32>
          %add3A_187 = arith.constant 0 : i32
          %add3A_188 = vector.broadcast %add3A_187 : i32 to vector<16xi32>
          %add3A_189 = arith.addi %add3A_188, %iota3A : vector<16xi32>
          tpu.vector_store_idx %arg9[%add3A_186, %add3A_189, %add3A_176], %get3A_181 : memref<8x64x128xf32, #tpu.memory_space<vmem>>[vector<16xi32>, vector<16xi32>, vector<16xi32>], vector<16xf32>,
          %get3A_190 = arith.constant 3 : i32
          %get3A_191 = arith.index_cast %add3A_105 : i32 to index
          %get3A_192 = arith.index_cast %get3A_190 : i32 to index
          %get3A_193 = arith.constant 16 : index
          %get3A_194 = tpu.vector_load %arg8[%get3A_191, %get3A_192, %get3A_193] {strides = array<i32>} : memref<8x8x64xf32, #tpu.memory_space<vmem>>, vector<16xf32>,
          %mul3A_195 = arith.constant 0 : i32
          %mul3A_196 = vector.broadcast %mul3A_195 : i32 to vector<16xi32>
          %mul3A_197 = arith.muli %iota3A, %mul3A_196 : vector<16xi32>
          %add3A_198 = vector.broadcast %add3A_105 : i32 to vector<16xi32>
          %add3A_199 = arith.addi %mul3A_197, %add3A_198 : vector<16xi32>
          %add3A_200 = arith.constant 16 : i32
          %add3A_201 = vector.broadcast %add3A_200 : i32 to vector<16xi32>
          %add3A_202 = arith.addi %add3A_201, %iota3A : vector<16xi32>
          tpu.vector_store_idx %arg9[%add3A_199, %add3A_202, %add3A_176], %get3A_194 : memref<8x64x128xf32, #tpu.memory_space<vmem>>[vector<16xi32>, vector<16xi32>, vector<16xi32>], vector<16xf32>,
          %get3A_203 = arith.constant 3 : i32
          %get3A_204 = arith.index_cast %add3A_105 : i32 to index
          %get3A_205 = arith.index_cast %get3A_203 : i32 to index
          %get3A_206 = arith.constant 32 : index
          %get3A_207 = tpu.vector_load %arg8[%get3A_204, %get3A_205, %get3A_206] {strides = array<i32>} : memref<8x8x64xf32, #tpu.memory_space<vmem>>, vector<16xf32>,
          %mul3A_208 = arith.constant 0 : i32
          %mul3A_209 = vector.broadcast %mul3A_208 : i32 to vector<16xi32>
          %mul3A_210 = arith.muli %iota3A, %mul3A_209 : vector<16xi32>
          %add3A_211 = vector.broadcast %add3A_105 : i32 to vector<16xi32>
          %add3A_212 = arith.addi %mul3A_210, %add3A_211 : vector<16xi32>
          %add3A_213 = arith.constant 32 : i32
          %add3A_214 = vector.broadcast %add3A_213 : i32 to vector<16xi32>
          %add3A_215 = arith.addi %add3A_214, %iota3A : vector<16xi32>
          tpu.vector_store_idx %arg9[%add3A_212, %add3A_215, %add3A_176], %get3A_207 : memref<8x64x128xf32, #tpu.memory_space<vmem>>[vector<16xi32>, vector<16xi32>, vector<16xi32>], vector<16xf32>,
          %get3A_216 = arith.constant 3 : i32
          %get3A_217 = arith.index_cast %add3A_105 : i32 to index
          %get3A_218 = arith.index_cast %get3A_216 : i32 to index
          %get3A_219 = arith.constant 48 : index
          %get3A_220 = tpu.vector_load %arg8[%get3A_217, %get3A_218, %get3A_219] {strides = array<i32>} : memref<8x8x64xf32, #tpu.memory_space<vmem>>, vector<16xf32>,
          %mul3A_221 = arith.constant 0 : i32
          %mul3A_222 = vector.broadcast %mul3A_221 : i32 to vector<16xi32>
          %mul3A_223 = arith.muli %iota3A, %mul3A_222 : vector<16xi32>
          %add3A_224 = vector.broadcast %add3A_105 : i32 to vector<16xi32>
          %add3A_225 = arith.addi %mul3A_223, %add3A_224 : vector<16xi32>
          %add3A_226 = arith.constant 48 : i32
          %add3A_227 = vector.broadcast %add3A_226 : i32 to vector<16xi32>
          %add3A_228 = arith.addi %add3A_227, %iota3A : vector<16xi32>
          tpu.vector_store_idx %arg9[%add3A_225, %add3A_228, %add3A_176], %get3A_220 : memref<8x64x128xf32, #tpu.memory_space<vmem>>[vector<16xi32>, vector<16xi32>, vector<16xi32>], vector<16xf32>,
        } else {
        }
        %slice3A_138 = vector.extract_strided_slice %gather3A {offsets = [4], sizes = [1], strides = [1]} : vector<16xi32> to vector<1xi32>
        %squeeze3A_139 = vector.extract %slice3A_138[0] : i32 from vector<1xi32>
        %shift_right_arithmetic3A_140 = arith.constant 7 : i32
        %shift_right_arithmetic3A_141 = arith.shrsi %squeeze3A_139, %shift_right_arithmetic3A_140 : i32
        %eq3A_142 = arith.cmpi eq, %shift_right_arithmetic3A_141, %squeeze3A_68 : i32
        %convert_element_type3A_143 = arith.extui %eq3A_142 : i1 to i32
        %cond3A_144 = arith.constant 0 : i32
        %cond3A_145 = arith.cmpi ne, %convert_element_type3A_143, %cond3A_144 : i32
        scf.if %cond3A_145 {
          %mul3A_170 = arith.constant 0 : i32
          %mul3A_171 = vector.broadcast %mul3A_170 : i32 to vector<16xi32>
          %mul3A_172 = arith.muli %iota3A, %mul3A_171 : vector<16xi32>
          %and3A_173 = arith.constant 127 : i32
          %and3A_174 = arith.andi %squeeze3A_139, %and3A_173 : i32
          %add3A_175 = vector.broadcast %and3A_174 : i32 to vector<16xi32>
          %add3A_176 = arith.addi %mul3A_172, %add3A_175 : vector<16xi32>
          %get3A_177 = arith.constant 4 : i32
          %get3A_178 = arith.index_cast %add3A_105 : i32 to index
          %get3A_179 = arith.index_cast %get3A_177 : i32 to index
          %get3A_180 = arith.constant 0 : index
          %get3A_181 = tpu.vector_load %arg8[%get3A_178, %get3A_179, %get3A_180] {strides = array<i32>} : memref<8x8x64xf32, #tpu.memory_space<vmem>>, vector<16xf32>,
          %mul3A_182 = arith.constant 0 : i32
          %mul3A_183 = vector.broadcast %mul3A_182 : i32 to vector<16xi32>
          %mul3A_184 = arith.muli %iota3A, %mul3A_183 : vector<16xi32>
          %add3A_185 = vector.broadcast %add3A_105 : i32 to vector<16xi32>
          %add3A_186 = arith.addi %mul3A_184, %add3A_185 : vector<16xi32>
          %add3A_187 = arith.constant 0 : i32
          %add3A_188 = vector.broadcast %add3A_187 : i32 to vector<16xi32>
          %add3A_189 = arith.addi %add3A_188, %iota3A : vector<16xi32>
          tpu.vector_store_idx %arg9[%add3A_186, %add3A_189, %add3A_176], %get3A_181 : memref<8x64x128xf32, #tpu.memory_space<vmem>>[vector<16xi32>, vector<16xi32>, vector<16xi32>], vector<16xf32>,
          %get3A_190 = arith.constant 4 : i32
          %get3A_191 = arith.index_cast %add3A_105 : i32 to index
          %get3A_192 = arith.index_cast %get3A_190 : i32 to index
          %get3A_193 = arith.constant 16 : index
          %get3A_194 = tpu.vector_load %arg8[%get3A_191, %get3A_192, %get3A_193] {strides = array<i32>} : memref<8x8x64xf32, #tpu.memory_space<vmem>>, vector<16xf32>,
          %mul3A_195 = arith.constant 0 : i32
          %mul3A_196 = vector.broadcast %mul3A_195 : i32 to vector<16xi32>
          %mul3A_197 = arith.muli %iota3A, %mul3A_196 : vector<16xi32>
          %add3A_198 = vector.broadcast %add3A_105 : i32 to vector<16xi32>
          %add3A_199 = arith.addi %mul3A_197, %add3A_198 : vector<16xi32>
          %add3A_200 = arith.constant 16 : i32
          %add3A_201 = vector.broadcast %add3A_200 : i32 to vector<16xi32>
          %add3A_202 = arith.addi %add3A_201, %iota3A : vector<16xi32>
          tpu.vector_store_idx %arg9[%add3A_199, %add3A_202, %add3A_176], %get3A_194 : memref<8x64x128xf32, #tpu.memory_space<vmem>>[vector<16xi32>, vector<16xi32>, vector<16xi32>], vector<16xf32>,
          %get3A_203 = arith.constant 4 : i32
          %get3A_204 = arith.index_cast %add3A_105 : i32 to index
          %get3A_205 = arith.index_cast %get3A_203 : i32 to index
          %get3A_206 = arith.constant 32 : index
          %get3A_207 = tpu.vector_load %arg8[%get3A_204, %get3A_205, %get3A_206] {strides = array<i32>} : memref<8x8x64xf32, #tpu.memory_space<vmem>>, vector<16xf32>,
          %mul3A_208 = arith.constant 0 : i32
          %mul3A_209 = vector.broadcast %mul3A_208 : i32 to vector<16xi32>
          %mul3A_210 = arith.muli %iota3A, %mul3A_209 : vector<16xi32>
          %add3A_211 = vector.broadcast %add3A_105 : i32 to vector<16xi32>
          %add3A_212 = arith.addi %mul3A_210, %add3A_211 : vector<16xi32>
          %add3A_213 = arith.constant 32 : i32
          %add3A_214 = vector.broadcast %add3A_213 : i32 to vector<16xi32>
          %add3A_215 = arith.addi %add3A_214, %iota3A : vector<16xi32>
          tpu.vector_store_idx %arg9[%add3A_212, %add3A_215, %add3A_176], %get3A_207 : memref<8x64x128xf32, #tpu.memory_space<vmem>>[vector<16xi32>, vector<16xi32>, vector<16xi32>], vector<16xf32>,
          %get3A_216 = arith.constant 4 : i32
          %get3A_217 = arith.index_cast %add3A_105 : i32 to index
          %get3A_218 = arith.index_cast %get3A_216 : i32 to index
          %get3A_219 = arith.constant 48 : index
          %get3A_220 = tpu.vector_load %arg8[%get3A_217, %get3A_218, %get3A_219] {strides = array<i32>} : memref<8x8x64xf32, #tpu.memory_space<vmem>>, vector<16xf32>,
          %mul3A_221 = arith.constant 0 : i32
          %mul3A_222 = vector.broadcast %mul3A_221 : i32 to vector<16xi32>
          %mul3A_223 = arith.muli %iota3A, %mul3A_222 : vector<16xi32>
          %add3A_224 = vector.broadcast %add3A_105 : i32 to vector<16xi32>
          %add3A_225 = arith.addi %mul3A_223, %add3A_224 : vector<16xi32>
          %add3A_226 = arith.constant 48 : i32
          %add3A_227 = vector.broadcast %add3A_226 : i32 to vector<16xi32>
          %add3A_228 = arith.addi %add3A_227, %iota3A : vector<16xi32>
          tpu.vector_store_idx %arg9[%add3A_225, %add3A_228, %add3A_176], %get3A_220 : memref<8x64x128xf32, #tpu.memory_space<vmem>>[vector<16xi32>, vector<16xi32>, vector<16xi32>], vector<16xf32>,
        } else {
        }
        %slice3A_146 = vector.extract_strided_slice %gather3A {offsets = [5], sizes = [1], strides = [1]} : vector<16xi32> to vector<1xi32>
        %squeeze3A_147 = vector.extract %slice3A_146[0] : i32 from vector<1xi32>
        %shift_right_arithmetic3A_148 = arith.constant 7 : i32
        %shift_right_arithmetic3A_149 = arith.shrsi %squeeze3A_147, %shift_right_arithmetic3A_148 : i32
        %eq3A_150 = arith.cmpi eq, %shift_right_arithmetic3A_149, %squeeze3A_68 : i32
        %convert_element_type3A_151 = arith.extui %eq3A_150 : i1 to i32
        %cond3A_152 = arith.constant 0 : i32
        %cond3A_153 = arith.cmpi ne, %convert_element_type3A_151, %cond3A_152 : i32
        scf.if %cond3A_153 {
          %mul3A_170 = arith.constant 0 : i32
          %mul3A_171 = vector.broadcast %mul3A_170 : i32 to vector<16xi32>
          %mul3A_172 = arith.muli %iota3A, %mul3A_171 : vector<16xi32>
          %and3A_173 = arith.constant 127 : i32
          %and3A_174 = arith.andi %squeeze3A_147, %and3A_173 : i32
          %add3A_175 = vector.broadcast %and3A_174 : i32 to vector<16xi32>
          %add3A_176 = arith.addi %mul3A_172, %add3A_175 : vector<16xi32>
          %get3A_177 = arith.constant 5 : i32
          %get3A_178 = arith.index_cast %add3A_105 : i32 to index
          %get3A_179 = arith.index_cast %get3A_177 : i32 to index
          %get3A_180 = arith.constant 0 : index
          %get3A_181 = tpu.vector_load %arg8[%get3A_178, %get3A_179, %get3A_180] {strides = array<i32>} : memref<8x8x64xf32, #tpu.memory_space<vmem>>, vector<16xf32>,
          %mul3A_182 = arith.constant 0 : i32
          %mul3A_183 = vector.broadcast %mul3A_182 : i32 to vector<16xi32>
          %mul3A_184 = arith.muli %iota3A, %mul3A_183 : vector<16xi32>
          %add3A_185 = vector.broadcast %add3A_105 : i32 to vector<16xi32>
          %add3A_186 = arith.addi %mul3A_184, %add3A_185 : vector<16xi32>
          %add3A_187 = arith.constant 0 : i32
          %add3A_188 = vector.broadcast %add3A_187 : i32 to vector<16xi32>
          %add3A_189 = arith.addi %add3A_188, %iota3A : vector<16xi32>
          tpu.vector_store_idx %arg9[%add3A_186, %add3A_189, %add3A_176], %get3A_181 : memref<8x64x128xf32, #tpu.memory_space<vmem>>[vector<16xi32>, vector<16xi32>, vector<16xi32>], vector<16xf32>,
          %get3A_190 = arith.constant 5 : i32
          %get3A_191 = arith.index_cast %add3A_105 : i32 to index
          %get3A_192 = arith.index_cast %get3A_190 : i32 to index
          %get3A_193 = arith.constant 16 : index
          %get3A_194 = tpu.vector_load %arg8[%get3A_191, %get3A_192, %get3A_193] {strides = array<i32>} : memref<8x8x64xf32, #tpu.memory_space<vmem>>, vector<16xf32>,
          %mul3A_195 = arith.constant 0 : i32
          %mul3A_196 = vector.broadcast %mul3A_195 : i32 to vector<16xi32>
          %mul3A_197 = arith.muli %iota3A, %mul3A_196 : vector<16xi32>
          %add3A_198 = vector.broadcast %add3A_105 : i32 to vector<16xi32>
          %add3A_199 = arith.addi %mul3A_197, %add3A_198 : vector<16xi32>
          %add3A_200 = arith.constant 16 : i32
          %add3A_201 = vector.broadcast %add3A_200 : i32 to vector<16xi32>
          %add3A_202 = arith.addi %add3A_201, %iota3A : vector<16xi32>
          tpu.vector_store_idx %arg9[%add3A_199, %add3A_202, %add3A_176], %get3A_194 : memref<8x64x128xf32, #tpu.memory_space<vmem>>[vector<16xi32>, vector<16xi32>, vector<16xi32>], vector<16xf32>,
          %get3A_203 = arith.constant 5 : i32
          %get3A_204 = arith.index_cast %add3A_105 : i32 to index
          %get3A_205 = arith.index_cast %get3A_203 : i32 to index
          %get3A_206 = arith.constant 32 : index
          %get3A_207 = tpu.vector_load %arg8[%get3A_204, %get3A_205, %get3A_206] {strides = array<i32>} : memref<8x8x64xf32, #tpu.memory_space<vmem>>, vector<16xf32>,
          %mul3A_208 = arith.constant 0 : i32
          %mul3A_209 = vector.broadcast %mul3A_208 : i32 to vector<16xi32>
          %mul3A_210 = arith.muli %iota3A, %mul3A_209 : vector<16xi32>
          %add3A_211 = vector.broadcast %add3A_105 : i32 to vector<16xi32>
          %add3A_212 = arith.addi %mul3A_210, %add3A_211 : vector<16xi32>
          %add3A_213 = arith.constant 32 : i32
          %add3A_214 = vector.broadcast %add3A_213 : i32 to vector<16xi32>
          %add3A_215 = arith.addi %add3A_214, %iota3A : vector<16xi32>
          tpu.vector_store_idx %arg9[%add3A_212, %add3A_215, %add3A_176], %get3A_207 : memref<8x64x128xf32, #tpu.memory_space<vmem>>[vector<16xi32>, vector<16xi32>, vector<16xi32>], vector<16xf32>,
          %get3A_216 = arith.constant 5 : i32
          %get3A_217 = arith.index_cast %add3A_105 : i32 to index
          %get3A_218 = arith.index_cast %get3A_216 : i32 to index
          %get3A_219 = arith.constant 48 : index
          %get3A_220 = tpu.vector_load %arg8[%get3A_217, %get3A_218, %get3A_219] {strides = array<i32>} : memref<8x8x64xf32, #tpu.memory_space<vmem>>, vector<16xf32>,
          %mul3A_221 = arith.constant 0 : i32
          %mul3A_222 = vector.broadcast %mul3A_221 : i32 to vector<16xi32>
          %mul3A_223 = arith.muli %iota3A, %mul3A_222 : vector<16xi32>
          %add3A_224 = vector.broadcast %add3A_105 : i32 to vector<16xi32>
          %add3A_225 = arith.addi %mul3A_223, %add3A_224 : vector<16xi32>
          %add3A_226 = arith.constant 48 : i32
          %add3A_227 = vector.broadcast %add3A_226 : i32 to vector<16xi32>
          %add3A_228 = arith.addi %add3A_227, %iota3A : vector<16xi32>
          tpu.vector_store_idx %arg9[%add3A_225, %add3A_228, %add3A_176], %get3A_220 : memref<8x64x128xf32, #tpu.memory_space<vmem>>[vector<16xi32>, vector<16xi32>, vector<16xi32>], vector<16xf32>,
        } else {
        }
        %slice3A_154 = vector.extract_strided_slice %gather3A {offsets = [6], sizes = [1], strides = [1]} : vector<16xi32> to vector<1xi32>
        %squeeze3A_155 = vector.extract %slice3A_154[0] : i32 from vector<1xi32>
        %shift_right_arithmetic3A_156 = arith.constant 7 : i32
        %shift_right_arithmetic3A_157 = arith.shrsi %squeeze3A_155, %shift_right_arithmetic3A_156 : i32
        %eq3A_158 = arith.cmpi eq, %shift_right_arithmetic3A_157, %squeeze3A_68 : i32
        %convert_element_type3A_159 = arith.extui %eq3A_158 : i1 to i32
        %cond3A_160 = arith.constant 0 : i32
        %cond3A_161 = arith.cmpi ne, %convert_element_type3A_159, %cond3A_160 : i32
        scf.if %cond3A_161 {
          %mul3A_170 = arith.constant 0 : i32
          %mul3A_171 = vector.broadcast %mul3A_170 : i32 to vector<16xi32>
          %mul3A_172 = arith.muli %iota3A, %mul3A_171 : vector<16xi32>
          %and3A_173 = arith.constant 127 : i32
          %and3A_174 = arith.andi %squeeze3A_155, %and3A_173 : i32
          %add3A_175 = vector.broadcast %and3A_174 : i32 to vector<16xi32>
          %add3A_176 = arith.addi %mul3A_172, %add3A_175 : vector<16xi32>
          %get3A_177 = arith.constant 6 : i32
          %get3A_178 = arith.index_cast %add3A_105 : i32 to index
          %get3A_179 = arith.index_cast %get3A_177 : i32 to index
          %get3A_180 = arith.constant 0 : index
          %get3A_181 = tpu.vector_load %arg8[%get3A_178, %get3A_179, %get3A_180] {strides = array<i32>} : memref<8x8x64xf32, #tpu.memory_space<vmem>>, vector<16xf32>,
          %mul3A_182 = arith.constant 0 : i32
          %mul3A_183 = vector.broadcast %mul3A_182 : i32 to vector<16xi32>
          %mul3A_184 = arith.muli %iota3A, %mul3A_183 : vector<16xi32>
          %add3A_185 = vector.broadcast %add3A_105 : i32 to vector<16xi32>
          %add3A_186 = arith.addi %mul3A_184, %add3A_185 : vector<16xi32>
          %add3A_187 = arith.constant 0 : i32
          %add3A_188 = vector.broadcast %add3A_187 : i32 to vector<16xi32>
          %add3A_189 = arith.addi %add3A_188, %iota3A : vector<16xi32>
          tpu.vector_store_idx %arg9[%add3A_186, %add3A_189, %add3A_176], %get3A_181 : memref<8x64x128xf32, #tpu.memory_space<vmem>>[vector<16xi32>, vector<16xi32>, vector<16xi32>], vector<16xf32>,
          %get3A_190 = arith.constant 6 : i32
          %get3A_191 = arith.index_cast %add3A_105 : i32 to index
          %get3A_192 = arith.index_cast %get3A_190 : i32 to index
          %get3A_193 = arith.constant 16 : index
          %get3A_194 = tpu.vector_load %arg8[%get3A_191, %get3A_192, %get3A_193] {strides = array<i32>} : memref<8x8x64xf32, #tpu.memory_space<vmem>>, vector<16xf32>,
          %mul3A_195 = arith.constant 0 : i32
          %mul3A_196 = vector.broadcast %mul3A_195 : i32 to vector<16xi32>
          %mul3A_197 = arith.muli %iota3A, %mul3A_196 : vector<16xi32>
          %add3A_198 = vector.broadcast %add3A_105 : i32 to vector<16xi32>
          %add3A_199 = arith.addi %mul3A_197, %add3A_198 : vector<16xi32>
          %add3A_200 = arith.constant 16 : i32
          %add3A_201 = vector.broadcast %add3A_200 : i32 to vector<16xi32>
          %add3A_202 = arith.addi %add3A_201, %iota3A : vector<16xi32>
          tpu.vector_store_idx %arg9[%add3A_199, %add3A_202, %add3A_176], %get3A_194 : memref<8x64x128xf32, #tpu.memory_space<vmem>>[vector<16xi32>, vector<16xi32>, vector<16xi32>], vector<16xf32>,
          %get3A_203 = arith.constant 6 : i32
          %get3A_204 = arith.index_cast %add3A_105 : i32 to index
          %get3A_205 = arith.index_cast %get3A_203 : i32 to index
          %get3A_206 = arith.constant 32 : index
          %get3A_207 = tpu.vector_load %arg8[%get3A_204, %get3A_205, %get3A_206] {strides = array<i32>} : memref<8x8x64xf32, #tpu.memory_space<vmem>>, vector<16xf32>,
          %mul3A_208 = arith.constant 0 : i32
          %mul3A_209 = vector.broadcast %mul3A_208 : i32 to vector<16xi32>
          %mul3A_210 = arith.muli %iota3A, %mul3A_209 : vector<16xi32>
          %add3A_211 = vector.broadcast %add3A_105 : i32 to vector<16xi32>
          %add3A_212 = arith.addi %mul3A_210, %add3A_211 : vector<16xi32>
          %add3A_213 = arith.constant 32 : i32
          %add3A_214 = vector.broadcast %add3A_213 : i32 to vector<16xi32>
          %add3A_215 = arith.addi %add3A_214, %iota3A : vector<16xi32>
          tpu.vector_store_idx %arg9[%add3A_212, %add3A_215, %add3A_176], %get3A_207 : memref<8x64x128xf32, #tpu.memory_space<vmem>>[vector<16xi32>, vector<16xi32>, vector<16xi32>], vector<16xf32>,
          %get3A_216 = arith.constant 6 : i32
          %get3A_217 = arith.index_cast %add3A_105 : i32 to index
          %get3A_218 = arith.index_cast %get3A_216 : i32 to index
          %get3A_219 = arith.constant 48 : index
          %get3A_220 = tpu.vector_load %arg8[%get3A_217, %get3A_218, %get3A_219] {strides = array<i32>} : memref<8x8x64xf32, #tpu.memory_space<vmem>>, vector<16xf32>,
          %mul3A_221 = arith.constant 0 : i32
          %mul3A_222 = vector.broadcast %mul3A_221 : i32 to vector<16xi32>
          %mul3A_223 = arith.muli %iota3A, %mul3A_222 : vector<16xi32>
          %add3A_224 = vector.broadcast %add3A_105 : i32 to vector<16xi32>
          %add3A_225 = arith.addi %mul3A_223, %add3A_224 : vector<16xi32>
          %add3A_226 = arith.constant 48 : i32
          %add3A_227 = vector.broadcast %add3A_226 : i32 to vector<16xi32>
          %add3A_228 = arith.addi %add3A_227, %iota3A : vector<16xi32>
          tpu.vector_store_idx %arg9[%add3A_225, %add3A_228, %add3A_176], %get3A_220 : memref<8x64x128xf32, #tpu.memory_space<vmem>>[vector<16xi32>, vector<16xi32>, vector<16xi32>], vector<16xf32>,
        } else {
        }
        %slice3A_162 = vector.extract_strided_slice %gather3A {offsets = [7], sizes = [1], strides = [1]} : vector<16xi32> to vector<1xi32>
        %squeeze3A_163 = vector.extract %slice3A_162[0] : i32 from vector<1xi32>
        %shift_right_arithmetic3A_164 = arith.constant 7 : i32
        %shift_right_arithmetic3A_165 = arith.shrsi %squeeze3A_163, %shift_right_arithmetic3A_164 : i32
        %eq3A_166 = arith.cmpi eq, %shift_right_arithmetic3A_165, %squeeze3A_68 : i32
        %convert_element_type3A_167 = arith.extui %eq3A_166 : i1 to i32
        %cond3A_168 = arith.constant 0 : i32
        %cond3A_169 = arith.cmpi ne, %convert_element_type3A_167, %cond3A_168 : i32
        scf.if %cond3A_169 {
          %mul3A_170 = arith.constant 0 : i32
          %mul3A_171 = vector.broadcast %mul3A_170 : i32 to vector<16xi32>
          %mul3A_172 = arith.muli %iota3A, %mul3A_171 : vector<16xi32>
          %and3A_173 = arith.constant 127 : i32
          %and3A_174 = arith.andi %squeeze3A_163, %and3A_173 : i32
          %add3A_175 = vector.broadcast %and3A_174 : i32 to vector<16xi32>
          %add3A_176 = arith.addi %mul3A_172, %add3A_175 : vector<16xi32>
          %get3A_177 = arith.constant 7 : i32
          %get3A_178 = arith.index_cast %add3A_105 : i32 to index
          %get3A_179 = arith.index_cast %get3A_177 : i32 to index
          %get3A_180 = arith.constant 0 : index
          %get3A_181 = tpu.vector_load %arg8[%get3A_178, %get3A_179, %get3A_180] {strides = array<i32>} : memref<8x8x64xf32, #tpu.memory_space<vmem>>, vector<16xf32>,
          %mul3A_182 = arith.constant 0 : i32
          %mul3A_183 = vector.broadcast %mul3A_182 : i32 to vector<16xi32>
          %mul3A_184 = arith.muli %iota3A, %mul3A_183 : vector<16xi32>
          %add3A_185 = vector.broadcast %add3A_105 : i32 to vector<16xi32>
          %add3A_186 = arith.addi %mul3A_184, %add3A_185 : vector<16xi32>
          %add3A_187 = arith.constant 0 : i32
          %add3A_188 = vector.broadcast %add3A_187 : i32 to vector<16xi32>
          %add3A_189 = arith.addi %add3A_188, %iota3A : vector<16xi32>
          tpu.vector_store_idx %arg9[%add3A_186, %add3A_189, %add3A_176], %get3A_181 : memref<8x64x128xf32, #tpu.memory_space<vmem>>[vector<16xi32>, vector<16xi32>, vector<16xi32>], vector<16xf32>,
          %get3A_190 = arith.constant 7 : i32
          %get3A_191 = arith.index_cast %add3A_105 : i32 to index
          %get3A_192 = arith.index_cast %get3A_190 : i32 to index
          %get3A_193 = arith.constant 16 : index
          %get3A_194 = tpu.vector_load %arg8[%get3A_191, %get3A_192, %get3A_193] {strides = array<i32>} : memref<8x8x64xf32, #tpu.memory_space<vmem>>, vector<16xf32>,
          %mul3A_195 = arith.constant 0 : i32
          %mul3A_196 = vector.broadcast %mul3A_195 : i32 to vector<16xi32>
          %mul3A_197 = arith.muli %iota3A, %mul3A_196 : vector<16xi32>
          %add3A_198 = vector.broadcast %add3A_105 : i32 to vector<16xi32>
          %add3A_199 = arith.addi %mul3A_197, %add3A_198 : vector<16xi32>
          %add3A_200 = arith.constant 16 : i32
          %add3A_201 = vector.broadcast %add3A_200 : i32 to vector<16xi32>
          %add3A_202 = arith.addi %add3A_201, %iota3A : vector<16xi32>
          tpu.vector_store_idx %arg9[%add3A_199, %add3A_202, %add3A_176], %get3A_194 : memref<8x64x128xf32, #tpu.memory_space<vmem>>[vector<16xi32>, vector<16xi32>, vector<16xi32>], vector<16xf32>,
          %get3A_203 = arith.constant 7 : i32
          %get3A_204 = arith.index_cast %add3A_105 : i32 to index
          %get3A_205 = arith.index_cast %get3A_203 : i32 to index
          %get3A_206 = arith.constant 32 : index
          %get3A_207 = tpu.vector_load %arg8[%get3A_204, %get3A_205, %get3A_206] {strides = array<i32>} : memref<8x8x64xf32, #tpu.memory_space<vmem>>, vector<16xf32>,
          %mul3A_208 = arith.constant 0 : i32
          %mul3A_209 = vector.broadcast %mul3A_208 : i32 to vector<16xi32>
          %mul3A_210 = arith.muli %iota3A, %mul3A_209 : vector<16xi32>
          %add3A_211 = vector.broadcast %add3A_105 : i32 to vector<16xi32>
          %add3A_212 = arith.addi %mul3A_210, %add3A_211 : vector<16xi32>
          %add3A_213 = arith.constant 32 : i32
          %add3A_214 = vector.broadcast %add3A_213 : i32 to vector<16xi32>
          %add3A_215 = arith.addi %add3A_214, %iota3A : vector<16xi32>
          tpu.vector_store_idx %arg9[%add3A_212, %add3A_215, %add3A_176], %get3A_207 : memref<8x64x128xf32, #tpu.memory_space<vmem>>[vector<16xi32>, vector<16xi32>, vector<16xi32>], vector<16xf32>,
          %get3A_216 = arith.constant 7 : i32
          %get3A_217 = arith.index_cast %add3A_105 : i32 to index
          %get3A_218 = arith.index_cast %get3A_216 : i32 to index
          %get3A_219 = arith.constant 48 : index
          %get3A_220 = tpu.vector_load %arg8[%get3A_217, %get3A_218, %get3A_219] {strides = array<i32>} : memref<8x8x64xf32, #tpu.memory_space<vmem>>, vector<16xf32>,
          %mul3A_221 = arith.constant 0 : i32
          %mul3A_222 = vector.broadcast %mul3A_221 : i32 to vector<16xi32>
          %mul3A_223 = arith.muli %iota3A, %mul3A_222 : vector<16xi32>
          %add3A_224 = vector.broadcast %add3A_105 : i32 to vector<16xi32>
          %add3A_225 = arith.addi %mul3A_223, %add3A_224 : vector<16xi32>
          %add3A_226 = arith.constant 48 : i32
          %add3A_227 = vector.broadcast %add3A_226 : i32 to vector<16xi32>
          %add3A_228 = arith.addi %add3A_227, %iota3A : vector<16xi32>
          tpu.vector_store_idx %arg9[%add3A_225, %add3A_228, %add3A_176], %get3A_220 : memref<8x64x128xf32, #tpu.memory_space<vmem>>[vector<16xi32>, vector<16xi32>, vector<16xi32>], vector<16xf32>,
        } else {
        }
      }
      %scan3A_98 = arith.constant 8 : i32
      %mul3A_99 = arith.constant 128 : i32
      %mul3A_100 = arith.muli %squeeze3A_72, %mul3A_99 : i32
      "tpu.region"() ({
        %run_scoped3A = tpu.sem_alloc : memref<!tpu.dma_semaphore, #tpu.memory_space<semaphore_mem>>
        %dma_start3A = arith.constant 0 : i32
        %dma_start3A_101 = tpu.memref_slice %arg5[%mul3A_32, %dma_start3A, %mul3A_100] : memref<16x64x32768xf32, #tpu.memory_space<hbm>> -> memref<8x64x128xf32, #tpu.memory_space<hbm>>
        %dma_start3A_102 = arith.constant 0 : i32
        %dma_start3A_103 = tpu.memref_slice %arg5[%mul3A_32, %dma_start3A_102, %mul3A_100] : memref<16x64x32768xf32, #tpu.memory_space<hbm>> -> memref<8x64x128xf32, #tpu.memory_space<hbm>>
        tpu.enqueue_dma source(%arg9 : memref<8x64x128xf32, #tpu.memory_space<vmem>>) target(%dma_start3A_103 : memref<8x64x128xf32, #tpu.memory_space<hbm>>) target_semaphore(%run_scoped3A : memref<!tpu.dma_semaphore, #tpu.memory_space<semaphore_mem>>)
        %dma_wait3A = arith.constant 0 : i32
        %dma_wait3A_104 = tpu.memref_slice %arg5[%mul3A_32, %dma_wait3A, %mul3A_100] : memref<16x64x32768xf32, #tpu.memory_space<hbm>> -> memref<8x64x128xf32, #tpu.memory_space<hbm>>
        %dma_wait3A_105 = arith.constant 0 : i32
        %dma_wait3A_106 = tpu.memref_slice %arg5[%mul3A_32, %dma_wait3A_105, %mul3A_100] : memref<16x64x32768xf32, #tpu.memory_space<hbm>> -> memref<8x64x128xf32, #tpu.memory_space<hbm>>
        tpu.wait_dma2 semaphore(%run_scoped3A : memref<!tpu.dma_semaphore, #tpu.memory_space<semaphore_mem>>) src(%arg9 : memref<8x64x128xf32, #tpu.memory_space<vmem>>) dst(%dma_wait3A_106 : memref<8x64x128xf32, #tpu.memory_space<hbm>>)
        tpu.yield
      }) : () -> ()
    } else {
    }
    return
  }
}

</mosaic_0001>

<sc_bundles>
// kernel: kernel.4.cloned.1.call-start
scs
__scs_entry_jumppad:
0x0: {  	(pc) =	sbr.rel $0x88, $3  }
0x1: {  	(tag) =	ssettag $0x0;
	lr =	simm.s32 $0x1  }
0x2: {  	[smem:$0x3F9B] =	sst lr;
	_ =	strace $0xD0000000  }
0x3: {  	_ = 	snop  }
0x4: {  	_ = 	snop  }
0x5: {  	_ = 	snop  }
0x6: {  	_ = 	snop  }
0x7: {  	_ = 	snop  }
__scs_overlays_trampoline_lowered:
0x8: {  	[smem:$0x3FAA] =	sst s0  }
0x9: {  	[smem:$0x3FAB] =	sst s1  }
0xa: {  	[smem:$0x3FAC] =	sst s2  }
0xb: {  	[smem:$0x3FAD] =	sst s3  }
0xc: {  	[smem:$0x3FAE] =	sst s4  }
0xd: {  	[smem:$0x3FAF] =	sst s5  }
0xe: {  	[smem:$0x3FB0] =	sst s6  }
0xf: {  	[smem:$0x3FB1] =	sst s7  }
0x10: {  	[smem:$0x3FB2] =	sst s8  }
0x11: {  	[smem:$0x3FB3] =	sst s9;
	s0 =	simm.s32 @!p0 $0x0  }
0x12: {  	s1 =	sld [smem:$0x3F99];
	s0 =	simm.s32 @p0 $0x1  }
0x13: {  	[smem:$0x3FB4] =	sst s0;
	s0 =	simm.s32 @!p1 $0x0  }
0x14: {  	s2 =	sld [smem:$0x3F98];
	s0 =	simm.s32 @p1 $0x1  }
0x15: {  	[smem:$0x3FB5] =	sst s0;
	s0 =	simm.s32 @!p2 $0x0  }
0x16: {  	s3 =	sld [smem:$0x3FDB];
	s0 =	simm.s32 @p2 $0x1  }
0x17: {  	s4 =	simm.s32 $0x1BF5;
	[smem:$0x3FB7] =	sst s0  }
0x18: {  	s0 =	sld [smem:$0x3F9A];
	_ =	swait.ge [sflag:s4], $0x0  }
0x19: {  	s7 =	sld [smem:$0x3F9B]  }
0x1a: {  	s8 =	sadd.s32 $0xFFFFE003, lr  }
0x1b: {  	s9 =	sadd.s32 $0xFFFFFEF7, lr;
	s5 =	simm.s32 $0xFFFFFFFF;
	p2 =	slt.u32 s8, $0xFFFFF086  }
0x1c: {  	p1 =	slt.u32 s9, $0xF7A;
	s5 =	simm.s32 @!p2 $0x0  }
0x1d: {  	s5 =	simm.s32 @p1 $0x1;
	p0 =	seq.s32 s7, s2  }
0x1e: {  	s7 =	smul.u32 @!p0 $0xF7A, s2;
	p2 =	seq.s32 @!p0 s5, $0x0  }
0x1f: {  	s9 =	smul.u32 $0xF7A, s1;
	s8 =	simm.s32 @!p0 $0x1BF5;
	p2 =	por !p2, p0  }
0x20: {  	[sflag:s8] =	ssyncset.s32 @!p0 $0xFFFFF086;
	s6 =	sadd.s32 @!p0 s3, s7;
	s7 =	simm.s32 @!p0 $0x108  }
0x21: {  	s3 =	sadd.s32 s3, s9;
	s6 =	sadd.s32 @!p0 $0x88, s6;
	s7 =	simm.s32 @p2 $0x1082  }
0x22: {  	[simem:s7], [sflag:s8] =	dma.local @!p0 [hbm:s6], $0xF7A  }
0x23: {  	s9 =	sor.u32 $0xD0000000, s2;
	s6 =	simm.s32 $0x108;
	_ =	swait.ge @!p0 [sflag:s8], $0x0  }
0x24: {  	s3 =	sadd.s32 $0x88, s3;
	s6 =	simm.s32 @!p1 $0x1082;
	[sflag:s4] =	ssyncset.s32 $0xFFFFF086  }
0x25: {  	[simem:s6], [sflag:s4] =	dma.local [hbm:s3], $0xF7A  }
0x26: {  	[smem:$0x3F9B] =	sst s1;
	(tag) =	ssettag s2;
	_ =	strace s9  }
0x27: {  	s1 =	sld [smem:$0x3FAB]  }
0x28: {  	s2 =	sld [smem:$0x3FAC]  }
0x29: {  	s4 =	sld [smem:$0x3FAE]  }
0x2a: {  	p0 =	seq.s32 s5, $0x0;
	s5 =	sld [smem:$0x3FAF]  }
0x2b: {  	s6 =	sld [smem:$0x3FB0]  }
0x2c: {  	s7 =	sld [smem:$0x3FB1]  }
0x2d: {  	s3 =	simm.s32 $0x108;
	s8 =	sld [smem:$0x3FB2]  }
0x2e: {  	s3 =	simm.s32 @!p0 $0x1082;
	s9 =	sld [smem:$0x3FB3]  }
0x2f: {  	lr =	sadd.s32 s0, s3;
	s0 =	sld [smem:$0x3FAA]  }
0x30: {  	s3 =	sld [smem:$0x3FAD]  }
0x31: {  	[smem:$0x3FB6] =	sst s10  }
0x32: {  	s10 =	sld [smem:$0x3FB4];
	_ =	sdelay $0x3  }
0x33: {  	p0 =	seq.s32 s10, $0x1;
	s10 =	sld [smem:$0x3FB6];
	_ =	sdelay $0x3  }
0x34: {  	[smem:$0x3FB6] =	sst s10  }
0x35: {  	s10 =	sld [smem:$0x3FB5];
	_ =	sdelay $0x3  }
0x36: {  	p1 =	seq.s32 s10, $0x1;
	s10 =	sld [smem:$0x3FB6];
	_ =	sdelay $0x3  }
0x37: {  	[smem:$0x3FB6] =	sst s10  }
0x38: {  	s10 =	sld [smem:$0x3FB7]  }
0x39: {  	_ = 	snop;
	(pc) =	sbr.ind lr, $3  }
0x3a: {  	_ = 	snop  }
0x3b: {  	_ = 	snop  }
0x3c: {  	p2 =	seq.s32 s10, $0x1;
	s10 =	sld [smem:$0x3FB6]  }
0x3d: {  	_ =	shalt  }
0x3e: {  	_ =	shalt  }
0x3f: {  	_ =	shalt  }
0x40: {  	_ =	shalt  }
0x41: {  	_ =	shalt  }
0x42: {  	_ =	shalt  }
0x43: {  	_ =	shalt  }
0x44: {  	_ =	shalt  }
0x45: {  	_ =	shalt  }
0x46: {  	_ =	shalt  }
0x47: {  	_ =	shalt  }
0x48: {  	_ =	shalt  }
0x49: {  	_ =	shalt  }
0x4a: {  	_ =	shalt  }
0x4b: {  	_ =	shalt  }
0x4c: {  	_ =	shalt  }
0x4d: {  	_ =	shalt  }
0x4e: {  	_ =	shalt  }
0x4f: {  	_ =	shalt  }
0x50: {  	_ =	shalt  }
0x51: {  	_ =	shalt  }
0x52: {  	_ =	shalt  }
0x53: {  	_ =	shalt  }
0x54: {  	_ =	shalt  }
0x55: {  	_ =	shalt  }
0x56: {  	_ =	shalt  }
0x57: {  	_ =	shalt  }
0x58: {  	_ =	shalt  }
0x59: {  	_ =	shalt  }
0x5a: {  	_ =	shalt  }
0x5b: {  	_ =	shalt  }
0x5c: {  	_ =	shalt  }
0x5d: {  	_ =	shalt  }
0x5e: {  	_ =	shalt  }
0x5f: {  	_ =	shalt  }
0x60: {  	_ =	shalt  }
0x61: {  	_ =	shalt  }
0x62: {  	_ =	shalt  }
0x63: {  	_ =	shalt  }
0x64: {  	_ =	shalt  }
0x65: {  	_ =	shalt  }
0x66: {  	_ =	shalt  }
0x67: {  	_ =	shalt  }
0x68: {  	_ =	shalt  }
0x69: {  	_ =	shalt  }
0x6a: {  	_ =	shalt  }
0x6b: {  	_ =	shalt  }
0x6c: {  	_ =	shalt  }
0x6d: {  	_ =	shalt  }
0x6e: {  	_ =	shalt  }
0x6f: {  	_ =	shalt  }
0x70: {  	_ =	shalt  }
0x71: {  	_ =	shalt  }
0x72: {  	_ =	shalt  }
0x73: {  	_ =	shalt  }
0x74: {  	_ =	shalt  }
0x75: {  	_ =	shalt  }
0x76: {  	_ =	shalt  }
0x77: {  	_ =	shalt  }
0x78: {  	_ =	shalt  }
0x79: {  	_ =	shalt  }
0x7a: {  	_ =	shalt  }
0x7b: {  	_ =	shalt  }
0x7c: {  	_ =	shalt  }
0x7d: {  	_ =	shalt  }
0x7e: {  	_ =	shalt  }
0x7f: {  	_ =	shalt  }
0x80: {  	_ =	shalt  }
0x81: {  	_ =	shalt  }
0x82: {  	_ =	shalt  }
0x83: {  	_ =	shalt  }
0x84: {  	_ =	shalt  }
0x85: {  	_ =	shalt  }
0x86: {  	_ =	shalt  }
0x87: {  	_ =	shalt  }
.Lfunc_end0:
.L_simem_size_0:
called_computation_lowered:
.L_overlay_start_0:
0x88: {  	s2 =	sld [smem:$0x3FD9]  }
0x89: {  	s3 =	sld [smem:$0x3FFE];
	_ =	sdelay $0x1  }
0x8a: {  	s1 =	srdreg.scid  }
0x8b: {  	s0 =	sand.u32 $0x1, s1  }
0x8c: {  	s15 =	sshll.u32 s0, $0xA;
	s2 =	sadd.s32 s3, s2  }
0x8d: {  	s2 =	sadd.s32 s2, s15  }
0x8e: {  	[smem:$0x3FC2] =	sst s2  }
0x8f: {  	_ = 	snop  }
0x90: {  	s4 =	sld [smem:$0x3FD0];
	_ =	sdelay $0x1  }
0x91: {  	s2 =	sld [smem:$0x3FC9]  }
0x92: {  	s5 =	simm.s32 $0xB;
	s6 =	simm.s32 $0x10;
	s16 =	sld [smem:$0x3FC7]  }
0x93: {  	[smem:s6], [sflag:s5] =	dma.local [hbm:s4], $0x1  }
0x94: {  	_ =	swait.eq [sflag:s5], $0x1  }
0x95: {  	[sflag:s5] =	ssyncset.done $0x0  }
0x96: {  	[sflag:s5] =	ssyncadd.s32 $0xFFFFFFFF  }
0x97: {  	s17 =	sld [smem:$0x10];
	(tm) =	ssettm $0x1  }
0x98: {  	s18 =	sld [smem:$0x3FFB];
	_ =	sdelay $0x3  }
0x99: {  	_ =	strace s18  }
0x9a: {  	s4 =	sld [smem:$0x3FFC];
	_ =	sdelay $0x3  }
0x9b: {  	_ =	strace s4  }
0x9c: {  	s4 =	sld [smem:$0x3FFD];
	_ =	sdelay $0x3  }
0x9d: {  	_ =	strace s4  }
0x9e: {  	_ =	strace $0x8FFFFFFF  }
0x9f: {  	s19 =	sld [smem:$0x3FDB];
	_ =	sdelay $0x1  }
0xa0: {  	s20 =	simm.s32 $_scs_section_size  }
0xa1: {  	s7 =	simm.s32 $_size__tile_overlayer_lowered;
	s8 =	simm.s32 $_tile_overlayer_lowered  }
0xa2: {  	s9 =	simm.s32 $0x1BFF;
	s21 =	sshll.u32 s8, $0x1;
	s6 =	sadd.s32 s20, s19  }
0xa3: {  	s22 =	simm.s32 $0x0;
	s7 =	sshll.u32 s7, $0x1;
	s8 =	sadd.s32 s21, s6  }
0xa4: {  	[timem:s22], [sflag:s9] =	dma.local [hbm:s8], s7  }
0xa5: {  	_ =	swait.ge [sflag:s9], s7  }
0xa6: {  	s7 =	ssub.s32 $0x0, s7;
	[sflag:s9] =	ssyncset.done $0x0  }
0xa7: {  	[sflag:s9] =	ssyncadd.s32 s7;
	_ =	sdelay $0x1  }
0xa8: {  	s23 =	simm.s32 $0x1B8B  }
0xa9: {  	_ =	swait.ge [sflag:s23], $0x1  }
0xaa: {  	[sflag:s23] =	ssyncset.done $0x0  }
0xab: {  	[sflag:s23] =	ssyncadd.s32 $0xFFFFFFFF  }
0xac: {  	s7 =	sld [smem:$0x0]  }
0xad: {  	s8 =	sand.u32 $0xFFFFFFFE, s1  }
0xae: {  	p0 =	sne.s32 s1, s8  }
0xaf: {  	s8 =	sshll.u32 @p0 s8, $0xE  }
0xb0: {  	s8 =	sadd.s32 @p0 $0x11B8D, s8;
	s9 =	sshll.u32 @p0 s7, $0x11  }
0xb1: {  	s8 =	sor.u32 @p0 s9, s8  }
0xb2: {  	[sflag:s8] =	ssyncadd.remote.s32 @p0 $0x1;
	_ =	sdelay $0x1  }
0xb3: {  	s8 =	simm.s32 @p0 $0x1B8D  }
0xb4: {  	_ =	swait.eq @p0 [sflag:s8], $0x1  }
0xb5: {  	[sflag:s8] =	ssyncadd.s32 @p0 $0xFFFFFFFF  }
0xb6: {  	s9 =	sshll.u32 @!p0 s1, $0xE  }
0xb7: {  	s9 =	sor.u32 @!p0 $0x4000, s9;
	s8 =	simm.s32 @!p0 $0x1B8D  }
0xb8: {  	s7 =	sshll.u32 @!p0 s7, $0x11;
	s9 =	sadd.s32 @!p0 $0x11B8D, s9;
	_ =	swait.eq @!p0 [sflag:s8], $0x1  }
0xb9: {  	s7 =	sor.u32 @!p0 s7, s9;
	[sflag:s8] =	ssyncadd.s32 @!p0 $0xFFFFFFFF  }
0xba: {  	s25 =	simm.s32 $0x1B8E;
	s24 =	sld [smem:$0x3FFE];
	[sflag:s7] =	ssyncadd.remote.s32 @!p0 $0x1  }
0xbb: {  	s26 =	simm.s32 $execute0_lowered;
	[smem:$0x3FD2] =	sst s25  }
0xbc: {  	s8 =	sshll.u32 s26, $0x1;
	_ =	strace $0x80000049;
	[dreg:$0x1] =	wrdreg $0xFFFFFFFF  }
0xbd: {  	s28 =	simm.s32 $_size_execute0_lowered;
	s6 =	sadd.s32 s6, s8;
	[dreg:$0x0] =	wrdreg $0x0  }
0xbe: {  	s8 =	sshll.u32 s28, $0x1;
	[dreg:$0x2] =	wrdreg s6  }
0xbf: {  	[dreg:$0x3] =	wrdreg s8  }
0xc0: {  	[dreg:$0x4] =	wrdreg $0xC0  }
0xc1: {  	_ =	task [dreg:s22], $0x5FFFF  }
0xc2: {  	[dreg:$0x1] =	wrdreg $0xFFFFFFFF  }
0xc3: {  	[dreg:$0x0] =	wrdreg $0x60  }
0xc4: {  	[dreg:$0x2] =	wrdreg s2  }
0xc5: {  	[dreg:$0x3] =	wrdreg s16  }
0xc6: {  	[dreg:$0x4] =	wrdreg s24  }
0xc7: {  	[dreg:$0x5] =	wrdreg s17  }
0xc8: {  	[dreg:$0x6] =	wrdreg $0x9  }
0xc9: {  	_ =	task.clear_ibuf [dreg:s22], $0x7FFFF;
	_ =	strace $0x90000049  }
0xca: {  	s29 =	simm.s32 $0x9;
	_ =	strace $0x8000004B  }
0xcb: {  	_ =	swait.ge [sflag:s29], $0x1  }
0xcc: {  	[sflag:s29] =	ssyncadd.s32 $0xFFFFFFFF  }
0xcd: {  	_ =	strace $0x9000004B  }
0xce: {  	_ =	sfence  }
0xcf: {  	s30 =	sld [smem:$0x0];
	_ =	sdelay $0x2  }
0xd0: {  	s31 =	sshll.u32 s1, $0xD;
	s1 =	sshrl.u32 s1, $0x2  }
0xd1: {  	s3 =	sand.u32 $0x4000, s31;
	s1 =	sadd.s32 s1, s30  }
0xd2: {  	s0 =	sor.u32 s3, s0;
	s1 =	sshll.u32 s1, $0x11  }
0xd3: {  	s0 =	sor.u32 s1, s0  }
0xd4: {  	s0 =	sadd.s32 $0x8F2B, s0  }
0xd5: {  	[sflag:s0] =	ssyncadd.remote.s32 $0x1  }
0xd6: {  	_ =	sfence.sel $0xFFFF  }
0xd7: {  	[dreg:$0x0] =	wrdreg $0xFFFFFFFF;
	(pc) =	sbr.abs _section_cstart, $3  }
0xd8: {  	[dreg:$0x1] =	wrdreg $0xFFFFFFFF  }
0xd9: {  	_ =	task.clear_ibuf [dreg:s22], $0x2FFFF;
	_ =	strace $0x9FFFFFFF  }
0xda: {  	(tm) =	ssettm $0x7FFFFFFF  }
0xdb: {  	_ =	shalt  }
tec
execute0_lowered:
.L_overlay_start_1:
0x0: {  	(tag) =	ssettag $0x1  }
0x1: {  	s0 =	rddreg [dreg:$0x0]  }
0x2: {  	s1 =	srdreg.scid;
	s2 =	rddreg [dreg:$0x1]  }
0x3: {  	s6 =	stileid.u32;
	s4 =	rddreg [dreg:$0x2];
	s5 =	simm.s32 $0x1  }
0x4: {  	s11 =	simm.s32 $0x40000;
	s12 =	simm.s32 $0x2200;
	s1 =	sand.u32 $0x1, s1  }
0x5: {  	s13 =	simm.s32 $0x400;
	s14 =	simm.s32 $0x0;
	s3 =	sor.u32 s1, s6  }
0x6: {  	s4 =	sadd.s32 $0x800, s4;
	p1 =	seq.s32 s1, $0x1;
	p0 =	seq.s32 s3, $0x0  }
0x7: {  	s26 =	ssub.s32 $0x2, s1;
	s28 =	sshll.u32 s1, $0xD;
	p0 =	por !p0, !p1  }
0x8: {  	s3 =	simm.s32 $0x0;
	s8 =	sshrl.u32 s26, $0x1;
	p0 =	por !p0, !p0  }
0x9: {  	v0 =	vlaneseq.u32;
	[smem:$0x7FF] =	sst s3;
	s10 =	ssub.s32 s26, s8;
	s5 =	simm.s32 @!p0 $0x0  }
.Ltmp0:
0xa: {  	v1 =	vand.u32 $0x7, v0;
	s8 =	sshll.u32 s1, $0x18;
	s9 =	ssub.s32 s6, s5;
	(pc) =	sbr.rel .LBB2_1-.Ltmp0, $4  }
0xb: {  	v0 =	vmul.u32 $0x80, v0;
	v1 =	vmul.u32 $0x10, v1;
	_ =	strace $0x8000004A;
	[dreg:$0x5] =	wrdreg s4;
	s7 =	sshll.u32 s9, $0xE  }
0xc: {  	s5 =	simm.s32 $0x1;
	s29 =	sshll.u32 s9, $0x7;
	s6 =	sor.u32 s28, s7  }
0xd: {  	v3 =	vor.u32 $0x800, v0;
	v4 =	vor.u32 $0x1000, v0;
	v1 =	vadd.s32 $0x110, v1;
	s31 =	sadd.s32 $0x100, s9;
	s30 =	sand.u32 $0x1FFFFF80, s29;
	s6 =	sshrl.u32 s6, $0x3  }
0xe: {  	v5 =	vor.u32 $0x1800, v0;
	v1 =	vadd.s32 s9, v1;
	s9 =	smax.u32 s10, $0x1;
	v2 =	vmov s31;
	s7 =	sadd.s32 s2, s30;
	s6 =	sadd.s32 s0, s6  }
.LBB2_8:
0xf: {  	_ = 	snop  }
0x10: {  	s0 =	sshll.u32 s23, $0xA  }
0x11: {  	s0 =	sadd.s32 s8, s0  }
0x12: {  	s31 =	rddreg [dreg:$0x3];
	s0 =	sshrl.u32 s0, $0x3  }
0x13: {  	[tilespmem:v39+s1+$0x0] =	vst.idx.msk @!p1 $0xffff, v38;
	s0 =	sadd.s32 s31, s0  }
0x14: {  	[hbm4b:s0+s13] =	stream.strided.scatter [tilespmem:s12], [sflag:$0x1], $0x10000, s11, s13, $0x38;
	[tilespmem:$0x12200] =	vst v63  }
0x15: {  	_ =	swait.ge [sflag:s5], $0x10000  }
0x16: {  	[sflag:s5] =	ssyncset.done $0x0  }
0x17: {  	[sflag:s5] =	ssyncadd.s32 $0xFFFF0000  }
.LBB2_9:
0x18: {  	s14 =	sadd.s32 $0x1, s14  }
0x19: {  	p0 =	sne.s32 s14, s9  }
.Ltmp1:
0x1a: {  	_ = 	snop;
	(pc) =	sbr.rel @!p0 .LBB2_10-.Ltmp1, $1  }
0x1b: {  	_ =	sdelay $0x3  }
.LBB2_1:
0x1c: {  	s0 =	rddreg [dreg:$0x5]  }
0x1d: {  	[tilespmem:s3], [sflag:$0x1] =	stream.linear.gather [hbm4b:s0+s3], $0x200, $0x38;
	[tilespmem:$0x12200] =	vst v63  }
0x1e: {  	_ =	swait.ge [sflag:s5], $0x200  }
0x1f: {  	[sflag:s5] =	ssyncset.done $0x0  }
0x20: {  	s18 =	simm.s32 $0x200;
	[sflag:s5] =	ssyncadd.s32 $0xFFFFFE00  }
0x21: {  	[tilespmem:s18], [sflag:$0x1] =	stream.linear.gather [hbm4b:s6+s3], $0x2000, $0x38;
	[tilespmem:$0x12200] =	vst v63  }
0x22: {  	_ =	swait.ge [sflag:s5], $0x2000  }
0x23: {  	[sflag:s5] =	ssyncset.done $0x0  }
0x24: {  	[sflag:s5] =	ssyncadd.s32 $0xFFFFE000  }
0x25: {  	[tilespmem:s12], [sflag:$0x1] =	stream.strided.gather [hbm4b:s7+s13], $0x10000, s11, s13, $0x38;
	[tilespmem:$0x12200] =	vst v63  }
0x26: {  	_ =	swait.ge [sflag:s5], $0x10000  }
0x27: {  	[sflag:s5] =	ssyncset.done $0x0  }
0x28: {  	[sflag:s5] =	ssyncadd.s32 $0xFFFF0000  }
0x29: {  	v32 =	vld.idx.msk [tilespmem:v1+s3+$0x0], $0xffff;
	_ =	sdelay $0x4  }
0x2a: {  	v39 =	vshra.s32 v32, $0x7  }
0x2b: {  	(v2sf) =	vpush v39, $0x0  }
0x2c: {  	(v2sf) =	vpush v32, $0x0;
	_ =	sdelay $0xa  }
0x2d: {  	v6 =	vld.idx.msk [tilespmem:v2+s3+$0x0], $0xffff;
	_ =	sdelay $0x2  }
0x2e: {  	s24 =	spop (v2sf)  }
0x2f: {  	s19 =	spop (v2sf)  }
0x30: {  	v6 =	vshll.u32 v6, $0x4;
	s15 =	sshra.s32 s19, $0x7  }
0x31: {  	v7 =	vand.u32 $0xF, v39;
	v6 =	vand.u32 $0xF0, v6;
	s0 =	sand.u32 $0x7F, s19;
	p0 =	sne.s32 s15, s24  }
0x32: {  	v7 =	vor.u32 v7, v6;
	v6 =	vor.u32 s0, v0;
	s1 =	simm.s32 @!p0 $0x0  }
0x33: {  	v8 =	vld @!p0 [tilespmem:s13+$0xFFFFFE00];
	v9 =	vor.u32 @!p0 s1, v6;
	_ =	sdelay $0x3  }
0x34: {  	v38 =	vld [tilespmem:$0x200];
	s23 =	simm.s32 @!p0 $0x2200  }
0x35: {  	v40 =	vld.idx.msk [tilespmem:v7+s3+$0x0], $0xffff;
	(v2sf) =	vpush v32, $0x1;
	v7 =	vor.u32 s0, v3;
	[tilespmem:v9+s23+$0x0] =	vst.idx.msk @!p0 $0xffff, v8  }
0x36: {  	v10 =	vor.u32 @!p0 s1, v7;
	v9 =	vld @!p0 [tilespmem:s13+$0xFFFFFE10];
	_ =	sdelay $0x4  }
0x37: {  	v8 =	vor.u32 s0, v4;
	[tilespmem:v10+s23+$0x0] =	vst.idx.msk @!p0 $0xffff, v9  }
0x38: {  	v11 =	vor.u32 @!p0 s1, v8;
	v10 =	vld @!p0 [tilespmem:s13+$0xFFFFFE20];
	_ =	sdelay $0x4  }
0x39: {  	v9 =	vor.u32 s0, v5;
	[tilespmem:v11+s23+$0x0] =	vst.idx.msk @!p0 $0xffff, v10  }
0x3a: {  	v12 =	vor.u32 @!p0 s1, v9;
	v11 =	vld @!p0 [tilespmem:s13+$0xFFFFFE30];
	_ =	sdelay $0x1  }
0x3b: {  	s20 =	spop (v2sf)  }
0x3c: {  	s16 =	sshra.s32 s20, $0x7;
	s1 =	simm.s32 @!p0 $0x0  }
0x3d: {  	s0 =	sand.u32 $0x7F, s20;
	p2 =	sne.s32 s16, s24;
	s1 =	simm.s32 @p0 $0x1  }
0x3e: {  	[smem:$0x7FA] =	sst s1;
	s1 =	simm.s32 @!p2 $0x0;
	v10 =	vor.u32 s0, v0;
	[tilespmem:v12+s23+$0x0] =	vst.idx.msk @!p0 $0xffff, v11  }
0x3f: {  	v13 =	vor.u32 @!p2 s1, v10;
	v12 =	vld @!p2 [tilespmem:s13+$0xFFFFFE80];
	_ =	sdelay $0x3  }
0x40: {  	s25 =	simm.s32 @!p2 $0x2200  }
0x41: {  	(v2sf) =	vpush v32, $0x2;
	v11 =	vor.u32 s0, v3;
	[tilespmem:v13+s25+$0x0] =	vst.idx.msk @!p2 $0xffff, v12  }
0x42: {  	v14 =	vor.u32 @!p2 s1, v11;
	v13 =	vld @!p2 [tilespmem:s13+$0xFFFFFE90];
	_ =	sdelay $0x4  }
0x43: {  	v12 =	vor.u32 s0, v4;
	[tilespmem:v14+s25+$0x0] =	vst.idx.msk @!p2 $0xffff, v13  }
0x44: {  	v15 =	vor.u32 @!p2 s1, v12;
	v14 =	vld @!p2 [tilespmem:s13+$0xFFFFFEA0];
	_ =	sdelay $0x4  }
0x45: {  	v13 =	vor.u32 s0, v5;
	[tilespmem:v15+s25+$0x0] =	vst.idx.msk @!p2 $0xffff, v14  }
0x46: {  	v16 =	vor.u32 @!p2 s1, v13;
	v15 =	vld @!p2 [tilespmem:s13+$0xFFFFFEB0];
	_ =	sdelay $0x1  }
0x47: {  	s21 =	spop (v2sf)  }
0x48: {  	s17 =	sshra.s32 s21, $0x7;
	s1 =	simm.s32 @!p2 $0x0  }
0x49: {  	p1 =	sne.s32 s17, s24;
	s0 =	sand.u32 $0x7F, s21;
	s1 =	simm.s32 @p2 $0x1  }
0x4a: {  	[smem:$0x7FB] =	sst s1;
	s1 =	simm.s32 @!p1 $0x0;
	v14 =	vor.u32 s0, v0;
	[tilespmem:v16+s25+$0x0] =	vst.idx.msk @!p2 $0xffff, v15  }
0x4b: {  	v17 =	vor.u32 @!p1 s1, v14;
	v16 =	vld @!p1 [tilespmem:s13+$0xFFFFFF00];
	_ =	sdelay $0x3  }
0x4c: {  	s26 =	simm.s32 @!p1 $0x2200  }
0x4d: {  	(v2sf) =	vpush v32, $0x3;
	v15 =	vor.u32 s0, v3;
	[tilespmem:v17+s26+$0x0] =	vst.idx.msk @!p1 $0xffff, v16  }
0x4e: {  	v18 =	vor.u32 @!p1 s1, v15;
	v17 =	vld @!p1 [tilespmem:s13+$0xFFFFFF10];
	_ =	sdelay $0x4  }
0x4f: {  	v16 =	vor.u32 s0, v4;
	[tilespmem:v18+s26+$0x0] =	vst.idx.msk @!p1 $0xffff, v17  }
0x50: {  	v19 =	vor.u32 @!p1 s1, v16;
	v18 =	vld @!p1 [tilespmem:s13+$0xFFFFFF20];
	_ =	sdelay $0x4  }
0x51: {  	v17 =	vor.u32 s0, v5;
	[tilespmem:v19+s26+$0x0] =	vst.idx.msk @!p1 $0xffff, v18  }
0x52: {  	v20 =	vor.u32 @!p1 s1, v17;
	v19 =	vld @!p1 [tilespmem:s13+$0xFFFFFF30];
	_ =	sdelay $0x1  }
0x53: {  	s22 =	spop (v2sf)  }
0x54: {  	s18 =	sshra.s32 s22, $0x7  }
0x55: {  	p0 =	sne.s32 s18, s24;
	s0 =	sand.u32 $0x7F, s22  }
0x56: {  	s1 =	simm.s32 @!p0 $0x0;
	v18 =	vor.u32 s0, v0;
	[tilespmem:v20+s26+$0x0] =	vst.idx.msk @!p1 $0xffff, v19  }
0x57: {  	v21 =	vor.u32 @!p0 s1, v18;
	v20 =	vld @!p0 [tilespmem:s13+$0xFFFFFF80];
	_ =	sdelay $0x3  }
0x58: {  	s28 =	simm.s32 @!p0 $0x2200  }
0x59: {  	(v2sf) =	vpush v32, $0x4;
	v19 =	vor.u32 s0, v3;
	[tilespmem:v21+s28+$0x0] =	vst.idx.msk @!p0 $0xffff, v20  }
0x5a: {  	v22 =	vor.u32 @!p0 s1, v19;
	v21 =	vld @!p0 [tilespmem:s13+$0xFFFFFF90];
	_ =	sdelay $0x4  }
0x5b: {  	v20 =	vor.u32 s0, v4;
	[tilespmem:v22+s28+$0x0] =	vst.idx.msk @!p0 $0xffff, v21  }
0x5c: {  	v23 =	vor.u32 @!p0 s1, v20;
	v22 =	vld @!p0 [tilespmem:s13+$0xFFFFFFA0];
	_ =	sdelay $0x4  }
0x5d: {  	v21 =	vor.u32 s0, v5;
	[tilespmem:v23+s28+$0x0] =	vst.idx.msk @!p0 $0xffff, v22  }
0x5e: {  	v24 =	vor.u32 @!p0 s1, v21;
	v23 =	vld @!p0 [tilespmem:s13+$0xFFFFFFB0];
	_ =	sdelay $0x1  }
0x5f: {  	s1 =	spop (v2sf)  }
0x60: {  	s19 =	sshra.s32 s1, $0x7;
	s0 =	sand.u32 $0x7F, s1;
	s1 =	simm.s32 @!p0 $0x0  }
0x61: {  	p4 =	sne.s32 s19, s24;
	s1 =	simm.s32 @p0 $0x1  }
0x62: {  	[smem:$0x7FC] =	sst s1;
	s1 =	simm.s32 @!p4 $0x0;
	v22 =	vor.u32 s0, v0;
	[tilespmem:v24+s28+$0x0] =	vst.idx.msk @!p0 $0xffff, v23  }
0x63: {  	v25 =	vor.u32 @!p4 s1, v22;
	v24 =	vld @!p4 [tilespmem:s13+$0x0];
	_ =	sdelay $0x3  }
0x64: {  	s29 =	simm.s32 @!p4 $0x2200  }
0x65: {  	(v2sf) =	vpush v32, $0x5;
	v23 =	vor.u32 s0, v3;
	[tilespmem:v25+s29+$0x0] =	vst.idx.msk @!p4 $0xffff, v24  }
0x66: {  	v26 =	vor.u32 @!p4 s1, v23;
	v25 =	vld @!p4 [tilespmem:s13+$0x10];
	_ =	sdelay $0x4  }
0x67: {  	v24 =	vor.u32 s0, v4;
	[tilespmem:v26+s29+$0x0] =	vst.idx.msk @!p4 $0xffff, v25  }
0x68: {  	v27 =	vor.u32 @!p4 s1, v24;
	v26 =	vld @!p4 [tilespmem:s13+$0x20];
	_ =	sdelay $0x4  }
0x69: {  	v25 =	vor.u32 s0, v5;
	[tilespmem:v27+s29+$0x0] =	vst.idx.msk @!p4 $0xffff, v26  }
0x6a: {  	v28 =	vor.u32 @!p4 s1, v25;
	v27 =	vld @!p4 [tilespmem:s13+$0x30];
	_ =	sdelay $0x1  }
0x6b: {  	s2 =	spop (v2sf)  }
0x6c: {  	s20 =	sshra.s32 s2, $0x7  }
0x6d: {  	p5 =	sne.s32 s20, s24;
	s0 =	sand.u32 $0x7F, s2  }
0x6e: {  	s1 =	simm.s32 @!p5 $0x0;
	v26 =	vor.u32 s0, v0;
	[tilespmem:v28+s29+$0x0] =	vst.idx.msk @!p4 $0xffff, v27  }
0x6f: {  	v29 =	vor.u32 @!p5 s1, v26;
	v28 =	vld @!p5 [tilespmem:s13+$0x80];
	_ =	sdelay $0x3  }
0x70: {  	s30 =	simm.s32 @!p5 $0x2200  }
0x71: {  	(v2sf) =	vpush v32, $0x6;
	v27 =	vor.u32 s0, v3;
	[tilespmem:v29+s30+$0x0] =	vst.idx.msk @!p5 $0xffff, v28  }
0x72: {  	v30 =	vor.u32 @!p5 s1, v27;
	v29 =	vld @!p5 [tilespmem:s13+$0x90];
	_ =	sdelay $0x4  }
0x73: {  	v28 =	vor.u32 s0, v4;
	[tilespmem:v30+s30+$0x0] =	vst.idx.msk @!p5 $0xffff, v29  }
0x74: {  	v31 =	vor.u32 @!p5 s1, v28;
	v30 =	vld @!p5 [tilespmem:s13+$0xA0];
	_ =	sdelay $0x4  }
0x75: {  	v29 =	vor.u32 s0, v5;
	[tilespmem:v31+s30+$0x0] =	vst.idx.msk @!p5 $0xffff, v30  }
0x76: {  	v33 =	vor.u32 @!p5 s1, v29;
	v31 =	vld @!p5 [tilespmem:s13+$0xB0];
	_ =	sdelay $0x1  }
0x77: {  	s4 =	spop (v2sf)  }
0x78: {  	s21 =	sshra.s32 s4, $0x7  }
0x79: {  	p6 =	sne.s32 s21, s24;
	s0 =	sand.u32 $0x7F, s4  }
0x7a: {  	s1 =	simm.s32 @!p6 $0x0;
	v30 =	vor.u32 s0, v0;
	[tilespmem:v33+s30+$0x0] =	vst.idx.msk @!p5 $0xffff, v31  }
0x7b: {  	v34 =	vor.u32 @!p6 s1, v30;
	v33 =	vld @!p6 [tilespmem:s13+$0x100];
	_ =	sdelay $0x3  }
0x7c: {  	s31 =	simm.s32 @!p6 $0x2200  }
0x7d: {  	(v2sf) =	vpush v32, $0x7;
	v31 =	vor.u32 s0, v3;
	[tilespmem:v34+s31+$0x0] =	vst.idx.msk @!p6 $0xffff, v33  }
0x7e: {  	v34 =	vor.u32 @!p6 s1, v31;
	v33 =	vld @!p6 [tilespmem:s13+$0x110];
	_ =	sdelay $0x4  }
0x7f: {  	v32 =	vor.u32 s0, v4;
	[tilespmem:v34+s31+$0x0] =	vst.idx.msk @!p6 $0xffff, v33  }
0x80: {  	v35 =	vor.u32 @!p6 s1, v32;
	v34 =	vld @!p6 [tilespmem:s13+$0x120];
	_ =	sdelay $0x4  }
0x81: {  	v33 =	vor.u32 s0, v5;
	[tilespmem:v35+s31+$0x0] =	vst.idx.msk @!p6 $0xffff, v34  }
0x82: {  	v36 =	vor.u32 @!p6 s1, v33;
	v35 =	vld @!p6 [tilespmem:s13+$0x130];
	_ =	sdelay $0x1  }
0x83: {  	s10 =	spop (v2sf)  }
0x84: {  	s22 =	sshra.s32 s10, $0x7  }
0x85: {  	p0 =	sne.s32 s22, s24;
	s0 =	sand.u32 $0x7F, s10  }
0x86: {  	s2 =	simm.s32 @!p0 $0x0;
	v34 =	vor.u32 s0, v0;
	[tilespmem:v36+s31+$0x0] =	vst.idx.msk @!p6 $0xffff, v35  }
0x87: {  	v37 =	vor.u32 @!p0 s2, v34;
	v36 =	vld @!p0 [tilespmem:s13+$0x180];
	_ =	sdelay $0x3  }
0x88: {  	s1 =	simm.s32 @!p0 $0x2200  }
0x89: {  	v35 =	vor.u32 s0, v3;
	[tilespmem:v37+s1+$0x0] =	vst.idx.msk @!p0 $0xffff, v36  }
0x8a: {  	v41 =	vor.u32 @!p0 s2, v35;
	v37 =	vld @!p0 [tilespmem:s13+$0x190];
	_ =	sdelay $0x4  }
0x8b: {  	v36 =	vor.u32 s0, v4;
	[tilespmem:v41+s1+$0x0] =	vst.idx.msk @!p0 $0xffff, v37  }
0x8c: {  	v42 =	vor.u32 @!p0 s2, v36;
	v41 =	vld @!p0 [tilespmem:s13+$0x1A0];
	_ =	sdelay $0x3  }
0x8d: {  	s4 =	simm.s32 @!p0 $0x0  }
0x8e: {  	s4 =	simm.s32 @p0 $0x1;
	v37 =	vor.u32 s0, v5;
	[tilespmem:v42+s1+$0x0] =	vst.idx.msk @!p0 $0xffff, v41  }
0x8f: {  	[smem:$0x7FD] =	sst s4;
	s10 =	simm.s32 $0x400;
	s0 =	simm.s32 $0x1;
	v42 =	vor.u32 @!p0 s2, v37;
	v41 =	vld @!p0 [tilespmem:s13+$0x1B0]  }
.LBB2_2:
0x90: {  	s2 =	sld [smem:$0x7FA];
	_ =	sdelay $0x2  }
0x91: {  	p2 =	por p1, p1;
	p1 =	seq.s32 s2, $0x1;
	s2 =	sld [smem:$0x7FD]  }
0x92: {  	_ = 	snop  }
0x93: {  	s4 =	sshll.u32 @!p1 s0, $0xD  }
0x94: {  	p0 =	seq.s32 s2, $0x1;
	s2 =	smov.u32 s0;
	s0 =	sadd.s32 $0x1, s0  }
0x95: {  	s10 =	sadd.s32 $0x400, s10;
	[tilespmem:v42+s1+$0x0] =	vst.idx.msk @!p0 $0xffff, v41;
	p3 =	sne.s32 s0, $0x8  }
0x96: {  	v41 =	vld @!p1 [tilespmem:s10+$0xFFFFFE00];
	[smem:$0x7F8] =	sst s3;
	s3 =	simm.s32 @!p3 $0x0  }
0x97: {  	s3 =	simm.s32 @p3 $0x1  }
0x98: {  	[smem:$0x7F9] =	sst s3  }
0x99: {  	s3 =	sld [smem:$0x7F8];
	_ =	sdelay $0x1  }
0x9a: {  	v42 =	vor.u32 @!p1 s4, v6  }
0x9b: {  	[smem:$0x7F8] =	sst s3  }
0x9c: {  	s3 =	sld [smem:$0x7FC];
	_ =	sdelay $0x2  }
0x9d: {  	p3 =	seq.s32 s3, $0x1;
	s3 =	sld [smem:$0x7F8];
	[tilespmem:v42+s23+$0x0] =	vst.idx.msk @!p1 $0xffff, v41  }
0x9e: {  	v42 =	vor.u32 @!p1 s4, v7;
	v41 =	vld @!p1 [tilespmem:s10+$0xFFFFFE10];
	_ =	sdelay $0x4  }
0x9f: {  	[tilespmem:v42+s23+$0x0] =	vst.idx.msk @!p1 $0xffff, v41  }
0xa0: {  	v42 =	vor.u32 @!p1 s4, v8;
	v41 =	vld @!p1 [tilespmem:s10+$0xFFFFFE20];
	_ =	sdelay $0x4  }
0xa1: {  	[tilespmem:v42+s23+$0x0] =	vst.idx.msk @!p1 $0xffff, v41  }
0xa2: {  	v42 =	vor.u32 @!p1 s4, v9;
	v41 =	vld @!p1 [tilespmem:s10+$0xFFFFFE30];
	_ =	sdelay $0x1  }
0xa3: {  	s4 =	sld [smem:$0x7FB];
	_ =	sdelay $0x2  }
0xa4: {  	[tilespmem:v42+s23+$0x0] =	vst.idx.msk @!p1 $0xffff, v41;
	p1 =	por p2, p2;
	p2 =	seq.s32 s4, $0x1  }
0xa5: {  	s4 =	sshll.u32 @!p2 s2, $0xD  }
0xa6: {  	v41 =	vld @!p2 [tilespmem:s10+$0xFFFFFE80];
	v42 =	vor.u32 @!p2 s4, v10;
	_ =	sdelay $0x4  }
0xa7: {  	[tilespmem:v42+s25+$0x0] =	vst.idx.msk @!p2 $0xffff, v41  }
0xa8: {  	v42 =	vor.u32 @!p2 s4, v11;
	v41 =	vld @!p2 [tilespmem:s10+$0xFFFFFE90];
	_ =	sdelay $0x4  }
0xa9: {  	[tilespmem:v42+s25+$0x0] =	vst.idx.msk @!p2 $0xffff, v41  }
0xaa: {  	v42 =	vor.u32 @!p2 s4, v12;
	v41 =	vld @!p2 [tilespmem:s10+$0xFFFFFEA0];
	_ =	sdelay $0x4  }
0xab: {  	[tilespmem:v42+s25+$0x0] =	vst.idx.msk @!p2 $0xffff, v41  }
0xac: {  	v42 =	vor.u32 @!p2 s4, v13;
	v41 =	vld @!p2 [tilespmem:s10+$0xFFFFFEB0];
	_ =	sdelay $0x4  }
0xad: {  	s4 =	sshll.u32 @!p1 s2, $0xD;
	[tilespmem:v42+s25+$0x0] =	vst.idx.msk @!p2 $0xffff, v41  }
0xae: {  	v42 =	vor.u32 @!p1 s4, v14;
	v41 =	vld @!p1 [tilespmem:s10+$0xFFFFFF00];
	_ =	sdelay $0x4  }
0xaf: {  	[tilespmem:v42+s26+$0x0] =	vst.idx.msk @!p1 $0xffff, v41  }
0xb0: {  	v42 =	vor.u32 @!p1 s4, v15;
	v41 =	vld @!p1 [tilespmem:s10+$0xFFFFFF10];
	_ =	sdelay $0x4  }
0xb1: {  	[tilespmem:v42+s26+$0x0] =	vst.idx.msk @!p1 $0xffff, v41  }
0xb2: {  	v42 =	vor.u32 @!p1 s4, v16;
	v41 =	vld @!p1 [tilespmem:s10+$0xFFFFFF20];
	_ =	sdelay $0x4  }
0xb3: {  	[tilespmem:v42+s26+$0x0] =	vst.idx.msk @!p1 $0xffff, v41  }
0xb4: {  	v42 =	vor.u32 @!p1 s4, v17;
	v41 =	vld @!p1 [tilespmem:s10+$0xFFFFFF30];
	_ =	sdelay $0x4  }
0xb5: {  	s4 =	sshll.u32 @!p3 s2, $0xD;
	[tilespmem:v42+s26+$0x0] =	vst.idx.msk @!p1 $0xffff, v41  }
0xb6: {  	v42 =	vor.u32 @!p3 s4, v18;
	v41 =	vld @!p3 [tilespmem:s10+$0xFFFFFF80];
	_ =	sdelay $0x4  }
0xb7: {  	[tilespmem:v42+s28+$0x0] =	vst.idx.msk @!p3 $0xffff, v41  }
0xb8: {  	v42 =	vor.u32 @!p3 s4, v19;
	v41 =	vld @!p3 [tilespmem:s10+$0xFFFFFF90];
	_ =	sdelay $0x4  }
0xb9: {  	[tilespmem:v42+s28+$0x0] =	vst.idx.msk @!p3 $0xffff, v41  }
0xba: {  	v42 =	vor.u32 @!p3 s4, v20;
	v41 =	vld @!p3 [tilespmem:s10+$0xFFFFFFA0];
	_ =	sdelay $0x4  }
0xbb: {  	[tilespmem:v42+s28+$0x0] =	vst.idx.msk @!p3 $0xffff, v41  }
0xbc: {  	v42 =	vor.u32 @!p3 s4, v21;
	v41 =	vld @!p3 [tilespmem:s10+$0xFFFFFFB0];
	_ =	sdelay $0x4  }
0xbd: {  	s4 =	sshll.u32 @!p4 s2, $0xD;
	[tilespmem:v42+s28+$0x0] =	vst.idx.msk @!p3 $0xffff, v41  }
0xbe: {  	v42 =	vor.u32 @!p4 s4, v22;
	v41 =	vld @!p4 [tilespmem:s10+$0x0];
	_ =	sdelay $0x4  }
0xbf: {  	[tilespmem:v42+s29+$0x0] =	vst.idx.msk @!p4 $0xffff, v41  }
0xc0: {  	v42 =	vor.u32 @!p4 s4, v23;
	v41 =	vld @!p4 [tilespmem:s10+$0x10];
	_ =	sdelay $0x4  }
0xc1: {  	[tilespmem:v42+s29+$0x0] =	vst.idx.msk @!p4 $0xffff, v41  }
0xc2: {  	v42 =	vor.u32 @!p4 s4, v24;
	v41 =	vld @!p4 [tilespmem:s10+$0x20];
	_ =	sdelay $0x4  }
0xc3: {  	[tilespmem:v42+s29+$0x0] =	vst.idx.msk @!p4 $0xffff, v41  }
0xc4: {  	v42 =	vor.u32 @!p4 s4, v25;
	v41 =	vld @!p4 [tilespmem:s10+$0x30];
	_ =	sdelay $0x4  }
0xc5: {  	s4 =	sshll.u32 @!p5 s2, $0xD;
	[tilespmem:v42+s29+$0x0] =	vst.idx.msk @!p4 $0xffff, v41  }
0xc6: {  	v42 =	vor.u32 @!p5 s4, v26;
	v41 =	vld @!p5 [tilespmem:s10+$0x80];
	_ =	sdelay $0x4  }
0xc7: {  	[tilespmem:v42+s30+$0x0] =	vst.idx.msk @!p5 $0xffff, v41  }
0xc8: {  	v42 =	vor.u32 @!p5 s4, v27;
	v41 =	vld @!p5 [tilespmem:s10+$0x90];
	_ =	sdelay $0x4  }
0xc9: {  	[tilespmem:v42+s30+$0x0] =	vst.idx.msk @!p5 $0xffff, v41  }
0xca: {  	v42 =	vor.u32 @!p5 s4, v28;
	v41 =	vld @!p5 [tilespmem:s10+$0xA0];
	_ =	sdelay $0x4  }
0xcb: {  	[tilespmem:v42+s30+$0x0] =	vst.idx.msk @!p5 $0xffff, v41  }
0xcc: {  	v42 =	vor.u32 @!p5 s4, v29;
	v41 =	vld @!p5 [tilespmem:s10+$0xB0];
	_ =	sdelay $0x3  }
0xcd: {  	p0 =	por p6, p6  }
0xce: {  	s4 =	sshll.u32 @!p0 s2, $0xD;
	[tilespmem:v42+s30+$0x0] =	vst.idx.msk @!p5 $0xffff, v41  }
0xcf: {  	v42 =	vor.u32 @!p0 s4, v30;
	v41 =	vld @!p0 [tilespmem:s10+$0x100];
	_ =	sdelay $0x4  }
0xd0: {  	[tilespmem:v42+s31+$0x0] =	vst.idx.msk @!p0 $0xffff, v41  }
0xd1: {  	v42 =	vor.u32 @!p0 s4, v31;
	v41 =	vld @!p0 [tilespmem:s10+$0x110];
	_ =	sdelay $0x4  }
0xd2: {  	[tilespmem:v42+s31+$0x0] =	vst.idx.msk @!p0 $0xffff, v41  }
0xd3: {  	v42 =	vor.u32 @!p0 s4, v32;
	v41 =	vld @!p0 [tilespmem:s10+$0x120];
	_ =	sdelay $0x4  }
0xd4: {  	[tilespmem:v42+s31+$0x0] =	vst.idx.msk @!p0 $0xffff, v41  }
0xd5: {  	v42 =	vor.u32 @!p0 s4, v33;
	v41 =	vld @!p0 [tilespmem:s10+$0x130];
	_ =	sdelay $0x1  }
0xd6: {  	s4 =	sld [smem:$0x7FD];
	_ =	sdelay $0x2  }
0xd7: {  	p6 =	por p0, p0;
	[tilespmem:v42+s31+$0x0] =	vst.idx.msk @!p0 $0xffff, v41;
	p0 =	seq.s32 s4, $0x1  }
0xd8: {  	s2 =	sshll.u32 @!p0 s2, $0xD  }
0xd9: {  	v41 =	vld @!p0 [tilespmem:s10+$0x180];
	v42 =	vor.u32 @!p0 s2, v34;
	_ =	sdelay $0x4  }
0xda: {  	[tilespmem:v42+s1+$0x0] =	vst.idx.msk @!p0 $0xffff, v41  }
0xdb: {  	v42 =	vor.u32 @!p0 s2, v35;
	v41 =	vld @!p0 [tilespmem:s10+$0x190];
	_ =	sdelay $0x3  }
0xdc: {  	s4 =	sld [smem:$0x7F9]  }
0xdd: {  	[tilespmem:v42+s1+$0x0] =	vst.idx.msk @!p0 $0xffff, v41  }
0xde: {  	v42 =	vor.u32 @!p0 s2, v36;
	v41 =	vld @!p0 [tilespmem:s10+$0x1A0]  }
0xdf: {  	p2 =	seq.s32 s4, $0x1  }
.Ltmp2:
0xe0: {  	_ = 	snop;
	(pc) =	sbr.rel @p2 .LBB2_2-.Ltmp2, $3  }
0xe1: {  	_ =	sdelay $0x1  }
0xe2: {  	[tilespmem:v42+s1+$0x0] =	vst.idx.msk @!p0 $0xffff, v41  }
0xe3: {  	v42 =	vor.u32 @!p0 s2, v37;
	v41 =	vld @!p0 [tilespmem:s10+$0x1B0]  }
0xe4: {  	(v2sf) =	vpush v39, $0x7  }
0xe5: {  	(v2sf) =	vpush v40, $0x0;
	_ =	sdelay $0x3  }
0xe6: {  	(v2sf) =	vpush v40, $0x7;
	_ =	sdelay $0x8  }
0xe7: {  	s0 =	sld [smem:$0x7FA]  }
0xe8: {  	s2 =	sld [smem:$0x7FD];
	s25 =	spop (v2sf)  }
0xe9: {  	s30 =	spop (v2sf)  }
0xea: {  	p2 =	seq.s32 s0, $0x1;
	s0 =	sshll.u32 s30, $0xA  }
0xeb: {  	p0 =	seq.s32 s2, $0x1;
	s0 =	sadd.s32 s8, s0  }
0xec: {  	s31 =	rddreg [dreg:$0x3];
	[tilespmem:v42+s1+$0x0] =	vst.idx.msk @!p0 $0xffff, v41;
	p0 =	seq.s32 s25, s24;
	s0 =	sshrl.u32 s0, $0x3  }
.Ltmp3:
0xed: {  	s23 =	spop (v2sf);
	s0 =	sadd.s32 s31, s0;
	(pc) =	sbr.rel @p0 .LBB2_9-.Ltmp3, $4  }
0xee: {  	[hbm4b:s0+s13] =	stream.strided.scatter [tilespmem:s12], [sflag:$0x1], $0x10000, s11, s13, $0x38;
	[tilespmem:$0x12200] =	vst v63  }
0xef: {  	_ =	swait.ge [sflag:s5], $0x10000  }
0xf0: {  	[sflag:s5] =	ssyncset.done $0x0  }
0xf1: {  	[sflag:s5] =	ssyncadd.s32 $0xFFFF0000  }
0xf2: {  	s0 =	simm.s32 @!p2 $0x0;
	s30 =	sld [smem:$0x7FB]  }
0xf3: {  	v39 =	vor.u32 @!p2 s0, v6  }
0xf4: {  	v40 =	vor.u32 @!p2 s0, v7  }
0xf5: {  	p0 =	por p2, p2;
	v41 =	vor.u32 @!p2 s0, v8;
	v42 =	vor.u32 @!p2 s0, v9;
	p2 =	seq.s32 s30, $0x1  }
0xf6: {  	v38 =	vmul.f32 $0.0e+00, v38;
	s1 =	simm.s32 @!p2 $0x0  }
0xf7: {  	s0 =	simm.s32 @!p0 $0x2200;
	v43 =	vor.u32 @!p2 s1, v10  }
0xf8: {  	[tilespmem:v39+s0+$0x0] =	vst.idx.msk @!p0 $0xffff, v38;
	v39 =	vor.u32 @!p2 s1, v11  }
0xf9: {  	[tilespmem:v40+s0+$0x0] =	vst.idx.msk @!p0 $0xffff, v38;
	v40 =	vor.u32 @!p2 s1, v12  }
0xfa: {  	s2 =	simm.s32 @!p1 $0x0;
	s31 =	sld [smem:$0x7FC];
	[tilespmem:v41+s0+$0x0] =	vst.idx.msk @!p0 $0xffff, v38;
	v41 =	vor.u32 @!p2 s1, v13  }
0xfb: {  	s1 =	simm.s32 @!p2 $0x2200;
	[tilespmem:v42+s0+$0x0] =	vst.idx.msk @!p0 $0xffff, v38;
	v42 =	vor.u32 @!p1 s2, v14  }
0xfc: {  	[tilespmem:v43+s1+$0x0] =	vst.idx.msk @!p2 $0xffff, v38;
	v43 =	vor.u32 @!p1 s2, v15  }
0xfd: {  	p0 =	seq.s32 s31, $0x1;
	[tilespmem:v39+s1+$0x0] =	vst.idx.msk @!p2 $0xffff, v38;
	v39 =	vor.u32 @!p1 s2, v16  }
0xfe: {  	s4 =	simm.s32 @!p0 $0x0;
	[tilespmem:v40+s1+$0x0] =	vst.idx.msk @!p2 $0xffff, v38;
	v40 =	vor.u32 @!p1 s2, v17  }
0xff: {  	s2 =	simm.s32 @!p1 $0x2200;
	[tilespmem:v41+s1+$0x0] =	vst.idx.msk @!p2 $0xffff, v38;
	v41 =	vor.u32 @!p0 s4, v18  }
0x100: {  	[tilespmem:v42+s2+$0x0] =	vst.idx.msk @!p1 $0xffff, v38;
	v42 =	vor.u32 @!p0 s4, v19  }
0x101: {  	[tilespmem:v43+s2+$0x0] =	vst.idx.msk @!p1 $0xffff, v38;
	v43 =	vor.u32 @!p0 s4, v20  }
0x102: {  	[tilespmem:v39+s2+$0x0] =	vst.idx.msk @!p1 $0xffff, v38;
	v39 =	vor.u32 @!p0 s4, v21;
	s4 =	simm.s32 @!p4 $0x0  }
0x103: {  	s10 =	simm.s32 @!p0 $0x2200;
	[tilespmem:v40+s2+$0x0] =	vst.idx.msk @!p1 $0xffff, v38;
	v40 =	vor.u32 @!p4 s4, v22  }
0x104: {  	[tilespmem:v41+s10+$0x0] =	vst.idx.msk @!p0 $0xffff, v38;
	v41 =	vor.u32 @!p4 s4, v23  }
0x105: {  	[tilespmem:v42+s10+$0x0] =	vst.idx.msk @!p0 $0xffff, v38;
	v42 =	vor.u32 @!p4 s4, v24  }
0x106: {  	[tilespmem:v43+s10+$0x0] =	vst.idx.msk @!p0 $0xffff, v38;
	v43 =	vor.u32 @!p4 s4, v25;
	s4 =	simm.s32 @!p5 $0x0  }
0x107: {  	s24 =	simm.s32 @!p4 $0x2200;
	[tilespmem:v39+s10+$0x0] =	vst.idx.msk @!p0 $0xffff, v38;
	v39 =	vor.u32 @!p5 s4, v26  }
0x108: {  	[tilespmem:v40+s24+$0x0] =	vst.idx.msk @!p4 $0xffff, v38;
	v40 =	vor.u32 @!p5 s4, v27  }
0x109: {  	[tilespmem:v41+s24+$0x0] =	vst.idx.msk @!p4 $0xffff, v38;
	v41 =	vor.u32 @!p5 s4, v28  }
0x10a: {  	[tilespmem:v42+s24+$0x0] =	vst.idx.msk @!p4 $0xffff, v38;
	v42 =	vor.u32 @!p5 s4, v29;
	s4 =	simm.s32 @!p6 $0x0  }
0x10b: {  	s26 =	simm.s32 @!p5 $0x2200;
	s28 =	sld [smem:$0x7FD];
	[tilespmem:v43+s24+$0x0] =	vst.idx.msk @!p4 $0xffff, v38;
	v43 =	vor.u32 @!p6 s4, v30  }
0x10c: {  	v44 =	vor.u32 @!p6 s4, v31;
	[tilespmem:v39+s26+$0x0] =	vst.idx.msk @!p5 $0xffff, v38  }
0x10d: {  	[tilespmem:v40+s26+$0x0] =	vst.idx.msk @!p5 $0xffff, v38  }
0x10e: {  	p0 =	seq.s32 s28, $0x1;
	[tilespmem:v41+s26+$0x0] =	vst.idx.msk @!p5 $0xffff, v38  }
0x10f: {  	s28 =	simm.s32 @!p6 $0x2200;
	s30 =	simm.s32 @!p0 $0x0;
	[tilespmem:v42+s26+$0x0] =	vst.idx.msk @!p5 $0xffff, v38  }
0x110: {  	v39 =	vor.u32 @!p0 s30, v37;
	v40 =	vor.u32 @!p6 s4, v33;
	v41 =	vor.u32 @!p0 s30, v34;
	[tilespmem:v43+s28+$0x0] =	vst.idx.msk @!p6 $0xffff, v38  }
0x111: {  	s29 =	simm.s32 $0x1;
	v42 =	vor.u32 @!p6 s4, v32;
	v43 =	vor.u32 @!p0 s30, v35;
	[tilespmem:v44+s28+$0x0] =	vst.idx.msk @!p6 $0xffff, v38;
	v44 =	vor.u32 @!p0 s30, v36  }
.LBB2_5:
0x112: {  	s4 =	sld [smem:$0x7FA];
	_ =	sdelay $0x2  }
0x113: {  	p2 =	seq.s32 s4, $0x1  }
0x114: {  	s31 =	smov.u32 s29;
	s4 =	sshll.u32 @!p2 s29, $0xD;
	s29 =	sadd.s32 $0x1, s29  }
0x115: {  	p0 =	sne.s32 s29, $0x8  }
0x116: {  	s30 =	simm.s32 @!p0 $0x0  }
0x117: {  	s30 =	simm.s32 @p0 $0x1  }
0x118: {  	[smem:$0x7F7] =	sst s30  }
0x119: {  	s30 =	sld [smem:$0x7FD];
	_ =	sdelay $0x2  }
0x11a: {  	[tilespmem:v42+s28+$0x0] =	vst.idx.msk @!p6 $0xffff, v38;
	p0 =	seq.s32 s30, $0x1  }
0x11b: {  	[tilespmem:v40+s28+$0x0] =	vst.idx.msk @!p6 $0xffff, v38;
	s30 =	simm.s32 @!p0 $0x2200  }
0x11c: {  	v42 =	vor.u32 @!p2 s4, v6;
	[tilespmem:v41+s30+$0x0] =	vst.idx.msk @!p0 $0xffff, v38  }
0x11d: {  	v40 =	vor.u32 @!p2 s4, v7;
	v41 =	vor.u32 @!p2 s4, v8;
	[tilespmem:v43+s30+$0x0] =	vst.idx.msk @!p0 $0xffff, v38;
	v43 =	vor.u32 @!p2 s4, v9;
	s4 =	sld [smem:$0x7FB];
	_ =	sdelay $0x2  }
0x11e: {  	p3 =	seq.s32 s4, $0x1  }
0x11f: {  	[tilespmem:v44+s30+$0x0] =	vst.idx.msk @!p0 $0xffff, v38;
	s4 =	sshll.u32 @!p3 s31, $0xD  }
0x120: {  	[tilespmem:v39+s30+$0x0] =	vst.idx.msk @!p0 $0xffff, v38;
	v44 =	vor.u32 @!p3 s4, v10  }
0x121: {  	[tilespmem:v42+s0+$0x0] =	vst.idx.msk @!p2 $0xffff, v38;
	v39 =	vor.u32 @!p3 s4, v11  }
0x122: {  	[tilespmem:v40+s0+$0x0] =	vst.idx.msk @!p2 $0xffff, v38;
	v40 =	vor.u32 @!p3 s4, v12  }
0x123: {  	[tilespmem:v41+s0+$0x0] =	vst.idx.msk @!p2 $0xffff, v38  }
0x124: {  	[tilespmem:v43+s0+$0x0] =	vst.idx.msk @!p2 $0xffff, v38  }
0x125: {  	v41 =	vor.u32 @!p3 s4, v13;
	s4 =	sshll.u32 @!p1 s31, $0xD;
	[tilespmem:v44+s1+$0x0] =	vst.idx.msk @!p3 $0xffff, v38  }
0x126: {  	v42 =	vor.u32 @!p1 s4, v14;
	[tilespmem:v39+s1+$0x0] =	vst.idx.msk @!p3 $0xffff, v38  }
0x127: {  	v43 =	vor.u32 @!p1 s4, v15;
	v39 =	vor.u32 @!p1 s4, v16;
	[tilespmem:v40+s1+$0x0] =	vst.idx.msk @!p3 $0xffff, v38;
	v40 =	vor.u32 @!p1 s4, v17;
	s4 =	sld [smem:$0x7FC];
	_ =	sdelay $0x2  }
0x128: {  	p2 =	seq.s32 s4, $0x1  }
0x129: {  	s4 =	sshll.u32 @!p2 s31, $0xD  }
0x12a: {  	[tilespmem:v41+s1+$0x0] =	vst.idx.msk @!p3 $0xffff, v38;
	v41 =	vor.u32 @!p2 s4, v18  }
0x12b: {  	[tilespmem:v42+s2+$0x0] =	vst.idx.msk @!p1 $0xffff, v38;
	v42 =	vor.u32 @!p2 s4, v19  }
0x12c: {  	[tilespmem:v43+s2+$0x0] =	vst.idx.msk @!p1 $0xffff, v38;
	v43 =	vor.u32 @!p2 s4, v20  }
0x12d: {  	[tilespmem:v39+s2+$0x0] =	vst.idx.msk @!p1 $0xffff, v38;
	v39 =	vor.u32 @!p2 s4, v21;
	s4 =	sshll.u32 @!p4 s31, $0xD  }
0x12e: {  	[tilespmem:v40+s2+$0x0] =	vst.idx.msk @!p1 $0xffff, v38;
	v40 =	vor.u32 @!p4 s4, v22  }
0x12f: {  	[tilespmem:v41+s10+$0x0] =	vst.idx.msk @!p2 $0xffff, v38;
	v41 =	vor.u32 @!p4 s4, v23  }
0x130: {  	[tilespmem:v42+s10+$0x0] =	vst.idx.msk @!p2 $0xffff, v38;
	v42 =	vor.u32 @!p4 s4, v24  }
0x131: {  	[tilespmem:v43+s10+$0x0] =	vst.idx.msk @!p2 $0xffff, v38;
	v43 =	vor.u32 @!p4 s4, v25;
	s4 =	sshll.u32 @!p5 s31, $0xD  }
0x132: {  	[tilespmem:v39+s10+$0x0] =	vst.idx.msk @!p2 $0xffff, v38;
	v39 =	vor.u32 @!p5 s4, v26  }
0x133: {  	[tilespmem:v40+s24+$0x0] =	vst.idx.msk @!p4 $0xffff, v38;
	v40 =	vor.u32 @!p5 s4, v27  }
0x134: {  	[tilespmem:v41+s24+$0x0] =	vst.idx.msk @!p4 $0xffff, v38;
	v41 =	vor.u32 @!p5 s4, v28  }
0x135: {  	v44 =	vor.u32 @!p5 s4, v29;
	s4 =	sshll.u32 @!p6 s31, $0xD;
	[tilespmem:v42+s24+$0x0] =	vst.idx.msk @!p4 $0xffff, v38  }
0x136: {  	[tilespmem:v43+s24+$0x0] =	vst.idx.msk @!p4 $0xffff, v38;
	v43 =	vor.u32 @!p6 s4, v30  }
0x137: {  	[tilespmem:v39+s26+$0x0] =	vst.idx.msk @!p5 $0xffff, v38  }
0x138: {  	v45 =	vor.u32 @!p6 s4, v31;
	v42 =	vor.u32 @!p6 s4, v32;
	[tilespmem:v40+s26+$0x0] =	vst.idx.msk @!p5 $0xffff, v38;
	v40 =	vor.u32 @!p6 s4, v33;
	s4 =	sshll.u32 @!p0 s31, $0xD;
	s31 =	sld [smem:$0x7F7]  }
0x139: {  	[tilespmem:v41+s26+$0x0] =	vst.idx.msk @!p5 $0xffff, v38  }
0x13a: {  	v41 =	vor.u32 @!p0 s4, v34;
	[tilespmem:v44+s26+$0x0] =	vst.idx.msk @!p5 $0xffff, v38  }
0x13b: {  	v39 =	vor.u32 @!p0 s4, v37;
	v44 =	vor.u32 @!p0 s4, v36;
	[tilespmem:v43+s28+$0x0] =	vst.idx.msk @!p6 $0xffff, v38;
	v43 =	vor.u32 @!p0 s4, v35;
	p0 =	seq.s32 s31, $0x1  }
.Ltmp4:
0x13c: {  	_ = 	snop;
	(pc) =	sbr.rel @p0 .LBB2_5-.Ltmp4, $2  }
0x13d: {  	_ =	sdelay $0x2  }
0x13e: {  	[tilespmem:v45+s28+$0x0] =	vst.idx.msk @!p6 $0xffff, v38  }
0x13f: {  	_ =	sdelay $0x1  }
0x140: {  	s0 =	sld [smem:$0x7FD];
	_ =	sdelay $0x1  }
0x141: {  	[tilespmem:v42+s28+$0x0] =	vst.idx.msk @!p6 $0xffff, v38  }
0x142: {  	[tilespmem:v40+s28+$0x0] =	vst.idx.msk @!p6 $0xffff, v38;
	p0 =	seq.s32 s0, $0x1  }
0x143: {  	[tilespmem:v41+s30+$0x0] =	vst.idx.msk @!p0 $0xffff, v38  }
0x144: {  	[tilespmem:v43+s30+$0x0] =	vst.idx.msk @!p0 $0xffff, v38  }
0x145: {  	p1 =	sne.s32 s15, s25;
	[tilespmem:v44+s30+$0x0] =	vst.idx.msk @!p0 $0xffff, v38  }
0x146: {  	s15 =	simm.s32 $0x400;
	s0 =	simm.s32 @!p1 $0x0;
	[tilespmem:v39+s30+$0x0] =	vst.idx.msk @!p0 $0xffff, v38  }
0x147: {  	v39 =	vor.u32 @!p1 s0, v6;
	v38 =	vld @!p1 [tilespmem:s15+$0xFFFFFE00];
	_ =	sdelay $0x3  }
0x148: {  	s24 =	simm.s32 @!p1 $0x2200  }
0x149: {  	[tilespmem:v39+s24+$0x0] =	vst.idx.msk @!p1 $0xffff, v38  }
0x14a: {  	v39 =	vor.u32 @!p1 s0, v7;
	v38 =	vld @!p1 [tilespmem:s15+$0xFFFFFE10];
	_ =	sdelay $0x4  }
0x14b: {  	[tilespmem:v39+s24+$0x0] =	vst.idx.msk @!p1 $0xffff, v38  }
0x14c: {  	v39 =	vor.u32 @!p1 s0, v8;
	v38 =	vld @!p1 [tilespmem:s15+$0xFFFFFE20];
	_ =	sdelay $0x4  }
0x14d: {  	[tilespmem:v39+s24+$0x0] =	vst.idx.msk @!p1 $0xffff, v38  }
0x14e: {  	v39 =	vor.u32 @!p1 s0, v9;
	v38 =	vld @!p1 [tilespmem:s15+$0xFFFFFE30];
	_ =	sdelay $0x2  }
0x14f: {  	s0 =	simm.s32 @!p1 $0x0  }
0x150: {  	p0 =	sne.s32 s16, s25;
	s0 =	simm.s32 @p1 $0x1  }
0x151: {  	[smem:$0x7F4] =	sst s0;
	s0 =	simm.s32 @!p0 $0x0;
	[tilespmem:v39+s24+$0x0] =	vst.idx.msk @!p1 $0xffff, v38  }
0x152: {  	v39 =	vor.u32 @!p0 s0, v10;
	v38 =	vld @!p0 [tilespmem:s15+$0xFFFFFE80];
	_ =	sdelay $0x3  }
0x153: {  	s16 =	simm.s32 @!p0 $0x2200  }
0x154: {  	[tilespmem:v39+s16+$0x0] =	vst.idx.msk @!p0 $0xffff, v38  }
0x155: {  	v39 =	vor.u32 @!p0 s0, v11;
	v38 =	vld @!p0 [tilespmem:s15+$0xFFFFFE90];
	_ =	sdelay $0x4  }
0x156: {  	[tilespmem:v39+s16+$0x0] =	vst.idx.msk @!p0 $0xffff, v38  }
0x157: {  	v39 =	vor.u32 @!p0 s0, v12;
	v38 =	vld @!p0 [tilespmem:s15+$0xFFFFFEA0];
	_ =	sdelay $0x4  }
0x158: {  	[tilespmem:v39+s16+$0x0] =	vst.idx.msk @!p0 $0xffff, v38  }
0x159: {  	v39 =	vor.u32 @!p0 s0, v13;
	v38 =	vld @!p0 [tilespmem:s15+$0xFFFFFEB0];
	_ =	sdelay $0x2  }
0x15a: {  	s0 =	simm.s32 @!p0 $0x0  }
0x15b: {  	p1 =	sne.s32 s17, s25;
	s0 =	simm.s32 @p0 $0x1  }
0x15c: {  	[smem:$0x7F5] =	sst s0;
	s0 =	simm.s32 @!p1 $0x0;
	[tilespmem:v39+s16+$0x0] =	vst.idx.msk @!p0 $0xffff, v38  }
0x15d: {  	v39 =	vor.u32 @!p1 s0, v14;
	v38 =	vld @!p1 [tilespmem:s15+$0xFFFFFF00];
	_ =	sdelay $0x3  }
0x15e: {  	s17 =	simm.s32 @!p1 $0x2200  }
0x15f: {  	[tilespmem:v39+s17+$0x0] =	vst.idx.msk @!p1 $0xffff, v38  }
0x160: {  	v39 =	vor.u32 @!p1 s0, v15;
	v38 =	vld @!p1 [tilespmem:s15+$0xFFFFFF10];
	_ =	sdelay $0x4  }
0x161: {  	[tilespmem:v39+s17+$0x0] =	vst.idx.msk @!p1 $0xffff, v38  }
0x162: {  	v39 =	vor.u32 @!p1 s0, v16;
	v38 =	vld @!p1 [tilespmem:s15+$0xFFFFFF20];
	_ =	sdelay $0x4  }
0x163: {  	[tilespmem:v39+s17+$0x0] =	vst.idx.msk @!p1 $0xffff, v38  }
0x164: {  	v39 =	vor.u32 @!p1 s0, v17;
	v38 =	vld @!p1 [tilespmem:s15+$0xFFFFFF30];
	_ =	sdelay $0x2  }
0x165: {  	s0 =	simm.s32 @!p1 $0x0  }
0x166: {  	p3 =	sne.s32 s18, s25;
	s0 =	simm.s32 @p1 $0x1  }
0x167: {  	[smem:$0x7F6] =	sst s0;
	s0 =	simm.s32 @!p3 $0x0;
	[tilespmem:v39+s17+$0x0] =	vst.idx.msk @!p1 $0xffff, v38  }
0x168: {  	v39 =	vor.u32 @!p3 s0, v18;
	v38 =	vld @!p3 [tilespmem:s15+$0xFFFFFF80];
	_ =	sdelay $0x3  }
0x169: {  	s18 =	simm.s32 @!p3 $0x2200  }
0x16a: {  	[tilespmem:v39+s18+$0x0] =	vst.idx.msk @!p3 $0xffff, v38  }
0x16b: {  	v39 =	vor.u32 @!p3 s0, v19;
	v38 =	vld @!p3 [tilespmem:s15+$0xFFFFFF90];
	_ =	sdelay $0x4  }
0x16c: {  	[tilespmem:v39+s18+$0x0] =	vst.idx.msk @!p3 $0xffff, v38  }
0x16d: {  	v39 =	vor.u32 @!p3 s0, v20;
	v38 =	vld @!p3 [tilespmem:s15+$0xFFFFFFA0];
	_ =	sdelay $0x4  }
0x16e: {  	[tilespmem:v39+s18+$0x0] =	vst.idx.msk @!p3 $0xffff, v38  }
0x16f: {  	v39 =	vor.u32 @!p3 s0, v21;
	v38 =	vld @!p3 [tilespmem:s15+$0xFFFFFFB0];
	_ =	sdelay $0x3  }
0x170: {  	p4 =	sne.s32 s19, s25  }
0x171: {  	s0 =	simm.s32 @!p4 $0x0;
	[tilespmem:v39+s18+$0x0] =	vst.idx.msk @!p3 $0xffff, v38  }
0x172: {  	v39 =	vor.u32 @!p4 s0, v22;
	v38 =	vld @!p4 [tilespmem:s15+$0x0];
	_ =	sdelay $0x3  }
0x173: {  	s19 =	simm.s32 @!p4 $0x2200  }
0x174: {  	[tilespmem:v39+s19+$0x0] =	vst.idx.msk @!p4 $0xffff, v38  }
0x175: {  	v39 =	vor.u32 @!p4 s0, v23;
	v38 =	vld @!p4 [tilespmem:s15+$0x10];
	_ =	sdelay $0x4  }
0x176: {  	[tilespmem:v39+s19+$0x0] =	vst.idx.msk @!p4 $0xffff, v38  }
0x177: {  	v39 =	vor.u32 @!p4 s0, v24;
	v38 =	vld @!p4 [tilespmem:s15+$0x20];
	_ =	sdelay $0x4  }
0x178: {  	[tilespmem:v39+s19+$0x0] =	vst.idx.msk @!p4 $0xffff, v38  }
0x179: {  	v39 =	vor.u32 @!p4 s0, v25;
	v38 =	vld @!p4 [tilespmem:s15+$0x30];
	_ =	sdelay $0x3  }
0x17a: {  	p5 =	sne.s32 s20, s25  }
0x17b: {  	s0 =	simm.s32 @!p5 $0x0;
	[tilespmem:v39+s19+$0x0] =	vst.idx.msk @!p4 $0xffff, v38  }
0x17c: {  	v39 =	vor.u32 @!p5 s0, v26;
	v38 =	vld @!p5 [tilespmem:s15+$0x80];
	_ =	sdelay $0x3  }
0x17d: {  	s20 =	simm.s32 @!p5 $0x2200  }
0x17e: {  	[tilespmem:v39+s20+$0x0] =	vst.idx.msk @!p5 $0xffff, v38  }
0x17f: {  	v39 =	vor.u32 @!p5 s0, v27;
	v38 =	vld @!p5 [tilespmem:s15+$0x90];
	_ =	sdelay $0x4  }
0x180: {  	[tilespmem:v39+s20+$0x0] =	vst.idx.msk @!p5 $0xffff, v38  }
0x181: {  	v39 =	vor.u32 @!p5 s0, v28;
	v38 =	vld @!p5 [tilespmem:s15+$0xA0];
	_ =	sdelay $0x4  }
0x182: {  	[tilespmem:v39+s20+$0x0] =	vst.idx.msk @!p5 $0xffff, v38  }
0x183: {  	v39 =	vor.u32 @!p5 s0, v29;
	v38 =	vld @!p5 [tilespmem:s15+$0xB0];
	_ =	sdelay $0x3  }
0x184: {  	p6 =	sne.s32 s21, s25  }
0x185: {  	s0 =	simm.s32 @!p6 $0x0;
	[tilespmem:v39+s20+$0x0] =	vst.idx.msk @!p5 $0xffff, v38  }
0x186: {  	v39 =	vor.u32 @!p6 s0, v30;
	v38 =	vld @!p6 [tilespmem:s15+$0x100];
	_ =	sdelay $0x3  }
0x187: {  	s21 =	simm.s32 @!p6 $0x2200  }
0x188: {  	[tilespmem:v39+s21+$0x0] =	vst.idx.msk @!p6 $0xffff, v38  }
0x189: {  	v39 =	vor.u32 @!p6 s0, v31;
	v38 =	vld @!p6 [tilespmem:s15+$0x110];
	_ =	sdelay $0x4  }
0x18a: {  	[tilespmem:v39+s21+$0x0] =	vst.idx.msk @!p6 $0xffff, v38  }
0x18b: {  	v39 =	vor.u32 @!p6 s0, v32;
	v38 =	vld @!p6 [tilespmem:s15+$0x120];
	_ =	sdelay $0x4  }
0x18c: {  	[tilespmem:v39+s21+$0x0] =	vst.idx.msk @!p6 $0xffff, v38  }
0x18d: {  	v39 =	vor.u32 @!p6 s0, v33;
	v38 =	vld @!p6 [tilespmem:s15+$0x130];
	_ =	sdelay $0x3  }
0x18e: {  	p1 =	sne.s32 s22, s25  }
0x18f: {  	s2 =	simm.s32 @!p1 $0x0;
	[tilespmem:v39+s21+$0x0] =	vst.idx.msk @!p6 $0xffff, v38  }
0x190: {  	v39 =	vor.u32 @!p1 s2, v34;
	v38 =	vld @!p1 [tilespmem:s15+$0x180];
	_ =	sdelay $0x3  }
0x191: {  	s1 =	simm.s32 @!p1 $0x2200  }
0x192: {  	[tilespmem:v39+s1+$0x0] =	vst.idx.msk @!p1 $0xffff, v38  }
0x193: {  	v39 =	vor.u32 @!p1 s2, v35;
	v38 =	vld @!p1 [tilespmem:s15+$0x190];
	_ =	sdelay $0x4  }
0x194: {  	[tilespmem:v39+s1+$0x0] =	vst.idx.msk @!p1 $0xffff, v38  }
0x195: {  	v39 =	vor.u32 @!p1 s2, v36;
	v38 =	vld @!p1 [tilespmem:s15+$0x1A0];
	_ =	sdelay $0x4  }
0x196: {  	[tilespmem:v39+s1+$0x0] =	vst.idx.msk @!p1 $0xffff, v38  }
0x197: {  	s0 =	simm.s32 $0x1;
	v39 =	vor.u32 @!p1 s2, v37;
	v38 =	vld @!p1 [tilespmem:s15+$0x1B0]  }
.LBB2_7:
0x198: {  	s2 =	sld [smem:$0x7F4];
	_ =	sdelay $0x2  }
0x199: {  	s10 =	smov.u32 s0;
	p0 =	seq.s32 s2, $0x1  }
0x19a: {  	[tilespmem:v39+s1+$0x0] =	vst.idx.msk @!p1 $0xffff, v38;
	s15 =	sadd.s32 $0x400, s15;
	s2 =	sshll.u32 @!p0 s10, $0xD  }
0x19b: {  	v38 =	vld @!p0 [tilespmem:s15+$0xFFFFFE00];
	v39 =	vor.u32 @!p0 s2, v6;
	_ =	sdelay $0x4  }
0x19c: {  	[tilespmem:v39+s24+$0x0] =	vst.idx.msk @!p0 $0xffff, v38  }
0x19d: {  	v39 =	vor.u32 @!p0 s2, v7;
	v38 =	vld @!p0 [tilespmem:s15+$0xFFFFFE10];
	_ =	sdelay $0x4  }
0x19e: {  	[tilespmem:v39+s24+$0x0] =	vst.idx.msk @!p0 $0xffff, v38  }
0x19f: {  	v39 =	vor.u32 @!p0 s2, v8;
	v38 =	vld @!p0 [tilespmem:s15+$0xFFFFFE20];
	_ =	sdelay $0x4  }
0x1a0: {  	[tilespmem:v39+s24+$0x0] =	vst.idx.msk @!p0 $0xffff, v38  }
0x1a1: {  	v39 =	vor.u32 @!p0 s2, v9;
	v38 =	vld @!p0 [tilespmem:s15+$0xFFFFFE30];
	_ =	sdelay $0x1  }
0x1a2: {  	s29 =	sld [smem:$0x7F5];
	_ =	sdelay $0x2  }
0x1a3: {  	[tilespmem:v39+s24+$0x0] =	vst.idx.msk @!p0 $0xffff, v38;
	p0 =	seq.s32 s29, $0x1  }
0x1a4: {  	s2 =	sshll.u32 @!p0 s10, $0xD  }
0x1a5: {  	v38 =	vld @!p0 [tilespmem:s15+$0xFFFFFE80];
	v39 =	vor.u32 @!p0 s2, v10;
	_ =	sdelay $0x4  }
0x1a6: {  	[tilespmem:v39+s16+$0x0] =	vst.idx.msk @!p0 $0xffff, v38  }
0x1a7: {  	v39 =	vor.u32 @!p0 s2, v11;
	v38 =	vld @!p0 [tilespmem:s15+$0xFFFFFE90];
	_ =	sdelay $0x4  }
0x1a8: {  	[tilespmem:v39+s16+$0x0] =	vst.idx.msk @!p0 $0xffff, v38  }
0x1a9: {  	v39 =	vor.u32 @!p0 s2, v12;
	v38 =	vld @!p0 [tilespmem:s15+$0xFFFFFEA0];
	_ =	sdelay $0x4  }
0x1aa: {  	[tilespmem:v39+s16+$0x0] =	vst.idx.msk @!p0 $0xffff, v38  }
0x1ab: {  	v39 =	vor.u32 @!p0 s2, v13;
	v38 =	vld @!p0 [tilespmem:s15+$0xFFFFFEB0];
	_ =	sdelay $0x1  }
0x1ac: {  	s30 =	sld [smem:$0x7F6];
	_ =	sdelay $0x2  }
0x1ad: {  	[tilespmem:v39+s16+$0x0] =	vst.idx.msk @!p0 $0xffff, v38;
	p0 =	seq.s32 s30, $0x1  }
0x1ae: {  	s2 =	sshll.u32 @!p0 s10, $0xD  }
0x1af: {  	v38 =	vld @!p0 [tilespmem:s15+$0xFFFFFF00];
	v39 =	vor.u32 @!p0 s2, v14;
	_ =	sdelay $0x4  }
0x1b0: {  	[tilespmem:v39+s17+$0x0] =	vst.idx.msk @!p0 $0xffff, v38  }
0x1b1: {  	v39 =	vor.u32 @!p0 s2, v15;
	v38 =	vld @!p0 [tilespmem:s15+$0xFFFFFF10];
	_ =	sdelay $0x4  }
0x1b2: {  	[tilespmem:v39+s17+$0x0] =	vst.idx.msk @!p0 $0xffff, v38  }
0x1b3: {  	v39 =	vor.u32 @!p0 s2, v16;
	v38 =	vld @!p0 [tilespmem:s15+$0xFFFFFF20];
	_ =	sdelay $0x4  }
0x1b4: {  	[tilespmem:v39+s17+$0x0] =	vst.idx.msk @!p0 $0xffff, v38  }
0x1b5: {  	v39 =	vor.u32 @!p0 s2, v17;
	v38 =	vld @!p0 [tilespmem:s15+$0xFFFFFF30];
	_ =	sdelay $0x4  }
0x1b6: {  	s2 =	sshll.u32 @!p3 s10, $0xD;
	[tilespmem:v39+s17+$0x0] =	vst.idx.msk @!p0 $0xffff, v38  }
0x1b7: {  	v39 =	vor.u32 @!p3 s2, v18;
	v38 =	vld @!p3 [tilespmem:s15+$0xFFFFFF80];
	_ =	sdelay $0x4  }
0x1b8: {  	[tilespmem:v39+s18+$0x0] =	vst.idx.msk @!p3 $0xffff, v38  }
0x1b9: {  	v39 =	vor.u32 @!p3 s2, v19;
	v38 =	vld @!p3 [tilespmem:s15+$0xFFFFFF90];
	_ =	sdelay $0x4  }
0x1ba: {  	[tilespmem:v39+s18+$0x0] =	vst.idx.msk @!p3 $0xffff, v38  }
0x1bb: {  	v39 =	vor.u32 @!p3 s2, v20;
	v38 =	vld @!p3 [tilespmem:s15+$0xFFFFFFA0];
	_ =	sdelay $0x4  }
0x1bc: {  	[tilespmem:v39+s18+$0x0] =	vst.idx.msk @!p3 $0xffff, v38  }
0x1bd: {  	v39 =	vor.u32 @!p3 s2, v21;
	v38 =	vld @!p3 [tilespmem:s15+$0xFFFFFFB0];
	_ =	sdelay $0x4  }
0x1be: {  	s2 =	sshll.u32 @!p4 s10, $0xD;
	[tilespmem:v39+s18+$0x0] =	vst.idx.msk @!p3 $0xffff, v38  }
0x1bf: {  	v39 =	vor.u32 @!p4 s2, v22;
	v38 =	vld @!p4 [tilespmem:s15+$0x0];
	_ =	sdelay $0x4  }
0x1c0: {  	[tilespmem:v39+s19+$0x0] =	vst.idx.msk @!p4 $0xffff, v38  }
0x1c1: {  	v39 =	vor.u32 @!p4 s2, v23;
	v38 =	vld @!p4 [tilespmem:s15+$0x10];
	_ =	sdelay $0x4  }
0x1c2: {  	[tilespmem:v39+s19+$0x0] =	vst.idx.msk @!p4 $0xffff, v38  }
0x1c3: {  	v39 =	vor.u32 @!p4 s2, v24;
	v38 =	vld @!p4 [tilespmem:s15+$0x20];
	_ =	sdelay $0x4  }
0x1c4: {  	[tilespmem:v39+s19+$0x0] =	vst.idx.msk @!p4 $0xffff, v38  }
0x1c5: {  	v39 =	vor.u32 @!p4 s2, v25;
	v38 =	vld @!p4 [tilespmem:s15+$0x30];
	_ =	sdelay $0x4  }
0x1c6: {  	s2 =	sshll.u32 @!p5 s10, $0xD;
	[tilespmem:v39+s19+$0x0] =	vst.idx.msk @!p4 $0xffff, v38  }
0x1c7: {  	v39 =	vor.u32 @!p5 s2, v26;
	v38 =	vld @!p5 [tilespmem:s15+$0x80];
	_ =	sdelay $0x4  }
0x1c8: {  	[tilespmem:v39+s20+$0x0] =	vst.idx.msk @!p5 $0xffff, v38  }
0x1c9: {  	v39 =	vor.u32 @!p5 s2, v27;
	v38 =	vld @!p5 [tilespmem:s15+$0x90];
	_ =	sdelay $0x4  }
0x1ca: {  	[tilespmem:v39+s20+$0x0] =	vst.idx.msk @!p5 $0xffff, v38  }
0x1cb: {  	v39 =	vor.u32 @!p5 s2, v28;
	v38 =	vld @!p5 [tilespmem:s15+$0xA0];
	_ =	sdelay $0x4  }
0x1cc: {  	[tilespmem:v39+s20+$0x0] =	vst.idx.msk @!p5 $0xffff, v38  }
0x1cd: {  	v39 =	vor.u32 @!p5 s2, v29;
	v38 =	vld @!p5 [tilespmem:s15+$0xB0];
	_ =	sdelay $0x4  }
0x1ce: {  	s2 =	sshll.u32 @!p6 s10, $0xD;
	[tilespmem:v39+s20+$0x0] =	vst.idx.msk @!p5 $0xffff, v38  }
0x1cf: {  	v39 =	vor.u32 @!p6 s2, v30;
	v38 =	vld @!p6 [tilespmem:s15+$0x100];
	_ =	sdelay $0x4  }
0x1d0: {  	[tilespmem:v39+s21+$0x0] =	vst.idx.msk @!p6 $0xffff, v38  }
0x1d1: {  	v39 =	vor.u32 @!p6 s2, v31;
	v38 =	vld @!p6 [tilespmem:s15+$0x110];
	_ =	sdelay $0x4  }
0x1d2: {  	[tilespmem:v39+s21+$0x0] =	vst.idx.msk @!p6 $0xffff, v38  }
0x1d3: {  	v39 =	vor.u32 @!p6 s2, v32;
	v38 =	vld @!p6 [tilespmem:s15+$0x120];
	_ =	sdelay $0x4  }
0x1d4: {  	[tilespmem:v39+s21+$0x0] =	vst.idx.msk @!p6 $0xffff, v38  }
0x1d5: {  	v39 =	vor.u32 @!p6 s2, v33;
	v38 =	vld @!p6 [tilespmem:s15+$0x130];
	_ =	sdelay $0x4  }
0x1d6: {  	s2 =	sshll.u32 @!p1 s10, $0xD;
	[tilespmem:v39+s21+$0x0] =	vst.idx.msk @!p6 $0xffff, v38  }
0x1d7: {  	v39 =	vor.u32 @!p1 s2, v34;
	v38 =	vld @!p1 [tilespmem:s15+$0x180];
	_ =	sdelay $0x4  }
0x1d8: {  	s0 =	sadd.s32 $0x1, s0;
	[tilespmem:v39+s1+$0x0] =	vst.idx.msk @!p1 $0xffff, v38  }
0x1d9: {  	p2 =	sne.s32 s0, $0x8;
	v39 =	vor.u32 @!p1 s2, v35;
	v38 =	vld @!p1 [tilespmem:s15+$0x190]  }
0x1da: {  	s4 =	simm.s32 @!p2 $0x0  }
0x1db: {  	s4 =	simm.s32 @p2 $0x1  }
0x1dc: {  	[smem:$0x7F3] =	sst s4  }
0x1dd: {  	s31 =	sld [smem:$0x7F3]  }
0x1de: {  	[tilespmem:v39+s1+$0x0] =	vst.idx.msk @!p1 $0xffff, v38  }
0x1df: {  	v39 =	vor.u32 @!p1 s2, v36;
	v38 =	vld @!p1 [tilespmem:s15+$0x1A0]  }
0x1e0: {  	p0 =	seq.s32 s31, $0x1  }
.Ltmp5:
0x1e1: {  	_ = 	snop;
	(pc) =	sbr.rel @p0 .LBB2_7-.Ltmp5, $3  }
0x1e2: {  	_ =	sdelay $0x1  }
0x1e3: {  	[tilespmem:v39+s1+$0x0] =	vst.idx.msk @!p1 $0xffff, v38  }
0x1e4: {  	v39 =	vor.u32 @!p1 s2, v37;
	v38 =	vld @!p1 [tilespmem:s15+$0x1B0]  }
.Ltmp6:
0x1e5: {  	_ = 	snop;
	(pc) =	sbr.rel .LBB2_8-.Ltmp6, $1  }
0x1e6: {  	_ =	sdelay $0x3  }
.LBB2_10:
0x1e7: {  	_ =	sfence.sel $0x180000  }
0x1e8: {  	[bflag:$0x0] =	sbarrier.arrive $0xFFFF  }
0x1e9: {  	_ =	strace $0x9000004A  }
0x1ea: {  	s0 =	stileid.u32;
	[bflag:$0x2] =	sbarrier.arrive $0xFFFF  }
0x1eb: {  	p0 =	sne.s32 s0, $0x0;
	s0 =	rddreg [dreg:$0x4]  }
0x1ec: {  	s0 =	sadd.s32 @!p0 $0x100000, s0  }
0x1ed: {  	[sflag:s0] =	ssyncadd.tile.s32 @!p0 $0x1;
	_ =	shalt  }
.Lfunc_end2:
_tile_overlayer_lowered:
.L_overlay_start_2:
0x1ee: {  	(tag) =	ssettag $0x2  }
0x1ef: {  	s0 =	rddreg [dreg:$0x0];
	s2 =	stileid.u32  }
0x1f0: {  	s1 =	rddreg [dreg:$0x1];
	p0 =	sne.s32 s2, $0x0  }
0x1f1: {  	s3 =	rddreg [dreg:$0x2];
	[bflag:$0x3] =	sbarrier.arrive $0xFFFF;
	s2 =	simm.s32 @!p0 $0x1C01  }
0x1f2: {  	[timem:s3], [sflag:s2] =	dma.local @!p0 [hbm:s0], s1  }
0x1f3: {  	s0 =	simm.s32 @!p0 $0x1  }
0x1f4: {  	_ =	swait.ge @!p0 [sflag:s0], s1  }
0x1f5: {  	s1 =	ssub.s32 @!p0 $0x0, s1;
	[sflag:s0] =	ssyncset.done @!p0 $0x0  }
0x1f6: {  	[sflag:s0] =	ssyncadd.s32 @!p0 s1  }
0x1f7: {  	[bflag:$0x3] =	sbarrier.arrive $0xFFFF  }
0x1f8: {  	_ =	shalt  }

// kernel: kernel.7.cloned.1.call-start
scs
__scs_entry_jumppad:
0x0: {  	(pc) =	sbr.rel $0x88, $3  }
0x1: {  	(tag) =	ssettag $0x0;
	lr =	simm.s32 $0x1  }
0x2: {  	[smem:$0x3F9B] =	sst lr;
	_ =	strace $0xD0000000  }
0x3: {  	_ = 	snop  }
0x4: {  	_ = 	snop  }
0x5: {  	_ = 	snop  }
0x6: {  	_ = 	snop  }
0x7: {  	_ = 	snop  }
__scs_overlays_trampoline_lowered:
0x8: {  	[smem:$0x3FAA] =	sst s0  }
0x9: {  	[smem:$0x3FAB] =	sst s1  }
0xa: {  	[smem:$0x3FAC] =	sst s2  }
0xb: {  	[smem:$0x3FAD] =	sst s3  }
0xc: {  	[smem:$0x3FAE] =	sst s4  }
0xd: {  	[smem:$0x3FAF] =	sst s5  }
0xe: {  	[smem:$0x3FB0] =	sst s6  }
0xf: {  	[smem:$0x3FB1] =	sst s7  }
0x10: {  	[smem:$0x3FB2] =	sst s8  }
0x11: {  	[smem:$0x3FB3] =	sst s9;
	s0 =	simm.s32 @!p0 $0x0  }
0x12: {  	s1 =	sld [smem:$0x3F99];
	s0 =	simm.s32 @p0 $0x1  }
0x13: {  	[smem:$0x3FB4] =	sst s0;
	s0 =	simm.s32 @!p1 $0x0  }
0x14: {  	s2 =	sld [smem:$0x3F98];
	s0 =	simm.s32 @p1 $0x1  }
0x15: {  	[smem:$0x3FB5] =	sst s0;
	s0 =	simm.s32 @!p2 $0x0  }
0x16: {  	s3 =	sld [smem:$0x3FDB];
	s0 =	simm.s32 @p2 $0x1  }
0x17: {  	s4 =	simm.s32 $0x1BF5;
	[smem:$0x3FB7] =	sst s0  }
0x18: {  	s0 =	sld [smem:$0x3F9A];
	_ =	swait.ge [sflag:s4], $0x0  }
0x19: {  	s7 =	sld [smem:$0x3F9B]  }
0x1a: {  	s8 =	sadd.s32 $0xFFFFE003, lr  }
0x1b: {  	s9 =	sadd.s32 $0xFFFFFEF7, lr;
	s5 =	simm.s32 $0xFFFFFFFF;
	p2 =	slt.u32 s8, $0xFFFFF086  }
0x1c: {  	p1 =	slt.u32 s9, $0xF7A;
	s5 =	simm.s32 @!p2 $0x0  }
0x1d: {  	s5 =	simm.s32 @p1 $0x1;
	p0 =	seq.s32 s7, s2  }
0x1e: {  	s7 =	smul.u32 @!p0 $0xF7A, s2;
	p2 =	seq.s32 @!p0 s5, $0x0  }
0x1f: {  	s9 =	smul.u32 $0xF7A, s1;
	s8 =	simm.s32 @!p0 $0x1BF5;
	p2 =	por !p2, p0  }
0x20: {  	[sflag:s8] =	ssyncset.s32 @!p0 $0xFFFFF086;
	s6 =	sadd.s32 @!p0 s3, s7;
	s7 =	simm.s32 @!p0 $0x108  }
0x21: {  	s3 =	sadd.s32 s3, s9;
	s6 =	sadd.s32 @!p0 $0x88, s6;
	s7 =	simm.s32 @p2 $0x1082  }
0x22: {  	[simem:s7], [sflag:s8] =	dma.local @!p0 [hbm:s6], $0xF7A  }
0x23: {  	s9 =	sor.u32 $0xD0000000, s2;
	s6 =	simm.s32 $0x108;
	_ =	swait.ge @!p0 [sflag:s8], $0x0  }
0x24: {  	s3 =	sadd.s32 $0x88, s3;
	s6 =	simm.s32 @!p1 $0x1082;
	[sflag:s4] =	ssyncset.s32 $0xFFFFF086  }
0x25: {  	[simem:s6], [sflag:s4] =	dma.local [hbm:s3], $0xF7A  }
0x26: {  	[smem:$0x3F9B] =	sst s1;
	(tag) =	ssettag s2;
	_ =	strace s9  }
0x27: {  	s1 =	sld [smem:$0x3FAB]  }
0x28: {  	s2 =	sld [smem:$0x3FAC]  }
0x29: {  	s4 =	sld [smem:$0x3FAE]  }
0x2a: {  	p0 =	seq.s32 s5, $0x0;
	s5 =	sld [smem:$0x3FAF]  }
0x2b: {  	s6 =	sld [smem:$0x3FB0]  }
0x2c: {  	s7 =	sld [smem:$0x3FB1]  }
0x2d: {  	s3 =	simm.s32 $0x108;
	s8 =	sld [smem:$0x3FB2]  }
0x2e: {  	s3 =	simm.s32 @!p0 $0x1082;
	s9 =	sld [smem:$0x3FB3]  }
0x2f: {  	lr =	sadd.s32 s0, s3;
	s0 =	sld [smem:$0x3FAA]  }
0x30: {  	s3 =	sld [smem:$0x3FAD]  }
0x31: {  	[smem:$0x3FB6] =	sst s10  }
0x32: {  	s10 =	sld [smem:$0x3FB4];
	_ =	sdelay $0x3  }
0x33: {  	p0 =	seq.s32 s10, $0x1;
	s10 =	sld [smem:$0x3FB6];
	_ =	sdelay $0x3  }
0x34: {  	[smem:$0x3FB6] =	sst s10  }
0x35: {  	s10 =	sld [smem:$0x3FB5];
	_ =	sdelay $0x3  }
0x36: {  	p1 =	seq.s32 s10, $0x1;
	s10 =	sld [smem:$0x3FB6];
	_ =	sdelay $0x3  }
0x37: {  	[smem:$0x3FB6] =	sst s10  }
0x38: {  	s10 =	sld [smem:$0x3FB7]  }
0x39: {  	_ = 	snop;
	(pc) =	sbr.ind lr, $3  }
0x3a: {  	_ = 	snop  }
0x3b: {  	_ = 	snop  }
0x3c: {  	p2 =	seq.s32 s10, $0x1;
	s10 =	sld [smem:$0x3FB6]  }
0x3d: {  	_ =	shalt  }
0x3e: {  	_ =	shalt  }
0x3f: {  	_ =	shalt  }
0x40: {  	_ =	shalt  }
0x41: {  	_ =	shalt  }
0x42: {  	_ =	shalt  }
0x43: {  	_ =	shalt  }
0x44: {  	_ =	shalt  }
0x45: {  	_ =	shalt  }
0x46: {  	_ =	shalt  }
0x47: {  	_ =	shalt  }
0x48: {  	_ =	shalt  }
0x49: {  	_ =	shalt  }
0x4a: {  	_ =	shalt  }
0x4b: {  	_ =	shalt  }
0x4c: {  	_ =	shalt  }
0x4d: {  	_ =	shalt  }
0x4e: {  	_ =	shalt  }
0x4f: {  	_ =	shalt  }
0x50: {  	_ =	shalt  }
0x51: {  	_ =	shalt  }
0x52: {  	_ =	shalt  }
0x53: {  	_ =	shalt  }
0x54: {  	_ =	shalt  }
0x55: {  	_ =	shalt  }
0x56: {  	_ =	shalt  }
0x57: {  	_ =	shalt  }
0x58: {  	_ =	shalt  }
0x59: {  	_ =	shalt  }
0x5a: {  	_ =	shalt  }
0x5b: {  	_ =	shalt  }
0x5c: {  	_ =	shalt  }
0x5d: {  	_ =	shalt  }
0x5e: {  	_ =	shalt  }
0x5f: {  	_ =	shalt  }
0x60: {  	_ =	shalt  }
0x61: {  	_ =	shalt  }
0x62: {  	_ =	shalt  }
0x63: {  	_ =	shalt  }
0x64: {  	_ =	shalt  }
0x65: {  	_ =	shalt  }
0x66: {  	_ =	shalt  }
0x67: {  	_ =	shalt  }
0x68: {  	_ =	shalt  }
0x69: {  	_ =	shalt  }
0x6a: {  	_ =	shalt  }
0x6b: {  	_ =	shalt  }
0x6c: {  	_ =	shalt  }
0x6d: {  	_ =	shalt  }
0x6e: {  	_ =	shalt  }
0x6f: {  	_ =	shalt  }
0x70: {  	_ =	shalt  }
0x71: {  	_ =	shalt  }
0x72: {  	_ =	shalt  }
0x73: {  	_ =	shalt  }
0x74: {  	_ =	shalt  }
0x75: {  	_ =	shalt  }
0x76: {  	_ =	shalt  }
0x77: {  	_ =	shalt  }
0x78: {  	_ =	shalt  }
0x79: {  	_ =	shalt  }
0x7a: {  	_ =	shalt  }
0x7b: {  	_ =	shalt  }
0x7c: {  	_ =	shalt  }
0x7d: {  	_ =	shalt  }
0x7e: {  	_ =	shalt  }
0x7f: {  	_ =	shalt  }
0x80: {  	_ =	shalt  }
0x81: {  	_ =	shalt  }
0x82: {  	_ =	shalt  }
0x83: {  	_ =	shalt  }
0x84: {  	_ =	shalt  }
0x85: {  	_ =	shalt  }
0x86: {  	_ =	shalt  }
0x87: {  	_ =	shalt  }
.Lfunc_end0:
.L_simem_size_0:
called_computation.1_lowered:
.L_overlay_start_0:
0x88: {  	s2 =	sld [smem:$0x3FD9]  }
0x89: {  	s3 =	sld [smem:$0x3FFE];
	_ =	sdelay $0x1  }
0x8a: {  	s1 =	srdreg.scid  }
0x8b: {  	s0 =	sand.u32 $0x1, s1  }
0x8c: {  	s14 =	sshll.u32 s0, $0xA;
	s2 =	sadd.s32 s3, s2  }
0x8d: {  	s2 =	sadd.s32 s2, s14  }
0x8e: {  	[smem:$0x3FC2] =	sst s2  }
0x8f: {  	_ = 	snop  }
0x90: {  	s2 =	sld [smem:$0x3FD0];
	_ =	sdelay $0x1  }
0x91: {  	s15 =	sld [smem:$0x3FC8]  }
0x92: {  	s5 =	simm.s32 $0xB;
	s6 =	simm.s32 $0x10;
	s4 =	sld [smem:$0x3FC7]  }
0x93: {  	[smem:s6], [sflag:s5] =	dma.local [hbm:s2], $0x1  }
0x94: {  	_ =	swait.eq [sflag:s5], $0x1  }
0x95: {  	[sflag:s5] =	ssyncset.done $0x0  }
0x96: {  	[sflag:s5] =	ssyncadd.s32 $0xFFFFFFFF  }
0x97: {  	s16 =	sld [smem:$0x11];
	(tm) =	ssettm $0x1  }
0x98: {  	s17 =	sld [smem:$0x3FFB];
	_ =	sdelay $0x3  }
0x99: {  	_ =	strace s17  }
0x9a: {  	s5 =	sld [smem:$0x3FFC];
	_ =	sdelay $0x3  }
0x9b: {  	_ =	strace s5  }
0x9c: {  	s5 =	sld [smem:$0x3FFD];
	_ =	sdelay $0x3  }
0x9d: {  	_ =	strace s5  }
0x9e: {  	_ =	strace $0x8FFFFFFF  }
0x9f: {  	s18 =	sld [smem:$0x3FDB];
	_ =	sdelay $0x1  }
0xa0: {  	s19 =	simm.s32 $_scs_section_size  }
0xa1: {  	s7 =	simm.s32 $_size__tile_overlayer_lowered;
	s8 =	simm.s32 $_tile_overlayer_lowered  }
0xa2: {  	s22 =	simm.s32 $0x1BFF;
	s21 =	sshll.u32 s8, $0x1;
	s5 =	sadd.s32 s19, s18  }
0xa3: {  	s9 =	simm.s32 $0x0;
	s20 =	sshll.u32 s7, $0x1;
	s7 =	sadd.s32 s21, s5  }
0xa4: {  	[timem:s9], [sflag:s22] =	dma.local [hbm:s7], s20  }
0xa5: {  	_ =	swait.ge [sflag:s22], s20  }
0xa6: {  	s6 =	ssub.s32 $0x0, s20;
	[sflag:s22] =	ssyncset.done $0x0  }
0xa7: {  	[sflag:s22] =	ssyncadd.s32 s6;
	_ =	sdelay $0x1  }
0xa8: {  	s23 =	simm.s32 $0x1B8B  }
0xa9: {  	_ =	swait.ge [sflag:s23], $0x1  }
0xaa: {  	[sflag:s23] =	ssyncset.done $0x0  }
0xab: {  	s25 =	simm.s32 $0x1B8E;
	s24 =	sld [smem:$0x3FFE];
	[sflag:s23] =	ssyncadd.s32 $0xFFFFFFFF  }
0xac: {  	s26 =	simm.s32 $execute0_lowered;
	[smem:$0x3FD2] =	sst s25  }
0xad: {  	s7 =	sshll.u32 s26, $0x1;
	_ =	strace $0x80000046;
	[dreg:$0x1] =	wrdreg $0xFFFFFFFF  }
0xae: {  	s28 =	simm.s32 $_size_execute0_lowered;
	s5 =	sadd.s32 s5, s7;
	[dreg:$0x0] =	wrdreg $0x0  }
0xaf: {  	s7 =	sshll.u32 s28, $0x1;
	[dreg:$0x2] =	wrdreg s5  }
0xb0: {  	[dreg:$0x3] =	wrdreg s7  }
0xb1: {  	[dreg:$0x4] =	wrdreg $0xC0  }
0xb2: {  	_ =	task [dreg:s9], $0x5FFFF  }
0xb3: {  	[dreg:$0x1] =	wrdreg $0xFFFFFFFF  }
0xb4: {  	[dreg:$0x0] =	wrdreg $0x60  }
0xb5: {  	[dreg:$0x2] =	wrdreg s15  }
0xb6: {  	[dreg:$0x3] =	wrdreg s4  }
0xb7: {  	[dreg:$0x4] =	wrdreg s24  }
0xb8: {  	[dreg:$0x5] =	wrdreg s16  }
0xb9: {  	[dreg:$0x6] =	wrdreg $0xA  }
0xba: {  	_ =	task.clear_ibuf [dreg:s9], $0x7FFFF;
	_ =	strace $0x90000046  }
0xbb: {  	s29 =	simm.s32 $0xA;
	_ =	strace $0x80000048  }
0xbc: {  	_ =	swait.ge [sflag:s29], $0x1  }
0xbd: {  	[sflag:s29] =	ssyncadd.s32 $0xFFFFFFFF  }
0xbe: {  	_ =	strace $0x90000048  }
0xbf: {  	_ =	sfence  }
0xc0: {  	s30 =	sld [smem:$0x0];
	_ =	sdelay $0x2  }
0xc1: {  	s31 =	sshll.u32 s1, $0xD;
	s1 =	sshrl.u32 s1, $0x2  }
0xc2: {  	s3 =	sand.u32 $0x4000, s31;
	s1 =	sadd.s32 s1, s30  }
0xc3: {  	s0 =	sor.u32 s3, s0;
	s1 =	sshll.u32 s1, $0x11  }
0xc4: {  	s0 =	sor.u32 s1, s0  }
0xc5: {  	s0 =	sadd.s32 $0x8F2B, s0  }
0xc6: {  	[sflag:s0] =	ssyncadd.remote.s32 $0x1  }
0xc7: {  	_ =	sfence.sel $0xFFFF  }
0xc8: {  	[dreg:$0x0] =	wrdreg $0xFFFFFFFF;
	(pc) =	sbr.abs _section_cstart, $3  }
0xc9: {  	[dreg:$0x1] =	wrdreg $0xFFFFFFFF  }
0xca: {  	_ =	task.clear_ibuf [dreg:s9], $0x2FFFF;
	_ =	strace $0x9FFFFFFF  }
0xcb: {  	(tm) =	ssettm $0x7FFFFFFF  }
tec
execute0_lowered:
.L_overlay_start_1:
0x0: {  	(tag) =	ssettag $0x1  }
0x1: {  	s0 =	rddreg [dreg:$0x0]  }
0x2: {  	s1 =	srdreg.scid;
	s2 =	rddreg [dreg:$0x1]  }
0x3: {  	s6 =	stileid.u32;
	s4 =	rddreg [dreg:$0x2];
	s5 =	simm.s32 $0x1  }
0x4: {  	s11 =	simm.s32 $0x40000;
	s12 =	simm.s32 $0x2200;
	s1 =	sand.u32 $0x1, s1  }
0x5: {  	s13 =	simm.s32 $0x400;
	s14 =	simm.s32 $0x0;
	s3 =	sor.u32 s1, s6  }
0x6: {  	s4 =	sadd.s32 $0x800, s4;
	p1 =	seq.s32 s1, $0x1;
	p0 =	seq.s32 s3, $0x0  }
0x7: {  	s26 =	ssub.s32 $0x2, s1;
	s28 =	sshll.u32 s1, $0xD;
	p0 =	por !p0, !p1  }
0x8: {  	s3 =	simm.s32 $0x0;
	s8 =	sshrl.u32 s26, $0x1;
	p0 =	por !p0, !p0  }
0x9: {  	v0 =	vlaneseq.u32;
	[smem:$0x7FF] =	sst s3;
	s10 =	ssub.s32 s26, s8;
	s5 =	simm.s32 @!p0 $0x0  }
.Ltmp0:
0xa: {  	v1 =	vand.u32 $0x7, v0;
	s8 =	sshll.u32 s1, $0x18;
	s9 =	ssub.s32 s6, s5;
	(pc) =	sbr.rel .LBB2_1-.Ltmp0, $4  }
0xb: {  	v0 =	vmul.u32 $0x80, v0;
	v1 =	vmul.u32 $0x10, v1;
	_ =	strace $0x80000047;
	[dreg:$0x5] =	wrdreg s4;
	s7 =	sshll.u32 s9, $0xE  }
0xc: {  	s5 =	simm.s32 $0x1;
	s29 =	sshll.u32 s9, $0x7;
	s6 =	sor.u32 s28, s7  }
0xd: {  	v3 =	vor.u32 $0x800, v0;
	v4 =	vor.u32 $0x1000, v0;
	v1 =	vadd.s32 $0x110, v1;
	s31 =	sadd.s32 $0x100, s9;
	s30 =	sand.u32 $0x1FFFFF80, s29;
	s6 =	sshrl.u32 s6, $0x3  }
0xe: {  	v5 =	vor.u32 $0x1800, v0;
	v1 =	vadd.s32 s9, v1;
	s9 =	smax.u32 s10, $0x1;
	v2 =	vmov s31;
	s7 =	sadd.s32 s2, s30;
	s6 =	sadd.s32 s0, s6  }
.LBB2_8:
0xf: {  	_ = 	snop  }
0x10: {  	s0 =	sshll.u32 s23, $0xA  }
0x11: {  	s0 =	sadd.s32 s8, s0  }
0x12: {  	s31 =	rddreg [dreg:$0x3];
	s0 =	sshrl.u32 s0, $0x3  }
0x13: {  	[tilespmem:v39+s1+$0x0] =	vst.idx.msk @!p1 $0xffff, v38;
	s0 =	sadd.s32 s31, s0  }
0x14: {  	[hbm4b:s0+s13] =	stream.strided.scatter [tilespmem:s12], [sflag:$0x1], $0x10000, s11, s13, $0x38;
	[tilespmem:$0x12200] =	vst v63  }
0x15: {  	_ =	swait.ge [sflag:s5], $0x10000  }
0x16: {  	[sflag:s5] =	ssyncset.done $0x0  }
0x17: {  	[sflag:s5] =	ssyncadd.s32 $0xFFFF0000  }
.LBB2_9:
0x18: {  	s14 =	sadd.s32 $0x1, s14  }
0x19: {  	p0 =	sne.s32 s14, s9  }
.Ltmp1:
0x1a: {  	_ = 	snop;
	(pc) =	sbr.rel @!p0 .LBB2_10-.Ltmp1, $1  }
0x1b: {  	_ =	sdelay $0x3  }
.LBB2_1:
0x1c: {  	s0 =	rddreg [dreg:$0x5]  }
0x1d: {  	[tilespmem:s3], [sflag:$0x1] =	stream.linear.gather [hbm4b:s0+s3], $0x200, $0x38;
	[tilespmem:$0x12200] =	vst v63  }
0x1e: {  	_ =	swait.ge [sflag:s5], $0x200  }
0x1f: {  	[sflag:s5] =	ssyncset.done $0x0  }
0x20: {  	s18 =	simm.s32 $0x200;
	[sflag:s5] =	ssyncadd.s32 $0xFFFFFE00  }
0x21: {  	[tilespmem:s18], [sflag:$0x1] =	stream.linear.gather [hbm4b:s6+s3], $0x2000, $0x38;
	[tilespmem:$0x12200] =	vst v63  }
0x22: {  	_ =	swait.ge [sflag:s5], $0x2000  }
0x23: {  	[sflag:s5] =	ssyncset.done $0x0  }
0x24: {  	[sflag:s5] =	ssyncadd.s32 $0xFFFFE000  }
0x25: {  	[tilespmem:s12], [sflag:$0x1] =	stream.strided.gather [hbm4b:s7+s13], $0x10000, s11, s13, $0x38;
	[tilespmem:$0x12200] =	vst v63  }
0x26: {  	_ =	swait.ge [sflag:s5], $0x10000  }
0x27: {  	[sflag:s5] =	ssyncset.done $0x0  }
0x28: {  	[sflag:s5] =	ssyncadd.s32 $0xFFFF0000  }
0x29: {  	v32 =	vld.idx.msk [tilespmem:v1+s3+$0x0], $0xffff;
	_ =	sdelay $0x4  }
0x2a: {  	v39 =	vshra.s32 v32, $0x7  }
0x2b: {  	(v2sf) =	vpush v39, $0x0  }
0x2c: {  	(v2sf) =	vpush v32, $0x0;
	_ =	sdelay $0xa  }
0x2d: {  	v6 =	vld.idx.msk [tilespmem:v2+s3+$0x0], $0xffff;
	_ =	sdelay $0x2  }
0x2e: {  	s24 =	spop (v2sf)  }
0x2f: {  	s19 =	spop (v2sf)  }
0x30: {  	v6 =	vshll.u32 v6, $0x4;
	s15 =	sshra.s32 s19, $0x7  }
0x31: {  	v7 =	vand.u32 $0xF, v39;
	v6 =	vand.u32 $0xF0, v6;
	s0 =	sand.u32 $0x7F, s19;
	p0 =	sne.s32 s15, s24  }
0x32: {  	v7 =	vor.u32 v7, v6;
	v6 =	vor.u32 s0, v0;
	s1 =	simm.s32 @!p0 $0x0  }
0x33: {  	v8 =	vld @!p0 [tilespmem:s13+$0xFFFFFE00];
	v9 =	vor.u32 @!p0 s1, v6;
	_ =	sdelay $0x3  }
0x34: {  	v38 =	vld [tilespmem:$0x200];
	s23 =	simm.s32 @!p0 $0x2200  }
0x35: {  	v40 =	vld.idx.msk [tilespmem:v7+s3+$0x0], $0xffff;
	(v2sf) =	vpush v32, $0x1;
	v7 =	vor.u32 s0, v3;
	[tilespmem:v9+s23+$0x0] =	vst.idx.msk @!p0 $0xffff, v8  }
0x36: {  	v10 =	vor.u32 @!p0 s1, v7;
	v9 =	vld @!p0 [tilespmem:s13+$0xFFFFFE10];
	_ =	sdelay $0x4  }
0x37: {  	v8 =	vor.u32 s0, v4;
	[tilespmem:v10+s23+$0x0] =	vst.idx.msk @!p0 $0xffff, v9  }
0x38: {  	v11 =	vor.u32 @!p0 s1, v8;
	v10 =	vld @!p0 [tilespmem:s13+$0xFFFFFE20];
	_ =	sdelay $0x4  }
0x39: {  	v9 =	vor.u32 s0, v5;
	[tilespmem:v11+s23+$0x0] =	vst.idx.msk @!p0 $0xffff, v10  }
0x3a: {  	v12 =	vor.u32 @!p0 s1, v9;
	v11 =	vld @!p0 [tilespmem:s13+$0xFFFFFE30];
	_ =	sdelay $0x1  }
0x3b: {  	s20 =	spop (v2sf)  }
0x3c: {  	s16 =	sshra.s32 s20, $0x7;
	s1 =	simm.s32 @!p0 $0x0  }
0x3d: {  	s0 =	sand.u32 $0x7F, s20;
	p2 =	sne.s32 s16, s24;
	s1 =	simm.s32 @p0 $0x1  }
0x3e: {  	[smem:$0x7FA] =	sst s1;
	s1 =	simm.s32 @!p2 $0x0;
	v10 =	vor.u32 s0, v0;
	[tilespmem:v12+s23+$0x0] =	vst.idx.msk @!p0 $0xffff, v11  }
0x3f: {  	v13 =	vor.u32 @!p2 s1, v10;
	v12 =	vld @!p2 [tilespmem:s13+$0xFFFFFE80];
	_ =	sdelay $0x3  }
0x40: {  	s25 =	simm.s32 @!p2 $0x2200  }
0x41: {  	(v2sf) =	vpush v32, $0x2;
	v11 =	vor.u32 s0, v3;
	[tilespmem:v13+s25+$0x0] =	vst.idx.msk @!p2 $0xffff, v12  }
0x42: {  	v14 =	vor.u32 @!p2 s1, v11;
	v13 =	vld @!p2 [tilespmem:s13+$0xFFFFFE90];
	_ =	sdelay $0x4  }
0x43: {  	v12 =	vor.u32 s0, v4;
	[tilespmem:v14+s25+$0x0] =	vst.idx.msk @!p2 $0xffff, v13  }
0x44: {  	v15 =	vor.u32 @!p2 s1, v12;
	v14 =	vld @!p2 [tilespmem:s13+$0xFFFFFEA0];
	_ =	sdelay $0x4  }
0x45: {  	v13 =	vor.u32 s0, v5;
	[tilespmem:v15+s25+$0x0] =	vst.idx.msk @!p2 $0xffff, v14  }
0x46: {  	v16 =	vor.u32 @!p2 s1, v13;
	v15 =	vld @!p2 [tilespmem:s13+$0xFFFFFEB0];
	_ =	sdelay $0x1  }
0x47: {  	s21 =	spop (v2sf)  }
0x48: {  	s17 =	sshra.s32 s21, $0x7;
	s1 =	simm.s32 @!p2 $0x0  }
0x49: {  	p1 =	sne.s32 s17, s24;
	s0 =	sand.u32 $0x7F, s21;
	s1 =	simm.s32 @p2 $0x1  }
0x4a: {  	[smem:$0x7FB] =	sst s1;
	s1 =	simm.s32 @!p1 $0x0;
	v14 =	vor.u32 s0, v0;
	[tilespmem:v16+s25+$0x0] =	vst.idx.msk @!p2 $0xffff, v15  }
0x4b: {  	v17 =	vor.u32 @!p1 s1, v14;
	v16 =	vld @!p1 [tilespmem:s13+$0xFFFFFF00];
	_ =	sdelay $0x3  }
0x4c: {  	s26 =	simm.s32 @!p1 $0x2200  }
0x4d: {  	(v2sf) =	vpush v32, $0x3;
	v15 =	vor.u32 s0, v3;
	[tilespmem:v17+s26+$0x0] =	vst.idx.msk @!p1 $0xffff, v16  }
0x4e: {  	v18 =	vor.u32 @!p1 s1, v15;
	v17 =	vld @!p1 [tilespmem:s13+$0xFFFFFF10];
	_ =	sdelay $0x4  }
0x4f: {  	v16 =	vor.u32 s0, v4;
	[tilespmem:v18+s26+$0x0] =	vst.idx.msk @!p1 $0xffff, v17  }
0x50: {  	v19 =	vor.u32 @!p1 s1, v16;
	v18 =	vld @!p1 [tilespmem:s13+$0xFFFFFF20];
	_ =	sdelay $0x4  }
0x51: {  	v17 =	vor.u32 s0, v5;
	[tilespmem:v19+s26+$0x0] =	vst.idx.msk @!p1 $0xffff, v18  }
0x52: {  	v20 =	vor.u32 @!p1 s1, v17;
	v19 =	vld @!p1 [tilespmem:s13+$0xFFFFFF30];
	_ =	sdelay $0x1  }
0x53: {  	s22 =	spop (v2sf)  }
0x54: {  	s18 =	sshra.s32 s22, $0x7  }
0x55: {  	p0 =	sne.s32 s18, s24;
	s0 =	sand.u32 $0x7F, s22  }
0x56: {  	s1 =	simm.s32 @!p0 $0x0;
	v18 =	vor.u32 s0, v0;
	[tilespmem:v20+s26+$0x0] =	vst.idx.msk @!p1 $0xffff, v19  }
0x57: {  	v21 =	vor.u32 @!p0 s1, v18;
	v20 =	vld @!p0 [tilespmem:s13+$0xFFFFFF80];
	_ =	sdelay $0x3  }
0x58: {  	s28 =	simm.s32 @!p0 $0x2200  }
0x59: {  	(v2sf) =	vpush v32, $0x4;
	v19 =	vor.u32 s0, v3;
	[tilespmem:v21+s28+$0x0] =	vst.idx.msk @!p0 $0xffff, v20  }
0x5a: {  	v22 =	vor.u32 @!p0 s1, v19;
	v21 =	vld @!p0 [tilespmem:s13+$0xFFFFFF90];
	_ =	sdelay $0x4  }
0x5b: {  	v20 =	vor.u32 s0, v4;
	[tilespmem:v22+s28+$0x0] =	vst.idx.msk @!p0 $0xffff, v21  }
0x5c: {  	v23 =	vor.u32 @!p0 s1, v20;
	v22 =	vld @!p0 [tilespmem:s13+$0xFFFFFFA0];
	_ =	sdelay $0x4  }
0x5d: {  	v21 =	vor.u32 s0, v5;
	[tilespmem:v23+s28+$0x0] =	vst.idx.msk @!p0 $0xffff, v22  }
0x5e: {  	v24 =	vor.u32 @!p0 s1, v21;
	v23 =	vld @!p0 [tilespmem:s13+$0xFFFFFFB0];
	_ =	sdelay $0x1  }
0x5f: {  	s1 =	spop (v2sf)  }
0x60: {  	s19 =	sshra.s32 s1, $0x7;
	s0 =	sand.u32 $0x7F, s1;
	s1 =	simm.s32 @!p0 $0x0  }
0x61: {  	p4 =	sne.s32 s19, s24;
	s1 =	simm.s32 @p0 $0x1  }
0x62: {  	[smem:$0x7FC] =	sst s1;
	s1 =	simm.s32 @!p4 $0x0;
	v22 =	vor.u32 s0, v0;
	[tilespmem:v24+s28+$0x0] =	vst.idx.msk @!p0 $0xffff, v23  }
0x63: {  	v25 =	vor.u32 @!p4 s1, v22;
	v24 =	vld @!p4 [tilespmem:s13+$0x0];
	_ =	sdelay $0x3  }
0x64: {  	s29 =	simm.s32 @!p4 $0x2200  }
0x65: {  	(v2sf) =	vpush v32, $0x5;
	v23 =	vor.u32 s0, v3;
	[tilespmem:v25+s29+$0x0] =	vst.idx.msk @!p4 $0xffff, v24  }
0x66: {  	v26 =	vor.u32 @!p4 s1, v23;
	v25 =	vld @!p4 [tilespmem:s13+$0x10];
	_ =	sdelay $0x4  }
0x67: {  	v24 =	vor.u32 s0, v4;
	[tilespmem:v26+s29+$0x0] =	vst.idx.msk @!p4 $0xffff, v25  }
0x68: {  	v27 =	vor.u32 @!p4 s1, v24;
	v26 =	vld @!p4 [tilespmem:s13+$0x20];
	_ =	sdelay $0x4  }
0x69: {  	v25 =	vor.u32 s0, v5;
	[tilespmem:v27+s29+$0x0] =	vst.idx.msk @!p4 $0xffff, v26  }
0x6a: {  	v28 =	vor.u32 @!p4 s1, v25;
	v27 =	vld @!p4 [tilespmem:s13+$0x30];
	_ =	sdelay $0x1  }
0x6b: {  	s2 =	spop (v2sf)  }
0x6c: {  	s20 =	sshra.s32 s2, $0x7  }
0x6d: {  	p5 =	sne.s32 s20, s24;
	s0 =	sand.u32 $0x7F, s2  }
0x6e: {  	s1 =	simm.s32 @!p5 $0x0;
	v26 =	vor.u32 s0, v0;
	[tilespmem:v28+s29+$0x0] =	vst.idx.msk @!p4 $0xffff, v27  }
0x6f: {  	v29 =	vor.u32 @!p5 s1, v26;
	v28 =	vld @!p5 [tilespmem:s13+$0x80];
	_ =	sdelay $0x3  }
0x70: {  	s30 =	simm.s32 @!p5 $0x2200  }
0x71: {  	(v2sf) =	vpush v32, $0x6;
	v27 =	vor.u32 s0, v3;
	[tilespmem:v29+s30+$0x0] =	vst.idx.msk @!p5 $0xffff, v28  }
0x72: {  	v30 =	vor.u32 @!p5 s1, v27;
	v29 =	vld @!p5 [tilespmem:s13+$0x90];
	_ =	sdelay $0x4  }
0x73: {  	v28 =	vor.u32 s0, v4;
	[tilespmem:v30+s30+$0x0] =	vst.idx.msk @!p5 $0xffff, v29  }
0x74: {  	v31 =	vor.u32 @!p5 s1, v28;
	v30 =	vld @!p5 [tilespmem:s13+$0xA0];
	_ =	sdelay $0x4  }
0x75: {  	v29 =	vor.u32 s0, v5;
	[tilespmem:v31+s30+$0x0] =	vst.idx.msk @!p5 $0xffff, v30  }
0x76: {  	v33 =	vor.u32 @!p5 s1, v29;
	v31 =	vld @!p5 [tilespmem:s13+$0xB0];
	_ =	sdelay $0x1  }
0x77: {  	s4 =	spop (v2sf)  }
0x78: {  	s21 =	sshra.s32 s4, $0x7  }
0x79: {  	p6 =	sne.s32 s21, s24;
	s0 =	sand.u32 $0x7F, s4  }
0x7a: {  	s1 =	simm.s32 @!p6 $0x0;
	v30 =	vor.u32 s0, v0;
	[tilespmem:v33+s30+$0x0] =	vst.idx.msk @!p5 $0xffff, v31  }
0x7b: {  	v34 =	vor.u32 @!p6 s1, v30;
	v33 =	vld @!p6 [tilespmem:s13+$0x100];
	_ =	sdelay $0x3  }
0x7c: {  	s31 =	simm.s32 @!p6 $0x2200  }
0x7d: {  	(v2sf) =	vpush v32, $0x7;
	v31 =	vor.u32 s0, v3;
	[tilespmem:v34+s31+$0x0] =	vst.idx.msk @!p6 $0xffff, v33  }
0x7e: {  	v34 =	vor.u32 @!p6 s1, v31;
	v33 =	vld @!p6 [tilespmem:s13+$0x110];
	_ =	sdelay $0x4  }
0x7f: {  	v32 =	vor.u32 s0, v4;
	[tilespmem:v34+s31+$0x0] =	vst.idx.msk @!p6 $0xffff, v33  }
0x80: {  	v35 =	vor.u32 @!p6 s1, v32;
	v34 =	vld @!p6 [tilespmem:s13+$0x120];
	_ =	sdelay $0x4  }
0x81: {  	v33 =	vor.u32 s0, v5;
	[tilespmem:v35+s31+$0x0] =	vst.idx.msk @!p6 $0xffff, v34  }
0x82: {  	v36 =	vor.u32 @!p6 s1, v33;
	v35 =	vld @!p6 [tilespmem:s13+$0x130];
	_ =	sdelay $0x1  }
0x83: {  	s10 =	spop (v2sf)  }
0x84: {  	s22 =	sshra.s32 s10, $0x7  }
0x85: {  	p0 =	sne.s32 s22, s24;
	s0 =	sand.u32 $0x7F, s10  }
0x86: {  	s2 =	simm.s32 @!p0 $0x0;
	v34 =	vor.u32 s0, v0;
	[tilespmem:v36+s31+$0x0] =	vst.idx.msk @!p6 $0xffff, v35  }
0x87: {  	v37 =	vor.u32 @!p0 s2, v34;
	v36 =	vld @!p0 [tilespmem:s13+$0x180];
	_ =	sdelay $0x3  }
0x88: {  	s1 =	simm.s32 @!p0 $0x2200  }
0x89: {  	v35 =	vor.u32 s0, v3;
	[tilespmem:v37+s1+$0x0] =	vst.idx.msk @!p0 $0xffff, v36  }
0x8a: {  	v41 =	vor.u32 @!p0 s2, v35;
	v37 =	vld @!p0 [tilespmem:s13+$0x190];
	_ =	sdelay $0x4  }
0x8b: {  	v36 =	vor.u32 s0, v4;
	[tilespmem:v41+s1+$0x0] =	vst.idx.msk @!p0 $0xffff, v37  }
0x8c: {  	v42 =	vor.u32 @!p0 s2, v36;
	v41 =	vld @!p0 [tilespmem:s13+$0x1A0];
	_ =	sdelay $0x3  }
0x8d: {  	s4 =	simm.s32 @!p0 $0x0  }
0x8e: {  	s4 =	simm.s32 @p0 $0x1;
	v37 =	vor.u32 s0, v5;
	[tilespmem:v42+s1+$0x0] =	vst.idx.msk @!p0 $0xffff, v41  }
0x8f: {  	[smem:$0x7FD] =	sst s4;
	s10 =	simm.s32 $0x400;
	s0 =	simm.s32 $0x1;
	v42 =	vor.u32 @!p0 s2, v37;
	v41 =	vld @!p0 [tilespmem:s13+$0x1B0]  }
.LBB2_2:
0x90: {  	s2 =	sld [smem:$0x7FA];
	_ =	sdelay $0x2  }
0x91: {  	p2 =	por p1, p1;
	p1 =	seq.s32 s2, $0x1;
	s2 =	sld [smem:$0x7FD]  }
0x92: {  	_ = 	snop  }
0x93: {  	s4 =	sshll.u32 @!p1 s0, $0xD  }
0x94: {  	p0 =	seq.s32 s2, $0x1;
	s2 =	smov.u32 s0;
	s0 =	sadd.s32 $0x1, s0  }
0x95: {  	s10 =	sadd.s32 $0x400, s10;
	[tilespmem:v42+s1+$0x0] =	vst.idx.msk @!p0 $0xffff, v41;
	p3 =	sne.s32 s0, $0x8  }
0x96: {  	v41 =	vld @!p1 [tilespmem:s10+$0xFFFFFE00];
	[smem:$0x7F8] =	sst s3;
	s3 =	simm.s32 @!p3 $0x0  }
0x97: {  	s3 =	simm.s32 @p3 $0x1  }
0x98: {  	[smem:$0x7F9] =	sst s3  }
0x99: {  	s3 =	sld [smem:$0x7F8];
	_ =	sdelay $0x1  }
0x9a: {  	v42 =	vor.u32 @!p1 s4, v6  }
0x9b: {  	[smem:$0x7F8] =	sst s3  }
0x9c: {  	s3 =	sld [smem:$0x7FC];
	_ =	sdelay $0x2  }
0x9d: {  	p3 =	seq.s32 s3, $0x1;
	s3 =	sld [smem:$0x7F8];
	[tilespmem:v42+s23+$0x0] =	vst.idx.msk @!p1 $0xffff, v41  }
0x9e: {  	v42 =	vor.u32 @!p1 s4, v7;
	v41 =	vld @!p1 [tilespmem:s10+$0xFFFFFE10];
	_ =	sdelay $0x4  }
0x9f: {  	[tilespmem:v42+s23+$0x0] =	vst.idx.msk @!p1 $0xffff, v41  }
0xa0: {  	v42 =	vor.u32 @!p1 s4, v8;
	v41 =	vld @!p1 [tilespmem:s10+$0xFFFFFE20];
	_ =	sdelay $0x4  }
0xa1: {  	[tilespmem:v42+s23+$0x0] =	vst.idx.msk @!p1 $0xffff, v41  }
0xa2: {  	v42 =	vor.u32 @!p1 s4, v9;
	v41 =	vld @!p1 [tilespmem:s10+$0xFFFFFE30];
	_ =	sdelay $0x1  }
0xa3: {  	s4 =	sld [smem:$0x7FB];
	_ =	sdelay $0x2  }
0xa4: {  	[tilespmem:v42+s23+$0x0] =	vst.idx.msk @!p1 $0xffff, v41;
	p1 =	por p2, p2;
	p2 =	seq.s32 s4, $0x1  }
0xa5: {  	s4 =	sshll.u32 @!p2 s2, $0xD  }
0xa6: {  	v41 =	vld @!p2 [tilespmem:s10+$0xFFFFFE80];
	v42 =	vor.u32 @!p2 s4, v10;
	_ =	sdelay $0x4  }
0xa7: {  	[tilespmem:v42+s25+$0x0] =	vst.idx.msk @!p2 $0xffff, v41  }
0xa8: {  	v42 =	vor.u32 @!p2 s4, v11;
	v41 =	vld @!p2 [tilespmem:s10+$0xFFFFFE90];
	_ =	sdelay $0x4  }
0xa9: {  	[tilespmem:v42+s25+$0x0] =	vst.idx.msk @!p2 $0xffff, v41  }
0xaa: {  	v42 =	vor.u32 @!p2 s4, v12;
	v41 =	vld @!p2 [tilespmem:s10+$0xFFFFFEA0];
	_ =	sdelay $0x4  }
0xab: {  	[tilespmem:v42+s25+$0x0] =	vst.idx.msk @!p2 $0xffff, v41  }
0xac: {  	v42 =	vor.u32 @!p2 s4, v13;
	v41 =	vld @!p2 [tilespmem:s10+$0xFFFFFEB0];
	_ =	sdelay $0x4  }
0xad: {  	s4 =	sshll.u32 @!p1 s2, $0xD;
	[tilespmem:v42+s25+$0x0] =	vst.idx.msk @!p2 $0xffff, v41  }
0xae: {  	v42 =	vor.u32 @!p1 s4, v14;
	v41 =	vld @!p1 [tilespmem:s10+$0xFFFFFF00];
	_ =	sdelay $0x4  }
0xaf: {  	[tilespmem:v42+s26+$0x0] =	vst.idx.msk @!p1 $0xffff, v41  }
0xb0: {  	v42 =	vor.u32 @!p1 s4, v15;
	v41 =	vld @!p1 [tilespmem:s10+$0xFFFFFF10];
	_ =	sdelay $0x4  }
0xb1: {  	[tilespmem:v42+s26+$0x0] =	vst.idx.msk @!p1 $0xffff, v41  }
0xb2: {  	v42 =	vor.u32 @!p1 s4, v16;
	v41 =	vld @!p1 [tilespmem:s10+$0xFFFFFF20];
	_ =	sdelay $0x4  }
0xb3: {  	[tilespmem:v42+s26+$0x0] =	vst.idx.msk @!p1 $0xffff, v41  }
0xb4: {  	v42 =	vor.u32 @!p1 s4, v17;
	v41 =	vld @!p1 [tilespmem:s10+$0xFFFFFF30];
	_ =	sdelay $0x4  }
0xb5: {  	s4 =	sshll.u32 @!p3 s2, $0xD;
	[tilespmem:v42+s26+$0x0] =	vst.idx.msk @!p1 $0xffff, v41  }
0xb6: {  	v42 =	vor.u32 @!p3 s4, v18;
	v41 =	vld @!p3 [tilespmem:s10+$0xFFFFFF80];
	_ =	sdelay $0x4  }
0xb7: {  	[tilespmem:v42+s28+$0x0] =	vst.idx.msk @!p3 $0xffff, v41  }
0xb8: {  	v42 =	vor.u32 @!p3 s4, v19;
	v41 =	vld @!p3 [tilespmem:s10+$0xFFFFFF90];
	_ =	sdelay $0x4  }
0xb9: {  	[tilespmem:v42+s28+$0x0] =	vst.idx.msk @!p3 $0xffff, v41  }
0xba: {  	v42 =	vor.u32 @!p3 s4, v20;
	v41 =	vld @!p3 [tilespmem:s10+$0xFFFFFFA0];
	_ =	sdelay $0x4  }
0xbb: {  	[tilespmem:v42+s28+$0x0] =	vst.idx.msk @!p3 $0xffff, v41  }
0xbc: {  	v42 =	vor.u32 @!p3 s4, v21;
	v41 =	vld @!p3 [tilespmem:s10+$0xFFFFFFB0];
	_ =	sdelay $0x4  }
0xbd: {  	s4 =	sshll.u32 @!p4 s2, $0xD;
	[tilespmem:v42+s28+$0x0] =	vst.idx.msk @!p3 $0xffff, v41  }
0xbe: {  	v42 =	vor.u32 @!p4 s4, v22;
	v41 =	vld @!p4 [tilespmem:s10+$0x0];
	_ =	sdelay $0x4  }
0xbf: {  	[tilespmem:v42+s29+$0x0] =	vst.idx.msk @!p4 $0xffff, v41  }
0xc0: {  	v42 =	vor.u32 @!p4 s4, v23;
	v41 =	vld @!p4 [tilespmem:s10+$0x10];
	_ =	sdelay $0x4  }
0xc1: {  	[tilespmem:v42+s29+$0x0] =	vst.idx.msk @!p4 $0xffff, v41  }
0xc2: {  	v42 =	vor.u32 @!p4 s4, v24;
	v41 =	vld @!p4 [tilespmem:s10+$0x20];
	_ =	sdelay $0x4  }
0xc3: {  	[tilespmem:v42+s29+$0x0] =	vst.idx.msk @!p4 $0xffff, v41  }
0xc4: {  	v42 =	vor.u32 @!p4 s4, v25;
	v41 =	vld @!p4 [tilespmem:s10+$0x30];
	_ =	sdelay $0x4  }
0xc5: {  	s4 =	sshll.u32 @!p5 s2, $0xD;
	[tilespmem:v42+s29+$0x0] =	vst.idx.msk @!p4 $0xffff, v41  }
0xc6: {  	v42 =	vor.u32 @!p5 s4, v26;
	v41 =	vld @!p5 [tilespmem:s10+$0x80];
	_ =	sdelay $0x4  }
0xc7: {  	[tilespmem:v42+s30+$0x0] =	vst.idx.msk @!p5 $0xffff, v41  }
0xc8: {  	v42 =	vor.u32 @!p5 s4, v27;
	v41 =	vld @!p5 [tilespmem:s10+$0x90];
	_ =	sdelay $0x4  }
0xc9: {  	[tilespmem:v42+s30+$0x0] =	vst.idx.msk @!p5 $0xffff, v41  }
0xca: {  	v42 =	vor.u32 @!p5 s4, v28;
	v41 =	vld @!p5 [tilespmem:s10+$0xA0];
	_ =	sdelay $0x4  }
0xcb: {  	[tilespmem:v42+s30+$0x0] =	vst.idx.msk @!p5 $0xffff, v41  }
0xcc: {  	v42 =	vor.u32 @!p5 s4, v29;
	v41 =	vld @!p5 [tilespmem:s10+$0xB0];
	_ =	sdelay $0x3  }
0xcd: {  	p0 =	por p6, p6  }
0xce: {  	s4 =	sshll.u32 @!p0 s2, $0xD;
	[tilespmem:v42+s30+$0x0] =	vst.idx.msk @!p5 $0xffff, v41  }
0xcf: {  	v42 =	vor.u32 @!p0 s4, v30;
	v41 =	vld @!p0 [tilespmem:s10+$0x100];
	_ =	sdelay $0x4  }
0xd0: {  	[tilespmem:v42+s31+$0x0] =	vst.idx.msk @!p0 $0xffff, v41  }
0xd1: {  	v42 =	vor.u32 @!p0 s4, v31;
	v41 =	vld @!p0 [tilespmem:s10+$0x110];
	_ =	sdelay $0x4  }
0xd2: {  	[tilespmem:v42+s31+$0x0] =	vst.idx.msk @!p0 $0xffff, v41  }
0xd3: {  	v42 =	vor.u32 @!p0 s4, v32;
	v41 =	vld @!p0 [tilespmem:s10+$0x120];
	_ =	sdelay $0x4  }
0xd4: {  	[tilespmem:v42+s31+$0x0] =	vst.idx.msk @!p0 $0xffff, v41  }
0xd5: {  	v42 =	vor.u32 @!p0 s4, v33;
	v41 =	vld @!p0 [tilespmem:s10+$0x130];
	_ =	sdelay $0x1  }
0xd6: {  	s4 =	sld [smem:$0x7FD];
	_ =	sdelay $0x2  }
0xd7: {  	p6 =	por p0, p0;
	[tilespmem:v42+s31+$0x0] =	vst.idx.msk @!p0 $0xffff, v41;
	p0 =	seq.s32 s4, $0x1  }
0xd8: {  	s2 =	sshll.u32 @!p0 s2, $0xD  }
0xd9: {  	v41 =	vld @!p0 [tilespmem:s10+$0x180];
	v42 =	vor.u32 @!p0 s2, v34;
	_ =	sdelay $0x4  }
0xda: {  	[tilespmem:v42+s1+$0x0] =	vst.idx.msk @!p0 $0xffff, v41  }
0xdb: {  	v42 =	vor.u32 @!p0 s2, v35;
	v41 =	vld @!p0 [tilespmem:s10+$0x190];
	_ =	sdelay $0x3  }
0xdc: {  	s4 =	sld [smem:$0x7F9]  }
0xdd: {  	[tilespmem:v42+s1+$0x0] =	vst.idx.msk @!p0 $0xffff, v41  }
0xde: {  	v42 =	vor.u32 @!p0 s2, v36;
	v41 =	vld @!p0 [tilespmem:s10+$0x1A0]  }
0xdf: {  	p2 =	seq.s32 s4, $0x1  }
.Ltmp2:
0xe0: {  	_ = 	snop;
	(pc) =	sbr.rel @p2 .LBB2_2-.Ltmp2, $3  }
0xe1: {  	_ =	sdelay $0x1  }
0xe2: {  	[tilespmem:v42+s1+$0x0] =	vst.idx.msk @!p0 $0xffff, v41  }
0xe3: {  	v42 =	vor.u32 @!p0 s2, v37;
	v41 =	vld @!p0 [tilespmem:s10+$0x1B0]  }
0xe4: {  	(v2sf) =	vpush v39, $0x7  }
0xe5: {  	(v2sf) =	vpush v40, $0x0;
	_ =	sdelay $0x3  }
0xe6: {  	(v2sf) =	vpush v40, $0x7;
	_ =	sdelay $0x8  }
0xe7: {  	s0 =	sld [smem:$0x7FA]  }
0xe8: {  	s2 =	sld [smem:$0x7FD];
	s25 =	spop (v2sf)  }
0xe9: {  	s30 =	spop (v2sf)  }
0xea: {  	p2 =	seq.s32 s0, $0x1;
	s0 =	sshll.u32 s30, $0xA  }
0xeb: {  	p0 =	seq.s32 s2, $0x1;
	s0 =	sadd.s32 s8, s0  }
0xec: {  	s31 =	rddreg [dreg:$0x3];
	[tilespmem:v42+s1+$0x0] =	vst.idx.msk @!p0 $0xffff, v41;
	p0 =	seq.s32 s25, s24;
	s0 =	sshrl.u32 s0, $0x3  }
.Ltmp3:
0xed: {  	s23 =	spop (v2sf);
	s0 =	sadd.s32 s31, s0;
	(pc) =	sbr.rel @p0 .LBB2_9-.Ltmp3, $4  }
0xee: {  	[hbm4b:s0+s13] =	stream.strided.scatter [tilespmem:s12], [sflag:$0x1], $0x10000, s11, s13, $0x38;
	[tilespmem:$0x12200] =	vst v63  }
0xef: {  	_ =	swait.ge [sflag:s5], $0x10000  }
0xf0: {  	[sflag:s5] =	ssyncset.done $0x0  }
0xf1: {  	[sflag:s5] =	ssyncadd.s32 $0xFFFF0000  }
0xf2: {  	s0 =	simm.s32 @!p2 $0x0;
	s30 =	sld [smem:$0x7FB]  }
0xf3: {  	v39 =	vor.u32 @!p2 s0, v6  }
0xf4: {  	v40 =	vor.u32 @!p2 s0, v7  }
0xf5: {  	p0 =	por p2, p2;
	v41 =	vor.u32 @!p2 s0, v8;
	v42 =	vor.u32 @!p2 s0, v9;
	p2 =	seq.s32 s30, $0x1  }
0xf6: {  	v38 =	vmul.f32 $0.0e+00, v38;
	s1 =	simm.s32 @!p2 $0x0  }
0xf7: {  	s0 =	simm.s32 @!p0 $0x2200;
	v43 =	vor.u32 @!p2 s1, v10  }
0xf8: {  	[tilespmem:v39+s0+$0x0] =	vst.idx.msk @!p0 $0xffff, v38;
	v39 =	vor.u32 @!p2 s1, v11  }
0xf9: {  	[tilespmem:v40+s0+$0x0] =	vst.idx.msk @!p0 $0xffff, v38;
	v40 =	vor.u32 @!p2 s1, v12  }
0xfa: {  	s2 =	simm.s32 @!p1 $0x0;
	s31 =	sld [smem:$0x7FC];
	[tilespmem:v41+s0+$0x0] =	vst.idx.msk @!p0 $0xffff, v38;
	v41 =	vor.u32 @!p2 s1, v13  }
0xfb: {  	s1 =	simm.s32 @!p2 $0x2200;
	[tilespmem:v42+s0+$0x0] =	vst.idx.msk @!p0 $0xffff, v38;
	v42 =	vor.u32 @!p1 s2, v14  }
0xfc: {  	[tilespmem:v43+s1+$0x0] =	vst.idx.msk @!p2 $0xffff, v38;
	v43 =	vor.u32 @!p1 s2, v15  }
0xfd: {  	p0 =	seq.s32 s31, $0x1;
	[tilespmem:v39+s1+$0x0] =	vst.idx.msk @!p2 $0xffff, v38;
	v39 =	vor.u32 @!p1 s2, v16  }
0xfe: {  	s4 =	simm.s32 @!p0 $0x0;
	[tilespmem:v40+s1+$0x0] =	vst.idx.msk @!p2 $0xffff, v38;
	v40 =	vor.u32 @!p1 s2, v17  }
0xff: {  	s2 =	simm.s32 @!p1 $0x2200;
	[tilespmem:v41+s1+$0x0] =	vst.idx.msk @!p2 $0xffff, v38;
	v41 =	vor.u32 @!p0 s4, v18  }
0x100: {  	[tilespmem:v42+s2+$0x0] =	vst.idx.msk @!p1 $0xffff, v38;
	v42 =	vor.u32 @!p0 s4, v19  }
0x101: {  	[tilespmem:v43+s2+$0x0] =	vst.idx.msk @!p1 $0xffff, v38;
	v43 =	vor.u32 @!p0 s4, v20  }
0x102: {  	[tilespmem:v39+s2+$0x0] =	vst.idx.msk @!p1 $0xffff, v38;
	v39 =	vor.u32 @!p0 s4, v21;
	s4 =	simm.s32 @!p4 $0x0  }
0x103: {  	s10 =	simm.s32 @!p0 $0x2200;
	[tilespmem:v40+s2+$0x0] =	vst.idx.msk @!p1 $0xffff, v38;
	v40 =	vor.u32 @!p4 s4, v22  }
0x104: {  	[tilespmem:v41+s10+$0x0] =	vst.idx.msk @!p0 $0xffff, v38;
	v41 =	vor.u32 @!p4 s4, v23  }
0x105: {  	[tilespmem:v42+s10+$0x0] =	vst.idx.msk @!p0 $0xffff, v38;
	v42 =	vor.u32 @!p4 s4, v24  }
0x106: {  	[tilespmem:v43+s10+$0x0] =	vst.idx.msk @!p0 $0xffff, v38;
	v43 =	vor.u32 @!p4 s4, v25;
	s4 =	simm.s32 @!p5 $0x0  }
0x107: {  	s24 =	simm.s32 @!p4 $0x2200;
	[tilespmem:v39+s10+$0x0] =	vst.idx.msk @!p0 $0xffff, v38;
	v39 =	vor.u32 @!p5 s4, v26  }
0x108: {  	[tilespmem:v40+s24+$0x0] =	vst.idx.msk @!p4 $0xffff, v38;
	v40 =	vor.u32 @!p5 s4, v27  }
0x109: {  	[tilespmem:v41+s24+$0x0] =	vst.idx.msk @!p4 $0xffff, v38;
	v41 =	vor.u32 @!p5 s4, v28  }
0x10a: {  	[tilespmem:v42+s24+$0x0] =	vst.idx.msk @!p4 $0xffff, v38;
	v42 =	vor.u32 @!p5 s4, v29;
	s4 =	simm.s32 @!p6 $0x0  }
0x10b: {  	s26 =	simm.s32 @!p5 $0x2200;
	s28 =	sld [smem:$0x7FD];
	[tilespmem:v43+s24+$0x0] =	vst.idx.msk @!p4 $0xffff, v38;
	v43 =	vor.u32 @!p6 s4, v30  }
0x10c: {  	v44 =	vor.u32 @!p6 s4, v31;
	[tilespmem:v39+s26+$0x0] =	vst.idx.msk @!p5 $0xffff, v38  }
0x10d: {  	[tilespmem:v40+s26+$0x0] =	vst.idx.msk @!p5 $0xffff, v38  }
0x10e: {  	p0 =	seq.s32 s28, $0x1;
	[tilespmem:v41+s26+$0x0] =	vst.idx.msk @!p5 $0xffff, v38  }
0x10f: {  	s28 =	simm.s32 @!p6 $0x2200;
	s30 =	simm.s32 @!p0 $0x0;
	[tilespmem:v42+s26+$0x0] =	vst.idx.msk @!p5 $0xffff, v38  }
0x110: {  	v39 =	vor.u32 @!p0 s30, v37;
	v40 =	vor.u32 @!p6 s4, v33;
	v41 =	vor.u32 @!p0 s30, v34;
	[tilespmem:v43+s28+$0x0] =	vst.idx.msk @!p6 $0xffff, v38  }
0x111: {  	s29 =	simm.s32 $0x1;
	v42 =	vor.u32 @!p6 s4, v32;
	v43 =	vor.u32 @!p0 s30, v35;
	[tilespmem:v44+s28+$0x0] =	vst.idx.msk @!p6 $0xffff, v38;
	v44 =	vor.u32 @!p0 s30, v36  }
.LBB2_5:
0x112: {  	s4 =	sld [smem:$0x7FA];
	_ =	sdelay $0x2  }
0x113: {  	p2 =	seq.s32 s4, $0x1  }
0x114: {  	s31 =	smov.u32 s29;
	s4 =	sshll.u32 @!p2 s29, $0xD;
	s29 =	sadd.s32 $0x1, s29  }
0x115: {  	p0 =	sne.s32 s29, $0x8  }
0x116: {  	s30 =	simm.s32 @!p0 $0x0  }
0x117: {  	s30 =	simm.s32 @p0 $0x1  }
0x118: {  	[smem:$0x7F7] =	sst s30  }
0x119: {  	s30 =	sld [smem:$0x7FD];
	_ =	sdelay $0x2  }
0x11a: {  	[tilespmem:v42+s28+$0x0] =	vst.idx.msk @!p6 $0xffff, v38;
	p0 =	seq.s32 s30, $0x1  }
0x11b: {  	[tilespmem:v40+s28+$0x0] =	vst.idx.msk @!p6 $0xffff, v38;
	s30 =	simm.s32 @!p0 $0x2200  }
0x11c: {  	v42 =	vor.u32 @!p2 s4, v6;
	[tilespmem:v41+s30+$0x0] =	vst.idx.msk @!p0 $0xffff, v38  }
0x11d: {  	v40 =	vor.u32 @!p2 s4, v7;
	v41 =	vor.u32 @!p2 s4, v8;
	[tilespmem:v43+s30+$0x0] =	vst.idx.msk @!p0 $0xffff, v38;
	v43 =	vor.u32 @!p2 s4, v9;
	s4 =	sld [smem:$0x7FB];
	_ =	sdelay $0x2  }
0x11e: {  	p3 =	seq.s32 s4, $0x1  }
0x11f: {  	[tilespmem:v44+s30+$0x0] =	vst.idx.msk @!p0 $0xffff, v38;
	s4 =	sshll.u32 @!p3 s31, $0xD  }
0x120: {  	[tilespmem:v39+s30+$0x0] =	vst.idx.msk @!p0 $0xffff, v38;
	v44 =	vor.u32 @!p3 s4, v10  }
0x121: {  	[tilespmem:v42+s0+$0x0] =	vst.idx.msk @!p2 $0xffff, v38;
	v39 =	vor.u32 @!p3 s4, v11  }
0x122: {  	[tilespmem:v40+s0+$0x0] =	vst.idx.msk @!p2 $0xffff, v38;
	v40 =	vor.u32 @!p3 s4, v12  }
0x123: {  	[tilespmem:v41+s0+$0x0] =	vst.idx.msk @!p2 $0xffff, v38  }
0x124: {  	[tilespmem:v43+s0+$0x0] =	vst.idx.msk @!p2 $0xffff, v38  }
0x125: {  	v41 =	vor.u32 @!p3 s4, v13;
	s4 =	sshll.u32 @!p1 s31, $0xD;
	[tilespmem:v44+s1+$0x0] =	vst.idx.msk @!p3 $0xffff, v38  }
0x126: {  	v42 =	vor.u32 @!p1 s4, v14;
	[tilespmem:v39+s1+$0x0] =	vst.idx.msk @!p3 $0xffff, v38  }
0x127: {  	v43 =	vor.u32 @!p1 s4, v15;
	v39 =	vor.u32 @!p1 s4, v16;
	[tilespmem:v40+s1+$0x0] =	vst.idx.msk @!p3 $0xffff, v38;
	v40 =	vor.u32 @!p1 s4, v17;
	s4 =	sld [smem:$0x7FC];
	_ =	sdelay $0x2  }
0x128: {  	p2 =	seq.s32 s4, $0x1  }
0x129: {  	s4 =	sshll.u32 @!p2 s31, $0xD  }
0x12a: {  	[tilespmem:v41+s1+$0x0] =	vst.idx.msk @!p3 $0xffff, v38;
	v41 =	vor.u32 @!p2 s4, v18  }
0x12b: {  	[tilespmem:v42+s2+$0x0] =	vst.idx.msk @!p1 $0xffff, v38;
	v42 =	vor.u32 @!p2 s4, v19  }
0x12c: {  	[tilespmem:v43+s2+$0x0] =	vst.idx.msk @!p1 $0xffff, v38;
	v43 =	vor.u32 @!p2 s4, v20  }
0x12d: {  	[tilespmem:v39+s2+$0x0] =	vst.idx.msk @!p1 $0xffff, v38;
	v39 =	vor.u32 @!p2 s4, v21;
	s4 =	sshll.u32 @!p4 s31, $0xD  }
0x12e: {  	[tilespmem:v40+s2+$0x0] =	vst.idx.msk @!p1 $0xffff, v38;
	v40 =	vor.u32 @!p4 s4, v22  }
0x12f: {  	[tilespmem:v41+s10+$0x0] =	vst.idx.msk @!p2 $0xffff, v38;
	v41 =	vor.u32 @!p4 s4, v23  }
0x130: {  	[tilespmem:v42+s10+$0x0] =	vst.idx.msk @!p2 $0xffff, v38;
	v42 =	vor.u32 @!p4 s4, v24  }
0x131: {  	[tilespmem:v43+s10+$0x0] =	vst.idx.msk @!p2 $0xffff, v38;
	v43 =	vor.u32 @!p4 s4, v25;
	s4 =	sshll.u32 @!p5 s31, $0xD  }
0x132: {  	[tilespmem:v39+s10+$0x0] =	vst.idx.msk @!p2 $0xffff, v38;
	v39 =	vor.u32 @!p5 s4, v26  }
0x133: {  	[tilespmem:v40+s24+$0x0] =	vst.idx.msk @!p4 $0xffff, v38;
	v40 =	vor.u32 @!p5 s4, v27  }
0x134: {  	[tilespmem:v41+s24+$0x0] =	vst.idx.msk @!p4 $0xffff, v38;
	v41 =	vor.u32 @!p5 s4, v28  }
0x135: {  	v44 =	vor.u32 @!p5 s4, v29;
	s4 =	sshll.u32 @!p6 s31, $0xD;
	[tilespmem:v42+s24+$0x0] =	vst.idx.msk @!p4 $0xffff, v38  }
0x136: {  	[tilespmem:v43+s24+$0x0] =	vst.idx.msk @!p4 $0xffff, v38;
	v43 =	vor.u32 @!p6 s4, v30  }
0x137: {  	[tilespmem:v39+s26+$0x0] =	vst.idx.msk @!p5 $0xffff, v38  }
0x138: {  	v45 =	vor.u32 @!p6 s4, v31;
	v42 =	vor.u32 @!p6 s4, v32;
	[tilespmem:v40+s26+$0x0] =	vst.idx.msk @!p5 $0xffff, v38;
	v40 =	vor.u32 @!p6 s4, v33;
	s4 =	sshll.u32 @!p0 s31, $0xD;
	s31 =	sld [smem:$0x7F7]  }
0x139: {  	[tilespmem:v41+s26+$0x0] =	vst.idx.msk @!p5 $0xffff, v38  }
0x13a: {  	v41 =	vor.u32 @!p0 s4, v34;
	[tilespmem:v44+s26+$0x0] =	vst.idx.msk @!p5 $0xffff, v38  }
0x13b: {  	v39 =	vor.u32 @!p0 s4, v37;
	v44 =	vor.u32 @!p0 s4, v36;
	[tilespmem:v43+s28+$0x0] =	vst.idx.msk @!p6 $0xffff, v38;
	v43 =	vor.u32 @!p0 s4, v35;
	p0 =	seq.s32 s31, $0x1  }
.Ltmp4:
0x13c: {  	_ = 	snop;
	(pc) =	sbr.rel @p0 .LBB2_5-.Ltmp4, $2  }
0x13d: {  	_ =	sdelay $0x2  }
0x13e: {  	[tilespmem:v45+s28+$0x0] =	vst.idx.msk @!p6 $0xffff, v38  }
0x13f: {  	_ =	sdelay $0x1  }
0x140: {  	s0 =	sld [smem:$0x7FD];
	_ =	sdelay $0x1  }
0x141: {  	[tilespmem:v42+s28+$0x0] =	vst.idx.msk @!p6 $0xffff, v38  }
0x142: {  	[tilespmem:v40+s28+$0x0] =	vst.idx.msk @!p6 $0xffff, v38;
	p0 =	seq.s32 s0, $0x1  }
0x143: {  	[tilespmem:v41+s30+$0x0] =	vst.idx.msk @!p0 $0xffff, v38  }
0x144: {  	[tilespmem:v43+s30+$0x0] =	vst.idx.msk @!p0 $0xffff, v38  }
0x145: {  	p1 =	sne.s32 s15, s25;
	[tilespmem:v44+s30+$0x0] =	vst.idx.msk @!p0 $0xffff, v38  }
0x146: {  	s15 =	simm.s32 $0x400;
	s0 =	simm.s32 @!p1 $0x0;
	[tilespmem:v39+s30+$0x0] =	vst.idx.msk @!p0 $0xffff, v38  }
0x147: {  	v39 =	vor.u32 @!p1 s0, v6;
	v38 =	vld @!p1 [tilespmem:s15+$0xFFFFFE00];
	_ =	sdelay $0x3  }
0x148: {  	s24 =	simm.s32 @!p1 $0x2200  }
0x149: {  	[tilespmem:v39+s24+$0x0] =	vst.idx.msk @!p1 $0xffff, v38  }
0x14a: {  	v39 =	vor.u32 @!p1 s0, v7;
	v38 =	vld @!p1 [tilespmem:s15+$0xFFFFFE10];
	_ =	sdelay $0x4  }
0x14b: {  	[tilespmem:v39+s24+$0x0] =	vst.idx.msk @!p1 $0xffff, v38  }
0x14c: {  	v39 =	vor.u32 @!p1 s0, v8;
	v38 =	vld @!p1 [tilespmem:s15+$0xFFFFFE20];
	_ =	sdelay $0x4  }
0x14d: {  	[tilespmem:v39+s24+$0x0] =	vst.idx.msk @!p1 $0xffff, v38  }
0x14e: {  	v39 =	vor.u32 @!p1 s0, v9;
	v38 =	vld @!p1 [tilespmem:s15+$0xFFFFFE30];
	_ =	sdelay $0x2  }
0x14f: {  	s0 =	simm.s32 @!p1 $0x0  }
0x150: {  	p0 =	sne.s32 s16, s25;
	s0 =	simm.s32 @p1 $0x1  }
0x151: {  	[smem:$0x7F4] =	sst s0;
	s0 =	simm.s32 @!p0 $0x0;
	[tilespmem:v39+s24+$0x0] =	vst.idx.msk @!p1 $0xffff, v38  }
0x152: {  	v39 =	vor.u32 @!p0 s0, v10;
	v38 =	vld @!p0 [tilespmem:s15+$0xFFFFFE80];
	_ =	sdelay $0x3  }
0x153: {  	s16 =	simm.s32 @!p0 $0x2200  }
0x154: {  	[tilespmem:v39+s16+$0x0] =	vst.idx.msk @!p0 $0xffff, v38  }
0x155: {  	v39 =	vor.u32 @!p0 s0, v11;
	v38 =	vld @!p0 [tilespmem:s15+$0xFFFFFE90];
	_ =	sdelay $0x4  }
0x156: {  	[tilespmem:v39+s16+$0x0] =	vst.idx.msk @!p0 $0xffff, v38  }
0x157: {  	v39 =	vor.u32 @!p0 s0, v12;
	v38 =	vld @!p0 [tilespmem:s15+$0xFFFFFEA0];
	_ =	sdelay $0x4  }
0x158: {  	[tilespmem:v39+s16+$0x0] =	vst.idx.msk @!p0 $0xffff, v38  }
0x159: {  	v39 =	vor.u32 @!p0 s0, v13;
	v38 =	vld @!p0 [tilespmem:s15+$0xFFFFFEB0];
	_ =	sdelay $0x2  }
0x15a: {  	s0 =	simm.s32 @!p0 $0x0  }
0x15b: {  	p1 =	sne.s32 s17, s25;
	s0 =	simm.s32 @p0 $0x1  }
0x15c: {  	[smem:$0x7F5] =	sst s0;
	s0 =	simm.s32 @!p1 $0x0;
	[tilespmem:v39+s16+$0x0] =	vst.idx.msk @!p0 $0xffff, v38  }
0x15d: {  	v39 =	vor.u32 @!p1 s0, v14;
	v38 =	vld @!p1 [tilespmem:s15+$0xFFFFFF00];
	_ =	sdelay $0x3  }
0x15e: {  	s17 =	simm.s32 @!p1 $0x2200  }
0x15f: {  	[tilespmem:v39+s17+$0x0] =	vst.idx.msk @!p1 $0xffff, v38  }
0x160: {  	v39 =	vor.u32 @!p1 s0, v15;
	v38 =	vld @!p1 [tilespmem:s15+$0xFFFFFF10];
	_ =	sdelay $0x4  }
0x161: {  	[tilespmem:v39+s17+$0x0] =	vst.idx.msk @!p1 $0xffff, v38  }
0x162: {  	v39 =	vor.u32 @!p1 s0, v16;
	v38 =	vld @!p1 [tilespmem:s15+$0xFFFFFF20];
	_ =	sdelay $0x4  }
0x163: {  	[tilespmem:v39+s17+$0x0] =	vst.idx.msk @!p1 $0xffff, v38  }
0x164: {  	v39 =	vor.u32 @!p1 s0, v17;
	v38 =	vld @!p1 [tilespmem:s15+$0xFFFFFF30];
	_ =	sdelay $0x2  }
0x165: {  	s0 =	simm.s32 @!p1 $0x0  }
0x166: {  	p3 =	sne.s32 s18, s25;
	s0 =	simm.s32 @p1 $0x1  }
0x167: {  	[smem:$0x7F6] =	sst s0;
	s0 =	simm.s32 @!p3 $0x0;
	[tilespmem:v39+s17+$0x0] =	vst.idx.msk @!p1 $0xffff, v38  }
0x168: {  	v39 =	vor.u32 @!p3 s0, v18;
	v38 =	vld @!p3 [tilespmem:s15+$0xFFFFFF80];
	_ =	sdelay $0x3  }
0x169: {  	s18 =	simm.s32 @!p3 $0x2200  }
0x16a: {  	[tilespmem:v39+s18+$0x0] =	vst.idx.msk @!p3 $0xffff, v38  }
0x16b: {  	v39 =	vor.u32 @!p3 s0, v19;
	v38 =	vld @!p3 [tilespmem:s15+$0xFFFFFF90];
	_ =	sdelay $0x4  }
0x16c: {  	[tilespmem:v39+s18+$0x0] =	vst.idx.msk @!p3 $0xffff, v38  }
0x16d: {  	v39 =	vor.u32 @!p3 s0, v20;
	v38 =	vld @!p3 [tilespmem:s15+$0xFFFFFFA0];
	_ =	sdelay $0x4  }
0x16e: {  	[tilespmem:v39+s18+$0x0] =	vst.idx.msk @!p3 $0xffff, v38  }
0x16f: {  	v39 =	vor.u32 @!p3 s0, v21;
	v38 =	vld @!p3 [tilespmem:s15+$0xFFFFFFB0];
	_ =	sdelay $0x3  }
0x170: {  	p4 =	sne.s32 s19, s25  }
0x171: {  	s0 =	simm.s32 @!p4 $0x0;
	[tilespmem:v39+s18+$0x0] =	vst.idx.msk @!p3 $0xffff, v38  }
0x172: {  	v39 =	vor.u32 @!p4 s0, v22;
	v38 =	vld @!p4 [tilespmem:s15+$0x0];
	_ =	sdelay $0x3  }
0x173: {  	s19 =	simm.s32 @!p4 $0x2200  }
0x174: {  	[tilespmem:v39+s19+$0x0] =	vst.idx.msk @!p4 $0xffff, v38  }
0x175: {  	v39 =	vor.u32 @!p4 s0, v23;
	v38 =	vld @!p4 [tilespmem:s15+$0x10];
	_ =	sdelay $0x4  }
0x176: {  	[tilespmem:v39+s19+$0x0] =	vst.idx.msk @!p4 $0xffff, v38  }
0x177: {  	v39 =	vor.u32 @!p4 s0, v24;
	v38 =	vld @!p4 [tilespmem:s15+$0x20];
	_ =	sdelay $0x4  }
0x178: {  	[tilespmem:v39+s19+$0x0] =	vst.idx.msk @!p4 $0xffff, v38  }
0x179: {  	v39 =	vor.u32 @!p4 s0, v25;
	v38 =	vld @!p4 [tilespmem:s15+$0x30];
	_ =	sdelay $0x3  }
0x17a: {  	p5 =	sne.s32 s20, s25  }
0x17b: {  	s0 =	simm.s32 @!p5 $0x0;
	[tilespmem:v39+s19+$0x0] =	vst.idx.msk @!p4 $0xffff, v38  }
0x17c: {  	v39 =	vor.u32 @!p5 s0, v26;
	v38 =	vld @!p5 [tilespmem:s15+$0x80];
	_ =	sdelay $0x3  }
0x17d: {  	s20 =	simm.s32 @!p5 $0x2200  }
0x17e: {  	[tilespmem:v39+s20+$0x0] =	vst.idx.msk @!p5 $0xffff, v38  }
0x17f: {  	v39 =	vor.u32 @!p5 s0, v27;
	v38 =	vld @!p5 [tilespmem:s15+$0x90];
	_ =	sdelay $0x4  }
0x180: {  	[tilespmem:v39+s20+$0x0] =	vst.idx.msk @!p5 $0xffff, v38  }
0x181: {  	v39 =	vor.u32 @!p5 s0, v28;
	v38 =	vld @!p5 [tilespmem:s15+$0xA0];
	_ =	sdelay $0x4  }
0x182: {  	[tilespmem:v39+s20+$0x0] =	vst.idx.msk @!p5 $0xffff, v38  }
0x183: {  	v39 =	vor.u32 @!p5 s0, v29;
	v38 =	vld @!p5 [tilespmem:s15+$0xB0];
	_ =	sdelay $0x3  }
0x184: {  	p6 =	sne.s32 s21, s25  }
0x185: {  	s0 =	simm.s32 @!p6 $0x0;
	[tilespmem:v39+s20+$0x0] =	vst.idx.msk @!p5 $0xffff, v38  }
0x186: {  	v39 =	vor.u32 @!p6 s0, v30;
	v38 =	vld @!p6 [tilespmem:s15+$0x100];
	_ =	sdelay $0x3  }
0x187: {  	s21 =	simm.s32 @!p6 $0x2200  }
0x188: {  	[tilespmem:v39+s21+$0x0] =	vst.idx.msk @!p6 $0xffff, v38  }
0x189: {  	v39 =	vor.u32 @!p6 s0, v31;
	v38 =	vld @!p6 [tilespmem:s15+$0x110];
	_ =	sdelay $0x4  }
0x18a: {  	[tilespmem:v39+s21+$0x0] =	vst.idx.msk @!p6 $0xffff, v38  }
0x18b: {  	v39 =	vor.u32 @!p6 s0, v32;
	v38 =	vld @!p6 [tilespmem:s15+$0x120];
	_ =	sdelay $0x4  }
0x18c: {  	[tilespmem:v39+s21+$0x0] =	vst.idx.msk @!p6 $0xffff, v38  }
0x18d: {  	v39 =	vor.u32 @!p6 s0, v33;
	v38 =	vld @!p6 [tilespmem:s15+$0x130];
	_ =	sdelay $0x3  }
0x18e: {  	p1 =	sne.s32 s22, s25  }
0x18f: {  	s2 =	simm.s32 @!p1 $0x0;
	[tilespmem:v39+s21+$0x0] =	vst.idx.msk @!p6 $0xffff, v38  }
0x190: {  	v39 =	vor.u32 @!p1 s2, v34;
	v38 =	vld @!p1 [tilespmem:s15+$0x180];
	_ =	sdelay $0x3  }
0x191: {  	s1 =	simm.s32 @!p1 $0x2200  }
0x192: {  	[tilespmem:v39+s1+$0x0] =	vst.idx.msk @!p1 $0xffff, v38  }
0x193: {  	v39 =	vor.u32 @!p1 s2, v35;
	v38 =	vld @!p1 [tilespmem:s15+$0x190];
	_ =	sdelay $0x4  }
0x194: {  	[tilespmem:v39+s1+$0x0] =	vst.idx.msk @!p1 $0xffff, v38  }
0x195: {  	v39 =	vor.u32 @!p1 s2, v36;
	v38 =	vld @!p1 [tilespmem:s15+$0x1A0];
	_ =	sdelay $0x4  }
0x196: {  	[tilespmem:v39+s1+$0x0] =	vst.idx.msk @!p1 $0xffff, v38  }
0x197: {  	s0 =	simm.s32 $0x1;
	v39 =	vor.u32 @!p1 s2, v37;
	v38 =	vld @!p1 [tilespmem:s15+$0x1B0]  }
.LBB2_7:
0x198: {  	s2 =	sld [smem:$0x7F4];
	_ =	sdelay $0x2  }
0x199: {  	s10 =	smov.u32 s0;
	p0 =	seq.s32 s2, $0x1  }
0x19a: {  	[tilespmem:v39+s1+$0x0] =	vst.idx.msk @!p1 $0xffff, v38;
	s15 =	sadd.s32 $0x400, s15;
	s2 =	sshll.u32 @!p0 s10, $0xD  }
0x19b: {  	v38 =	vld @!p0 [tilespmem:s15+$0xFFFFFE00];
	v39 =	vor.u32 @!p0 s2, v6;
	_ =	sdelay $0x4  }
0x19c: {  	[tilespmem:v39+s24+$0x0] =	vst.idx.msk @!p0 $0xffff, v38  }
0x19d: {  	v39 =	vor.u32 @!p0 s2, v7;
	v38 =	vld @!p0 [tilespmem:s15+$0xFFFFFE10];
	_ =	sdelay $0x4  }
0x19e: {  	[tilespmem:v39+s24+$0x0] =	vst.idx.msk @!p0 $0xffff, v38  }
0x19f: {  	v39 =	vor.u32 @!p0 s2, v8;
	v38 =	vld @!p0 [tilespmem:s15+$0xFFFFFE20];
	_ =	sdelay $0x4  }
0x1a0: {  	[tilespmem:v39+s24+$0x0] =	vst.idx.msk @!p0 $0xffff, v38  }
0x1a1: {  	v39 =	vor.u32 @!p0 s2, v9;
	v38 =	vld @!p0 [tilespmem:s15+$0xFFFFFE30];
	_ =	sdelay $0x1  }
0x1a2: {  	s29 =	sld [smem:$0x7F5];
	_ =	sdelay $0x2  }
0x1a3: {  	[tilespmem:v39+s24+$0x0] =	vst.idx.msk @!p0 $0xffff, v38;
	p0 =	seq.s32 s29, $0x1  }
0x1a4: {  	s2 =	sshll.u32 @!p0 s10, $0xD  }
0x1a5: {  	v38 =	vld @!p0 [tilespmem:s15+$0xFFFFFE80];
	v39 =	vor.u32 @!p0 s2, v10;
	_ =	sdelay $0x4  }
0x1a6: {  	[tilespmem:v39+s16+$0x0] =	vst.idx.msk @!p0 $0xffff, v38  }
0x1a7: {  	v39 =	vor.u32 @!p0 s2, v11;
	v38 =	vld @!p0 [tilespmem:s15+$0xFFFFFE90];
	_ =	sdelay $0x4  }
0x1a8: {  	[tilespmem:v39+s16+$0x0] =	vst.idx.msk @!p0 $0xffff, v38  }
0x1a9: {  	v39 =	vor.u32 @!p0 s2, v12;
	v38 =	vld @!p0 [tilespmem:s15+$0xFFFFFEA0];
	_ =	sdelay $0x4  }
0x1aa: {  	[tilespmem:v39+s16+$0x0] =	vst.idx.msk @!p0 $0xffff, v38  }
0x1ab: {  	v39 =	vor.u32 @!p0 s2, v13;
	v38 =	vld @!p0 [tilespmem:s15+$0xFFFFFEB0];
	_ =	sdelay $0x1  }
0x1ac: {  	s30 =	sld [smem:$0x7F6];
	_ =	sdelay $0x2  }
0x1ad: {  	[tilespmem:v39+s16+$0x0] =	vst.idx.msk @!p0 $0xffff, v38;
	p0 =	seq.s32 s30, $0x1  }
0x1ae: {  	s2 =	sshll.u32 @!p0 s10, $0xD  }
0x1af: {  	v38 =	vld @!p0 [tilespmem:s15+$0xFFFFFF00];
	v39 =	vor.u32 @!p0 s2, v14;
	_ =	sdelay $0x4  }
0x1b0: {  	[tilespmem:v39+s17+$0x0] =	vst.idx.msk @!p0 $0xffff, v38  }
0x1b1: {  	v39 =	vor.u32 @!p0 s2, v15;
	v38 =	vld @!p0 [tilespmem:s15+$0xFFFFFF10];
	_ =	sdelay $0x4  }
0x1b2: {  	[tilespmem:v39+s17+$0x0] =	vst.idx.msk @!p0 $0xffff, v38  }
0x1b3: {  	v39 =	vor.u32 @!p0 s2, v16;
	v38 =	vld @!p0 [tilespmem:s15+$0xFFFFFF20];
	_ =	sdelay $0x4  }
0x1b4: {  	[tilespmem:v39+s17+$0x0] =	vst.idx.msk @!p0 $0xffff, v38  }
0x1b5: {  	v39 =	vor.u32 @!p0 s2, v17;
	v38 =	vld @!p0 [tilespmem:s15+$0xFFFFFF30];
	_ =	sdelay $0x4  }
0x1b6: {  	s2 =	sshll.u32 @!p3 s10, $0xD;
	[tilespmem:v39+s17+$0x0] =	vst.idx.msk @!p0 $0xffff, v38  }
0x1b7: {  	v39 =	vor.u32 @!p3 s2, v18;
	v38 =	vld @!p3 [tilespmem:s15+$0xFFFFFF80];
	_ =	sdelay $0x4  }
0x1b8: {  	[tilespmem:v39+s18+$0x0] =	vst.idx.msk @!p3 $0xffff, v38  }
0x1b9: {  	v39 =	vor.u32 @!p3 s2, v19;
	v38 =	vld @!p3 [tilespmem:s15+$0xFFFFFF90];
	_ =	sdelay $0x4  }
0x1ba: {  	[tilespmem:v39+s18+$0x0] =	vst.idx.msk @!p3 $0xffff, v38  }
0x1bb: {  	v39 =	vor.u32 @!p3 s2, v20;
	v38 =	vld @!p3 [tilespmem:s15+$0xFFFFFFA0];
	_ =	sdelay $0x4  }
0x1bc: {  	[tilespmem:v39+s18+$0x0] =	vst.idx.msk @!p3 $0xffff, v38  }
0x1bd: {  	v39 =	vor.u32 @!p3 s2, v21;
	v38 =	vld @!p3 [tilespmem:s15+$0xFFFFFFB0];
	_ =	sdelay $0x4  }
0x1be: {  	s2 =	sshll.u32 @!p4 s10, $0xD;
	[tilespmem:v39+s18+$0x0] =	vst.idx.msk @!p3 $0xffff, v38  }
0x1bf: {  	v39 =	vor.u32 @!p4 s2, v22;
	v38 =	vld @!p4 [tilespmem:s15+$0x0];
	_ =	sdelay $0x4  }
0x1c0: {  	[tilespmem:v39+s19+$0x0] =	vst.idx.msk @!p4 $0xffff, v38  }
0x1c1: {  	v39 =	vor.u32 @!p4 s2, v23;
	v38 =	vld @!p4 [tilespmem:s15+$0x10];
	_ =	sdelay $0x4  }
0x1c2: {  	[tilespmem:v39+s19+$0x0] =	vst.idx.msk @!p4 $0xffff, v38  }
0x1c3: {  	v39 =	vor.u32 @!p4 s2, v24;
	v38 =	vld @!p4 [tilespmem:s15+$0x20];
	_ =	sdelay $0x4  }
0x1c4: {  	[tilespmem:v39+s19+$0x0] =	vst.idx.msk @!p4 $0xffff, v38  }
0x1c5: {  	v39 =	vor.u32 @!p4 s2, v25;
	v38 =	vld @!p4 [tilespmem:s15+$0x30];
	_ =	sdelay $0x4  }
0x1c6: {  	s2 =	sshll.u32 @!p5 s10, $0xD;
	[tilespmem:v39+s19+$0x0] =	vst.idx.msk @!p4 $0xffff, v38  }
0x1c7: {  	v39 =	vor.u32 @!p5 s2, v26;
	v38 =	vld @!p5 [tilespmem:s15+$0x80];
	_ =	sdelay $0x4  }
0x1c8: {  	[tilespmem:v39+s20+$0x0] =	vst.idx.msk @!p5 $0xffff, v38  }
0x1c9: {  	v39 =	vor.u32 @!p5 s2, v27;
	v38 =	vld @!p5 [tilespmem:s15+$0x90];
	_ =	sdelay $0x4  }
0x1ca: {  	[tilespmem:v39+s20+$0x0] =	vst.idx.msk @!p5 $0xffff, v38  }
0x1cb: {  	v39 =	vor.u32 @!p5 s2, v28;
	v38 =	vld @!p5 [tilespmem:s15+$0xA0];
	_ =	sdelay $0x4  }
0x1cc: {  	[tilespmem:v39+s20+$0x0] =	vst.idx.msk @!p5 $0xffff, v38  }
0x1cd: {  	v39 =	vor.u32 @!p5 s2, v29;
	v38 =	vld @!p5 [tilespmem:s15+$0xB0];
	_ =	sdelay $0x4  }
0x1ce: {  	s2 =	sshll.u32 @!p6 s10, $0xD;
	[tilespmem:v39+s20+$0x0] =	vst.idx.msk @!p5 $0xffff, v38  }
0x1cf: {  	v39 =	vor.u32 @!p6 s2, v30;
	v38 =	vld @!p6 [tilespmem:s15+$0x100];
	_ =	sdelay $0x4  }
0x1d0: {  	[tilespmem:v39+s21+$0x0] =	vst.idx.msk @!p6 $0xffff, v38  }
0x1d1: {  	v39 =	vor.u32 @!p6 s2, v31;
	v38 =	vld @!p6 [tilespmem:s15+$0x110];
	_ =	sdelay $0x4  }
0x1d2: {  	[tilespmem:v39+s21+$0x0] =	vst.idx.msk @!p6 $0xffff, v38  }
0x1d3: {  	v39 =	vor.u32 @!p6 s2, v32;
	v38 =	vld @!p6 [tilespmem:s15+$0x120];
	_ =	sdelay $0x4  }
0x1d4: {  	[tilespmem:v39+s21+$0x0] =	vst.idx.msk @!p6 $0xffff, v38  }
0x1d5: {  	v39 =	vor.u32 @!p6 s2, v33;
	v38 =	vld @!p6 [tilespmem:s15+$0x130];
	_ =	sdelay $0x4  }
0x1d6: {  	s2 =	sshll.u32 @!p1 s10, $0xD;
	[tilespmem:v39+s21+$0x0] =	vst.idx.msk @!p6 $0xffff, v38  }
0x1d7: {  	v39 =	vor.u32 @!p1 s2, v34;
	v38 =	vld @!p1 [tilespmem:s15+$0x180];
	_ =	sdelay $0x4  }
0x1d8: {  	s0 =	sadd.s32 $0x1, s0;
	[tilespmem:v39+s1+$0x0] =	vst.idx.msk @!p1 $0xffff, v38  }
0x1d9: {  	p2 =	sne.s32 s0, $0x8;
	v39 =	vor.u32 @!p1 s2, v35;
	v38 =	vld @!p1 [tilespmem:s15+$0x190]  }
0x1da: {  	s4 =	simm.s32 @!p2 $0x0  }
0x1db: {  	s4 =	simm.s32 @p2 $0x1  }
0x1dc: {  	[smem:$0x7F3] =	sst s4  }
0x1dd: {  	s31 =	sld [smem:$0x7F3]  }
0x1de: {  	[tilespmem:v39+s1+$0x0] =	vst.idx.msk @!p1 $0xffff, v38  }
0x1df: {  	v39 =	vor.u32 @!p1 s2, v36;
	v38 =	vld @!p1 [tilespmem:s15+$0x1A0]  }
0x1e0: {  	p0 =	seq.s32 s31, $0x1  }
.Ltmp5:
0x1e1: {  	_ = 	snop;
	(pc) =	sbr.rel @p0 .LBB2_7-.Ltmp5, $3  }
0x1e2: {  	_ =	sdelay $0x1  }
0x1e3: {  	[tilespmem:v39+s1+$0x0] =	vst.idx.msk @!p1 $0xffff, v38  }
0x1e4: {  	v39 =	vor.u32 @!p1 s2, v37;
	v38 =	vld @!p1 [tilespmem:s15+$0x1B0]  }
.Ltmp6:
0x1e5: {  	_ = 	snop;
	(pc) =	sbr.rel .LBB2_8-.Ltmp6, $1  }
0x1e6: {  	_ =	sdelay $0x3  }
.LBB2_10:
0x1e7: {  	_ =	sfence.sel $0x180000  }
0x1e8: {  	[bflag:$0x0] =	sbarrier.arrive $0xFFFF  }
0x1e9: {  	_ =	strace $0x90000047  }
0x1ea: {  	s0 =	stileid.u32;
	[bflag:$0x2] =	sbarrier.arrive $0xFFFF  }
0x1eb: {  	p0 =	sne.s32 s0, $0x0;
	s0 =	rddreg [dreg:$0x4]  }
0x1ec: {  	s0 =	sadd.s32 @!p0 $0x100000, s0  }
0x1ed: {  	[sflag:s0] =	ssyncadd.tile.s32 @!p0 $0x1;
	_ =	shalt  }
.Lfunc_end2:
_tile_overlayer_lowered:
.L_overlay_start_2:
0x1ee: {  	(tag) =	ssettag $0x2  }
0x1ef: {  	s0 =	rddreg [dreg:$0x0];
	s2 =	stileid.u32  }
0x1f0: {  	s1 =	rddreg [dreg:$0x1];
	p0 =	sne.s32 s2, $0x0  }
0x1f1: {  	s3 =	rddreg [dreg:$0x2];
	[bflag:$0x3] =	sbarrier.arrive $0xFFFF;
	s2 =	simm.s32 @!p0 $0x1C01  }
0x1f2: {  	[timem:s3], [sflag:s2] =	dma.local @!p0 [hbm:s0], s1  }
0x1f3: {  	s0 =	simm.s32 @!p0 $0x1  }
0x1f4: {  	_ =	swait.ge @!p0 [sflag:s0], s1  }
0x1f5: {  	s1 =	ssub.s32 @!p0 $0x0, s1;
	[sflag:s0] =	ssyncset.done @!p0 $0x0  }
0x1f6: {  	[sflag:s0] =	ssyncadd.s32 @!p0 s1  }
0x1f7: {  	[bflag:$0x3] =	sbarrier.arrive $0xFFFF  }
0x1f8: {  	_ =	shalt  }

</sc_bundles>
